<compile_context>
chip_gen: v7x
topology: tpu7x:2x2x1
jax: 0.10.2.dev20260603
libtpu: 0.0.44.dev20260713+nightly
codegen_flags: <defaults>
</compile_context>

<pallas_src>
import functools

import jax
import jax.numpy as jnp
from jax import lax
from jax.experimental import pallas as pl
from jax.experimental.pallas import tpu as pltpu
from jax.experimental.pallas import tpu_sc as plsc

N = 10000
E = 320000
H = 64
W2 = 128
EPS = 1e-5
F32 = jnp.float32

NC = 2
NS = 16
NW = NC * NS
CH = 128
NP = 10240
EP = 327680
NCHUNK = EP // CH
CPW = NCHUNK // NW
CPW0 = 112
CPW1 = NCHUNK // NS - CPW0
CPWMAX = max(CPW0, CPW1)
HALF = NCHUNK // NC
CPS = HALF // NS
RPT = NP // NS
CW = 16

_mesh = plsc.VectorSubcoreMesh(core_axis_name="c", subcore_axis_name="s")


def _sds(shape):
    return jax.ShapeDtypeStruct(shape, F32)


@functools.partial(
    pl.kernel,
    out_type=_sds((EP, W2)),
    mesh=_mesh,
    scratch_types=[
        pltpu.VMEM((CPWMAX, CH), jnp.int32),
        pltpu.VMEM((CPWMAX, CH), jnp.int32),
        pltpu.VMEM((CH, H), F32),
        pltpu.VMEM((CH, H), F32),
        pltpu.VMEM((CH, H), F32),
        pltpu.VMEM((CH, H), F32),
        pltpu.SemaphoreType.DMA,
        pltpu.SemaphoreType.DMA,
        pltpu.SemaphoreType.DMA,
        pltpu.SemaphoreType.DMA,
    ],
    compiler_params=pltpu.CompilerParams(use_tc_tiling_on_sc=False),
)
def _sc_gather(a_hbm, b_hbm, src_hbm, dst_hbm, out_w,
               idxs, idxd, buf_d0, buf_d1, buf_s0, buf_s1,
               sg0, sg1, sw0, sw1):
    c = lax.axis_index("c")
    s = lax.axis_index("s")

    bufs_d = (buf_d0, buf_d1)
    bufs_s = (buf_s0, buf_s1)
    gsems = (sg0, sg1)
    wsems = (sw0, sw1)

    def fire_g(j, q):
        pltpu.async_copy(a_hbm.at[idxd.at[j]], bufs_d[q], gsems[q])
        pltpu.async_copy(b_hbm.at[idxs.at[j]], bufs_s[q], gsems[q])

    def wait_g(q):
        pltpu.make_async_copy(a_hbm.at[idxd.at[0]], bufs_d[q], gsems[q]).wait()
        pltpu.make_async_copy(b_hbm.at[idxs.at[0]], bufs_s[q], gsems[q]).wait()

    def fire_w(base, j, q):
        off = (base + j) * CH
        pltpu.async_copy(bufs_d[q], out_w.at[pl.ds(off, CH), pl.ds(0, H)],
                         wsems[q])
        pltpu.async_copy(bufs_s[q], out_w.at[pl.ds(off, CH), pl.ds(H, H)],
                         wsems[q])

    def wait_w(q):
        pltpu.make_async_copy(bufs_d[q], out_w.at[pl.ds(0, CH), pl.ds(0, H)],
                              wsems[q]).wait()
        pltpu.make_async_copy(bufs_s[q], out_w.at[pl.ds(0, CH), pl.ds(H, H)],
                              wsems[q]).wait()

    def run(base, n):
        pltpu.sync_copy(dst_hbm.at[pl.ds(base, n)], idxd.at[pl.ds(0, n)])
        pltpu.sync_copy(src_hbm.at[pl.ds(base, n)], idxs.at[pl.ds(0, n)])
        KD = 2
        K = n // KD
        for q in range(KD):
            fire_g(q, q)

        def body(t, carry):
            j0 = t * KD
            for q in range(KD):
                wait_g(q)
                fire_w(base, j0 + q, q)
            for q in range(KD):
                @pl.when(t < K - 1)
                def _():
                    wait_w(q)
                    fire_g(j0 + KD + q, q)
            return carry

        lax.fori_loop(0, K, body, 0)
        for q in range(KD):
            wait_w(q)

    @pl.when(c == 0)
    def _():
        run(s * CPW0, CPW0)

    @pl.when(c == 1)
    def _():
        run(NS * CPW0 + s * CPW1, CPW1)


@functools.partial(
    pl.kernel,
    out_type=_sds((NC * NP, W2)),
    mesh=_mesh,
    scratch_types=[
        pltpu.VMEM((CPS, CH), jnp.int32),
        pltpu.VMEM((CH, W2), F32),
        pltpu.VMEM((CH, W2), F32),
        pltpu.VMEM_SHARED((NP, W2), F32),
        pltpu.SemaphoreType.DMA,
        pltpu.SemaphoreType.DMA,
        pltpu.SemaphoreType.DMA,
        pltpu.SemaphoreType.DMA,
    ],
    compiler_params=pltpu.CompilerParams(use_tc_tiling_on_sc=False),
)
def _sc_scatter(m2_hbm, dst_hbm, out_p, idxd,
                rows0, rows1, acc,
                sr0, sr1, ss0, ss1):
    c = lax.axis_index("c")
    s = lax.axis_index("s")
    base = c * HALF + s * CPS
    pltpu.sync_copy(dst_hbm.at[pl.ds(base, CPS)], idxd)

    zv = jnp.zeros((16,), F32)

    def zbody(i, carry):
        for k in range(W2 // 16):
            rows0[i, pl.ds(k * 16, 16)] = zv
        return carry

    lax.fori_loop(0, CH, zbody, 0)
    for t in range(RPT // CH):
        pltpu.sync_copy(rows0, acc.at[pl.ds(s * RPT + t * CH, CH)])
    plsc.subcore_barrier()

    rows = (rows0, rows1)
    rsems = (sr0, sr1)
    ssems = (ss0, ss1)

    def fire_r(j, q):
        off = (base + j) * CH
        pltpu.async_copy(m2_hbm.at[pl.ds(off, CH)], rows[q], rsems[q])

    def wait_r(q):
        pltpu.make_async_copy(m2_hbm.at[pl.ds(0, CH)], rows[q], rsems[q]).wait()

    def fire_s(j, q):
        pltpu.async_copy(rows[q], acc.at[idxd.at[j]], ssems[q], add=True)

    def wait_s(q):
        pltpu.make_async_copy(rows[q], acc.at[idxd.at[0]], ssems[q]).wait()

    KD = 2
    K = CPS // KD
    for q in range(KD):
        fire_r(q, q)

    def body(t, carry):
        j0 = t * KD
        for q in range(KD):
            wait_r(q)
            fire_s(j0 + q, q)
        for q in range(KD):
            @pl.when(t < K - 1)
            def _():
                wait_s(q)
                fire_r(j0 + KD + q, q)
        return carry

    lax.fori_loop(0, K, body, 0)
    for q in range(KD):
        wait_s(q)

    plsc.subcore_barrier()
    row = c * NP + s * RPT
    pltpu.sync_copy(acc.at[pl.ds(s * RPT, RPT)], out_p.at[pl.ds(row, RPT)])


@functools.partial(
    pl.kernel,
    out_type=_sds((NC * NP, CW)),
    mesh=_mesh,
    scratch_types=[
        pltpu.VMEM((CPS, CH), jnp.int32),
        pltpu.VMEM((CH, CW), F32),
        pltpu.VMEM_SHARED((NP, CW), F32),
        pltpu.SemaphoreType.DMA,
    ],
    compiler_params=pltpu.CompilerParams(use_tc_tiling_on_sc=False),
)
def _sc_count(dst_hbm, zeros_hbm, ones_hbm, out_c, idxd, ones_v, cnt, sc0):
    c = lax.axis_index("c")
    s = lax.axis_index("s")
    base = c * HALF + s * CPS
    pltpu.sync_copy(dst_hbm.at[pl.ds(base, CPS)], idxd)
    pltpu.sync_copy(zeros_hbm.at[pl.ds(s * RPT, RPT)], cnt.at[pl.ds(s * RPT, RPT)])
    pltpu.sync_copy(ones_hbm, ones_v)
    plsc.subcore_barrier()

    def fire_c(j, carry):
        pltpu.async_copy(ones_v, cnt.at[idxd.at[j]], sc0, add=True)
        return carry

    def drain_c(j, carry):
        pltpu.make_async_copy(ones_v, cnt.at[idxd.at[0]], sc0).wait()
        return carry

    lax.fori_loop(0, CPS, fire_c, 0)
    lax.fori_loop(0, CPS, drain_c, 0)

    plsc.subcore_barrier()
    row = c * NP + s * RPT
    pltpu.sync_copy(cnt.at[pl.ds(s * RPT, RPT)], out_c.at[pl.ds(row, RPT)])


def _pre_body(x_ref, wi_ref, wj_ref, b_ref, a_ref, b_out_ref):
    xv = x_ref[...]
    a_ref[...] = jnp.dot(xv, wi_ref[...], preferred_element_type=F32)
    b_out_ref[...] = jnp.dot(xv, wj_ref[...], preferred_element_type=F32) + b_ref[...]


def _tc_pre(x2, wi_t, wj_t, b1):
    return pl.pallas_call(
        _pre_body,
        out_shape=(_sds((NP, H)), _sds((NP, H))),
    )(x2, wi_t, wj_t, b1.reshape(1, H))


BE = 4096


def _edge_body(g_ref, w_ref, b_ref, o_ref):
    h = jnp.maximum(g_ref[:, :H] + g_ref[:, H:], 0.0)
    m2 = jnp.maximum(
        jnp.dot(h, w_ref[...], preferred_element_type=F32) + b_ref[...], 0.0)
    o_ref[...] = jnp.concatenate([m2, jnp.zeros((BE, H), F32)], axis=1)


def _tc_edge(gw, w2_t, b2):
    return pl.pallas_call(
        _edge_body,
        grid=(EP // BE,),
        in_specs=[
            pl.BlockSpec((BE, W2), lambda i: (i, 0)),
            pl.BlockSpec((H, H), lambda i: (0, 0)),
            pl.BlockSpec((1, H), lambda i: (0, 0)),
        ],
        out_specs=pl.BlockSpec((BE, W2), lambda i: (i, 0)),
        out_shape=_sds((EP, W2)),
    )(gw, w2_t, b2.reshape(1, H))


def _make_node_body(res, has_next):
    def body(*refs):
        if has_next:
            (x_ref, p_ref, c_ref, w1x_ref, w1a_ref, b1_ref, w2_ref, b2_ref,
             wi_ref, wj_ref, bn_ref, xo_ref, ao_ref, bo_ref) = refs
        else:
            (x_ref, p_ref, c_ref, w1x_ref, w1a_ref, b1_ref, w2_ref, b2_ref,
             xo_ref) = refs
        xv = x_ref[...]
        ssum = (p_ref[0] + p_ref[1])[:, :H]
        cnt = jnp.maximum(c_ref[0] + c_ref[1], 1.0)[:, :1]
        agg = ssum / cnt
        u = jnp.maximum(
            jnp.dot(xv, w1x_ref[...], preferred_element_type=F32)
            + jnp.dot(agg, w1a_ref[...], preferred_element_type=F32)
            + b1_ref[...], 0.0)
        v = jnp.maximum(
            jnp.dot(u, w2_ref[...], preferred_element_type=F32) + b2_ref[...], 0.0)
        if res:
            v = v + xv
        mask = lax.broadcasted_iota(jnp.int32, (NP, 1), 0) < N
        vm = jnp.where(mask, v, 0.0)
        mu = jnp.sum(vm, axis=0, keepdims=True) * (1.0 / N)
        d = v - mu
        dm = jnp.where(mask, d, 0.0)
        var = jnp.sum(dm * dm, axis=0, keepdims=True) * (1.0 / N)
        xn = d / jnp.sqrt(var + EPS)
        xo_ref[...] = xn
        if has_next:
            ao_ref[...] = jnp.dot(xn, wi_ref[...], preferred_element_type=F32)
            bo_ref[...] = jnp.dot(xn, wj_ref[...], preferred_element_type=F32) + bn_ref[...]
    return body


def _tc_node(x2, p, cnt16, w1x_t, w1a_t, b1, w2_t, b2, cdim, res, nxt):
    if nxt is None:
        body = _make_node_body(res, False)
        return pl.pallas_call(body, out_shape=_sds((NP, cdim)))(
            x2, p, cnt16, w1x_t, w1a_t, b1.reshape(1, H), w2_t,
            b2.reshape(1, cdim))
    wi_t, wj_t, bn = nxt
    body = _make_node_body(res, True)
    return pl.pallas_call(
        body, out_shape=(_sds((NP, cdim)), _sds((NP, H)), _sds((NP, H))),
    )(x2, p, cnt16, w1x_t, w1a_t, b1.reshape(1, H), w2_t, b2.reshape(1, cdim),
      wi_t, wj_t, bn.reshape(1, H))


_DIMS = [(128, 64, False), (64, 64, True), (64, 128, False)]


def kernel(x, edge_index,
           We1_0, be1_0, We2_0, be2_0, Wn1_0, bn1_0, Wn2_0, bn2_0,
           We1_1, be1_1, We2_1, be2_1, Wn1_1, bn1_1, Wn2_1, bn2_1,
           We1_2, be1_2, We2_2, be2_2, Wn1_2, bn1_2, Wn2_2, bn2_2):
    params = [
        (We1_0, be1_0, We2_0, be2_0, Wn1_0, bn1_0, Wn2_0, bn2_0),
        (We1_1, be1_1, We2_1, be2_1, Wn1_1, bn1_1, Wn2_1, bn2_1),
        (We1_2, be1_2, We2_2, be2_2, Wn1_2, bn1_2, Wn2_2, bn2_2),
    ]
    x2 = jnp.zeros((NP, _DIMS[0][0]), dtype=F32).at[:N].set(x[0])
    pad_src = jnp.zeros((EP - E,), dtype=jnp.int32)
    pad_dst = jnp.full((EP - E,), N, dtype=jnp.int32)
    src_r = jnp.concatenate([edge_index[0], pad_src]).reshape(NCHUNK, CH)
    dst_r = jnp.concatenate([edge_index[1], pad_dst]).reshape(NCHUNK, CH)
    zeros16 = jnp.zeros((NP, CW), dtype=F32)
    ones = jnp.ones((CH, CW), dtype=F32)

    wsplit = []
    for li, (f, cdim, res) in enumerate(_DIMS):
        We1, be1, We2, be2, Wn1, bn1, Wn2, bn2 = params[li]
        wsplit.append(dict(
            wi_t=We1[:, :f].T, wj_t=We1[:, f:].T, be1=be1,
            w2_t=We2.T, be2=be2,
            w1x_t=Wn1[:, :f].T, w1a_t=Wn1[:, f:].T, bn1=bn1,
            wn2_t=Wn2.T, bn2=bn2, cdim=cdim, res=res,
        ))

    a_nodes, b_nodes = _tc_pre(x2, wsplit[0]["wi_t"], wsplit[0]["wj_t"],
                               wsplit[0]["be1"])
    cnt16 = _sc_count(dst_r, zeros16, ones).reshape(NC, NP, CW)
    for li in range(3):
        w = wsplit[li]
        gw = _sc_gather(a_nodes, b_nodes, src_r, dst_r)
        m2 = _tc_edge(gw, w["w2_t"], w["be2"])
        p = _sc_scatter(m2, dst_r).reshape(NC, NP, W2)
        if li < 2:
            nxt = (wsplit[li + 1]["wi_t"], wsplit[li + 1]["wj_t"],
                   wsplit[li + 1]["be1"])
            x2, a_nodes, b_nodes = _tc_node(
                x2, p, cnt16, w["w1x_t"], w["w1a_t"], w["bn1"], w["wn2_t"],
                w["bn2"], w["cdim"], w["res"], nxt)
        else:
            x2 = _tc_node(x2, p, cnt16, w["w1x_t"], w["w1a_t"], w["bn1"],
                          w["wn2_t"], w["bn2"], w["cdim"], w["res"], None)
    return x2[:N].reshape(1, N, _DIMS[2][1])

# --- scband reference (transcript-rebuilt; emitter-appended) ---
"""Pipeline reference for scband-mpnp-66640712565427 (READ-ONLY COPY).

The authoritative reference and input builder live on the scoring server;
editing this copy changes nothing except your own understanding.
"""

import jax, jax.numpy as jnp
import numpy as np

N_NODES = 10000
N_EDGES = 320000
DIMS = [(128, 64, False), (64, 64, True), (64, 128, False)]
H = 64
EPS = 1e-5


def _lin_init(key, out_f, in_f):
    k1, k2 = jax.random.split(key)
    bound = 1.0 / np.sqrt(in_f)
    W = jax.random.uniform(k1, (out_f, in_f), minval=-bound, maxval=bound, dtype=jnp.float32)
    b = jax.random.uniform(k2, (out_f,), minval=-bound, maxval=bound, dtype=jnp.float32)
    return W, b


def setup_inputs(seed: int = 0) -> dict:
    key = jax.random.key(seed)
    keys = jax.random.split(key, 2 + 4 * len(DIMS))
    inp = {}
    inp["x"] = jax.random.normal(keys[0], (1, N_NODES, DIMS[0][0]), dtype=jnp.float32)
    inp["edge_index"] = jax.random.randint(keys[1], (2, N_EDGES), 0, N_NODES, dtype=jnp.int32)
    ki = 2
    for li, (f, c, _) in enumerate(DIMS):
        W, b = _lin_init(keys[ki], H, 2 * f); inp[f"We1_{li}"] = W; inp[f"be1_{li}"] = b; ki += 1
        W, b = _lin_init(keys[ki], H, H); inp[f"We2_{li}"] = W; inp[f"be2_{li}"] = b; ki += 1
        W, b = _lin_init(keys[ki], H, f + H); inp[f"Wn1_{li}"] = W; inp[f"bn1_{li}"] = b; ki += 1
        W, b = _lin_init(keys[ki], c, H); inp[f"Wn2_{li}"] = W; inp[f"bn2_{li}"] = b; ki += 1
    return inp


def _in_layer(x, edge_index, We1, be1, We2, be2, Wn1, bn1, Wn2, bn2, residual):
    src = edge_index[0]
    dst = edge_index[1]
    x_j = jnp.take(x, src, axis=1)  # source node features [B, E, F]
    x_i = jnp.take(x, dst, axis=1)  # target node features [B, E, F]
    m = jnp.concatenate([x_i, x_j], axis=-1)
    m = jax.nn.relu(m @ We1.T + be1)
    m = jax.nn.relu(m @ We2.T + be2)
    n = x.shape[1]
    summed = jax.ops.segment_sum(jnp.swapaxes(m, 0, 1), dst, num_segments=n)  # [N, B, H]
    cnt = jax.ops.segment_sum(jnp.ones((dst.shape[0],), dtype=x.dtype), dst, num_segments=n)
    agg = jnp.swapaxes(summed, 0, 1) / jnp.clip(cnt, 1.0, None)[None, :, None]  # mean aggr
    u = jnp.concatenate([x, agg], axis=-1)
    u = jax.nn.relu(u @ Wn1.T + bn1)
    u = jax.nn.relu(u @ Wn2.T + bn2)
    if residual:
        u = u + x
    # InstanceNorm1d (affine=False): normalize over node axis per (batch, channel)
    mean = jnp.mean(u, axis=1, keepdims=True)
    var = jnp.var(u, axis=1, keepdims=True)
    return (u - mean) / jnp.sqrt(var + EPS)


def reference(x, edge_index,
              We1_0, be1_0, We2_0, be2_0, Wn1_0, bn1_0, Wn2_0, bn2_0,
              We1_1, be1_1, We2_1, be2_1, Wn1_1, bn1_1, Wn2_1, bn2_1,
              We1_2, be1_2, We2_2, be2_2, Wn1_2, bn1_2, Wn2_2, bn2_2):
    params = [
        (We1_0, be1_0, We2_0, be2_0, Wn1_0, bn1_0, Wn2_0, bn2_0),
        (We1_1, be1_1, We2_1, be2_1, Wn1_1, bn1_1, Wn2_1, bn2_1),
        (We1_2, be1_2, We2_2, be2_2, Wn1_2, bn1_2, Wn2_2, bn2_2),
    ]
    for (f, c, res), p in zip(DIMS, params):
        x = _in_layer(x, edge_index, *p, res)
    return x

if __name__ == "__main__":
    import jax
    _d = setup_inputs()
    print(jax.jit(kernel)(*tuple(_d.values())))

</pallas_src>

<mosaic_0001>
#map = affine_map<(d0, d1) -> (0, 0)>
module attributes {stable_mosaic.version = 14 : i64} {
  func.func @_sc_gather(%arg0: i32, %arg1: i32, %arg2: memref<10240x64xf32, #tpu.memory_space<hbm>>, %arg3: memref<10240x64xf32, #tpu.memory_space<hbm>>, %arg4: memref<2560x128xi32, #tpu.memory_space<hbm>>, %arg5: memref<2560x128xi32, #tpu.memory_space<hbm>>, %arg6: memref<327680x128xf32, #tpu.memory_space<hbm>>, %arg7: memref<112x128xi32, #tpu.memory_space<vmem>>, %arg8: memref<112x128xi32, #tpu.memory_space<vmem>>, %arg9: memref<128x64xf32, #tpu.memory_space<vmem>>, %arg10: memref<128x64xf32, #tpu.memory_space<vmem>>, %arg11: memref<128x64xf32, #tpu.memory_space<vmem>>, %arg12: memref<128x64xf32, #tpu.memory_space<vmem>>, %arg13: memref<!tpu.dma_semaphore, #tpu.memory_space<semaphore_mem>>, %arg14: memref<!tpu.dma_semaphore, #tpu.memory_space<semaphore_mem>>, %arg15: memref<!tpu.dma_semaphore, #tpu.memory_space<semaphore_mem>>, %arg16: memref<!tpu.dma_semaphore, #tpu.memory_space<semaphore_mem>>) attributes {dimension_semantics = [#tpu.dimension_semantics<core_parallel>, #tpu.dimension_semantics<subcore_parallel>], iteration_bounds = array<i64: 2, 16>, scalar_prefetch = 0 : i64, scratch_operands = 10 : i64, tpu.core_type = #tpu.core_type<sc_vector_subcore>, window_params = [{transform_indices = #map}, {transform_indices = #map}, {transform_indices = #map}, {transform_indices = #map}, {transform_indices = #map}]} {
    %eq3A = arith.constant 0 : i32
    %eq3A_0 = arith.cmpi eq, %arg0, %eq3A : i32
    %convert_element_type3A = arith.extui %eq3A_0 : i1 to i32
    %cond3A = arith.constant 0 : i32
    %cond3A_1 = arith.cmpi ne, %convert_element_type3A, %cond3A : i32
    scf.if %cond3A_1 {
      %mul3A = arith.constant 112 : i32
      %mul3A_7 = arith.muli %arg1, %mul3A : i32
      "tpu.region"() ({
        %run_scoped3A = tpu.sem_alloc : memref<!tpu.dma_semaphore, #tpu.memory_space<semaphore_mem>>
        %dma_start3A_63 = arith.constant 0 : i32
        %dma_start3A_64 = arith.constant 0 : i32
        %dma_start3A_65 = tpu.memref_slice %arg8[%dma_start3A_63, %dma_start3A_64] : memref<112x128xi32, #tpu.memory_space<vmem>> -> memref<112x128xi32, #tpu.memory_space<vmem>>
        %dma_start3A_66 = arith.constant 0 : i32
        %dma_start3A_67 = tpu.memref_slice %arg5[%mul3A_7, %dma_start3A_66] : memref<2560x128xi32, #tpu.memory_space<hbm>> -> memref<112x128xi32, #tpu.memory_space<hbm>>
        %dma_start3A_68 = arith.constant 0 : i32
        %dma_start3A_69 = arith.constant 0 : i32
        %dma_start3A_70 = tpu.memref_slice %arg8[%dma_start3A_68, %dma_start3A_69] : memref<112x128xi32, #tpu.memory_space<vmem>> -> memref<112x128xi32, #tpu.memory_space<vmem>>
        %dma_start3A_71 = arith.constant 0 : i32
        %dma_start3A_72 = tpu.memref_slice %arg5[%mul3A_7, %dma_start3A_71] : memref<2560x128xi32, #tpu.memory_space<hbm>> -> memref<112x128xi32, #tpu.memory_space<hbm>>
        tpu.enqueue_dma source(%dma_start3A_72 : memref<112x128xi32, #tpu.memory_space<hbm>>) target(%dma_start3A_70 : memref<112x128xi32, #tpu.memory_space<vmem>>) target_semaphore(%run_scoped3A : memref<!tpu.dma_semaphore, #tpu.memory_space<semaphore_mem>>)
        %dma_wait3A_73 = arith.constant 0 : i32
        %dma_wait3A_74 = arith.constant 0 : i32
        %dma_wait3A_75 = tpu.memref_slice %arg8[%dma_wait3A_73, %dma_wait3A_74] : memref<112x128xi32, #tpu.memory_space<vmem>> -> memref<112x128xi32, #tpu.memory_space<vmem>>
        %dma_wait3A_76 = arith.constant 0 : i32
        %dma_wait3A_77 = tpu.memref_slice %arg5[%mul3A_7, %dma_wait3A_76] : memref<2560x128xi32, #tpu.memory_space<hbm>> -> memref<112x128xi32, #tpu.memory_space<hbm>>
        %dma_wait3A_78 = arith.constant 0 : i32
        %dma_wait3A_79 = arith.constant 0 : i32
        %dma_wait3A_80 = tpu.memref_slice %arg8[%dma_wait3A_78, %dma_wait3A_79] : memref<112x128xi32, #tpu.memory_space<vmem>> -> memref<112x128xi32, #tpu.memory_space<vmem>>
        %dma_wait3A_81 = arith.constant 0 : i32
        %dma_wait3A_82 = tpu.memref_slice %arg5[%mul3A_7, %dma_wait3A_81] : memref<2560x128xi32, #tpu.memory_space<hbm>> -> memref<112x128xi32, #tpu.memory_space<hbm>>
        tpu.wait_dma2 semaphore(%run_scoped3A : memref<!tpu.dma_semaphore, #tpu.memory_space<semaphore_mem>>) src(%dma_wait3A_82 : memref<112x128xi32, #tpu.memory_space<hbm>>) dst(%dma_wait3A_80 : memref<112x128xi32, #tpu.memory_space<vmem>>)
        tpu.yield
      }) : () -> ()
      "tpu.region"() ({
        %run_scoped3A = tpu.sem_alloc : memref<!tpu.dma_semaphore, #tpu.memory_space<semaphore_mem>>
        %dma_start3A_63 = arith.constant 0 : i32
        %dma_start3A_64 = arith.constant 0 : i32
        %dma_start3A_65 = tpu.memref_slice %arg7[%dma_start3A_63, %dma_start3A_64] : memref<112x128xi32, #tpu.memory_space<vmem>> -> memref<112x128xi32, #tpu.memory_space<vmem>>
        %dma_start3A_66 = arith.constant 0 : i32
        %dma_start3A_67 = tpu.memref_slice %arg4[%mul3A_7, %dma_start3A_66] : memref<2560x128xi32, #tpu.memory_space<hbm>> -> memref<112x128xi32, #tpu.memory_space<hbm>>
        %dma_start3A_68 = arith.constant 0 : i32
        %dma_start3A_69 = arith.constant 0 : i32
        %dma_start3A_70 = tpu.memref_slice %arg7[%dma_start3A_68, %dma_start3A_69] : memref<112x128xi32, #tpu.memory_space<vmem>> -> memref<112x128xi32, #tpu.memory_space<vmem>>
        %dma_start3A_71 = arith.constant 0 : i32
        %dma_start3A_72 = tpu.memref_slice %arg4[%mul3A_7, %dma_start3A_71] : memref<2560x128xi32, #tpu.memory_space<hbm>> -> memref<112x128xi32, #tpu.memory_space<hbm>>
        tpu.enqueue_dma source(%dma_start3A_72 : memref<112x128xi32, #tpu.memory_space<hbm>>) target(%dma_start3A_70 : memref<112x128xi32, #tpu.memory_space<vmem>>) target_semaphore(%run_scoped3A : memref<!tpu.dma_semaphore, #tpu.memory_space<semaphore_mem>>)
        %dma_wait3A_73 = arith.constant 0 : i32
        %dma_wait3A_74 = arith.constant 0 : i32
        %dma_wait3A_75 = tpu.memref_slice %arg7[%dma_wait3A_73, %dma_wait3A_74] : memref<112x128xi32, #tpu.memory_space<vmem>> -> memref<112x128xi32, #tpu.memory_space<vmem>>
        %dma_wait3A_76 = arith.constant 0 : i32
        %dma_wait3A_77 = tpu.memref_slice %arg4[%mul3A_7, %dma_wait3A_76] : memref<2560x128xi32, #tpu.memory_space<hbm>> -> memref<112x128xi32, #tpu.memory_space<hbm>>
        %dma_wait3A_78 = arith.constant 0 : i32
        %dma_wait3A_79 = arith.constant 0 : i32
        %dma_wait3A_80 = tpu.memref_slice %arg7[%dma_wait3A_78, %dma_wait3A_79] : memref<112x128xi32, #tpu.memory_space<vmem>> -> memref<112x128xi32, #tpu.memory_space<vmem>>
        %dma_wait3A_81 = arith.constant 0 : i32
        %dma_wait3A_82 = tpu.memref_slice %arg4[%mul3A_7, %dma_wait3A_81] : memref<2560x128xi32, #tpu.memory_space<hbm>> -> memref<112x128xi32, #tpu.memory_space<hbm>>
        tpu.wait_dma2 semaphore(%run_scoped3A : memref<!tpu.dma_semaphore, #tpu.memory_space<semaphore_mem>>) src(%dma_wait3A_82 : memref<112x128xi32, #tpu.memory_space<hbm>>) dst(%dma_wait3A_80 : memref<112x128xi32, #tpu.memory_space<vmem>>)
        tpu.yield
      }) : () -> ()
      %dma_start3A = arith.constant 0 : i32
      %dma_start3A_8 = arith.constant 0 : i32
      %dma_start3A_9 = tpu.memref_slice %arg8[%dma_start3A, %dma_start3A_8] : memref<112x128xi32, #tpu.memory_space<vmem>> -> memref<1x128xi32, #tpu.memory_space<vmem>>
      %dma_start3A_10 = tpu.memref_squeeze %dma_start3A_9 : memref<1x128xi32, #tpu.memory_space<vmem>> -> memref<128xi32, #tpu.memory_space<vmem>>
      %dma_start3A_11 = arith.constant 0 : i32
      %dma_start3A_12 = arith.constant 0 : i32
      %dma_start3A_13 = tpu.memref_slice %arg2[%dma_start3A_11, %dma_start3A_12] : memref<10240x64xf32, #tpu.memory_space<hbm>> -> memref<10240x64xf32, #tpu.memory_space<hbm>>
      tpu.enqueue_indirect_dma source(%dma_start3A_13 : memref<10240x64xf32, #tpu.memory_space<hbm>>) target(%arg9 : memref<128x64xf32, #tpu.memory_space<vmem>>) offsets(%dma_start3A_10 : memref<128xi32, #tpu.memory_space<vmem>>) semaphore(%arg13 : memref<!tpu.dma_semaphore, #tpu.memory_space<semaphore_mem>>)
      %dma_start3A_14 = arith.constant 0 : i32
      %dma_start3A_15 = arith.constant 0 : i32
      %dma_start3A_16 = tpu.memref_slice %arg7[%dma_start3A_14, %dma_start3A_15] : memref<112x128xi32, #tpu.memory_space<vmem>> -> memref<1x128xi32, #tpu.memory_space<vmem>>
      %dma_start3A_17 = tpu.memref_squeeze %dma_start3A_16 : memref<1x128xi32, #tpu.memory_space<vmem>> -> memref<128xi32, #tpu.memory_space<vmem>>
      %dma_start3A_18 = arith.constant 0 : i32
      %dma_start3A_19 = arith.constant 0 : i32
      %dma_start3A_20 = tpu.memref_slice %arg3[%dma_start3A_18, %dma_start3A_19] : memref<10240x64xf32, #tpu.memory_space<hbm>> -> memref<10240x64xf32, #tpu.memory_space<hbm>>
      tpu.enqueue_indirect_dma source(%dma_start3A_20 : memref<10240x64xf32, #tpu.memory_space<hbm>>) target(%arg11 : memref<128x64xf32, #tpu.memory_space<vmem>>) offsets(%dma_start3A_17 : memref<128xi32, #tpu.memory_space<vmem>>) semaphore(%arg13 : memref<!tpu.dma_semaphore, #tpu.memory_space<semaphore_mem>>)
      %dma_start3A_21 = arith.constant 1 : i32
      %dma_start3A_22 = arith.constant 0 : i32
      %dma_start3A_23 = tpu.memref_slice %arg8[%dma_start3A_21, %dma_start3A_22] : memref<112x128xi32, #tpu.memory_space<vmem>> -> memref<1x128xi32, #tpu.memory_space<vmem>>
      %dma_start3A_24 = tpu.memref_squeeze %dma_start3A_23 : memref<1x128xi32, #tpu.memory_space<vmem>> -> memref<128xi32, #tpu.memory_space<vmem>>
      %dma_start3A_25 = arith.constant 0 : i32
      %dma_start3A_26 = arith.constant 0 : i32
      %dma_start3A_27 = tpu.memref_slice %arg2[%dma_start3A_25, %dma_start3A_26] : memref<10240x64xf32, #tpu.memory_space<hbm>> -> memref<10240x64xf32, #tpu.memory_space<hbm>>
      tpu.enqueue_indirect_dma source(%dma_start3A_27 : memref<10240x64xf32, #tpu.memory_space<hbm>>) target(%arg10 : memref<128x64xf32, #tpu.memory_space<vmem>>) offsets(%dma_start3A_24 : memref<128xi32, #tpu.memory_space<vmem>>) semaphore(%arg14 : memref<!tpu.dma_semaphore, #tpu.memory_space<semaphore_mem>>)
      %dma_start3A_28 = arith.constant 1 : i32
      %dma_start3A_29 = arith.constant 0 : i32
      %dma_start3A_30 = tpu.memref_slice %arg7[%dma_start3A_28, %dma_start3A_29] : memref<112x128xi32, #tpu.memory_space<vmem>> -> memref<1x128xi32, #tpu.memory_space<vmem>>
      %dma_start3A_31 = tpu.memref_squeeze %dma_start3A_30 : memref<1x128xi32, #tpu.memory_space<vmem>> -> memref<128xi32, #tpu.memory_space<vmem>>
      %dma_start3A_32 = arith.constant 0 : i32
      %dma_start3A_33 = arith.constant 0 : i32
      %dma_start3A_34 = tpu.memref_slice %arg3[%dma_start3A_32, %dma_start3A_33] : memref<10240x64xf32, #tpu.memory_space<hbm>> -> memref<10240x64xf32, #tpu.memory_space<hbm>>
      tpu.enqueue_indirect_dma source(%dma_start3A_34 : memref<10240x64xf32, #tpu.memory_space<hbm>>) target(%arg12 : memref<128x64xf32, #tpu.memory_space<vmem>>) offsets(%dma_start3A_31 : memref<128xi32, #tpu.memory_space<vmem>>) semaphore(%arg14 : memref<!tpu.dma_semaphore, #tpu.memory_space<semaphore_mem>>)
      %scan3A = arith.constant 0 : i32
      %scan3A_35 = arith.constant 0 : i32
      %scan3A_36 = arith.constant 56 : i32
      %scan3A_37 = arith.addi %scan3A_35, %scan3A_36 : i32
      %scan3A_38 = arith.constant 1 : i32
      scf.for %scan3A_63 = %scan3A_35 to %scan3A_37 step %scan3A_38  : i32 {
        %mul3A_64 = arith.constant 2 : i32
        %mul3A_65 = arith.muli %scan3A_63, %mul3A_64 : i32
        %dma_wait3A_66 = arith.constant 0 : i32
        %dma_wait3A_67 = arith.constant 0 : i32
        %dma_wait3A_68 = tpu.memref_slice %arg8[%dma_wait3A_66, %dma_wait3A_67] : memref<112x128xi32, #tpu.memory_space<vmem>> -> memref<1x128xi32, #tpu.memory_space<vmem>>
        %dma_wait3A_69 = tpu.memref_squeeze %dma_wait3A_68 : memref<1x128xi32, #tpu.memory_space<vmem>> -> memref<128xi32, #tpu.memory_space<vmem>>
        %dma_wait3A_70 = arith.constant 0 : i32
        %dma_wait3A_71 = arith.constant 0 : i32
        %dma_wait3A_72 = tpu.memref_slice %arg2[%dma_wait3A_70, %dma_wait3A_71] : memref<10240x64xf32, #tpu.memory_space<hbm>> -> memref<10240x64xf32, #tpu.memory_space<hbm>>
        tpu.wait_indirect_dma semaphore(%arg13 : memref<!tpu.dma_semaphore, #tpu.memory_space<semaphore_mem>>) src(%dma_wait3A_72 : memref<10240x64xf32, #tpu.memory_space<hbm>>) dst(%arg9 : memref<128x64xf32, #tpu.memory_space<vmem>>)
        %dma_wait3A_73 = arith.constant 0 : i32
        %dma_wait3A_74 = arith.constant 0 : i32
        %dma_wait3A_75 = tpu.memref_slice %arg7[%dma_wait3A_73, %dma_wait3A_74] : memref<112x128xi32, #tpu.memory_space<vmem>> -> memref<1x128xi32, #tpu.memory_space<vmem>>
        %dma_wait3A_76 = tpu.memref_squeeze %dma_wait3A_75 : memref<1x128xi32, #tpu.memory_space<vmem>> -> memref<128xi32, #tpu.memory_space<vmem>>
        %dma_wait3A_77 = arith.constant 0 : i32
        %dma_wait3A_78 = arith.constant 0 : i32
        %dma_wait3A_79 = tpu.memref_slice %arg3[%dma_wait3A_77, %dma_wait3A_78] : memref<10240x64xf32, #tpu.memory_space<hbm>> -> memref<10240x64xf32, #tpu.memory_space<hbm>>
        tpu.wait_indirect_dma semaphore(%arg13 : memref<!tpu.dma_semaphore, #tpu.memory_space<semaphore_mem>>) src(%dma_wait3A_79 : memref<10240x64xf32, #tpu.memory_space<hbm>>) dst(%arg11 : memref<128x64xf32, #tpu.memory_space<vmem>>)
        %add3A = arith.constant 0 : i32
        %add3A_80 = arith.addi %mul3A_65, %add3A : i32
        %add3A_81 = arith.addi %mul3A_7, %add3A_80 : i32
        %mul3A_82 = arith.constant 128 : i32
        %mul3A_83 = arith.muli %add3A_81, %mul3A_82 : i32
        %dma_start3A_84 = arith.constant 0 : i32
        %dma_start3A_85 = tpu.memref_slice %arg6[%mul3A_83, %dma_start3A_84] : memref<327680x128xf32, #tpu.memory_space<hbm>> -> memref<128x64xf32, #tpu.memory_space<hbm>>
        %dma_start3A_86 = arith.constant 0 : i32
        %dma_start3A_87 = tpu.memref_slice %arg6[%mul3A_83, %dma_start3A_86] : memref<327680x128xf32, #tpu.memory_space<hbm>> -> memref<128x64xf32, #tpu.memory_space<hbm>>
        tpu.enqueue_dma source(%arg9 : memref<128x64xf32, #tpu.memory_space<vmem>>) target(%dma_start3A_87 : memref<128x64xf32, #tpu.memory_space<hbm>>) target_semaphore(%arg15 : memref<!tpu.dma_semaphore, #tpu.memory_space<semaphore_mem>>)
        %dma_start3A_88 = arith.constant 64 : i32
        %dma_start3A_89 = tpu.memref_slice %arg6[%mul3A_83, %dma_start3A_88] : memref<327680x128xf32, #tpu.memory_space<hbm>> -> memref<128x64xf32, #tpu.memory_space<hbm>>
        %dma_start3A_90 = arith.constant 64 : i32
        %dma_start3A_91 = tpu.memref_slice %arg6[%mul3A_83, %dma_start3A_90] : memref<327680x128xf32, #tpu.memory_space<hbm>> -> memref<128x64xf32, #tpu.memory_space<hbm>>
        tpu.enqueue_dma source(%arg11 : memref<128x64xf32, #tpu.memory_space<vmem>>) target(%dma_start3A_91 : memref<128x64xf32, #tpu.memory_space<hbm>>) target_semaphore(%arg15 : memref<!tpu.dma_semaphore, #tpu.memory_space<semaphore_mem>>)
        %dma_wait3A_92 = arith.constant 0 : i32
        %dma_wait3A_93 = arith.constant 0 : i32
        %dma_wait3A_94 = tpu.memref_slice %arg8[%dma_wait3A_92, %dma_wait3A_93] : memref<112x128xi32, #tpu.memory_space<vmem>> -> memref<1x128xi32, #tpu.memory_space<vmem>>
        %dma_wait3A_95 = tpu.memref_squeeze %dma_wait3A_94 : memref<1x128xi32, #tpu.memory_space<vmem>> -> memref<128xi32, #tpu.memory_space<vmem>>
        %dma_wait3A_96 = arith.constant 0 : i32
        %dma_wait3A_97 = arith.constant 0 : i32
        %dma_wait3A_98 = tpu.memref_slice %arg2[%dma_wait3A_96, %dma_wait3A_97] : memref<10240x64xf32, #tpu.memory_space<hbm>> -> memref<10240x64xf32, #tpu.memory_space<hbm>>
        tpu.wait_indirect_dma semaphore(%arg14 : memref<!tpu.dma_semaphore, #tpu.memory_space<semaphore_mem>>) src(%dma_wait3A_98 : memref<10240x64xf32, #tpu.memory_space<hbm>>) dst(%arg10 : memref<128x64xf32, #tpu.memory_space<vmem>>)
        %dma_wait3A_99 = arith.constant 0 : i32
        %dma_wait3A_100 = arith.constant 0 : i32
        %dma_wait3A_101 = tpu.memref_slice %arg7[%dma_wait3A_99, %dma_wait3A_100] : memref<112x128xi32, #tpu.memory_space<vmem>> -> memref<1x128xi32, #tpu.memory_space<vmem>>
        %dma_wait3A_102 = tpu.memref_squeeze %dma_wait3A_101 : memref<1x128xi32, #tpu.memory_space<vmem>> -> memref<128xi32, #tpu.memory_space<vmem>>
        %dma_wait3A_103 = arith.constant 0 : i32
        %dma_wait3A_104 = arith.constant 0 : i32
        %dma_wait3A_105 = tpu.memref_slice %arg3[%dma_wait3A_103, %dma_wait3A_104] : memref<10240x64xf32, #tpu.memory_space<hbm>> -> memref<10240x64xf32, #tpu.memory_space<hbm>>
        tpu.wait_indirect_dma semaphore(%arg14 : memref<!tpu.dma_semaphore, #tpu.memory_space<semaphore_mem>>) src(%dma_wait3A_105 : memref<10240x64xf32, #tpu.memory_space<hbm>>) dst(%arg12 : memref<128x64xf32, #tpu.memory_space<vmem>>)
        %add3A_106 = arith.constant 1 : i32
        %add3A_107 = arith.addi %mul3A_65, %add3A_106 : i32
        %add3A_108 = arith.addi %mul3A_7, %add3A_107 : i32
        %mul3A_109 = arith.constant 128 : i32
        %mul3A_110 = arith.muli %add3A_108, %mul3A_109 : i32
        %dma_start3A_111 = arith.constant 0 : i32
        %dma_start3A_112 = tpu.memref_slice %arg6[%mul3A_110, %dma_start3A_111] : memref<327680x128xf32, #tpu.memory_space<hbm>> -> memref<128x64xf32, #tpu.memory_space<hbm>>
        %dma_start3A_113 = arith.constant 0 : i32
        %dma_start3A_114 = tpu.memref_slice %arg6[%mul3A_110, %dma_start3A_113] : memref<327680x128xf32, #tpu.memory_space<hbm>> -> memref<128x64xf32, #tpu.memory_space<hbm>>
        tpu.enqueue_dma source(%arg10 : memref<128x64xf32, #tpu.memory_space<vmem>>) target(%dma_start3A_114 : memref<128x64xf32, #tpu.memory_space<hbm>>) target_semaphore(%arg16 : memref<!tpu.dma_semaphore, #tpu.memory_space<semaphore_mem>>)
        %dma_start3A_115 = arith.constant 64 : i32
        %dma_start3A_116 = tpu.memref_slice %arg6[%mul3A_110, %dma_start3A_115] : memref<327680x128xf32, #tpu.memory_space<hbm>> -> memref<128x64xf32, #tpu.memory_space<hbm>>
        %dma_start3A_117 = arith.constant 64 : i32
        %dma_start3A_118 = tpu.memref_slice %arg6[%mul3A_110, %dma_start3A_117] : memref<327680x128xf32, #tpu.memory_space<hbm>> -> memref<128x64xf32, #tpu.memory_space<hbm>>
        tpu.enqueue_dma source(%arg12 : memref<128x64xf32, #tpu.memory_space<vmem>>) target(%dma_start3A_118 : memref<128x64xf32, #tpu.memory_space<hbm>>) target_semaphore(%arg16 : memref<!tpu.dma_semaphore, #tpu.memory_space<semaphore_mem>>)
        %lt3A = arith.constant 55 : i32
        %lt3A_119 = arith.cmpi slt, %scan3A_63, %lt3A : i32
        %convert_element_type3A_120 = arith.extui %lt3A_119 : i1 to i32
        %cond3A_121 = arith.constant 0 : i32
        %cond3A_122 = arith.cmpi ne, %convert_element_type3A_120, %cond3A_121 : i32
        scf.if %cond3A_122 {
          %dma_wait3A_128 = arith.constant 0 : i32
          %dma_wait3A_129 = arith.constant 0 : i32
          %dma_wait3A_130 = tpu.memref_slice %arg6[%dma_wait3A_128, %dma_wait3A_129] : memref<327680x128xf32, #tpu.memory_space<hbm>> -> memref<128x64xf32, #tpu.memory_space<hbm>>
          %dma_wait3A_131 = arith.constant 0 : i32
          %dma_wait3A_132 = arith.constant 0 : i32
          %dma_wait3A_133 = tpu.memref_slice %arg6[%dma_wait3A_131, %dma_wait3A_132] : memref<327680x128xf32, #tpu.memory_space<hbm>> -> memref<128x64xf32, #tpu.memory_space<hbm>>
          tpu.wait_dma2 semaphore(%arg15 : memref<!tpu.dma_semaphore, #tpu.memory_space<semaphore_mem>>) src(%arg9 : memref<128x64xf32, #tpu.memory_space<vmem>>) dst(%dma_wait3A_133 : memref<128x64xf32, #tpu.memory_space<hbm>>)
          %dma_wait3A_134 = arith.constant 0 : i32
          %dma_wait3A_135 = arith.constant 64 : i32
          %dma_wait3A_136 = tpu.memref_slice %arg6[%dma_wait3A_134, %dma_wait3A_135] : memref<327680x128xf32, #tpu.memory_space<hbm>> -> memref<128x64xf32, #tpu.memory_space<hbm>>
          %dma_wait3A_137 = arith.constant 0 : i32
          %dma_wait3A_138 = arith.constant 64 : i32
          %dma_wait3A_139 = tpu.memref_slice %arg6[%dma_wait3A_137, %dma_wait3A_138] : memref<327680x128xf32, #tpu.memory_space<hbm>> -> memref<128x64xf32, #tpu.memory_space<hbm>>
          tpu.wait_dma2 semaphore(%arg15 : memref<!tpu.dma_semaphore, #tpu.memory_space<semaphore_mem>>) src(%arg11 : memref<128x64xf32, #tpu.memory_space<vmem>>) dst(%dma_wait3A_139 : memref<128x64xf32, #tpu.memory_space<hbm>>)
          %add3A_140 = arith.constant 2 : i32
          %add3A_141 = arith.addi %mul3A_65, %add3A_140 : i32
          %add3A_142 = arith.constant 0 : i32
          %add3A_143 = arith.addi %add3A_141, %add3A_142 : i32
          %dma_start3A_144 = arith.constant 0 : i32
          %dma_start3A_145 = tpu.memref_slice %arg8[%add3A_143, %dma_start3A_144] : memref<112x128xi32, #tpu.memory_space<vmem>> -> memref<1x128xi32, #tpu.memory_space<vmem>>
          %dma_start3A_146 = tpu.memref_squeeze %dma_start3A_145 : memref<1x128xi32, #tpu.memory_space<vmem>> -> memref<128xi32, #tpu.memory_space<vmem>>
          %dma_start3A_147 = arith.constant 0 : i32
          %dma_start3A_148 = arith.constant 0 : i32
          %dma_start3A_149 = tpu.memref_slice %arg2[%dma_start3A_147, %dma_start3A_148] : memref<10240x64xf32, #tpu.memory_space<hbm>> -> memref<10240x64xf32, #tpu.memory_space<hbm>>
          tpu.enqueue_indirect_dma source(%dma_start3A_149 : memref<10240x64xf32, #tpu.memory_space<hbm>>) target(%arg9 : memref<128x64xf32, #tpu.memory_space<vmem>>) offsets(%dma_start3A_146 : memref<128xi32, #tpu.memory_space<vmem>>) semaphore(%arg13 : memref<!tpu.dma_semaphore, #tpu.memory_space<semaphore_mem>>)
          %dma_start3A_150 = arith.constant 0 : i32
          %dma_start3A_151 = tpu.memref_slice %arg7[%add3A_143, %dma_start3A_150] : memref<112x128xi32, #tpu.memory_space<vmem>> -> memref<1x128xi32, #tpu.memory_space<vmem>>
          %dma_start3A_152 = tpu.memref_squeeze %dma_start3A_151 : memref<1x128xi32, #tpu.memory_space<vmem>> -> memref<128xi32, #tpu.memory_space<vmem>>
          %dma_start3A_153 = arith.constant 0 : i32
          %dma_start3A_154 = arith.constant 0 : i32
          %dma_start3A_155 = tpu.memref_slice %arg3[%dma_start3A_153, %dma_start3A_154] : memref<10240x64xf32, #tpu.memory_space<hbm>> -> memref<10240x64xf32, #tpu.memory_space<hbm>>
          tpu.enqueue_indirect_dma source(%dma_start3A_155 : memref<10240x64xf32, #tpu.memory_space<hbm>>) target(%arg11 : memref<128x64xf32, #tpu.memory_space<vmem>>) offsets(%dma_start3A_152 : memref<128xi32, #tpu.memory_space<vmem>>) semaphore(%arg13 : memref<!tpu.dma_semaphore, #tpu.memory_space<semaphore_mem>>)
        } else {
        }
        %lt3A_123 = arith.constant 55 : i32
        %lt3A_124 = arith.cmpi slt, %scan3A_63, %lt3A_123 : i32
        %convert_element_type3A_125 = arith.extui %lt3A_124 : i1 to i32
        %cond3A_126 = arith.constant 0 : i32
        %cond3A_127 = arith.cmpi ne, %convert_element_type3A_125, %cond3A_126 : i32
        scf.if %cond3A_127 {
          %dma_wait3A_128 = arith.constant 0 : i32
          %dma_wait3A_129 = arith.constant 0 : i32
          %dma_wait3A_130 = tpu.memref_slice %arg6[%dma_wait3A_128, %dma_wait3A_129] : memref<327680x128xf32, #tpu.memory_space<hbm>> -> memref<128x64xf32, #tpu.memory_space<hbm>>
          %dma_wait3A_131 = arith.constant 0 : i32
          %dma_wait3A_132 = arith.constant 0 : i32
          %dma_wait3A_133 = tpu.memref_slice %arg6[%dma_wait3A_131, %dma_wait3A_132] : memref<327680x128xf32, #tpu.memory_space<hbm>> -> memref<128x64xf32, #tpu.memory_space<hbm>>
          tpu.wait_dma2 semaphore(%arg16 : memref<!tpu.dma_semaphore, #tpu.memory_space<semaphore_mem>>) src(%arg10 : memref<128x64xf32, #tpu.memory_space<vmem>>) dst(%dma_wait3A_133 : memref<128x64xf32, #tpu.memory_space<hbm>>)
          %dma_wait3A_134 = arith.constant 0 : i32
          %dma_wait3A_135 = arith.constant 64 : i32
          %dma_wait3A_136 = tpu.memref_slice %arg6[%dma_wait3A_134, %dma_wait3A_135] : memref<327680x128xf32, #tpu.memory_space<hbm>> -> memref<128x64xf32, #tpu.memory_space<hbm>>
          %dma_wait3A_137 = arith.constant 0 : i32
          %dma_wait3A_138 = arith.constant 64 : i32
          %dma_wait3A_139 = tpu.memref_slice %arg6[%dma_wait3A_137, %dma_wait3A_138] : memref<327680x128xf32, #tpu.memory_space<hbm>> -> memref<128x64xf32, #tpu.memory_space<hbm>>
          tpu.wait_dma2 semaphore(%arg16 : memref<!tpu.dma_semaphore, #tpu.memory_space<semaphore_mem>>) src(%arg12 : memref<128x64xf32, #tpu.memory_space<vmem>>) dst(%dma_wait3A_139 : memref<128x64xf32, #tpu.memory_space<hbm>>)
          %add3A_140 = arith.constant 2 : i32
          %add3A_141 = arith.addi %mul3A_65, %add3A_140 : i32
          %add3A_142 = arith.constant 1 : i32
          %add3A_143 = arith.addi %add3A_141, %add3A_142 : i32
          %dma_start3A_144 = arith.constant 0 : i32
          %dma_start3A_145 = tpu.memref_slice %arg8[%add3A_143, %dma_start3A_144] : memref<112x128xi32, #tpu.memory_space<vmem>> -> memref<1x128xi32, #tpu.memory_space<vmem>>
          %dma_start3A_146 = tpu.memref_squeeze %dma_start3A_145 : memref<1x128xi32, #tpu.memory_space<vmem>> -> memref<128xi32, #tpu.memory_space<vmem>>
          %dma_start3A_147 = arith.constant 0 : i32
          %dma_start3A_148 = arith.constant 0 : i32
          %dma_start3A_149 = tpu.memref_slice %arg2[%dma_start3A_147, %dma_start3A_148] : memref<10240x64xf32, #tpu.memory_space<hbm>> -> memref<10240x64xf32, #tpu.memory_space<hbm>>
          tpu.enqueue_indirect_dma source(%dma_start3A_149 : memref<10240x64xf32, #tpu.memory_space<hbm>>) target(%arg10 : memref<128x64xf32, #tpu.memory_space<vmem>>) offsets(%dma_start3A_146 : memref<128xi32, #tpu.memory_space<vmem>>) semaphore(%arg14 : memref<!tpu.dma_semaphore, #tpu.memory_space<semaphore_mem>>)
          %dma_start3A_150 = arith.constant 0 : i32
          %dma_start3A_151 = tpu.memref_slice %arg7[%add3A_143, %dma_start3A_150] : memref<112x128xi32, #tpu.memory_space<vmem>> -> memref<1x128xi32, #tpu.memory_space<vmem>>
          %dma_start3A_152 = tpu.memref_squeeze %dma_start3A_151 : memref<1x128xi32, #tpu.memory_space<vmem>> -> memref<128xi32, #tpu.memory_space<vmem>>
          %dma_start3A_153 = arith.constant 0 : i32
          %dma_start3A_154 = arith.constant 0 : i32
          %dma_start3A_155 = tpu.memref_slice %arg3[%dma_start3A_153, %dma_start3A_154] : memref<10240x64xf32, #tpu.memory_space<hbm>> -> memref<10240x64xf32, #tpu.memory_space<hbm>>
          tpu.enqueue_indirect_dma source(%dma_start3A_155 : memref<10240x64xf32, #tpu.memory_space<hbm>>) target(%arg12 : memref<128x64xf32, #tpu.memory_space<vmem>>) offsets(%dma_start3A_152 : memref<128xi32, #tpu.memory_space<vmem>>) semaphore(%arg14 : memref<!tpu.dma_semaphore, #tpu.memory_space<semaphore_mem>>)
        } else {
        }
      }
      %scan3A_39 = arith.constant 56 : i32
      %dma_wait3A = arith.constant 0 : i32
      %dma_wait3A_40 = arith.constant 0 : i32
      %dma_wait3A_41 = tpu.memref_slice %arg6[%dma_wait3A, %dma_wait3A_40] : memref<327680x128xf32, #tpu.memory_space<hbm>> -> memref<128x64xf32, #tpu.memory_space<hbm>>
      %dma_wait3A_42 = arith.constant 0 : i32
      %dma_wait3A_43 = arith.constant 0 : i32
      %dma_wait3A_44 = tpu.memref_slice %arg6[%dma_wait3A_42, %dma_wait3A_43] : memref<327680x128xf32, #tpu.memory_space<hbm>> -> memref<128x64xf32, #tpu.memory_space<hbm>>
      tpu.wait_dma2 semaphore(%arg15 : memref<!tpu.dma_semaphore, #tpu.memory_space<semaphore_mem>>) src(%arg9 : memref<128x64xf32, #tpu.memory_space<vmem>>) dst(%dma_wait3A_44 : memref<128x64xf32, #tpu.memory_space<hbm>>)
      %dma_wait3A_45 = arith.constant 0 : i32
      %dma_wait3A_46 = arith.constant 64 : i32
      %dma_wait3A_47 = tpu.memref_slice %arg6[%dma_wait3A_45, %dma_wait3A_46] : memref<327680x128xf32, #tpu.memory_space<hbm>> -> memref<128x64xf32, #tpu.memory_space<hbm>>
      %dma_wait3A_48 = arith.constant 0 : i32
      %dma_wait3A_49 = arith.constant 64 : i32
      %dma_wait3A_50 = tpu.memref_slice %arg6[%dma_wait3A_48, %dma_wait3A_49] : memref<327680x128xf32, #tpu.memory_space<hbm>> -> memref<128x64xf32, #tpu.memory_space<hbm>>
      tpu.wait_dma2 semaphore(%arg15 : memref<!tpu.dma_semaphore, #tpu.memory_space<semaphore_mem>>) src(%arg11 : memref<128x64xf32, #tpu.memory_space<vmem>>) dst(%dma_wait3A_50 : memref<128x64xf32, #tpu.memory_space<hbm>>)
      %dma_wait3A_51 = arith.constant 0 : i32
      %dma_wait3A_52 = arith.constant 0 : i32
      %dma_wait3A_53 = tpu.memref_slice %arg6[%dma_wait3A_51, %dma_wait3A_52] : memref<327680x128xf32, #tpu.memory_space<hbm>> -> memref<128x64xf32, #tpu.memory_space<hbm>>
      %dma_wait3A_54 = arith.constant 0 : i32
      %dma_wait3A_55 = arith.constant 0 : i32
      %dma_wait3A_56 = tpu.memref_slice %arg6[%dma_wait3A_54, %dma_wait3A_55] : memref<327680x128xf32, #tpu.memory_space<hbm>> -> memref<128x64xf32, #tpu.memory_space<hbm>>
      tpu.wait_dma2 semaphore(%arg16 : memref<!tpu.dma_semaphore, #tpu.memory_space<semaphore_mem>>) src(%arg10 : memref<128x64xf32, #tpu.memory_space<vmem>>) dst(%dma_wait3A_56 : memref<128x64xf32, #tpu.memory_space<hbm>>)
      %dma_wait3A_57 = arith.constant 0 : i32
      %dma_wait3A_58 = arith.constant 64 : i32
      %dma_wait3A_59 = tpu.memref_slice %arg6[%dma_wait3A_57, %dma_wait3A_58] : memref<327680x128xf32, #tpu.memory_space<hbm>> -> memref<128x64xf32, #tpu.memory_space<hbm>>
      %dma_wait3A_60 = arith.constant 0 : i32
      %dma_wait3A_61 = arith.constant 64 : i32
      %dma_wait3A_62 = tpu.memref_slice %arg6[%dma_wait3A_60, %dma_wait3A_61] : memref<327680x128xf32, #tpu.memory_space<hbm>> -> memref<128x64xf32, #tpu.memory_space<hbm>>
      tpu.wait_dma2 semaphore(%arg16 : memref<!tpu.dma_semaphore, #tpu.memory_space<semaphore_mem>>) src(%arg12 : memref<128x64xf32, #tpu.memory_space<vmem>>) dst(%dma_wait3A_62 : memref<128x64xf32, #tpu.memory_space<hbm>>)
    } else {
    }
    %eq3A_2 = arith.constant 1 : i32
    %eq3A_3 = arith.cmpi eq, %arg0, %eq3A_2 : i32
    %convert_element_type3A_4 = arith.extui %eq3A_3 : i1 to i32
    %cond3A_5 = arith.constant 0 : i32
    %cond3A_6 = arith.cmpi ne, %convert_element_type3A_4, %cond3A_5 : i32
    scf.if %cond3A_6 {
      %mul3A = arith.constant 48 : i32
      %mul3A_7 = arith.muli %arg1, %mul3A : i32
      %add3A = arith.constant 1792 : i32
      %add3A_8 = arith.addi %add3A, %mul3A_7 : i32
      "tpu.region"() ({
        %run_scoped3A = tpu.sem_alloc : memref<!tpu.dma_semaphore, #tpu.memory_space<semaphore_mem>>
        %dma_start3A_64 = arith.constant 0 : i32
        %dma_start3A_65 = arith.constant 0 : i32
        %dma_start3A_66 = tpu.memref_slice %arg8[%dma_start3A_64, %dma_start3A_65] : memref<112x128xi32, #tpu.memory_space<vmem>> -> memref<48x128xi32, #tpu.memory_space<vmem>>
        %dma_start3A_67 = arith.constant 0 : i32
        %dma_start3A_68 = tpu.memref_slice %arg5[%add3A_8, %dma_start3A_67] : memref<2560x128xi32, #tpu.memory_space<hbm>> -> memref<48x128xi32, #tpu.memory_space<hbm>>
        %dma_start3A_69 = arith.constant 0 : i32
        %dma_start3A_70 = arith.constant 0 : i32
        %dma_start3A_71 = tpu.memref_slice %arg8[%dma_start3A_69, %dma_start3A_70] : memref<112x128xi32, #tpu.memory_space<vmem>> -> memref<48x128xi32, #tpu.memory_space<vmem>>
        %dma_start3A_72 = arith.constant 0 : i32
        %dma_start3A_73 = tpu.memref_slice %arg5[%add3A_8, %dma_start3A_72] : memref<2560x128xi32, #tpu.memory_space<hbm>> -> memref<48x128xi32, #tpu.memory_space<hbm>>
        tpu.enqueue_dma source(%dma_start3A_73 : memref<48x128xi32, #tpu.memory_space<hbm>>) target(%dma_start3A_71 : memref<48x128xi32, #tpu.memory_space<vmem>>) target_semaphore(%run_scoped3A : memref<!tpu.dma_semaphore, #tpu.memory_space<semaphore_mem>>)
        %dma_wait3A_74 = arith.constant 0 : i32
        %dma_wait3A_75 = arith.constant 0 : i32
        %dma_wait3A_76 = tpu.memref_slice %arg8[%dma_wait3A_74, %dma_wait3A_75] : memref<112x128xi32, #tpu.memory_space<vmem>> -> memref<48x128xi32, #tpu.memory_space<vmem>>
        %dma_wait3A_77 = arith.constant 0 : i32
        %dma_wait3A_78 = tpu.memref_slice %arg5[%add3A_8, %dma_wait3A_77] : memref<2560x128xi32, #tpu.memory_space<hbm>> -> memref<48x128xi32, #tpu.memory_space<hbm>>
        %dma_wait3A_79 = arith.constant 0 : i32
        %dma_wait3A_80 = arith.constant 0 : i32
        %dma_wait3A_81 = tpu.memref_slice %arg8[%dma_wait3A_79, %dma_wait3A_80] : memref<112x128xi32, #tpu.memory_space<vmem>> -> memref<48x128xi32, #tpu.memory_space<vmem>>
        %dma_wait3A_82 = arith.constant 0 : i32
        %dma_wait3A_83 = tpu.memref_slice %arg5[%add3A_8, %dma_wait3A_82] : memref<2560x128xi32, #tpu.memory_space<hbm>> -> memref<48x128xi32, #tpu.memory_space<hbm>>
        tpu.wait_dma2 semaphore(%run_scoped3A : memref<!tpu.dma_semaphore, #tpu.memory_space<semaphore_mem>>) src(%dma_wait3A_83 : memref<48x128xi32, #tpu.memory_space<hbm>>) dst(%dma_wait3A_81 : memref<48x128xi32, #tpu.memory_space<vmem>>)
        tpu.yield
      }) : () -> ()
      "tpu.region"() ({
        %run_scoped3A = tpu.sem_alloc : memref<!tpu.dma_semaphore, #tpu.memory_space<semaphore_mem>>
        %dma_start3A_64 = arith.constant 0 : i32
        %dma_start3A_65 = arith.constant 0 : i32
        %dma_start3A_66 = tpu.memref_slice %arg7[%dma_start3A_64, %dma_start3A_65] : memref<112x128xi32, #tpu.memory_space<vmem>> -> memref<48x128xi32, #tpu.memory_space<vmem>>
        %dma_start3A_67 = arith.constant 0 : i32
        %dma_start3A_68 = tpu.memref_slice %arg4[%add3A_8, %dma_start3A_67] : memref<2560x128xi32, #tpu.memory_space<hbm>> -> memref<48x128xi32, #tpu.memory_space<hbm>>
        %dma_start3A_69 = arith.constant 0 : i32
        %dma_start3A_70 = arith.constant 0 : i32
        %dma_start3A_71 = tpu.memref_slice %arg7[%dma_start3A_69, %dma_start3A_70] : memref<112x128xi32, #tpu.memory_space<vmem>> -> memref<48x128xi32, #tpu.memory_space<vmem>>
        %dma_start3A_72 = arith.constant 0 : i32
        %dma_start3A_73 = tpu.memref_slice %arg4[%add3A_8, %dma_start3A_72] : memref<2560x128xi32, #tpu.memory_space<hbm>> -> memref<48x128xi32, #tpu.memory_space<hbm>>
        tpu.enqueue_dma source(%dma_start3A_73 : memref<48x128xi32, #tpu.memory_space<hbm>>) target(%dma_start3A_71 : memref<48x128xi32, #tpu.memory_space<vmem>>) target_semaphore(%run_scoped3A : memref<!tpu.dma_semaphore, #tpu.memory_space<semaphore_mem>>)
        %dma_wait3A_74 = arith.constant 0 : i32
        %dma_wait3A_75 = arith.constant 0 : i32
        %dma_wait3A_76 = tpu.memref_slice %arg7[%dma_wait3A_74, %dma_wait3A_75] : memref<112x128xi32, #tpu.memory_space<vmem>> -> memref<48x128xi32, #tpu.memory_space<vmem>>
        %dma_wait3A_77 = arith.constant 0 : i32
        %dma_wait3A_78 = tpu.memref_slice %arg4[%add3A_8, %dma_wait3A_77] : memref<2560x128xi32, #tpu.memory_space<hbm>> -> memref<48x128xi32, #tpu.memory_space<hbm>>
        %dma_wait3A_79 = arith.constant 0 : i32
        %dma_wait3A_80 = arith.constant 0 : i32
        %dma_wait3A_81 = tpu.memref_slice %arg7[%dma_wait3A_79, %dma_wait3A_80] : memref<112x128xi32, #tpu.memory_space<vmem>> -> memref<48x128xi32, #tpu.memory_space<vmem>>
        %dma_wait3A_82 = arith.constant 0 : i32
        %dma_wait3A_83 = tpu.memref_slice %arg4[%add3A_8, %dma_wait3A_82] : memref<2560x128xi32, #tpu.memory_space<hbm>> -> memref<48x128xi32, #tpu.memory_space<hbm>>
        tpu.wait_dma2 semaphore(%run_scoped3A : memref<!tpu.dma_semaphore, #tpu.memory_space<semaphore_mem>>) src(%dma_wait3A_83 : memref<48x128xi32, #tpu.memory_space<hbm>>) dst(%dma_wait3A_81 : memref<48x128xi32, #tpu.memory_space<vmem>>)
        tpu.yield
      }) : () -> ()
      %dma_start3A = arith.constant 0 : i32
      %dma_start3A_9 = arith.constant 0 : i32
      %dma_start3A_10 = tpu.memref_slice %arg8[%dma_start3A, %dma_start3A_9] : memref<112x128xi32, #tpu.memory_space<vmem>> -> memref<1x128xi32, #tpu.memory_space<vmem>>
      %dma_start3A_11 = tpu.memref_squeeze %dma_start3A_10 : memref<1x128xi32, #tpu.memory_space<vmem>> -> memref<128xi32, #tpu.memory_space<vmem>>
      %dma_start3A_12 = arith.constant 0 : i32
      %dma_start3A_13 = arith.constant 0 : i32
      %dma_start3A_14 = tpu.memref_slice %arg2[%dma_start3A_12, %dma_start3A_13] : memref<10240x64xf32, #tpu.memory_space<hbm>> -> memref<10240x64xf32, #tpu.memory_space<hbm>>
      tpu.enqueue_indirect_dma source(%dma_start3A_14 : memref<10240x64xf32, #tpu.memory_space<hbm>>) target(%arg9 : memref<128x64xf32, #tpu.memory_space<vmem>>) offsets(%dma_start3A_11 : memref<128xi32, #tpu.memory_space<vmem>>) semaphore(%arg13 : memref<!tpu.dma_semaphore, #tpu.memory_space<semaphore_mem>>)
      %dma_start3A_15 = arith.constant 0 : i32
      %dma_start3A_16 = arith.constant 0 : i32
      %dma_start3A_17 = tpu.memref_slice %arg7[%dma_start3A_15, %dma_start3A_16] : memref<112x128xi32, #tpu.memory_space<vmem>> -> memref<1x128xi32, #tpu.memory_space<vmem>>
      %dma_start3A_18 = tpu.memref_squeeze %dma_start3A_17 : memref<1x128xi32, #tpu.memory_space<vmem>> -> memref<128xi32, #tpu.memory_space<vmem>>
      %dma_start3A_19 = arith.constant 0 : i32
      %dma_start3A_20 = arith.constant 0 : i32
      %dma_start3A_21 = tpu.memref_slice %arg3[%dma_start3A_19, %dma_start3A_20] : memref<10240x64xf32, #tpu.memory_space<hbm>> -> memref<10240x64xf32, #tpu.memory_space<hbm>>
      tpu.enqueue_indirect_dma source(%dma_start3A_21 : memref<10240x64xf32, #tpu.memory_space<hbm>>) target(%arg11 : memref<128x64xf32, #tpu.memory_space<vmem>>) offsets(%dma_start3A_18 : memref<128xi32, #tpu.memory_space<vmem>>) semaphore(%arg13 : memref<!tpu.dma_semaphore, #tpu.memory_space<semaphore_mem>>)
      %dma_start3A_22 = arith.constant 1 : i32
      %dma_start3A_23 = arith.constant 0 : i32
      %dma_start3A_24 = tpu.memref_slice %arg8[%dma_start3A_22, %dma_start3A_23] : memref<112x128xi32, #tpu.memory_space<vmem>> -> memref<1x128xi32, #tpu.memory_space<vmem>>
      %dma_start3A_25 = tpu.memref_squeeze %dma_start3A_24 : memref<1x128xi32, #tpu.memory_space<vmem>> -> memref<128xi32, #tpu.memory_space<vmem>>
      %dma_start3A_26 = arith.constant 0 : i32
      %dma_start3A_27 = arith.constant 0 : i32
      %dma_start3A_28 = tpu.memref_slice %arg2[%dma_start3A_26, %dma_start3A_27] : memref<10240x64xf32, #tpu.memory_space<hbm>> -> memref<10240x64xf32, #tpu.memory_space<hbm>>
      tpu.enqueue_indirect_dma source(%dma_start3A_28 : memref<10240x64xf32, #tpu.memory_space<hbm>>) target(%arg10 : memref<128x64xf32, #tpu.memory_space<vmem>>) offsets(%dma_start3A_25 : memref<128xi32, #tpu.memory_space<vmem>>) semaphore(%arg14 : memref<!tpu.dma_semaphore, #tpu.memory_space<semaphore_mem>>)
      %dma_start3A_29 = arith.constant 1 : i32
      %dma_start3A_30 = arith.constant 0 : i32
      %dma_start3A_31 = tpu.memref_slice %arg7[%dma_start3A_29, %dma_start3A_30] : memref<112x128xi32, #tpu.memory_space<vmem>> -> memref<1x128xi32, #tpu.memory_space<vmem>>
      %dma_start3A_32 = tpu.memref_squeeze %dma_start3A_31 : memref<1x128xi32, #tpu.memory_space<vmem>> -> memref<128xi32, #tpu.memory_space<vmem>>
      %dma_start3A_33 = arith.constant 0 : i32
      %dma_start3A_34 = arith.constant 0 : i32
      %dma_start3A_35 = tpu.memref_slice %arg3[%dma_start3A_33, %dma_start3A_34] : memref<10240x64xf32, #tpu.memory_space<hbm>> -> memref<10240x64xf32, #tpu.memory_space<hbm>>
      tpu.enqueue_indirect_dma source(%dma_start3A_35 : memref<10240x64xf32, #tpu.memory_space<hbm>>) target(%arg12 : memref<128x64xf32, #tpu.memory_space<vmem>>) offsets(%dma_start3A_32 : memref<128xi32, #tpu.memory_space<vmem>>) semaphore(%arg14 : memref<!tpu.dma_semaphore, #tpu.memory_space<semaphore_mem>>)
      %scan3A = arith.constant 0 : i32
      %scan3A_36 = arith.constant 0 : i32
      %scan3A_37 = arith.constant 24 : i32
      %scan3A_38 = arith.addi %scan3A_36, %scan3A_37 : i32
      %scan3A_39 = arith.constant 1 : i32
      scf.for %scan3A_64 = %scan3A_36 to %scan3A_38 step %scan3A_39  : i32 {
        %mul3A_65 = arith.constant 2 : i32
        %mul3A_66 = arith.muli %scan3A_64, %mul3A_65 : i32
        %dma_wait3A_67 = arith.constant 0 : i32
        %dma_wait3A_68 = arith.constant 0 : i32
        %dma_wait3A_69 = tpu.memref_slice %arg8[%dma_wait3A_67, %dma_wait3A_68] : memref<112x128xi32, #tpu.memory_space<vmem>> -> memref<1x128xi32, #tpu.memory_space<vmem>>
        %dma_wait3A_70 = tpu.memref_squeeze %dma_wait3A_69 : memref<1x128xi32, #tpu.memory_space<vmem>> -> memref<128xi32, #tpu.memory_space<vmem>>
        %dma_wait3A_71 = arith.constant 0 : i32
        %dma_wait3A_72 = arith.constant 0 : i32
        %dma_wait3A_73 = tpu.memref_slice %arg2[%dma_wait3A_71, %dma_wait3A_72] : memref<10240x64xf32, #tpu.memory_space<hbm>> -> memref<10240x64xf32, #tpu.memory_space<hbm>>
        tpu.wait_indirect_dma semaphore(%arg13 : memref<!tpu.dma_semaphore, #tpu.memory_space<semaphore_mem>>) src(%dma_wait3A_73 : memref<10240x64xf32, #tpu.memory_space<hbm>>) dst(%arg9 : memref<128x64xf32, #tpu.memory_space<vmem>>)
        %dma_wait3A_74 = arith.constant 0 : i32
        %dma_wait3A_75 = arith.constant 0 : i32
        %dma_wait3A_76 = tpu.memref_slice %arg7[%dma_wait3A_74, %dma_wait3A_75] : memref<112x128xi32, #tpu.memory_space<vmem>> -> memref<1x128xi32, #tpu.memory_space<vmem>>
        %dma_wait3A_77 = tpu.memref_squeeze %dma_wait3A_76 : memref<1x128xi32, #tpu.memory_space<vmem>> -> memref<128xi32, #tpu.memory_space<vmem>>
        %dma_wait3A_78 = arith.constant 0 : i32
        %dma_wait3A_79 = arith.constant 0 : i32
        %dma_wait3A_80 = tpu.memref_slice %arg3[%dma_wait3A_78, %dma_wait3A_79] : memref<10240x64xf32, #tpu.memory_space<hbm>> -> memref<10240x64xf32, #tpu.memory_space<hbm>>
        tpu.wait_indirect_dma semaphore(%arg13 : memref<!tpu.dma_semaphore, #tpu.memory_space<semaphore_mem>>) src(%dma_wait3A_80 : memref<10240x64xf32, #tpu.memory_space<hbm>>) dst(%arg11 : memref<128x64xf32, #tpu.memory_space<vmem>>)
        %add3A_81 = arith.constant 0 : i32
        %add3A_82 = arith.addi %mul3A_66, %add3A_81 : i32
        %add3A_83 = arith.addi %add3A_8, %add3A_82 : i32
        %mul3A_84 = arith.constant 128 : i32
        %mul3A_85 = arith.muli %add3A_83, %mul3A_84 : i32
        %dma_start3A_86 = arith.constant 0 : i32
        %dma_start3A_87 = tpu.memref_slice %arg6[%mul3A_85, %dma_start3A_86] : memref<327680x128xf32, #tpu.memory_space<hbm>> -> memref<128x64xf32, #tpu.memory_space<hbm>>
        %dma_start3A_88 = arith.constant 0 : i32
        %dma_start3A_89 = tpu.memref_slice %arg6[%mul3A_85, %dma_start3A_88] : memref<327680x128xf32, #tpu.memory_space<hbm>> -> memref<128x64xf32, #tpu.memory_space<hbm>>
        tpu.enqueue_dma source(%arg9 : memref<128x64xf32, #tpu.memory_space<vmem>>) target(%dma_start3A_89 : memref<128x64xf32, #tpu.memory_space<hbm>>) target_semaphore(%arg15 : memref<!tpu.dma_semaphore, #tpu.memory_space<semaphore_mem>>)
        %dma_start3A_90 = arith.constant 64 : i32
        %dma_start3A_91 = tpu.memref_slice %arg6[%mul3A_85, %dma_start3A_90] : memref<327680x128xf32, #tpu.memory_space<hbm>> -> memref<128x64xf32, #tpu.memory_space<hbm>>
        %dma_start3A_92 = arith.constant 64 : i32
        %dma_start3A_93 = tpu.memref_slice %arg6[%mul3A_85, %dma_start3A_92] : memref<327680x128xf32, #tpu.memory_space<hbm>> -> memref<128x64xf32, #tpu.memory_space<hbm>>
        tpu.enqueue_dma source(%arg11 : memref<128x64xf32, #tpu.memory_space<vmem>>) target(%dma_start3A_93 : memref<128x64xf32, #tpu.memory_space<hbm>>) target_semaphore(%arg15 : memref<!tpu.dma_semaphore, #tpu.memory_space<semaphore_mem>>)
        %dma_wait3A_94 = arith.constant 0 : i32
        %dma_wait3A_95 = arith.constant 0 : i32
        %dma_wait3A_96 = tpu.memref_slice %arg8[%dma_wait3A_94, %dma_wait3A_95] : memref<112x128xi32, #tpu.memory_space<vmem>> -> memref<1x128xi32, #tpu.memory_space<vmem>>
        %dma_wait3A_97 = tpu.memref_squeeze %dma_wait3A_96 : memref<1x128xi32, #tpu.memory_space<vmem>> -> memref<128xi32, #tpu.memory_space<vmem>>
        %dma_wait3A_98 = arith.constant 0 : i32
        %dma_wait3A_99 = arith.constant 0 : i32
        %dma_wait3A_100 = tpu.memref_slice %arg2[%dma_wait3A_98, %dma_wait3A_99] : memref<10240x64xf32, #tpu.memory_space<hbm>> -> memref<10240x64xf32, #tpu.memory_space<hbm>>
        tpu.wait_indirect_dma semaphore(%arg14 : memref<!tpu.dma_semaphore, #tpu.memory_space<semaphore_mem>>) src(%dma_wait3A_100 : memref<10240x64xf32, #tpu.memory_space<hbm>>) dst(%arg10 : memref<128x64xf32, #tpu.memory_space<vmem>>)
        %dma_wait3A_101 = arith.constant 0 : i32
        %dma_wait3A_102 = arith.constant 0 : i32
        %dma_wait3A_103 = tpu.memref_slice %arg7[%dma_wait3A_101, %dma_wait3A_102] : memref<112x128xi32, #tpu.memory_space<vmem>> -> memref<1x128xi32, #tpu.memory_space<vmem>>
        %dma_wait3A_104 = tpu.memref_squeeze %dma_wait3A_103 : memref<1x128xi32, #tpu.memory_space<vmem>> -> memref<128xi32, #tpu.memory_space<vmem>>
        %dma_wait3A_105 = arith.constant 0 : i32
        %dma_wait3A_106 = arith.constant 0 : i32
        %dma_wait3A_107 = tpu.memref_slice %arg3[%dma_wait3A_105, %dma_wait3A_106] : memref<10240x64xf32, #tpu.memory_space<hbm>> -> memref<10240x64xf32, #tpu.memory_space<hbm>>
        tpu.wait_indirect_dma semaphore(%arg14 : memref<!tpu.dma_semaphore, #tpu.memory_space<semaphore_mem>>) src(%dma_wait3A_107 : memref<10240x64xf32, #tpu.memory_space<hbm>>) dst(%arg12 : memref<128x64xf32, #tpu.memory_space<vmem>>)
        %add3A_108 = arith.constant 1 : i32
        %add3A_109 = arith.addi %mul3A_66, %add3A_108 : i32
        %add3A_110 = arith.addi %add3A_8, %add3A_109 : i32
        %mul3A_111 = arith.constant 128 : i32
        %mul3A_112 = arith.muli %add3A_110, %mul3A_111 : i32
        %dma_start3A_113 = arith.constant 0 : i32
        %dma_start3A_114 = tpu.memref_slice %arg6[%mul3A_112, %dma_start3A_113] : memref<327680x128xf32, #tpu.memory_space<hbm>> -> memref<128x64xf32, #tpu.memory_space<hbm>>
        %dma_start3A_115 = arith.constant 0 : i32
        %dma_start3A_116 = tpu.memref_slice %arg6[%mul3A_112, %dma_start3A_115] : memref<327680x128xf32, #tpu.memory_space<hbm>> -> memref<128x64xf32, #tpu.memory_space<hbm>>
        tpu.enqueue_dma source(%arg10 : memref<128x64xf32, #tpu.memory_space<vmem>>) target(%dma_start3A_116 : memref<128x64xf32, #tpu.memory_space<hbm>>) target_semaphore(%arg16 : memref<!tpu.dma_semaphore, #tpu.memory_space<semaphore_mem>>)
        %dma_start3A_117 = arith.constant 64 : i32
        %dma_start3A_118 = tpu.memref_slice %arg6[%mul3A_112, %dma_start3A_117] : memref<327680x128xf32, #tpu.memory_space<hbm>> -> memref<128x64xf32, #tpu.memory_space<hbm>>
        %dma_start3A_119 = arith.constant 64 : i32
        %dma_start3A_120 = tpu.memref_slice %arg6[%mul3A_112, %dma_start3A_119] : memref<327680x128xf32, #tpu.memory_space<hbm>> -> memref<128x64xf32, #tpu.memory_space<hbm>>
        tpu.enqueue_dma source(%arg12 : memref<128x64xf32, #tpu.memory_space<vmem>>) target(%dma_start3A_120 : memref<128x64xf32, #tpu.memory_space<hbm>>) target_semaphore(%arg16 : memref<!tpu.dma_semaphore, #tpu.memory_space<semaphore_mem>>)
        %lt3A = arith.constant 23 : i32
        %lt3A_121 = arith.cmpi slt, %scan3A_64, %lt3A : i32
        %convert_element_type3A_122 = arith.extui %lt3A_121 : i1 to i32
        %cond3A_123 = arith.constant 0 : i32
        %cond3A_124 = arith.cmpi ne, %convert_element_type3A_122, %cond3A_123 : i32
        scf.if %cond3A_124 {
          %dma_wait3A_130 = arith.constant 0 : i32
          %dma_wait3A_131 = arith.constant 0 : i32
          %dma_wait3A_132 = tpu.memref_slice %arg6[%dma_wait3A_130, %dma_wait3A_131] : memref<327680x128xf32, #tpu.memory_space<hbm>> -> memref<128x64xf32, #tpu.memory_space<hbm>>
          %dma_wait3A_133 = arith.constant 0 : i32
          %dma_wait3A_134 = arith.constant 0 : i32
          %dma_wait3A_135 = tpu.memref_slice %arg6[%dma_wait3A_133, %dma_wait3A_134] : memref<327680x128xf32, #tpu.memory_space<hbm>> -> memref<128x64xf32, #tpu.memory_space<hbm>>
          tpu.wait_dma2 semaphore(%arg15 : memref<!tpu.dma_semaphore, #tpu.memory_space<semaphore_mem>>) src(%arg9 : memref<128x64xf32, #tpu.memory_space<vmem>>) dst(%dma_wait3A_135 : memref<128x64xf32, #tpu.memory_space<hbm>>)
          %dma_wait3A_136 = arith.constant 0 : i32
          %dma_wait3A_137 = arith.constant 64 : i32
          %dma_wait3A_138 = tpu.memref_slice %arg6[%dma_wait3A_136, %dma_wait3A_137] : memref<327680x128xf32, #tpu.memory_space<hbm>> -> memref<128x64xf32, #tpu.memory_space<hbm>>
          %dma_wait3A_139 = arith.constant 0 : i32
          %dma_wait3A_140 = arith.constant 64 : i32
          %dma_wait3A_141 = tpu.memref_slice %arg6[%dma_wait3A_139, %dma_wait3A_140] : memref<327680x128xf32, #tpu.memory_space<hbm>> -> memref<128x64xf32, #tpu.memory_space<hbm>>
          tpu.wait_dma2 semaphore(%arg15 : memref<!tpu.dma_semaphore, #tpu.memory_space<semaphore_mem>>) src(%arg11 : memref<128x64xf32, #tpu.memory_space<vmem>>) dst(%dma_wait3A_141 : memref<128x64xf32, #tpu.memory_space<hbm>>)
          %add3A_142 = arith.constant 2 : i32
          %add3A_143 = arith.addi %mul3A_66, %add3A_142 : i32
          %add3A_144 = arith.constant 0 : i32
          %add3A_145 = arith.addi %add3A_143, %add3A_144 : i32
          %dma_start3A_146 = arith.constant 0 : i32
          %dma_start3A_147 = tpu.memref_slice %arg8[%add3A_145, %dma_start3A_146] : memref<112x128xi32, #tpu.memory_space<vmem>> -> memref<1x128xi32, #tpu.memory_space<vmem>>
          %dma_start3A_148 = tpu.memref_squeeze %dma_start3A_147 : memref<1x128xi32, #tpu.memory_space<vmem>> -> memref<128xi32, #tpu.memory_space<vmem>>
          %dma_start3A_149 = arith.constant 0 : i32
          %dma_start3A_150 = arith.constant 0 : i32
          %dma_start3A_151 = tpu.memref_slice %arg2[%dma_start3A_149, %dma_start3A_150] : memref<10240x64xf32, #tpu.memory_space<hbm>> -> memref<10240x64xf32, #tpu.memory_space<hbm>>
          tpu.enqueue_indirect_dma source(%dma_start3A_151 : memref<10240x64xf32, #tpu.memory_space<hbm>>) target(%arg9 : memref<128x64xf32, #tpu.memory_space<vmem>>) offsets(%dma_start3A_148 : memref<128xi32, #tpu.memory_space<vmem>>) semaphore(%arg13 : memref<!tpu.dma_semaphore, #tpu.memory_space<semaphore_mem>>)
          %dma_start3A_152 = arith.constant 0 : i32
          %dma_start3A_153 = tpu.memref_slice %arg7[%add3A_145, %dma_start3A_152] : memref<112x128xi32, #tpu.memory_space<vmem>> -> memref<1x128xi32, #tpu.memory_space<vmem>>
          %dma_start3A_154 = tpu.memref_squeeze %dma_start3A_153 : memref<1x128xi32, #tpu.memory_space<vmem>> -> memref<128xi32, #tpu.memory_space<vmem>>
          %dma_start3A_155 = arith.constant 0 : i32
          %dma_start3A_156 = arith.constant 0 : i32
          %dma_start3A_157 = tpu.memref_slice %arg3[%dma_start3A_155, %dma_start3A_156] : memref<10240x64xf32, #tpu.memory_space<hbm>> -> memref<10240x64xf32, #tpu.memory_space<hbm>>
          tpu.enqueue_indirect_dma source(%dma_start3A_157 : memref<10240x64xf32, #tpu.memory_space<hbm>>) target(%arg11 : memref<128x64xf32, #tpu.memory_space<vmem>>) offsets(%dma_start3A_154 : memref<128xi32, #tpu.memory_space<vmem>>) semaphore(%arg13 : memref<!tpu.dma_semaphore, #tpu.memory_space<semaphore_mem>>)
        } else {
        }
        %lt3A_125 = arith.constant 23 : i32
        %lt3A_126 = arith.cmpi slt, %scan3A_64, %lt3A_125 : i32
        %convert_element_type3A_127 = arith.extui %lt3A_126 : i1 to i32
        %cond3A_128 = arith.constant 0 : i32
        %cond3A_129 = arith.cmpi ne, %convert_element_type3A_127, %cond3A_128 : i32
        scf.if %cond3A_129 {
          %dma_wait3A_130 = arith.constant 0 : i32
          %dma_wait3A_131 = arith.constant 0 : i32
          %dma_wait3A_132 = tpu.memref_slice %arg6[%dma_wait3A_130, %dma_wait3A_131] : memref<327680x128xf32, #tpu.memory_space<hbm>> -> memref<128x64xf32, #tpu.memory_space<hbm>>
          %dma_wait3A_133 = arith.constant 0 : i32
          %dma_wait3A_134 = arith.constant 0 : i32
          %dma_wait3A_135 = tpu.memref_slice %arg6[%dma_wait3A_133, %dma_wait3A_134] : memref<327680x128xf32, #tpu.memory_space<hbm>> -> memref<128x64xf32, #tpu.memory_space<hbm>>
          tpu.wait_dma2 semaphore(%arg16 : memref<!tpu.dma_semaphore, #tpu.memory_space<semaphore_mem>>) src(%arg10 : memref<128x64xf32, #tpu.memory_space<vmem>>) dst(%dma_wait3A_135 : memref<128x64xf32, #tpu.memory_space<hbm>>)
          %dma_wait3A_136 = arith.constant 0 : i32
          %dma_wait3A_137 = arith.constant 64 : i32
          %dma_wait3A_138 = tpu.memref_slice %arg6[%dma_wait3A_136, %dma_wait3A_137] : memref<327680x128xf32, #tpu.memory_space<hbm>> -> memref<128x64xf32, #tpu.memory_space<hbm>>
          %dma_wait3A_139 = arith.constant 0 : i32
          %dma_wait3A_140 = arith.constant 64 : i32
          %dma_wait3A_141 = tpu.memref_slice %arg6[%dma_wait3A_139, %dma_wait3A_140] : memref<327680x128xf32, #tpu.memory_space<hbm>> -> memref<128x64xf32, #tpu.memory_space<hbm>>
          tpu.wait_dma2 semaphore(%arg16 : memref<!tpu.dma_semaphore, #tpu.memory_space<semaphore_mem>>) src(%arg12 : memref<128x64xf32, #tpu.memory_space<vmem>>) dst(%dma_wait3A_141 : memref<128x64xf32, #tpu.memory_space<hbm>>)
          %add3A_142 = arith.constant 2 : i32
          %add3A_143 = arith.addi %mul3A_66, %add3A_142 : i32
          %add3A_144 = arith.constant 1 : i32
          %add3A_145 = arith.addi %add3A_143, %add3A_144 : i32
          %dma_start3A_146 = arith.constant 0 : i32
          %dma_start3A_147 = tpu.memref_slice %arg8[%add3A_145, %dma_start3A_146] : memref<112x128xi32, #tpu.memory_space<vmem>> -> memref<1x128xi32, #tpu.memory_space<vmem>>
          %dma_start3A_148 = tpu.memref_squeeze %dma_start3A_147 : memref<1x128xi32, #tpu.memory_space<vmem>> -> memref<128xi32, #tpu.memory_space<vmem>>
          %dma_start3A_149 = arith.constant 0 : i32
          %dma_start3A_150 = arith.constant 0 : i32
          %dma_start3A_151 = tpu.memref_slice %arg2[%dma_start3A_149, %dma_start3A_150] : memref<10240x64xf32, #tpu.memory_space<hbm>> -> memref<10240x64xf32, #tpu.memory_space<hbm>>
          tpu.enqueue_indirect_dma source(%dma_start3A_151 : memref<10240x64xf32, #tpu.memory_space<hbm>>) target(%arg10 : memref<128x64xf32, #tpu.memory_space<vmem>>) offsets(%dma_start3A_148 : memref<128xi32, #tpu.memory_space<vmem>>) semaphore(%arg14 : memref<!tpu.dma_semaphore, #tpu.memory_space<semaphore_mem>>)
          %dma_start3A_152 = arith.constant 0 : i32
          %dma_start3A_153 = tpu.memref_slice %arg7[%add3A_145, %dma_start3A_152] : memref<112x128xi32, #tpu.memory_space<vmem>> -> memref<1x128xi32, #tpu.memory_space<vmem>>
          %dma_start3A_154 = tpu.memref_squeeze %dma_start3A_153 : memref<1x128xi32, #tpu.memory_space<vmem>> -> memref<128xi32, #tpu.memory_space<vmem>>
          %dma_start3A_155 = arith.constant 0 : i32
          %dma_start3A_156 = arith.constant 0 : i32
          %dma_start3A_157 = tpu.memref_slice %arg3[%dma_start3A_155, %dma_start3A_156] : memref<10240x64xf32, #tpu.memory_space<hbm>> -> memref<10240x64xf32, #tpu.memory_space<hbm>>
          tpu.enqueue_indirect_dma source(%dma_start3A_157 : memref<10240x64xf32, #tpu.memory_space<hbm>>) target(%arg12 : memref<128x64xf32, #tpu.memory_space<vmem>>) offsets(%dma_start3A_154 : memref<128xi32, #tpu.memory_space<vmem>>) semaphore(%arg14 : memref<!tpu.dma_semaphore, #tpu.memory_space<semaphore_mem>>)
        } else {
        }
      }
      %scan3A_40 = arith.constant 24 : i32
      %dma_wait3A = arith.constant 0 : i32
      %dma_wait3A_41 = arith.constant 0 : i32
      %dma_wait3A_42 = tpu.memref_slice %arg6[%dma_wait3A, %dma_wait3A_41] : memref<327680x128xf32, #tpu.memory_space<hbm>> -> memref<128x64xf32, #tpu.memory_space<hbm>>
      %dma_wait3A_43 = arith.constant 0 : i32
      %dma_wait3A_44 = arith.constant 0 : i32
      %dma_wait3A_45 = tpu.memref_slice %arg6[%dma_wait3A_43, %dma_wait3A_44] : memref<327680x128xf32, #tpu.memory_space<hbm>> -> memref<128x64xf32, #tpu.memory_space<hbm>>
      tpu.wait_dma2 semaphore(%arg15 : memref<!tpu.dma_semaphore, #tpu.memory_space<semaphore_mem>>) src(%arg9 : memref<128x64xf32, #tpu.memory_space<vmem>>) dst(%dma_wait3A_45 : memref<128x64xf32, #tpu.memory_space<hbm>>)
      %dma_wait3A_46 = arith.constant 0 : i32
      %dma_wait3A_47 = arith.constant 64 : i32
      %dma_wait3A_48 = tpu.memref_slice %arg6[%dma_wait3A_46, %dma_wait3A_47] : memref<327680x128xf32, #tpu.memory_space<hbm>> -> memref<128x64xf32, #tpu.memory_space<hbm>>
      %dma_wait3A_49 = arith.constant 0 : i32
      %dma_wait3A_50 = arith.constant 64 : i32
      %dma_wait3A_51 = tpu.memref_slice %arg6[%dma_wait3A_49, %dma_wait3A_50] : memref<327680x128xf32, #tpu.memory_space<hbm>> -> memref<128x64xf32, #tpu.memory_space<hbm>>
      tpu.wait_dma2 semaphore(%arg15 : memref<!tpu.dma_semaphore, #tpu.memory_space<semaphore_mem>>) src(%arg11 : memref<128x64xf32, #tpu.memory_space<vmem>>) dst(%dma_wait3A_51 : memref<128x64xf32, #tpu.memory_space<hbm>>)
      %dma_wait3A_52 = arith.constant 0 : i32
      %dma_wait3A_53 = arith.constant 0 : i32
      %dma_wait3A_54 = tpu.memref_slice %arg6[%dma_wait3A_52, %dma_wait3A_53] : memref<327680x128xf32, #tpu.memory_space<hbm>> -> memref<128x64xf32, #tpu.memory_space<hbm>>
      %dma_wait3A_55 = arith.constant 0 : i32
      %dma_wait3A_56 = arith.constant 0 : i32
      %dma_wait3A_57 = tpu.memref_slice %arg6[%dma_wait3A_55, %dma_wait3A_56] : memref<327680x128xf32, #tpu.memory_space<hbm>> -> memref<128x64xf32, #tpu.memory_space<hbm>>
      tpu.wait_dma2 semaphore(%arg16 : memref<!tpu.dma_semaphore, #tpu.memory_space<semaphore_mem>>) src(%arg10 : memref<128x64xf32, #tpu.memory_space<vmem>>) dst(%dma_wait3A_57 : memref<128x64xf32, #tpu.memory_space<hbm>>)
      %dma_wait3A_58 = arith.constant 0 : i32
      %dma_wait3A_59 = arith.constant 64 : i32
      %dma_wait3A_60 = tpu.memref_slice %arg6[%dma_wait3A_58, %dma_wait3A_59] : memref<327680x128xf32, #tpu.memory_space<hbm>> -> memref<128x64xf32, #tpu.memory_space<hbm>>
      %dma_wait3A_61 = arith.constant 0 : i32
      %dma_wait3A_62 = arith.constant 64 : i32
      %dma_wait3A_63 = tpu.memref_slice %arg6[%dma_wait3A_61, %dma_wait3A_62] : memref<327680x128xf32, #tpu.memory_space<hbm>> -> memref<128x64xf32, #tpu.memory_space<hbm>>
      tpu.wait_dma2 semaphore(%arg16 : memref<!tpu.dma_semaphore, #tpu.memory_space<semaphore_mem>>) src(%arg12 : memref<128x64xf32, #tpu.memory_space<vmem>>) dst(%dma_wait3A_63 : memref<128x64xf32, #tpu.memory_space<hbm>>)
    } else {
    }
    return
  }
}

#map = affine_map<(d0, d1) -> (0, 0)>
module attributes {stable_mosaic.version = 14 : i64} {
  func.func @_sc_gather(%arg0: i32, %arg1: i32, %arg2: memref<10240x64xf32, #tpu.memory_space<hbm>>, %arg3: memref<10240x64xf32, #tpu.memory_space<hbm>>, %arg4: memref<2560x128xi32, #tpu.memory_space<hbm>>, %arg5: memref<2560x128xi32, #tpu.memory_space<hbm>>, %arg6: memref<327680x128xf32, #tpu.memory_space<hbm>>, %arg7: memref<112x128xi32, #tpu.memory_space<vmem>>, %arg8: memref<112x128xi32, #tpu.memory_space<vmem>>, %arg9: memref<128x64xf32, #tpu.memory_space<vmem>>, %arg10: memref<128x64xf32, #tpu.memory_space<vmem>>, %arg11: memref<128x64xf32, #tpu.memory_space<vmem>>, %arg12: memref<128x64xf32, #tpu.memory_space<vmem>>, %arg13: memref<!tpu.dma_semaphore, #tpu.memory_space<semaphore_mem>>, %arg14: memref<!tpu.dma_semaphore, #tpu.memory_space<semaphore_mem>>, %arg15: memref<!tpu.dma_semaphore, #tpu.memory_space<semaphore_mem>>, %arg16: memref<!tpu.dma_semaphore, #tpu.memory_space<semaphore_mem>>) attributes {dimension_semantics = [#tpu.dimension_semantics<core_parallel>, #tpu.dimension_semantics<subcore_parallel>], iteration_bounds = array<i64: 2, 16>, scalar_prefetch = 0 : i64, scratch_operands = 10 : i64, tpu.core_type = #tpu.core_type<sc_vector_subcore>, window_params = [{transform_indices = #map}, {transform_indices = #map}, {transform_indices = #map}, {transform_indices = #map}, {transform_indices = #map}]} {
    %eq3A = arith.constant 0 : i32
    %eq3A_0 = arith.cmpi eq, %arg0, %eq3A : i32
    %convert_element_type3A = arith.extui %eq3A_0 : i1 to i32
    %cond3A = arith.constant 0 : i32
    %cond3A_1 = arith.cmpi ne, %convert_element_type3A, %cond3A : i32
    scf.if %cond3A_1 {
      %mul3A = arith.constant 112 : i32
      %mul3A_7 = arith.muli %arg1, %mul3A : i32
      "tpu.region"() ({
        %run_scoped3A = tpu.sem_alloc : memref<!tpu.dma_semaphore, #tpu.memory_space<semaphore_mem>>
        %dma_start3A_63 = arith.constant 0 : i32
        %dma_start3A_64 = arith.constant 0 : i32
        %dma_start3A_65 = tpu.memref_slice %arg8[%dma_start3A_63, %dma_start3A_64] : memref<112x128xi32, #tpu.memory_space<vmem>> -> memref<112x128xi32, #tpu.memory_space<vmem>>
        %dma_start3A_66 = arith.constant 0 : i32
        %dma_start3A_67 = tpu.memref_slice %arg5[%mul3A_7, %dma_start3A_66] : memref<2560x128xi32, #tpu.memory_space<hbm>> -> memref<112x128xi32, #tpu.memory_space<hbm>>
        %dma_start3A_68 = arith.constant 0 : i32
        %dma_start3A_69 = arith.constant 0 : i32
        %dma_start3A_70 = tpu.memref_slice %arg8[%dma_start3A_68, %dma_start3A_69] : memref<112x128xi32, #tpu.memory_space<vmem>> -> memref<112x128xi32, #tpu.memory_space<vmem>>
        %dma_start3A_71 = arith.constant 0 : i32
        %dma_start3A_72 = tpu.memref_slice %arg5[%mul3A_7, %dma_start3A_71] : memref<2560x128xi32, #tpu.memory_space<hbm>> -> memref<112x128xi32, #tpu.memory_space<hbm>>
        tpu.enqueue_dma source(%dma_start3A_72 : memref<112x128xi32, #tpu.memory_space<hbm>>) target(%dma_start3A_70 : memref<112x128xi32, #tpu.memory_space<vmem>>) target_semaphore(%run_scoped3A : memref<!tpu.dma_semaphore, #tpu.memory_space<semaphore_mem>>)
        %dma_wait3A_73 = arith.constant 0 : i32
        %dma_wait3A_74 = arith.constant 0 : i32
        %dma_wait3A_75 = tpu.memref_slice %arg8[%dma_wait3A_73, %dma_wait3A_74] : memref<112x128xi32, #tpu.memory_space<vmem>> -> memref<112x128xi32, #tpu.memory_space<vmem>>
        %dma_wait3A_76 = arith.constant 0 : i32
        %dma_wait3A_77 = tpu.memref_slice %arg5[%mul3A_7, %dma_wait3A_76] : memref<2560x128xi32, #tpu.memory_space<hbm>> -> memref<112x128xi32, #tpu.memory_space<hbm>>
        %dma_wait3A_78 = arith.constant 0 : i32
        %dma_wait3A_79 = arith.constant 0 : i32
        %dma_wait3A_80 = tpu.memref_slice %arg8[%dma_wait3A_78, %dma_wait3A_79] : memref<112x128xi32, #tpu.memory_space<vmem>> -> memref<112x128xi32, #tpu.memory_space<vmem>>
        %dma_wait3A_81 = arith.constant 0 : i32
        %dma_wait3A_82 = tpu.memref_slice %arg5[%mul3A_7, %dma_wait3A_81] : memref<2560x128xi32, #tpu.memory_space<hbm>> -> memref<112x128xi32, #tpu.memory_space<hbm>>
        tpu.wait_dma2 semaphore(%run_scoped3A : memref<!tpu.dma_semaphore, #tpu.memory_space<semaphore_mem>>) src(%dma_wait3A_82 : memref<112x128xi32, #tpu.memory_space<hbm>>) dst(%dma_wait3A_80 : memref<112x128xi32, #tpu.memory_space<vmem>>)
        tpu.yield
      }) : () -> ()
      "tpu.region"() ({
        %run_scoped3A = tpu.sem_alloc : memref<!tpu.dma_semaphore, #tpu.memory_space<semaphore_mem>>
        %dma_start3A_63 = arith.constant 0 : i32
        %dma_start3A_64 = arith.constant 0 : i32
        %dma_start3A_65 = tpu.memref_slice %arg7[%dma_start3A_63, %dma_start3A_64] : memref<112x128xi32, #tpu.memory_space<vmem>> -> memref<112x128xi32, #tpu.memory_space<vmem>>
        %dma_start3A_66 = arith.constant 0 : i32
        %dma_start3A_67 = tpu.memref_slice %arg4[%mul3A_7, %dma_start3A_66] : memref<2560x128xi32, #tpu.memory_space<hbm>> -> memref<112x128xi32, #tpu.memory_space<hbm>>
        %dma_start3A_68 = arith.constant 0 : i32
        %dma_start3A_69 = arith.constant 0 : i32
        %dma_start3A_70 = tpu.memref_slice %arg7[%dma_start3A_68, %dma_start3A_69] : memref<112x128xi32, #tpu.memory_space<vmem>> -> memref<112x128xi32, #tpu.memory_space<vmem>>
        %dma_start3A_71 = arith.constant 0 : i32
        %dma_start3A_72 = tpu.memref_slice %arg4[%mul3A_7, %dma_start3A_71] : memref<2560x128xi32, #tpu.memory_space<hbm>> -> memref<112x128xi32, #tpu.memory_space<hbm>>
        tpu.enqueue_dma source(%dma_start3A_72 : memref<112x128xi32, #tpu.memory_space<hbm>>) target(%dma_start3A_70 : memref<112x128xi32, #tpu.memory_space<vmem>>) target_semaphore(%run_scoped3A : memref<!tpu.dma_semaphore, #tpu.memory_space<semaphore_mem>>)
        %dma_wait3A_73 = arith.constant 0 : i32
        %dma_wait3A_74 = arith.constant 0 : i32
        %dma_wait3A_75 = tpu.memref_slice %arg7[%dma_wait3A_73, %dma_wait3A_74] : memref<112x128xi32, #tpu.memory_space<vmem>> -> memref<112x128xi32, #tpu.memory_space<vmem>>
        %dma_wait3A_76 = arith.constant 0 : i32
        %dma_wait3A_77 = tpu.memref_slice %arg4[%mul3A_7, %dma_wait3A_76] : memref<2560x128xi32, #tpu.memory_space<hbm>> -> memref<112x128xi32, #tpu.memory_space<hbm>>
        %dma_wait3A_78 = arith.constant 0 : i32
        %dma_wait3A_79 = arith.constant 0 : i32
        %dma_wait3A_80 = tpu.memref_slice %arg7[%dma_wait3A_78, %dma_wait3A_79] : memref<112x128xi32, #tpu.memory_space<vmem>> -> memref<112x128xi32, #tpu.memory_space<vmem>>
        %dma_wait3A_81 = arith.constant 0 : i32
        %dma_wait3A_82 = tpu.memref_slice %arg4[%mul3A_7, %dma_wait3A_81] : memref<2560x128xi32, #tpu.memory_space<hbm>> -> memref<112x128xi32, #tpu.memory_space<hbm>>
        tpu.wait_dma2 semaphore(%run_scoped3A : memref<!tpu.dma_semaphore, #tpu.memory_space<semaphore_mem>>) src(%dma_wait3A_82 : memref<112x128xi32, #tpu.memory_space<hbm>>) dst(%dma_wait3A_80 : memref<112x128xi32, #tpu.memory_space<vmem>>)
        tpu.yield
      }) : () -> ()
      %dma_start3A = arith.constant 0 : i32
      %dma_start3A_8 = arith.constant 0 : i32
      %dma_start3A_9 = tpu.memref_slice %arg8[%dma_start3A, %dma_start3A_8] : memref<112x128xi32, #tpu.memory_space<vmem>> -> memref<1x128xi32, #tpu.memory_space<vmem>>
      %dma_start3A_10 = tpu.memref_squeeze %dma_start3A_9 : memref<1x128xi32, #tpu.memory_space<vmem>> -> memref<128xi32, #tpu.memory_space<vmem>>
      %dma_start3A_11 = arith.constant 0 : i32
      %dma_start3A_12 = arith.constant 0 : i32
      %dma_start3A_13 = tpu.memref_slice %arg2[%dma_start3A_11, %dma_start3A_12] : memref<10240x64xf32, #tpu.memory_space<hbm>> -> memref<10240x64xf32, #tpu.memory_space<hbm>>
      tpu.enqueue_indirect_dma source(%dma_start3A_13 : memref<10240x64xf32, #tpu.memory_space<hbm>>) target(%arg9 : memref<128x64xf32, #tpu.memory_space<vmem>>) offsets(%dma_start3A_10 : memref<128xi32, #tpu.memory_space<vmem>>) semaphore(%arg13 : memref<!tpu.dma_semaphore, #tpu.memory_space<semaphore_mem>>)
      %dma_start3A_14 = arith.constant 0 : i32
      %dma_start3A_15 = arith.constant 0 : i32
      %dma_start3A_16 = tpu.memref_slice %arg7[%dma_start3A_14, %dma_start3A_15] : memref<112x128xi32, #tpu.memory_space<vmem>> -> memref<1x128xi32, #tpu.memory_space<vmem>>
      %dma_start3A_17 = tpu.memref_squeeze %dma_start3A_16 : memref<1x128xi32, #tpu.memory_space<vmem>> -> memref<128xi32, #tpu.memory_space<vmem>>
      %dma_start3A_18 = arith.constant 0 : i32
      %dma_start3A_19 = arith.constant 0 : i32
      %dma_start3A_20 = tpu.memref_slice %arg3[%dma_start3A_18, %dma_start3A_19] : memref<10240x64xf32, #tpu.memory_space<hbm>> -> memref<10240x64xf32, #tpu.memory_space<hbm>>
      tpu.enqueue_indirect_dma source(%dma_start3A_20 : memref<10240x64xf32, #tpu.memory_space<hbm>>) target(%arg11 : memref<128x64xf32, #tpu.memory_space<vmem>>) offsets(%dma_start3A_17 : memref<128xi32, #tpu.memory_space<vmem>>) semaphore(%arg13 : memref<!tpu.dma_semaphore, #tpu.memory_space<semaphore_mem>>)
      %dma_start3A_21 = arith.constant 1 : i32
      %dma_start3A_22 = arith.constant 0 : i32
      %dma_start3A_23 = tpu.memref_slice %arg8[%dma_start3A_21, %dma_start3A_22] : memref<112x128xi32, #tpu.memory_space<vmem>> -> memref<1x128xi32, #tpu.memory_space<vmem>>
      %dma_start3A_24 = tpu.memref_squeeze %dma_start3A_23 : memref<1x128xi32, #tpu.memory_space<vmem>> -> memref<128xi32, #tpu.memory_space<vmem>>
      %dma_start3A_25 = arith.constant 0 : i32
      %dma_start3A_26 = arith.constant 0 : i32
      %dma_start3A_27 = tpu.memref_slice %arg2[%dma_start3A_25, %dma_start3A_26] : memref<10240x64xf32, #tpu.memory_space<hbm>> -> memref<10240x64xf32, #tpu.memory_space<hbm>>
      tpu.enqueue_indirect_dma source(%dma_start3A_27 : memref<10240x64xf32, #tpu.memory_space<hbm>>) target(%arg10 : memref<128x64xf32, #tpu.memory_space<vmem>>) offsets(%dma_start3A_24 : memref<128xi32, #tpu.memory_space<vmem>>) semaphore(%arg14 : memref<!tpu.dma_semaphore, #tpu.memory_space<semaphore_mem>>)
      %dma_start3A_28 = arith.constant 1 : i32
      %dma_start3A_29 = arith.constant 0 : i32
      %dma_start3A_30 = tpu.memref_slice %arg7[%dma_start3A_28, %dma_start3A_29] : memref<112x128xi32, #tpu.memory_space<vmem>> -> memref<1x128xi32, #tpu.memory_space<vmem>>
      %dma_start3A_31 = tpu.memref_squeeze %dma_start3A_30 : memref<1x128xi32, #tpu.memory_space<vmem>> -> memref<128xi32, #tpu.memory_space<vmem>>
      %dma_start3A_32 = arith.constant 0 : i32
      %dma_start3A_33 = arith.constant 0 : i32
      %dma_start3A_34 = tpu.memref_slice %arg3[%dma_start3A_32, %dma_start3A_33] : memref<10240x64xf32, #tpu.memory_space<hbm>> -> memref<10240x64xf32, #tpu.memory_space<hbm>>
      tpu.enqueue_indirect_dma source(%dma_start3A_34 : memref<10240x64xf32, #tpu.memory_space<hbm>>) target(%arg12 : memref<128x64xf32, #tpu.memory_space<vmem>>) offsets(%dma_start3A_31 : memref<128xi32, #tpu.memory_space<vmem>>) semaphore(%arg14 : memref<!tpu.dma_semaphore, #tpu.memory_space<semaphore_mem>>)
      %scan3A = arith.constant 0 : i32
      %scan3A_35 = arith.constant 0 : i32
      %scan3A_36 = arith.constant 56 : i32
      %scan3A_37 = arith.addi %scan3A_35, %scan3A_36 : i32
      %scan3A_38 = arith.constant 1 : i32
      scf.for %scan3A_63 = %scan3A_35 to %scan3A_37 step %scan3A_38  : i32 {
        %mul3A_64 = arith.constant 2 : i32
        %mul3A_65 = arith.muli %scan3A_63, %mul3A_64 : i32
        %dma_wait3A_66 = arith.constant 0 : i32
        %dma_wait3A_67 = arith.constant 0 : i32
        %dma_wait3A_68 = tpu.memref_slice %arg8[%dma_wait3A_66, %dma_wait3A_67] : memref<112x128xi32, #tpu.memory_space<vmem>> -> memref<1x128xi32, #tpu.memory_space<vmem>>
        %dma_wait3A_69 = tpu.memref_squeeze %dma_wait3A_68 : memref<1x128xi32, #tpu.memory_space<vmem>> -> memref<128xi32, #tpu.memory_space<vmem>>
        %dma_wait3A_70 = arith.constant 0 : i32
        %dma_wait3A_71 = arith.constant 0 : i32
        %dma_wait3A_72 = tpu.memref_slice %arg2[%dma_wait3A_70, %dma_wait3A_71] : memref<10240x64xf32, #tpu.memory_space<hbm>> -> memref<10240x64xf32, #tpu.memory_space<hbm>>
        tpu.wait_indirect_dma semaphore(%arg13 : memref<!tpu.dma_semaphore, #tpu.memory_space<semaphore_mem>>) src(%dma_wait3A_72 : memref<10240x64xf32, #tpu.memory_space<hbm>>) dst(%arg9 : memref<128x64xf32, #tpu.memory_space<vmem>>)
        %dma_wait3A_73 = arith.constant 0 : i32
        %dma_wait3A_74 = arith.constant 0 : i32
        %dma_wait3A_75 = tpu.memref_slice %arg7[%dma_wait3A_73, %dma_wait3A_74] : memref<112x128xi32, #tpu.memory_space<vmem>> -> memref<1x128xi32, #tpu.memory_space<vmem>>
        %dma_wait3A_76 = tpu.memref_squeeze %dma_wait3A_75 : memref<1x128xi32, #tpu.memory_space<vmem>> -> memref<128xi32, #tpu.memory_space<vmem>>
        %dma_wait3A_77 = arith.constant 0 : i32
        %dma_wait3A_78 = arith.constant 0 : i32
        %dma_wait3A_79 = tpu.memref_slice %arg3[%dma_wait3A_77, %dma_wait3A_78] : memref<10240x64xf32, #tpu.memory_space<hbm>> -> memref<10240x64xf32, #tpu.memory_space<hbm>>
        tpu.wait_indirect_dma semaphore(%arg13 : memref<!tpu.dma_semaphore, #tpu.memory_space<semaphore_mem>>) src(%dma_wait3A_79 : memref<10240x64xf32, #tpu.memory_space<hbm>>) dst(%arg11 : memref<128x64xf32, #tpu.memory_space<vmem>>)
        %add3A = arith.constant 0 : i32
        %add3A_80 = arith.addi %mul3A_65, %add3A : i32
        %add3A_81 = arith.addi %mul3A_7, %add3A_80 : i32
        %mul3A_82 = arith.constant 128 : i32
        %mul3A_83 = arith.muli %add3A_81, %mul3A_82 : i32
        %dma_start3A_84 = arith.constant 0 : i32
        %dma_start3A_85 = tpu.memref_slice %arg6[%mul3A_83, %dma_start3A_84] : memref<327680x128xf32, #tpu.memory_space<hbm>> -> memref<128x64xf32, #tpu.memory_space<hbm>>
        %dma_start3A_86 = arith.constant 0 : i32
        %dma_start3A_87 = tpu.memref_slice %arg6[%mul3A_83, %dma_start3A_86] : memref<327680x128xf32, #tpu.memory_space<hbm>> -> memref<128x64xf32, #tpu.memory_space<hbm>>
        tpu.enqueue_dma source(%arg9 : memref<128x64xf32, #tpu.memory_space<vmem>>) target(%dma_start3A_87 : memref<128x64xf32, #tpu.memory_space<hbm>>) target_semaphore(%arg15 : memref<!tpu.dma_semaphore, #tpu.memory_space<semaphore_mem>>)
        %dma_start3A_88 = arith.constant 64 : i32
        %dma_start3A_89 = tpu.memref_slice %arg6[%mul3A_83, %dma_start3A_88] : memref<327680x128xf32, #tpu.memory_space<hbm>> -> memref<128x64xf32, #tpu.memory_space<hbm>>
        %dma_start3A_90 = arith.constant 64 : i32
        %dma_start3A_91 = tpu.memref_slice %arg6[%mul3A_83, %dma_start3A_90] : memref<327680x128xf32, #tpu.memory_space<hbm>> -> memref<128x64xf32, #tpu.memory_space<hbm>>
        tpu.enqueue_dma source(%arg11 : memref<128x64xf32, #tpu.memory_space<vmem>>) target(%dma_start3A_91 : memref<128x64xf32, #tpu.memory_space<hbm>>) target_semaphore(%arg15 : memref<!tpu.dma_semaphore, #tpu.memory_space<semaphore_mem>>)
        %dma_wait3A_92 = arith.constant 0 : i32
        %dma_wait3A_93 = arith.constant 0 : i32
        %dma_wait3A_94 = tpu.memref_slice %arg8[%dma_wait3A_92, %dma_wait3A_93] : memref<112x128xi32, #tpu.memory_space<vmem>> -> memref<1x128xi32, #tpu.memory_space<vmem>>
        %dma_wait3A_95 = tpu.memref_squeeze %dma_wait3A_94 : memref<1x128xi32, #tpu.memory_space<vmem>> -> memref<128xi32, #tpu.memory_space<vmem>>
        %dma_wait3A_96 = arith.constant 0 : i32
        %dma_wait3A_97 = arith.constant 0 : i32
        %dma_wait3A_98 = tpu.memref_slice %arg2[%dma_wait3A_96, %dma_wait3A_97] : memref<10240x64xf32, #tpu.memory_space<hbm>> -> memref<10240x64xf32, #tpu.memory_space<hbm>>
        tpu.wait_indirect_dma semaphore(%arg14 : memref<!tpu.dma_semaphore, #tpu.memory_space<semaphore_mem>>) src(%dma_wait3A_98 : memref<10240x64xf32, #tpu.memory_space<hbm>>) dst(%arg10 : memref<128x64xf32, #tpu.memory_space<vmem>>)
        %dma_wait3A_99 = arith.constant 0 : i32
        %dma_wait3A_100 = arith.constant 0 : i32
        %dma_wait3A_101 = tpu.memref_slice %arg7[%dma_wait3A_99, %dma_wait3A_100] : memref<112x128xi32, #tpu.memory_space<vmem>> -> memref<1x128xi32, #tpu.memory_space<vmem>>
        %dma_wait3A_102 = tpu.memref_squeeze %dma_wait3A_101 : memref<1x128xi32, #tpu.memory_space<vmem>> -> memref<128xi32, #tpu.memory_space<vmem>>
        %dma_wait3A_103 = arith.constant 0 : i32
        %dma_wait3A_104 = arith.constant 0 : i32
        %dma_wait3A_105 = tpu.memref_slice %arg3[%dma_wait3A_103, %dma_wait3A_104] : memref<10240x64xf32, #tpu.memory_space<hbm>> -> memref<10240x64xf32, #tpu.memory_space<hbm>>
        tpu.wait_indirect_dma semaphore(%arg14 : memref<!tpu.dma_semaphore, #tpu.memory_space<semaphore_mem>>) src(%dma_wait3A_105 : memref<10240x64xf32, #tpu.memory_space<hbm>>) dst(%arg12 : memref<128x64xf32, #tpu.memory_space<vmem>>)
        %add3A_106 = arith.constant 1 : i32
        %add3A_107 = arith.addi %mul3A_65, %add3A_106 : i32
        %add3A_108 = arith.addi %mul3A_7, %add3A_107 : i32
        %mul3A_109 = arith.constant 128 : i32
        %mul3A_110 = arith.muli %add3A_108, %mul3A_109 : i32
        %dma_start3A_111 = arith.constant 0 : i32
        %dma_start3A_112 = tpu.memref_slice %arg6[%mul3A_110, %dma_start3A_111] : memref<327680x128xf32, #tpu.memory_space<hbm>> -> memref<128x64xf32, #tpu.memory_space<hbm>>
        %dma_start3A_113 = arith.constant 0 : i32
        %dma_start3A_114 = tpu.memref_slice %arg6[%mul3A_110, %dma_start3A_113] : memref<327680x128xf32, #tpu.memory_space<hbm>> -> memref<128x64xf32, #tpu.memory_space<hbm>>
        tpu.enqueue_dma source(%arg10 : memref<128x64xf32, #tpu.memory_space<vmem>>) target(%dma_start3A_114 : memref<128x64xf32, #tpu.memory_space<hbm>>) target_semaphore(%arg16 : memref<!tpu.dma_semaphore, #tpu.memory_space<semaphore_mem>>)
        %dma_start3A_115 = arith.constant 64 : i32
        %dma_start3A_116 = tpu.memref_slice %arg6[%mul3A_110, %dma_start3A_115] : memref<327680x128xf32, #tpu.memory_space<hbm>> -> memref<128x64xf32, #tpu.memory_space<hbm>>
        %dma_start3A_117 = arith.constant 64 : i32
        %dma_start3A_118 = tpu.memref_slice %arg6[%mul3A_110, %dma_start3A_117] : memref<327680x128xf32, #tpu.memory_space<hbm>> -> memref<128x64xf32, #tpu.memory_space<hbm>>
        tpu.enqueue_dma source(%arg12 : memref<128x64xf32, #tpu.memory_space<vmem>>) target(%dma_start3A_118 : memref<128x64xf32, #tpu.memory_space<hbm>>) target_semaphore(%arg16 : memref<!tpu.dma_semaphore, #tpu.memory_space<semaphore_mem>>)
        %lt3A = arith.constant 55 : i32
        %lt3A_119 = arith.cmpi slt, %scan3A_63, %lt3A : i32
        %convert_element_type3A_120 = arith.extui %lt3A_119 : i1 to i32
        %cond3A_121 = arith.constant 0 : i32
        %cond3A_122 = arith.cmpi ne, %convert_element_type3A_120, %cond3A_121 : i32
        scf.if %cond3A_122 {
          %dma_wait3A_128 = arith.constant 0 : i32
          %dma_wait3A_129 = arith.constant 0 : i32
          %dma_wait3A_130 = tpu.memref_slice %arg6[%dma_wait3A_128, %dma_wait3A_129] : memref<327680x128xf32, #tpu.memory_space<hbm>> -> memref<128x64xf32, #tpu.memory_space<hbm>>
          %dma_wait3A_131 = arith.constant 0 : i32
          %dma_wait3A_132 = arith.constant 0 : i32
          %dma_wait3A_133 = tpu.memref_slice %arg6[%dma_wait3A_131, %dma_wait3A_132] : memref<327680x128xf32, #tpu.memory_space<hbm>> -> memref<128x64xf32, #tpu.memory_space<hbm>>
          tpu.wait_dma2 semaphore(%arg15 : memref<!tpu.dma_semaphore, #tpu.memory_space<semaphore_mem>>) src(%arg9 : memref<128x64xf32, #tpu.memory_space<vmem>>) dst(%dma_wait3A_133 : memref<128x64xf32, #tpu.memory_space<hbm>>)
          %dma_wait3A_134 = arith.constant 0 : i32
          %dma_wait3A_135 = arith.constant 64 : i32
          %dma_wait3A_136 = tpu.memref_slice %arg6[%dma_wait3A_134, %dma_wait3A_135] : memref<327680x128xf32, #tpu.memory_space<hbm>> -> memref<128x64xf32, #tpu.memory_space<hbm>>
          %dma_wait3A_137 = arith.constant 0 : i32
          %dma_wait3A_138 = arith.constant 64 : i32
          %dma_wait3A_139 = tpu.memref_slice %arg6[%dma_wait3A_137, %dma_wait3A_138] : memref<327680x128xf32, #tpu.memory_space<hbm>> -> memref<128x64xf32, #tpu.memory_space<hbm>>
          tpu.wait_dma2 semaphore(%arg15 : memref<!tpu.dma_semaphore, #tpu.memory_space<semaphore_mem>>) src(%arg11 : memref<128x64xf32, #tpu.memory_space<vmem>>) dst(%dma_wait3A_139 : memref<128x64xf32, #tpu.memory_space<hbm>>)
          %add3A_140 = arith.constant 2 : i32
          %add3A_141 = arith.addi %mul3A_65, %add3A_140 : i32
          %add3A_142 = arith.constant 0 : i32
          %add3A_143 = arith.addi %add3A_141, %add3A_142 : i32
          %dma_start3A_144 = arith.constant 0 : i32
          %dma_start3A_145 = tpu.memref_slice %arg8[%add3A_143, %dma_start3A_144] : memref<112x128xi32, #tpu.memory_space<vmem>> -> memref<1x128xi32, #tpu.memory_space<vmem>>
          %dma_start3A_146 = tpu.memref_squeeze %dma_start3A_145 : memref<1x128xi32, #tpu.memory_space<vmem>> -> memref<128xi32, #tpu.memory_space<vmem>>
          %dma_start3A_147 = arith.constant 0 : i32
          %dma_start3A_148 = arith.constant 0 : i32
          %dma_start3A_149 = tpu.memref_slice %arg2[%dma_start3A_147, %dma_start3A_148] : memref<10240x64xf32, #tpu.memory_space<hbm>> -> memref<10240x64xf32, #tpu.memory_space<hbm>>
          tpu.enqueue_indirect_dma source(%dma_start3A_149 : memref<10240x64xf32, #tpu.memory_space<hbm>>) target(%arg9 : memref<128x64xf32, #tpu.memory_space<vmem>>) offsets(%dma_start3A_146 : memref<128xi32, #tpu.memory_space<vmem>>) semaphore(%arg13 : memref<!tpu.dma_semaphore, #tpu.memory_space<semaphore_mem>>)
          %dma_start3A_150 = arith.constant 0 : i32
          %dma_start3A_151 = tpu.memref_slice %arg7[%add3A_143, %dma_start3A_150] : memref<112x128xi32, #tpu.memory_space<vmem>> -> memref<1x128xi32, #tpu.memory_space<vmem>>
          %dma_start3A_152 = tpu.memref_squeeze %dma_start3A_151 : memref<1x128xi32, #tpu.memory_space<vmem>> -> memref<128xi32, #tpu.memory_space<vmem>>
          %dma_start3A_153 = arith.constant 0 : i32
          %dma_start3A_154 = arith.constant 0 : i32
          %dma_start3A_155 = tpu.memref_slice %arg3[%dma_start3A_153, %dma_start3A_154] : memref<10240x64xf32, #tpu.memory_space<hbm>> -> memref<10240x64xf32, #tpu.memory_space<hbm>>
          tpu.enqueue_indirect_dma source(%dma_start3A_155 : memref<10240x64xf32, #tpu.memory_space<hbm>>) target(%arg11 : memref<128x64xf32, #tpu.memory_space<vmem>>) offsets(%dma_start3A_152 : memref<128xi32, #tpu.memory_space<vmem>>) semaphore(%arg13 : memref<!tpu.dma_semaphore, #tpu.memory_space<semaphore_mem>>)
        } else {
        }
        %lt3A_123 = arith.constant 55 : i32
        %lt3A_124 = arith.cmpi slt, %scan3A_63, %lt3A_123 : i32
        %convert_element_type3A_125 = arith.extui %lt3A_124 : i1 to i32
        %cond3A_126 = arith.constant 0 : i32
        %cond3A_127 = arith.cmpi ne, %convert_element_type3A_125, %cond3A_126 : i32
        scf.if %cond3A_127 {
          %dma_wait3A_128 = arith.constant 0 : i32
          %dma_wait3A_129 = arith.constant 0 : i32
          %dma_wait3A_130 = tpu.memref_slice %arg6[%dma_wait3A_128, %dma_wait3A_129] : memref<327680x128xf32, #tpu.memory_space<hbm>> -> memref<128x64xf32, #tpu.memory_space<hbm>>
          %dma_wait3A_131 = arith.constant 0 : i32
          %dma_wait3A_132 = arith.constant 0 : i32
          %dma_wait3A_133 = tpu.memref_slice %arg6[%dma_wait3A_131, %dma_wait3A_132] : memref<327680x128xf32, #tpu.memory_space<hbm>> -> memref<128x64xf32, #tpu.memory_space<hbm>>
          tpu.wait_dma2 semaphore(%arg16 : memref<!tpu.dma_semaphore, #tpu.memory_space<semaphore_mem>>) src(%arg10 : memref<128x64xf32, #tpu.memory_space<vmem>>) dst(%dma_wait3A_133 : memref<128x64xf32, #tpu.memory_space<hbm>>)
          %dma_wait3A_134 = arith.constant 0 : i32
          %dma_wait3A_135 = arith.constant 64 : i32
          %dma_wait3A_136 = tpu.memref_slice %arg6[%dma_wait3A_134, %dma_wait3A_135] : memref<327680x128xf32, #tpu.memory_space<hbm>> -> memref<128x64xf32, #tpu.memory_space<hbm>>
          %dma_wait3A_137 = arith.constant 0 : i32
          %dma_wait3A_138 = arith.constant 64 : i32
          %dma_wait3A_139 = tpu.memref_slice %arg6[%dma_wait3A_137, %dma_wait3A_138] : memref<327680x128xf32, #tpu.memory_space<hbm>> -> memref<128x64xf32, #tpu.memory_space<hbm>>
          tpu.wait_dma2 semaphore(%arg16 : memref<!tpu.dma_semaphore, #tpu.memory_space<semaphore_mem>>) src(%arg12 : memref<128x64xf32, #tpu.memory_space<vmem>>) dst(%dma_wait3A_139 : memref<128x64xf32, #tpu.memory_space<hbm>>)
          %add3A_140 = arith.constant 2 : i32
          %add3A_141 = arith.addi %mul3A_65, %add3A_140 : i32
          %add3A_142 = arith.constant 1 : i32
          %add3A_143 = arith.addi %add3A_141, %add3A_142 : i32
          %dma_start3A_144 = arith.constant 0 : i32
          %dma_start3A_145 = tpu.memref_slice %arg8[%add3A_143, %dma_start3A_144] : memref<112x128xi32, #tpu.memory_space<vmem>> -> memref<1x128xi32, #tpu.memory_space<vmem>>
          %dma_start3A_146 = tpu.memref_squeeze %dma_start3A_145 : memref<1x128xi32, #tpu.memory_space<vmem>> -> memref<128xi32, #tpu.memory_space<vmem>>
          %dma_start3A_147 = arith.constant 0 : i32
          %dma_start3A_148 = arith.constant 0 : i32
          %dma_start3A_149 = tpu.memref_slice %arg2[%dma_start3A_147, %dma_start3A_148] : memref<10240x64xf32, #tpu.memory_space<hbm>> -> memref<10240x64xf32, #tpu.memory_space<hbm>>
          tpu.enqueue_indirect_dma source(%dma_start3A_149 : memref<10240x64xf32, #tpu.memory_space<hbm>>) target(%arg10 : memref<128x64xf32, #tpu.memory_space<vmem>>) offsets(%dma_start3A_146 : memref<128xi32, #tpu.memory_space<vmem>>) semaphore(%arg14 : memref<!tpu.dma_semaphore, #tpu.memory_space<semaphore_mem>>)
          %dma_start3A_150 = arith.constant 0 : i32
          %dma_start3A_151 = tpu.memref_slice %arg7[%add3A_143, %dma_start3A_150] : memref<112x128xi32, #tpu.memory_space<vmem>> -> memref<1x128xi32, #tpu.memory_space<vmem>>
          %dma_start3A_152 = tpu.memref_squeeze %dma_start3A_151 : memref<1x128xi32, #tpu.memory_space<vmem>> -> memref<128xi32, #tpu.memory_space<vmem>>
          %dma_start3A_153 = arith.constant 0 : i32
          %dma_start3A_154 = arith.constant 0 : i32
          %dma_start3A_155 = tpu.memref_slice %arg3[%dma_start3A_153, %dma_start3A_154] : memref<10240x64xf32, #tpu.memory_space<hbm>> -> memref<10240x64xf32, #tpu.memory_space<hbm>>
          tpu.enqueue_indirect_dma source(%dma_start3A_155 : memref<10240x64xf32, #tpu.memory_space<hbm>>) target(%arg12 : memref<128x64xf32, #tpu.memory_space<vmem>>) offsets(%dma_start3A_152 : memref<128xi32, #tpu.memory_space<vmem>>) semaphore(%arg14 : memref<!tpu.dma_semaphore, #tpu.memory_space<semaphore_mem>>)
        } else {
        }
      }
      %scan3A_39 = arith.constant 56 : i32
      %dma_wait3A = arith.constant 0 : i32
      %dma_wait3A_40 = arith.constant 0 : i32
      %dma_wait3A_41 = tpu.memref_slice %arg6[%dma_wait3A, %dma_wait3A_40] : memref<327680x128xf32, #tpu.memory_space<hbm>> -> memref<128x64xf32, #tpu.memory_space<hbm>>
      %dma_wait3A_42 = arith.constant 0 : i32
      %dma_wait3A_43 = arith.constant 0 : i32
      %dma_wait3A_44 = tpu.memref_slice %arg6[%dma_wait3A_42, %dma_wait3A_43] : memref<327680x128xf32, #tpu.memory_space<hbm>> -> memref<128x64xf32, #tpu.memory_space<hbm>>
      tpu.wait_dma2 semaphore(%arg15 : memref<!tpu.dma_semaphore, #tpu.memory_space<semaphore_mem>>) src(%arg9 : memref<128x64xf32, #tpu.memory_space<vmem>>) dst(%dma_wait3A_44 : memref<128x64xf32, #tpu.memory_space<hbm>>)
      %dma_wait3A_45 = arith.constant 0 : i32
      %dma_wait3A_46 = arith.constant 64 : i32
      %dma_wait3A_47 = tpu.memref_slice %arg6[%dma_wait3A_45, %dma_wait3A_46] : memref<327680x128xf32, #tpu.memory_space<hbm>> -> memref<128x64xf32, #tpu.memory_space<hbm>>
      %dma_wait3A_48 = arith.constant 0 : i32
      %dma_wait3A_49 = arith.constant 64 : i32
      %dma_wait3A_50 = tpu.memref_slice %arg6[%dma_wait3A_48, %dma_wait3A_49] : memref<327680x128xf32, #tpu.memory_space<hbm>> -> memref<128x64xf32, #tpu.memory_space<hbm>>
      tpu.wait_dma2 semaphore(%arg15 : memref<!tpu.dma_semaphore, #tpu.memory_space<semaphore_mem>>) src(%arg11 : memref<128x64xf32, #tpu.memory_space<vmem>>) dst(%dma_wait3A_50 : memref<128x64xf32, #tpu.memory_space<hbm>>)
      %dma_wait3A_51 = arith.constant 0 : i32
      %dma_wait3A_52 = arith.constant 0 : i32
      %dma_wait3A_53 = tpu.memref_slice %arg6[%dma_wait3A_51, %dma_wait3A_52] : memref<327680x128xf32, #tpu.memory_space<hbm>> -> memref<128x64xf32, #tpu.memory_space<hbm>>
      %dma_wait3A_54 = arith.constant 0 : i32
      %dma_wait3A_55 = arith.constant 0 : i32
      %dma_wait3A_56 = tpu.memref_slice %arg6[%dma_wait3A_54, %dma_wait3A_55] : memref<327680x128xf32, #tpu.memory_space<hbm>> -> memref<128x64xf32, #tpu.memory_space<hbm>>
      tpu.wait_dma2 semaphore(%arg16 : memref<!tpu.dma_semaphore, #tpu.memory_space<semaphore_mem>>) src(%arg10 : memref<128x64xf32, #tpu.memory_space<vmem>>) dst(%dma_wait3A_56 : memref<128x64xf32, #tpu.memory_space<hbm>>)
      %dma_wait3A_57 = arith.constant 0 : i32
      %dma_wait3A_58 = arith.constant 64 : i32
      %dma_wait3A_59 = tpu.memref_slice %arg6[%dma_wait3A_57, %dma_wait3A_58] : memref<327680x128xf32, #tpu.memory_space<hbm>> -> memref<128x64xf32, #tpu.memory_space<hbm>>
      %dma_wait3A_60 = arith.constant 0 : i32
      %dma_wait3A_61 = arith.constant 64 : i32
      %dma_wait3A_62 = tpu.memref_slice %arg6[%dma_wait3A_60, %dma_wait3A_61] : memref<327680x128xf32, #tpu.memory_space<hbm>> -> memref<128x64xf32, #tpu.memory_space<hbm>>
      tpu.wait_dma2 semaphore(%arg16 : memref<!tpu.dma_semaphore, #tpu.memory_space<semaphore_mem>>) src(%arg12 : memref<128x64xf32, #tpu.memory_space<vmem>>) dst(%dma_wait3A_62 : memref<128x64xf32, #tpu.memory_space<hbm>>)
    } else {
    }
    %eq3A_2 = arith.constant 1 : i32
    %eq3A_3 = arith.cmpi eq, %arg0, %eq3A_2 : i32
    %convert_element_type3A_4 = arith.extui %eq3A_3 : i1 to i32
    %cond3A_5 = arith.constant 0 : i32
    %cond3A_6 = arith.cmpi ne, %convert_element_type3A_4, %cond3A_5 : i32
    scf.if %cond3A_6 {
      %mul3A = arith.constant 48 : i32
      %mul3A_7 = arith.muli %arg1, %mul3A : i32
      %add3A = arith.constant 1792 : i32
      %add3A_8 = arith.addi %add3A, %mul3A_7 : i32
      "tpu.region"() ({
        %run_scoped3A = tpu.sem_alloc : memref<!tpu.dma_semaphore, #tpu.memory_space<semaphore_mem>>
        %dma_start3A_64 = arith.constant 0 : i32
        %dma_start3A_65 = arith.constant 0 : i32
        %dma_start3A_66 = tpu.memref_slice %arg8[%dma_start3A_64, %dma_start3A_65] : memref<112x128xi32, #tpu.memory_space<vmem>> -> memref<48x128xi32, #tpu.memory_space<vmem>>
        %dma_start3A_67 = arith.constant 0 : i32
        %dma_start3A_68 = tpu.memref_slice %arg5[%add3A_8, %dma_start3A_67] : memref<2560x128xi32, #tpu.memory_space<hbm>> -> memref<48x128xi32, #tpu.memory_space<hbm>>
        %dma_start3A_69 = arith.constant 0 : i32
        %dma_start3A_70 = arith.constant 0 : i32
        %dma_start3A_71 = tpu.memref_slice %arg8[%dma_start3A_69, %dma_start3A_70] : memref<112x128xi32, #tpu.memory_space<vmem>> -> memref<48x128xi32, #tpu.memory_space<vmem>>
        %dma_start3A_72 = arith.constant 0 : i32
        %dma_start3A_73 = tpu.memref_slice %arg5[%add3A_8, %dma_start3A_72] : memref<2560x128xi32, #tpu.memory_space<hbm>> -> memref<48x128xi32, #tpu.memory_space<hbm>>
        tpu.enqueue_dma source(%dma_start3A_73 : memref<48x128xi32, #tpu.memory_space<hbm>>) target(%dma_start3A_71 : memref<48x128xi32, #tpu.memory_space<vmem>>) target_semaphore(%run_scoped3A : memref<!tpu.dma_semaphore, #tpu.memory_space<semaphore_mem>>)
        %dma_wait3A_74 = arith.constant 0 : i32
        %dma_wait3A_75 = arith.constant 0 : i32
        %dma_wait3A_76 = tpu.memref_slice %arg8[%dma_wait3A_74, %dma_wait3A_75] : memref<112x128xi32, #tpu.memory_space<vmem>> -> memref<48x128xi32, #tpu.memory_space<vmem>>
        %dma_wait3A_77 = arith.constant 0 : i32
        %dma_wait3A_78 = tpu.memref_slice %arg5[%add3A_8, %dma_wait3A_77] : memref<2560x128xi32, #tpu.memory_space<hbm>> -> memref<48x128xi32, #tpu.memory_space<hbm>>
        %dma_wait3A_79 = arith.constant 0 : i32
        %dma_wait3A_80 = arith.constant 0 : i32
        %dma_wait3A_81 = tpu.memref_slice %arg8[%dma_wait3A_79, %dma_wait3A_80] : memref<112x128xi32, #tpu.memory_space<vmem>> -> memref<48x128xi32, #tpu.memory_space<vmem>>
        %dma_wait3A_82 = arith.constant 0 : i32
        %dma_wait3A_83 = tpu.memref_slice %arg5[%add3A_8, %dma_wait3A_82] : memref<2560x128xi32, #tpu.memory_space<hbm>> -> memref<48x128xi32, #tpu.memory_space<hbm>>
        tpu.wait_dma2 semaphore(%run_scoped3A : memref<!tpu.dma_semaphore, #tpu.memory_space<semaphore_mem>>) src(%dma_wait3A_83 : memref<48x128xi32, #tpu.memory_space<hbm>>) dst(%dma_wait3A_81 : memref<48x128xi32, #tpu.memory_space<vmem>>)
        tpu.yield
      }) : () -> ()
      "tpu.region"() ({
        %run_scoped3A = tpu.sem_alloc : memref<!tpu.dma_semaphore, #tpu.memory_space<semaphore_mem>>
        %dma_start3A_64 = arith.constant 0 : i32
        %dma_start3A_65 = arith.constant 0 : i32
        %dma_start3A_66 = tpu.memref_slice %arg7[%dma_start3A_64, %dma_start3A_65] : memref<112x128xi32, #tpu.memory_space<vmem>> -> memref<48x128xi32, #tpu.memory_space<vmem>>
        %dma_start3A_67 = arith.constant 0 : i32
        %dma_start3A_68 = tpu.memref_slice %arg4[%add3A_8, %dma_start3A_67] : memref<2560x128xi32, #tpu.memory_space<hbm>> -> memref<48x128xi32, #tpu.memory_space<hbm>>
        %dma_start3A_69 = arith.constant 0 : i32
        %dma_start3A_70 = arith.constant 0 : i32
        %dma_start3A_71 = tpu.memref_slice %arg7[%dma_start3A_69, %dma_start3A_70] : memref<112x128xi32, #tpu.memory_space<vmem>> -> memref<48x128xi32, #tpu.memory_space<vmem>>
        %dma_start3A_72 = arith.constant 0 : i32
        %dma_start3A_73 = tpu.memref_slice %arg4[%add3A_8, %dma_start3A_72] : memref<2560x128xi32, #tpu.memory_space<hbm>> -> memref<48x128xi32, #tpu.memory_space<hbm>>
        tpu.enqueue_dma source(%dma_start3A_73 : memref<48x128xi32, #tpu.memory_space<hbm>>) target(%dma_start3A_71 : memref<48x128xi32, #tpu.memory_space<vmem>>) target_semaphore(%run_scoped3A : memref<!tpu.dma_semaphore, #tpu.memory_space<semaphore_mem>>)
        %dma_wait3A_74 = arith.constant 0 : i32
        %dma_wait3A_75 = arith.constant 0 : i32
        %dma_wait3A_76 = tpu.memref_slice %arg7[%dma_wait3A_74, %dma_wait3A_75] : memref<112x128xi32, #tpu.memory_space<vmem>> -> memref<48x128xi32, #tpu.memory_space<vmem>>
        %dma_wait3A_77 = arith.constant 0 : i32
        %dma_wait3A_78 = tpu.memref_slice %arg4[%add3A_8, %dma_wait3A_77] : memref<2560x128xi32, #tpu.memory_space<hbm>> -> memref<48x128xi32, #tpu.memory_space<hbm>>
        %dma_wait3A_79 = arith.constant 0 : i32
        %dma_wait3A_80 = arith.constant 0 : i32
        %dma_wait3A_81 = tpu.memref_slice %arg7[%dma_wait3A_79, %dma_wait3A_80] : memref<112x128xi32, #tpu.memory_space<vmem>> -> memref<48x128xi32, #tpu.memory_space<vmem>>
        %dma_wait3A_82 = arith.constant 0 : i32
        %dma_wait3A_83 = tpu.memref_slice %arg4[%add3A_8, %dma_wait3A_82] : memref<2560x128xi32, #tpu.memory_space<hbm>> -> memref<48x128xi32, #tpu.memory_space<hbm>>
        tpu.wait_dma2 semaphore(%run_scoped3A : memref<!tpu.dma_semaphore, #tpu.memory_space<semaphore_mem>>) src(%dma_wait3A_83 : memref<48x128xi32, #tpu.memory_space<hbm>>) dst(%dma_wait3A_81 : memref<48x128xi32, #tpu.memory_space<vmem>>)
        tpu.yield
      }) : () -> ()
      %dma_start3A = arith.constant 0 : i32
      %dma_start3A_9 = arith.constant 0 : i32
      %dma_start3A_10 = tpu.memref_slice %arg8[%dma_start3A, %dma_start3A_9] : memref<112x128xi32, #tpu.memory_space<vmem>> -> memref<1x128xi32, #tpu.memory_space<vmem>>
      %dma_start3A_11 = tpu.memref_squeeze %dma_start3A_10 : memref<1x128xi32, #tpu.memory_space<vmem>> -> memref<128xi32, #tpu.memory_space<vmem>>
      %dma_start3A_12 = arith.constant 0 : i32
      %dma_start3A_13 = arith.constant 0 : i32
      %dma_start3A_14 = tpu.memref_slice %arg2[%dma_start3A_12, %dma_start3A_13] : memref<10240x64xf32, #tpu.memory_space<hbm>> -> memref<10240x64xf32, #tpu.memory_space<hbm>>
      tpu.enqueue_indirect_dma source(%dma_start3A_14 : memref<10240x64xf32, #tpu.memory_space<hbm>>) target(%arg9 : memref<128x64xf32, #tpu.memory_space<vmem>>) offsets(%dma_start3A_11 : memref<128xi32, #tpu.memory_space<vmem>>) semaphore(%arg13 : memref<!tpu.dma_semaphore, #tpu.memory_space<semaphore_mem>>)
      %dma_start3A_15 = arith.constant 0 : i32
      %dma_start3A_16 = arith.constant 0 : i32
      %dma_start3A_17 = tpu.memref_slice %arg7[%dma_start3A_15, %dma_start3A_16] : memref<112x128xi32, #tpu.memory_space<vmem>> -> memref<1x128xi32, #tpu.memory_space<vmem>>
      %dma_start3A_18 = tpu.memref_squeeze %dma_start3A_17 : memref<1x128xi32, #tpu.memory_space<vmem>> -> memref<128xi32, #tpu.memory_space<vmem>>
      %dma_start3A_19 = arith.constant 0 : i32
      %dma_start3A_20 = arith.constant 0 : i32
      %dma_start3A_21 = tpu.memref_slice %arg3[%dma_start3A_19, %dma_start3A_20] : memref<10240x64xf32, #tpu.memory_space<hbm>> -> memref<10240x64xf32, #tpu.memory_space<hbm>>
      tpu.enqueue_indirect_dma source(%dma_start3A_21 : memref<10240x64xf32, #tpu.memory_space<hbm>>) target(%arg11 : memref<128x64xf32, #tpu.memory_space<vmem>>) offsets(%dma_start3A_18 : memref<128xi32, #tpu.memory_space<vmem>>) semaphore(%arg13 : memref<!tpu.dma_semaphore, #tpu.memory_space<semaphore_mem>>)
      %dma_start3A_22 = arith.constant 1 : i32
      %dma_start3A_23 = arith.constant 0 : i32
      %dma_start3A_24 = tpu.memref_slice %arg8[%dma_start3A_22, %dma_start3A_23] : memref<112x128xi32, #tpu.memory_space<vmem>> -> memref<1x128xi32, #tpu.memory_space<vmem>>
      %dma_start3A_25 = tpu.memref_squeeze %dma_start3A_24 : memref<1x128xi32, #tpu.memory_space<vmem>> -> memref<128xi32, #tpu.memory_space<vmem>>
      %dma_start3A_26 = arith.constant 0 : i32
      %dma_start3A_27 = arith.constant 0 : i32
      %dma_start3A_28 = tpu.memref_slice %arg2[%dma_start3A_26, %dma_start3A_27] : memref<10240x64xf32, #tpu.memory_space<hbm>> -> memref<10240x64xf32, #tpu.memory_space<hbm>>
      tpu.enqueue_indirect_dma source(%dma_start3A_28 : memref<10240x64xf32, #tpu.memory_space<hbm>>) target(%arg10 : memref<128x64xf32, #tpu.memory_space<vmem>>) offsets(%dma_start3A_25 : memref<128xi32, #tpu.memory_space<vmem>>) semaphore(%arg14 : memref<!tpu.dma_semaphore, #tpu.memory_space<semaphore_mem>>)
      %dma_start3A_29 = arith.constant 1 : i32
      %dma_start3A_30 = arith.constant 0 : i32
      %dma_start3A_31 = tpu.memref_slice %arg7[%dma_start3A_29, %dma_start3A_30] : memref<112x128xi32, #tpu.memory_space<vmem>> -> memref<1x128xi32, #tpu.memory_space<vmem>>
      %dma_start3A_32 = tpu.memref_squeeze %dma_start3A_31 : memref<1x128xi32, #tpu.memory_space<vmem>> -> memref<128xi32, #tpu.memory_space<vmem>>
      %dma_start3A_33 = arith.constant 0 : i32
      %dma_start3A_34 = arith.constant 0 : i32
      %dma_start3A_35 = tpu.memref_slice %arg3[%dma_start3A_33, %dma_start3A_34] : memref<10240x64xf32, #tpu.memory_space<hbm>> -> memref<10240x64xf32, #tpu.memory_space<hbm>>
      tpu.enqueue_indirect_dma source(%dma_start3A_35 : memref<10240x64xf32, #tpu.memory_space<hbm>>) target(%arg12 : memref<128x64xf32, #tpu.memory_space<vmem>>) offsets(%dma_start3A_32 : memref<128xi32, #tpu.memory_space<vmem>>) semaphore(%arg14 : memref<!tpu.dma_semaphore, #tpu.memory_space<semaphore_mem>>)
      %scan3A = arith.constant 0 : i32
      %scan3A_36 = arith.constant 0 : i32
      %scan3A_37 = arith.constant 24 : i32
      %scan3A_38 = arith.addi %scan3A_36, %scan3A_37 : i32
      %scan3A_39 = arith.constant 1 : i32
      scf.for %scan3A_64 = %scan3A_36 to %scan3A_38 step %scan3A_39  : i32 {
        %mul3A_65 = arith.constant 2 : i32
        %mul3A_66 = arith.muli %scan3A_64, %mul3A_65 : i32
        %dma_wait3A_67 = arith.constant 0 : i32
        %dma_wait3A_68 = arith.constant 0 : i32
        %dma_wait3A_69 = tpu.memref_slice %arg8[%dma_wait3A_67, %dma_wait3A_68] : memref<112x128xi32, #tpu.memory_space<vmem>> -> memref<1x128xi32, #tpu.memory_space<vmem>>
        %dma_wait3A_70 = tpu.memref_squeeze %dma_wait3A_69 : memref<1x128xi32, #tpu.memory_space<vmem>> -> memref<128xi32, #tpu.memory_space<vmem>>
        %dma_wait3A_71 = arith.constant 0 : i32
        %dma_wait3A_72 = arith.constant 0 : i32
        %dma_wait3A_73 = tpu.memref_slice %arg2[%dma_wait3A_71, %dma_wait3A_72] : memref<10240x64xf32, #tpu.memory_space<hbm>> -> memref<10240x64xf32, #tpu.memory_space<hbm>>
        tpu.wait_indirect_dma semaphore(%arg13 : memref<!tpu.dma_semaphore, #tpu.memory_space<semaphore_mem>>) src(%dma_wait3A_73 : memref<10240x64xf32, #tpu.memory_space<hbm>>) dst(%arg9 : memref<128x64xf32, #tpu.memory_space<vmem>>)
        %dma_wait3A_74 = arith.constant 0 : i32
        %dma_wait3A_75 = arith.constant 0 : i32
        %dma_wait3A_76 = tpu.memref_slice %arg7[%dma_wait3A_74, %dma_wait3A_75] : memref<112x128xi32, #tpu.memory_space<vmem>> -> memref<1x128xi32, #tpu.memory_space<vmem>>
        %dma_wait3A_77 = tpu.memref_squeeze %dma_wait3A_76 : memref<1x128xi32, #tpu.memory_space<vmem>> -> memref<128xi32, #tpu.memory_space<vmem>>
        %dma_wait3A_78 = arith.constant 0 : i32
        %dma_wait3A_79 = arith.constant 0 : i32
        %dma_wait3A_80 = tpu.memref_slice %arg3[%dma_wait3A_78, %dma_wait3A_79] : memref<10240x64xf32, #tpu.memory_space<hbm>> -> memref<10240x64xf32, #tpu.memory_space<hbm>>
        tpu.wait_indirect_dma semaphore(%arg13 : memref<!tpu.dma_semaphore, #tpu.memory_space<semaphore_mem>>) src(%dma_wait3A_80 : memref<10240x64xf32, #tpu.memory_space<hbm>>) dst(%arg11 : memref<128x64xf32, #tpu.memory_space<vmem>>)
        %add3A_81 = arith.constant 0 : i32
        %add3A_82 = arith.addi %mul3A_66, %add3A_81 : i32
        %add3A_83 = arith.addi %add3A_8, %add3A_82 : i32
        %mul3A_84 = arith.constant 128 : i32
        %mul3A_85 = arith.muli %add3A_83, %mul3A_84 : i32
        %dma_start3A_86 = arith.constant 0 : i32
        %dma_start3A_87 = tpu.memref_slice %arg6[%mul3A_85, %dma_start3A_86] : memref<327680x128xf32, #tpu.memory_space<hbm>> -> memref<128x64xf32, #tpu.memory_space<hbm>>
        %dma_start3A_88 = arith.constant 0 : i32
        %dma_start3A_89 = tpu.memref_slice %arg6[%mul3A_85, %dma_start3A_88] : memref<327680x128xf32, #tpu.memory_space<hbm>> -> memref<128x64xf32, #tpu.memory_space<hbm>>
        tpu.enqueue_dma source(%arg9 : memref<128x64xf32, #tpu.memory_space<vmem>>) target(%dma_start3A_89 : memref<128x64xf32, #tpu.memory_space<hbm>>) target_semaphore(%arg15 : memref<!tpu.dma_semaphore, #tpu.memory_space<semaphore_mem>>)
        %dma_start3A_90 = arith.constant 64 : i32
        %dma_start3A_91 = tpu.memref_slice %arg6[%mul3A_85, %dma_start3A_90] : memref<327680x128xf32, #tpu.memory_space<hbm>> -> memref<128x64xf32, #tpu.memory_space<hbm>>
        %dma_start3A_92 = arith.constant 64 : i32
        %dma_start3A_93 = tpu.memref_slice %arg6[%mul3A_85, %dma_start3A_92] : memref<327680x128xf32, #tpu.memory_space<hbm>> -> memref<128x64xf32, #tpu.memory_space<hbm>>
        tpu.enqueue_dma source(%arg11 : memref<128x64xf32, #tpu.memory_space<vmem>>) target(%dma_start3A_93 : memref<128x64xf32, #tpu.memory_space<hbm>>) target_semaphore(%arg15 : memref<!tpu.dma_semaphore, #tpu.memory_space<semaphore_mem>>)
        %dma_wait3A_94 = arith.constant 0 : i32
        %dma_wait3A_95 = arith.constant 0 : i32
        %dma_wait3A_96 = tpu.memref_slice %arg8[%dma_wait3A_94, %dma_wait3A_95] : memref<112x128xi32, #tpu.memory_space<vmem>> -> memref<1x128xi32, #tpu.memory_space<vmem>>
        %dma_wait3A_97 = tpu.memref_squeeze %dma_wait3A_96 : memref<1x128xi32, #tpu.memory_space<vmem>> -> memref<128xi32, #tpu.memory_space<vmem>>
        %dma_wait3A_98 = arith.constant 0 : i32
        %dma_wait3A_99 = arith.constant 0 : i32
        %dma_wait3A_100 = tpu.memref_slice %arg2[%dma_wait3A_98, %dma_wait3A_99] : memref<10240x64xf32, #tpu.memory_space<hbm>> -> memref<10240x64xf32, #tpu.memory_space<hbm>>
        tpu.wait_indirect_dma semaphore(%arg14 : memref<!tpu.dma_semaphore, #tpu.memory_space<semaphore_mem>>) src(%dma_wait3A_100 : memref<10240x64xf32, #tpu.memory_space<hbm>>) dst(%arg10 : memref<128x64xf32, #tpu.memory_space<vmem>>)
        %dma_wait3A_101 = arith.constant 0 : i32
        %dma_wait3A_102 = arith.constant 0 : i32
        %dma_wait3A_103 = tpu.memref_slice %arg7[%dma_wait3A_101, %dma_wait3A_102] : memref<112x128xi32, #tpu.memory_space<vmem>> -> memref<1x128xi32, #tpu.memory_space<vmem>>
        %dma_wait3A_104 = tpu.memref_squeeze %dma_wait3A_103 : memref<1x128xi32, #tpu.memory_space<vmem>> -> memref<128xi32, #tpu.memory_space<vmem>>
        %dma_wait3A_105 = arith.constant 0 : i32
        %dma_wait3A_106 = arith.constant 0 : i32
        %dma_wait3A_107 = tpu.memref_slice %arg3[%dma_wait3A_105, %dma_wait3A_106] : memref<10240x64xf32, #tpu.memory_space<hbm>> -> memref<10240x64xf32, #tpu.memory_space<hbm>>
        tpu.wait_indirect_dma semaphore(%arg14 : memref<!tpu.dma_semaphore, #tpu.memory_space<semaphore_mem>>) src(%dma_wait3A_107 : memref<10240x64xf32, #tpu.memory_space<hbm>>) dst(%arg12 : memref<128x64xf32, #tpu.memory_space<vmem>>)
        %add3A_108 = arith.constant 1 : i32
        %add3A_109 = arith.addi %mul3A_66, %add3A_108 : i32
        %add3A_110 = arith.addi %add3A_8, %add3A_109 : i32
        %mul3A_111 = arith.constant 128 : i32
        %mul3A_112 = arith.muli %add3A_110, %mul3A_111 : i32
        %dma_start3A_113 = arith.constant 0 : i32
        %dma_start3A_114 = tpu.memref_slice %arg6[%mul3A_112, %dma_start3A_113] : memref<327680x128xf32, #tpu.memory_space<hbm>> -> memref<128x64xf32, #tpu.memory_space<hbm>>
        %dma_start3A_115 = arith.constant 0 : i32
        %dma_start3A_116 = tpu.memref_slice %arg6[%mul3A_112, %dma_start3A_115] : memref<327680x128xf32, #tpu.memory_space<hbm>> -> memref<128x64xf32, #tpu.memory_space<hbm>>
        tpu.enqueue_dma source(%arg10 : memref<128x64xf32, #tpu.memory_space<vmem>>) target(%dma_start3A_116 : memref<128x64xf32, #tpu.memory_space<hbm>>) target_semaphore(%arg16 : memref<!tpu.dma_semaphore, #tpu.memory_space<semaphore_mem>>)
        %dma_start3A_117 = arith.constant 64 : i32
        %dma_start3A_118 = tpu.memref_slice %arg6[%mul3A_112, %dma_start3A_117] : memref<327680x128xf32, #tpu.memory_space<hbm>> -> memref<128x64xf32, #tpu.memory_space<hbm>>
        %dma_start3A_119 = arith.constant 64 : i32
        %dma_start3A_120 = tpu.memref_slice %arg6[%mul3A_112, %dma_start3A_119] : memref<327680x128xf32, #tpu.memory_space<hbm>> -> memref<128x64xf32, #tpu.memory_space<hbm>>
        tpu.enqueue_dma source(%arg12 : memref<128x64xf32, #tpu.memory_space<vmem>>) target(%dma_start3A_120 : memref<128x64xf32, #tpu.memory_space<hbm>>) target_semaphore(%arg16 : memref<!tpu.dma_semaphore, #tpu.memory_space<semaphore_mem>>)
        %lt3A = arith.constant 23 : i32
        %lt3A_121 = arith.cmpi slt, %scan3A_64, %lt3A : i32
        %convert_element_type3A_122 = arith.extui %lt3A_121 : i1 to i32
        %cond3A_123 = arith.constant 0 : i32
        %cond3A_124 = arith.cmpi ne, %convert_element_type3A_122, %cond3A_123 : i32
        scf.if %cond3A_124 {
          %dma_wait3A_130 = arith.constant 0 : i32
          %dma_wait3A_131 = arith.constant 0 : i32
          %dma_wait3A_132 = tpu.memref_slice %arg6[%dma_wait3A_130, %dma_wait3A_131] : memref<327680x128xf32, #tpu.memory_space<hbm>> -> memref<128x64xf32, #tpu.memory_space<hbm>>
          %dma_wait3A_133 = arith.constant 0 : i32
          %dma_wait3A_134 = arith.constant 0 : i32
          %dma_wait3A_135 = tpu.memref_slice %arg6[%dma_wait3A_133, %dma_wait3A_134] : memref<327680x128xf32, #tpu.memory_space<hbm>> -> memref<128x64xf32, #tpu.memory_space<hbm>>
          tpu.wait_dma2 semaphore(%arg15 : memref<!tpu.dma_semaphore, #tpu.memory_space<semaphore_mem>>) src(%arg9 : memref<128x64xf32, #tpu.memory_space<vmem>>) dst(%dma_wait3A_135 : memref<128x64xf32, #tpu.memory_space<hbm>>)
          %dma_wait3A_136 = arith.constant 0 : i32
          %dma_wait3A_137 = arith.constant 64 : i32
          %dma_wait3A_138 = tpu.memref_slice %arg6[%dma_wait3A_136, %dma_wait3A_137] : memref<327680x128xf32, #tpu.memory_space<hbm>> -> memref<128x64xf32, #tpu.memory_space<hbm>>
          %dma_wait3A_139 = arith.constant 0 : i32
          %dma_wait3A_140 = arith.constant 64 : i32
          %dma_wait3A_141 = tpu.memref_slice %arg6[%dma_wait3A_139, %dma_wait3A_140] : memref<327680x128xf32, #tpu.memory_space<hbm>> -> memref<128x64xf32, #tpu.memory_space<hbm>>
          tpu.wait_dma2 semaphore(%arg15 : memref<!tpu.dma_semaphore, #tpu.memory_space<semaphore_mem>>) src(%arg11 : memref<128x64xf32, #tpu.memory_space<vmem>>) dst(%dma_wait3A_141 : memref<128x64xf32, #tpu.memory_space<hbm>>)
          %add3A_142 = arith.constant 2 : i32
          %add3A_143 = arith.addi %mul3A_66, %add3A_142 : i32
          %add3A_144 = arith.constant 0 : i32
          %add3A_145 = arith.addi %add3A_143, %add3A_144 : i32
          %dma_start3A_146 = arith.constant 0 : i32
          %dma_start3A_147 = tpu.memref_slice %arg8[%add3A_145, %dma_start3A_146] : memref<112x128xi32, #tpu.memory_space<vmem>> -> memref<1x128xi32, #tpu.memory_space<vmem>>
          %dma_start3A_148 = tpu.memref_squeeze %dma_start3A_147 : memref<1x128xi32, #tpu.memory_space<vmem>> -> memref<128xi32, #tpu.memory_space<vmem>>
          %dma_start3A_149 = arith.constant 0 : i32
          %dma_start3A_150 = arith.constant 0 : i32
          %dma_start3A_151 = tpu.memref_slice %arg2[%dma_start3A_149, %dma_start3A_150] : memref<10240x64xf32, #tpu.memory_space<hbm>> -> memref<10240x64xf32, #tpu.memory_space<hbm>>
          tpu.enqueue_indirect_dma source(%dma_start3A_151 : memref<10240x64xf32, #tpu.memory_space<hbm>>) target(%arg9 : memref<128x64xf32, #tpu.memory_space<vmem>>) offsets(%dma_start3A_148 : memref<128xi32, #tpu.memory_space<vmem>>) semaphore(%arg13 : memref<!tpu.dma_semaphore, #tpu.memory_space<semaphore_mem>>)
          %dma_start3A_152 = arith.constant 0 : i32
          %dma_start3A_153 = tpu.memref_slice %arg7[%add3A_145, %dma_start3A_152] : memref<112x128xi32, #tpu.memory_space<vmem>> -> memref<1x128xi32, #tpu.memory_space<vmem>>
          %dma_start3A_154 = tpu.memref_squeeze %dma_start3A_153 : memref<1x128xi32, #tpu.memory_space<vmem>> -> memref<128xi32, #tpu.memory_space<vmem>>
          %dma_start3A_155 = arith.constant 0 : i32
          %dma_start3A_156 = arith.constant 0 : i32
          %dma_start3A_157 = tpu.memref_slice %arg3[%dma_start3A_155, %dma_start3A_156] : memref<10240x64xf32, #tpu.memory_space<hbm>> -> memref<10240x64xf32, #tpu.memory_space<hbm>>
          tpu.enqueue_indirect_dma source(%dma_start3A_157 : memref<10240x64xf32, #tpu.memory_space<hbm>>) target(%arg11 : memref<128x64xf32, #tpu.memory_space<vmem>>) offsets(%dma_start3A_154 : memref<128xi32, #tpu.memory_space<vmem>>) semaphore(%arg13 : memref<!tpu.dma_semaphore, #tpu.memory_space<semaphore_mem>>)
        } else {
        }
        %lt3A_125 = arith.constant 23 : i32
        %lt3A_126 = arith.cmpi slt, %scan3A_64, %lt3A_125 : i32
        %convert_element_type3A_127 = arith.extui %lt3A_126 : i1 to i32
        %cond3A_128 = arith.constant 0 : i32
        %cond3A_129 = arith.cmpi ne, %convert_element_type3A_127, %cond3A_128 : i32
        scf.if %cond3A_129 {
          %dma_wait3A_130 = arith.constant 0 : i32
          %dma_wait3A_131 = arith.constant 0 : i32
          %dma_wait3A_132 = tpu.memref_slice %arg6[%dma_wait3A_130, %dma_wait3A_131] : memref<327680x128xf32, #tpu.memory_space<hbm>> -> memref<128x64xf32, #tpu.memory_space<hbm>>
          %dma_wait3A_133 = arith.constant 0 : i32
          %dma_wait3A_134 = arith.constant 0 : i32
          %dma_wait3A_135 = tpu.memref_slice %arg6[%dma_wait3A_133, %dma_wait3A_134] : memref<327680x128xf32, #tpu.memory_space<hbm>> -> memref<128x64xf32, #tpu.memory_space<hbm>>
          tpu.wait_dma2 semaphore(%arg16 : memref<!tpu.dma_semaphore, #tpu.memory_space<semaphore_mem>>) src(%arg10 : memref<128x64xf32, #tpu.memory_space<vmem>>) dst(%dma_wait3A_135 : memref<128x64xf32, #tpu.memory_space<hbm>>)
          %dma_wait3A_136 = arith.constant 0 : i32
          %dma_wait3A_137 = arith.constant 64 : i32
          %dma_wait3A_138 = tpu.memref_slice %arg6[%dma_wait3A_136, %dma_wait3A_137] : memref<327680x128xf32, #tpu.memory_space<hbm>> -> memref<128x64xf32, #tpu.memory_space<hbm>>
          %dma_wait3A_139 = arith.constant 0 : i32
          %dma_wait3A_140 = arith.constant 64 : i32
          %dma_wait3A_141 = tpu.memref_slice %arg6[%dma_wait3A_139, %dma_wait3A_140] : memref<327680x128xf32, #tpu.memory_space<hbm>> -> memref<128x64xf32, #tpu.memory_space<hbm>>
          tpu.wait_dma2 semaphore(%arg16 : memref<!tpu.dma_semaphore, #tpu.memory_space<semaphore_mem>>) src(%arg12 : memref<128x64xf32, #tpu.memory_space<vmem>>) dst(%dma_wait3A_141 : memref<128x64xf32, #tpu.memory_space<hbm>>)
          %add3A_142 = arith.constant 2 : i32
          %add3A_143 = arith.addi %mul3A_66, %add3A_142 : i32
          %add3A_144 = arith.constant 1 : i32
          %add3A_145 = arith.addi %add3A_143, %add3A_144 : i32
          %dma_start3A_146 = arith.constant 0 : i32
          %dma_start3A_147 = tpu.memref_slice %arg8[%add3A_145, %dma_start3A_146] : memref<112x128xi32, #tpu.memory_space<vmem>> -> memref<1x128xi32, #tpu.memory_space<vmem>>
          %dma_start3A_148 = tpu.memref_squeeze %dma_start3A_147 : memref<1x128xi32, #tpu.memory_space<vmem>> -> memref<128xi32, #tpu.memory_space<vmem>>
          %dma_start3A_149 = arith.constant 0 : i32
          %dma_start3A_150 = arith.constant 0 : i32
          %dma_start3A_151 = tpu.memref_slice %arg2[%dma_start3A_149, %dma_start3A_150] : memref<10240x64xf32, #tpu.memory_space<hbm>> -> memref<10240x64xf32, #tpu.memory_space<hbm>>
          tpu.enqueue_indirect_dma source(%dma_start3A_151 : memref<10240x64xf32, #tpu.memory_space<hbm>>) target(%arg10 : memref<128x64xf32, #tpu.memory_space<vmem>>) offsets(%dma_start3A_148 : memref<128xi32, #tpu.memory_space<vmem>>) semaphore(%arg14 : memref<!tpu.dma_semaphore, #tpu.memory_space<semaphore_mem>>)
          %dma_start3A_152 = arith.constant 0 : i32
          %dma_start3A_153 = tpu.memref_slice %arg7[%add3A_145, %dma_start3A_152] : memref<112x128xi32, #tpu.memory_space<vmem>> -> memref<1x128xi32, #tpu.memory_space<vmem>>
          %dma_start3A_154 = tpu.memref_squeeze %dma_start3A_153 : memref<1x128xi32, #tpu.memory_space<vmem>> -> memref<128xi32, #tpu.memory_space<vmem>>
          %dma_start3A_155 = arith.constant 0 : i32
          %dma_start3A_156 = arith.constant 0 : i32
          %dma_start3A_157 = tpu.memref_slice %arg3[%dma_start3A_155, %dma_start3A_156] : memref<10240x64xf32, #tpu.memory_space<hbm>> -> memref<10240x64xf32, #tpu.memory_space<hbm>>
          tpu.enqueue_indirect_dma source(%dma_start3A_157 : memref<10240x64xf32, #tpu.memory_space<hbm>>) target(%arg12 : memref<128x64xf32, #tpu.memory_space<vmem>>) offsets(%dma_start3A_154 : memref<128xi32, #tpu.memory_space<vmem>>) semaphore(%arg14 : memref<!tpu.dma_semaphore, #tpu.memory_space<semaphore_mem>>)
        } else {
        }
      }
      %scan3A_40 = arith.constant 24 : i32
      %dma_wait3A = arith.constant 0 : i32
      %dma_wait3A_41 = arith.constant 0 : i32
      %dma_wait3A_42 = tpu.memref_slice %arg6[%dma_wait3A, %dma_wait3A_41] : memref<327680x128xf32, #tpu.memory_space<hbm>> -> memref<128x64xf32, #tpu.memory_space<hbm>>
      %dma_wait3A_43 = arith.constant 0 : i32
      %dma_wait3A_44 = arith.constant 0 : i32
      %dma_wait3A_45 = tpu.memref_slice %arg6[%dma_wait3A_43, %dma_wait3A_44] : memref<327680x128xf32, #tpu.memory_space<hbm>> -> memref<128x64xf32, #tpu.memory_space<hbm>>
      tpu.wait_dma2 semaphore(%arg15 : memref<!tpu.dma_semaphore, #tpu.memory_space<semaphore_mem>>) src(%arg9 : memref<128x64xf32, #tpu.memory_space<vmem>>) dst(%dma_wait3A_45 : memref<128x64xf32, #tpu.memory_space<hbm>>)
      %dma_wait3A_46 = arith.constant 0 : i32
      %dma_wait3A_47 = arith.constant 64 : i32
      %dma_wait3A_48 = tpu.memref_slice %arg6[%dma_wait3A_46, %dma_wait3A_47] : memref<327680x128xf32, #tpu.memory_space<hbm>> -> memref<128x64xf32, #tpu.memory_space<hbm>>
      %dma_wait3A_49 = arith.constant 0 : i32
      %dma_wait3A_50 = arith.constant 64 : i32
      %dma_wait3A_51 = tpu.memref_slice %arg6[%dma_wait3A_49, %dma_wait3A_50] : memref<327680x128xf32, #tpu.memory_space<hbm>> -> memref<128x64xf32, #tpu.memory_space<hbm>>
      tpu.wait_dma2 semaphore(%arg15 : memref<!tpu.dma_semaphore, #tpu.memory_space<semaphore_mem>>) src(%arg11 : memref<128x64xf32, #tpu.memory_space<vmem>>) dst(%dma_wait3A_51 : memref<128x64xf32, #tpu.memory_space<hbm>>)
      %dma_wait3A_52 = arith.constant 0 : i32
      %dma_wait3A_53 = arith.constant 0 : i32
      %dma_wait3A_54 = tpu.memref_slice %arg6[%dma_wait3A_52, %dma_wait3A_53] : memref<327680x128xf32, #tpu.memory_space<hbm>> -> memref<128x64xf32, #tpu.memory_space<hbm>>
      %dma_wait3A_55 = arith.constant 0 : i32
      %dma_wait3A_56 = arith.constant 0 : i32
      %dma_wait3A_57 = tpu.memref_slice %arg6[%dma_wait3A_55, %dma_wait3A_56] : memref<327680x128xf32, #tpu.memory_space<hbm>> -> memref<128x64xf32, #tpu.memory_space<hbm>>
      tpu.wait_dma2 semaphore(%arg16 : memref<!tpu.dma_semaphore, #tpu.memory_space<semaphore_mem>>) src(%arg10 : memref<128x64xf32, #tpu.memory_space<vmem>>) dst(%dma_wait3A_57 : memref<128x64xf32, #tpu.memory_space<hbm>>)
      %dma_wait3A_58 = arith.constant 0 : i32
      %dma_wait3A_59 = arith.constant 64 : i32
      %dma_wait3A_60 = tpu.memref_slice %arg6[%dma_wait3A_58, %dma_wait3A_59] : memref<327680x128xf32, #tpu.memory_space<hbm>> -> memref<128x64xf32, #tpu.memory_space<hbm>>
      %dma_wait3A_61 = arith.constant 0 : i32
      %dma_wait3A_62 = arith.constant 64 : i32
      %dma_wait3A_63 = tpu.memref_slice %arg6[%dma_wait3A_61, %dma_wait3A_62] : memref<327680x128xf32, #tpu.memory_space<hbm>> -> memref<128x64xf32, #tpu.memory_space<hbm>>
      tpu.wait_dma2 semaphore(%arg16 : memref<!tpu.dma_semaphore, #tpu.memory_space<semaphore_mem>>) src(%arg12 : memref<128x64xf32, #tpu.memory_space<vmem>>) dst(%dma_wait3A_63 : memref<128x64xf32, #tpu.memory_space<hbm>>)
    } else {
    }
    return
  }
}

#map = affine_map<(d0, d1) -> (0, 0)>
module attributes {stable_mosaic.version = 14 : i64} {
  func.func @_sc_scatter(%arg0: i32, %arg1: i32, %arg2: memref<327680x128xf32, #tpu.memory_space<hbm>>, %arg3: memref<2560x128xi32, #tpu.memory_space<hbm>>, %arg4: memref<20480x128xf32, #tpu.memory_space<hbm>>, %arg5: memref<80x128xi32, #tpu.memory_space<vmem>>, %arg6: memref<128x128xf32, #tpu.memory_space<vmem>>, %arg7: memref<128x128xf32, #tpu.memory_space<vmem>>, %arg8: memref<10240x128xf32, #tpu.memory_space<vmem_shared>>, %arg9: memref<!tpu.dma_semaphore, #tpu.memory_space<semaphore_mem>>, %arg10: memref<!tpu.dma_semaphore, #tpu.memory_space<semaphore_mem>>, %arg11: memref<!tpu.dma_semaphore, #tpu.memory_space<semaphore_mem>>, %arg12: memref<!tpu.dma_semaphore, #tpu.memory_space<semaphore_mem>>) attributes {dimension_semantics = [#tpu.dimension_semantics<core_parallel>, #tpu.dimension_semantics<subcore_parallel>], iteration_bounds = array<i64: 2, 16>, scalar_prefetch = 0 : i64, scratch_operands = 8 : i64, tpu.core_type = #tpu.core_type<sc_vector_subcore>, window_params = [{transform_indices = #map}, {transform_indices = #map}, {transform_indices = #map}]} {
    %mul3A = arith.constant 1280 : i32
    %mul3A_0 = arith.muli %arg0, %mul3A : i32
    %mul3A_1 = arith.constant 80 : i32
    %mul3A_2 = arith.muli %arg1, %mul3A_1 : i32
    %add3A = arith.addi %mul3A_0, %mul3A_2 : i32
    "tpu.region"() ({
      %run_scoped3A = tpu.sem_alloc : memref<!tpu.dma_semaphore, #tpu.memory_space<semaphore_mem>>
      %dma_start3A_71 = arith.constant 0 : i32
      %dma_start3A_72 = tpu.memref_slice %arg3[%add3A, %dma_start3A_71] : memref<2560x128xi32, #tpu.memory_space<hbm>> -> memref<80x128xi32, #tpu.memory_space<hbm>>
      %dma_start3A_73 = arith.constant 0 : i32
      %dma_start3A_74 = tpu.memref_slice %arg3[%add3A, %dma_start3A_73] : memref<2560x128xi32, #tpu.memory_space<hbm>> -> memref<80x128xi32, #tpu.memory_space<hbm>>
      tpu.enqueue_dma source(%dma_start3A_74 : memref<80x128xi32, #tpu.memory_space<hbm>>) target(%arg5 : memref<80x128xi32, #tpu.memory_space<vmem>>) target_semaphore(%run_scoped3A : memref<!tpu.dma_semaphore, #tpu.memory_space<semaphore_mem>>)
      %dma_wait3A_75 = arith.constant 0 : i32
      %dma_wait3A_76 = tpu.memref_slice %arg3[%add3A, %dma_wait3A_75] : memref<2560x128xi32, #tpu.memory_space<hbm>> -> memref<80x128xi32, #tpu.memory_space<hbm>>
      %dma_wait3A_77 = arith.constant 0 : i32
      %dma_wait3A_78 = tpu.memref_slice %arg3[%add3A, %dma_wait3A_77] : memref<2560x128xi32, #tpu.memory_space<hbm>> -> memref<80x128xi32, #tpu.memory_space<hbm>>
      tpu.wait_dma2 semaphore(%run_scoped3A : memref<!tpu.dma_semaphore, #tpu.memory_space<semaphore_mem>>) src(%dma_wait3A_78 : memref<80x128xi32, #tpu.memory_space<hbm>>) dst(%arg5 : memref<80x128xi32, #tpu.memory_space<vmem>>)
      tpu.yield
    }) : () -> ()
    %broadcast_in_dim3A = arith.constant 0.000000e+00 : f32
    %broadcast_in_dim3A_3 = vector.broadcast %broadcast_in_dim3A : f32 to vector<16xf32>
    %scan3A = arith.constant 0 : i32
    %scan3A_4 = arith.constant 0 : i32
    %scan3A_5 = arith.constant 128 : i32
    %scan3A_6 = arith.addi %scan3A_4, %scan3A_5 : i32
    %scan3A_7 = arith.constant 1 : i32
    scf.for %scan3A_71 = %scan3A_4 to %scan3A_6 step %scan3A_7  : i32 {
      %swap3A = arith.index_cast %scan3A_71 : i32 to index
      %swap3A_72 = arith.constant 0 : index
      %swap3A_73 = tpu.vector_load %arg6[%swap3A, %swap3A_72] {strides = array<i32>} : memref<128x128xf32, #tpu.memory_space<vmem>>, vector<1x16xf32>,
      %swap3A_74 = vector.shape_cast %swap3A_73 : vector<1x16xf32> to vector<16xf32>
      %swap3A_75 = vector.shape_cast %broadcast_in_dim3A_3 : vector<16xf32> to vector<1x16xf32>
      tpu.vector_store %arg6[%swap3A, %swap3A_72], %swap3A_75 {strides = array<i32>} : memref<128x128xf32, #tpu.memory_space<vmem>>, vector<1x16xf32>,
      %swap3A_76 = arith.index_cast %scan3A_71 : i32 to index
      %swap3A_77 = arith.constant 16 : index
      %swap3A_78 = tpu.vector_load %arg6[%swap3A_76, %swap3A_77] {strides = array<i32>} : memref<128x128xf32, #tpu.memory_space<vmem>>, vector<1x16xf32>,
      %swap3A_79 = vector.shape_cast %swap3A_78 : vector<1x16xf32> to vector<16xf32>
      %swap3A_80 = vector.shape_cast %broadcast_in_dim3A_3 : vector<16xf32> to vector<1x16xf32>
      tpu.vector_store %arg6[%swap3A_76, %swap3A_77], %swap3A_80 {strides = array<i32>} : memref<128x128xf32, #tpu.memory_space<vmem>>, vector<1x16xf32>,
      %swap3A_81 = arith.index_cast %scan3A_71 : i32 to index
      %swap3A_82 = arith.constant 32 : index
      %swap3A_83 = tpu.vector_load %arg6[%swap3A_81, %swap3A_82] {strides = array<i32>} : memref<128x128xf32, #tpu.memory_space<vmem>>, vector<1x16xf32>,
      %swap3A_84 = vector.shape_cast %swap3A_83 : vector<1x16xf32> to vector<16xf32>
      %swap3A_85 = vector.shape_cast %broadcast_in_dim3A_3 : vector<16xf32> to vector<1x16xf32>
      tpu.vector_store %arg6[%swap3A_81, %swap3A_82], %swap3A_85 {strides = array<i32>} : memref<128x128xf32, #tpu.memory_space<vmem>>, vector<1x16xf32>,
      %swap3A_86 = arith.index_cast %scan3A_71 : i32 to index
      %swap3A_87 = arith.constant 48 : index
      %swap3A_88 = tpu.vector_load %arg6[%swap3A_86, %swap3A_87] {strides = array<i32>} : memref<128x128xf32, #tpu.memory_space<vmem>>, vector<1x16xf32>,
      %swap3A_89 = vector.shape_cast %swap3A_88 : vector<1x16xf32> to vector<16xf32>
      %swap3A_90 = vector.shape_cast %broadcast_in_dim3A_3 : vector<16xf32> to vector<1x16xf32>
      tpu.vector_store %arg6[%swap3A_86, %swap3A_87], %swap3A_90 {strides = array<i32>} : memref<128x128xf32, #tpu.memory_space<vmem>>, vector<1x16xf32>,
      %swap3A_91 = arith.index_cast %scan3A_71 : i32 to index
      %swap3A_92 = arith.constant 64 : index
      %swap3A_93 = tpu.vector_load %arg6[%swap3A_91, %swap3A_92] {strides = array<i32>} : memref<128x128xf32, #tpu.memory_space<vmem>>, vector<1x16xf32>,
      %swap3A_94 = vector.shape_cast %swap3A_93 : vector<1x16xf32> to vector<16xf32>
      %swap3A_95 = vector.shape_cast %broadcast_in_dim3A_3 : vector<16xf32> to vector<1x16xf32>
      tpu.vector_store %arg6[%swap3A_91, %swap3A_92], %swap3A_95 {strides = array<i32>} : memref<128x128xf32, #tpu.memory_space<vmem>>, vector<1x16xf32>,
      %swap3A_96 = arith.index_cast %scan3A_71 : i32 to index
      %swap3A_97 = arith.constant 80 : index
      %swap3A_98 = tpu.vector_load %arg6[%swap3A_96, %swap3A_97] {strides = array<i32>} : memref<128x128xf32, #tpu.memory_space<vmem>>, vector<1x16xf32>,
      %swap3A_99 = vector.shape_cast %swap3A_98 : vector<1x16xf32> to vector<16xf32>
      %swap3A_100 = vector.shape_cast %broadcast_in_dim3A_3 : vector<16xf32> to vector<1x16xf32>
      tpu.vector_store %arg6[%swap3A_96, %swap3A_97], %swap3A_100 {strides = array<i32>} : memref<128x128xf32, #tpu.memory_space<vmem>>, vector<1x16xf32>,
      %swap3A_101 = arith.index_cast %scan3A_71 : i32 to index
      %swap3A_102 = arith.constant 96 : index
      %swap3A_103 = tpu.vector_load %arg6[%swap3A_101, %swap3A_102] {strides = array<i32>} : memref<128x128xf32, #tpu.memory_space<vmem>>, vector<1x16xf32>,
      %swap3A_104 = vector.shape_cast %swap3A_103 : vector<1x16xf32> to vector<16xf32>
      %swap3A_105 = vector.shape_cast %broadcast_in_dim3A_3 : vector<16xf32> to vector<1x16xf32>
      tpu.vector_store %arg6[%swap3A_101, %swap3A_102], %swap3A_105 {strides = array<i32>} : memref<128x128xf32, #tpu.memory_space<vmem>>, vector<1x16xf32>,
      %swap3A_106 = arith.index_cast %scan3A_71 : i32 to index
      %swap3A_107 = arith.constant 112 : index
      %swap3A_108 = tpu.vector_load %arg6[%swap3A_106, %swap3A_107] {strides = array<i32>} : memref<128x128xf32, #tpu.memory_space<vmem>>, vector<1x16xf32>,
      %swap3A_109 = vector.shape_cast %swap3A_108 : vector<1x16xf32> to vector<16xf32>
      %swap3A_110 = vector.shape_cast %broadcast_in_dim3A_3 : vector<16xf32> to vector<1x16xf32>
      tpu.vector_store %arg6[%swap3A_106, %swap3A_107], %swap3A_110 {strides = array<i32>} : memref<128x128xf32, #tpu.memory_space<vmem>>, vector<1x16xf32>,
    }
    %scan3A_8 = arith.constant 128 : i32
    %mul3A_9 = arith.constant 640 : i32
    %mul3A_10 = arith.muli %arg1, %mul3A_9 : i32
    %add3A_11 = arith.constant 0 : i32
    %add3A_12 = arith.addi %mul3A_10, %add3A_11 : i32
    "tpu.region"() ({
      %run_scoped3A = tpu.sem_alloc : memref<!tpu.dma_semaphore, #tpu.memory_space<semaphore_mem>>
      %dma_start3A_71 = arith.constant 0 : i32
      %dma_start3A_72 = tpu.memref_slice %arg8[%add3A_12, %dma_start3A_71] : memref<10240x128xf32, #tpu.memory_space<vmem_shared>> -> memref<128x128xf32, #tpu.memory_space<vmem_shared>>
      %dma_start3A_73 = arith.constant 0 : i32
      %dma_start3A_74 = tpu.memref_slice %arg8[%add3A_12, %dma_start3A_73] : memref<10240x128xf32, #tpu.memory_space<vmem_shared>> -> memref<128x128xf32, #tpu.memory_space<vmem_shared>>
      tpu.enqueue_dma source(%arg6 : memref<128x128xf32, #tpu.memory_space<vmem>>) target(%dma_start3A_74 : memref<128x128xf32, #tpu.memory_space<vmem_shared>>) target_semaphore(%run_scoped3A : memref<!tpu.dma_semaphore, #tpu.memory_space<semaphore_mem>>)
      %dma_wait3A_75 = arith.constant 0 : i32
      %dma_wait3A_76 = tpu.memref_slice %arg8[%add3A_12, %dma_wait3A_75] : memref<10240x128xf32, #tpu.memory_space<vmem_shared>> -> memref<128x128xf32, #tpu.memory_space<vmem_shared>>
      %dma_wait3A_77 = arith.constant 0 : i32
      %dma_wait3A_78 = tpu.memref_slice %arg8[%add3A_12, %dma_wait3A_77] : memref<10240x128xf32, #tpu.memory_space<vmem_shared>> -> memref<128x128xf32, #tpu.memory_space<vmem_shared>>
      tpu.wait_dma2 semaphore(%run_scoped3A : memref<!tpu.dma_semaphore, #tpu.memory_space<semaphore_mem>>) src(%arg6 : memref<128x128xf32, #tpu.memory_space<vmem>>) dst(%dma_wait3A_78 : memref<128x128xf32, #tpu.memory_space<vmem_shared>>)
      tpu.yield
    }) : () -> ()
    %mul3A_13 = arith.constant 640 : i32
    %mul3A_14 = arith.muli %arg1, %mul3A_13 : i32
    %add3A_15 = arith.constant 128 : i32
    %add3A_16 = arith.addi %mul3A_14, %add3A_15 : i32
    "tpu.region"() ({
      %run_scoped3A = tpu.sem_alloc : memref<!tpu.dma_semaphore, #tpu.memory_space<semaphore_mem>>
      %dma_start3A_71 = arith.constant 0 : i32
      %dma_start3A_72 = tpu.memref_slice %arg8[%add3A_16, %dma_start3A_71] : memref<10240x128xf32, #tpu.memory_space<vmem_shared>> -> memref<128x128xf32, #tpu.memory_space<vmem_shared>>
      %dma_start3A_73 = arith.constant 0 : i32
      %dma_start3A_74 = tpu.memref_slice %arg8[%add3A_16, %dma_start3A_73] : memref<10240x128xf32, #tpu.memory_space<vmem_shared>> -> memref<128x128xf32, #tpu.memory_space<vmem_shared>>
      tpu.enqueue_dma source(%arg6 : memref<128x128xf32, #tpu.memory_space<vmem>>) target(%dma_start3A_74 : memref<128x128xf32, #tpu.memory_space<vmem_shared>>) target_semaphore(%run_scoped3A : memref<!tpu.dma_semaphore, #tpu.memory_space<semaphore_mem>>)
      %dma_wait3A_75 = arith.constant 0 : i32
      %dma_wait3A_76 = tpu.memref_slice %arg8[%add3A_16, %dma_wait3A_75] : memref<10240x128xf32, #tpu.memory_space<vmem_shared>> -> memref<128x128xf32, #tpu.memory_space<vmem_shared>>
      %dma_wait3A_77 = arith.constant 0 : i32
      %dma_wait3A_78 = tpu.memref_slice %arg8[%add3A_16, %dma_wait3A_77] : memref<10240x128xf32, #tpu.memory_space<vmem_shared>> -> memref<128x128xf32, #tpu.memory_space<vmem_shared>>
      tpu.wait_dma2 semaphore(%run_scoped3A : memref<!tpu.dma_semaphore, #tpu.memory_space<semaphore_mem>>) src(%arg6 : memref<128x128xf32, #tpu.memory_space<vmem>>) dst(%dma_wait3A_78 : memref<128x128xf32, #tpu.memory_space<vmem_shared>>)
      tpu.yield
    }) : () -> ()
    %mul3A_17 = arith.constant 640 : i32
    %mul3A_18 = arith.muli %arg1, %mul3A_17 : i32
    %add3A_19 = arith.constant 256 : i32
    %add3A_20 = arith.addi %mul3A_18, %add3A_19 : i32
    "tpu.region"() ({
      %run_scoped3A = tpu.sem_alloc : memref<!tpu.dma_semaphore, #tpu.memory_space<semaphore_mem>>
      %dma_start3A_71 = arith.constant 0 : i32
      %dma_start3A_72 = tpu.memref_slice %arg8[%add3A_20, %dma_start3A_71] : memref<10240x128xf32, #tpu.memory_space<vmem_shared>> -> memref<128x128xf32, #tpu.memory_space<vmem_shared>>
      %dma_start3A_73 = arith.constant 0 : i32
      %dma_start3A_74 = tpu.memref_slice %arg8[%add3A_20, %dma_start3A_73] : memref<10240x128xf32, #tpu.memory_space<vmem_shared>> -> memref<128x128xf32, #tpu.memory_space<vmem_shared>>
      tpu.enqueue_dma source(%arg6 : memref<128x128xf32, #tpu.memory_space<vmem>>) target(%dma_start3A_74 : memref<128x128xf32, #tpu.memory_space<vmem_shared>>) target_semaphore(%run_scoped3A : memref<!tpu.dma_semaphore, #tpu.memory_space<semaphore_mem>>)
      %dma_wait3A_75 = arith.constant 0 : i32
      %dma_wait3A_76 = tpu.memref_slice %arg8[%add3A_20, %dma_wait3A_75] : memref<10240x128xf32, #tpu.memory_space<vmem_shared>> -> memref<128x128xf32, #tpu.memory_space<vmem_shared>>
      %dma_wait3A_77 = arith.constant 0 : i32
      %dma_wait3A_78 = tpu.memref_slice %arg8[%add3A_20, %dma_wait3A_77] : memref<10240x128xf32, #tpu.memory_space<vmem_shared>> -> memref<128x128xf32, #tpu.memory_space<vmem_shared>>
      tpu.wait_dma2 semaphore(%run_scoped3A : memref<!tpu.dma_semaphore, #tpu.memory_space<semaphore_mem>>) src(%arg6 : memref<128x128xf32, #tpu.memory_space<vmem>>) dst(%dma_wait3A_78 : memref<128x128xf32, #tpu.memory_space<vmem_shared>>)
      tpu.yield
    }) : () -> ()
    %mul3A_21 = arith.constant 640 : i32
    %mul3A_22 = arith.muli %arg1, %mul3A_21 : i32
    %add3A_23 = arith.constant 384 : i32
    %add3A_24 = arith.addi %mul3A_22, %add3A_23 : i32
    "tpu.region"() ({
      %run_scoped3A = tpu.sem_alloc : memref<!tpu.dma_semaphore, #tpu.memory_space<semaphore_mem>>
      %dma_start3A_71 = arith.constant 0 : i32
      %dma_start3A_72 = tpu.memref_slice %arg8[%add3A_24, %dma_start3A_71] : memref<10240x128xf32, #tpu.memory_space<vmem_shared>> -> memref<128x128xf32, #tpu.memory_space<vmem_shared>>
      %dma_start3A_73 = arith.constant 0 : i32
      %dma_start3A_74 = tpu.memref_slice %arg8[%add3A_24, %dma_start3A_73] : memref<10240x128xf32, #tpu.memory_space<vmem_shared>> -> memref<128x128xf32, #tpu.memory_space<vmem_shared>>
      tpu.enqueue_dma source(%arg6 : memref<128x128xf32, #tpu.memory_space<vmem>>) target(%dma_start3A_74 : memref<128x128xf32, #tpu.memory_space<vmem_shared>>) target_semaphore(%run_scoped3A : memref<!tpu.dma_semaphore, #tpu.memory_space<semaphore_mem>>)
      %dma_wait3A_75 = arith.constant 0 : i32
      %dma_wait3A_76 = tpu.memref_slice %arg8[%add3A_24, %dma_wait3A_75] : memref<10240x128xf32, #tpu.memory_space<vmem_shared>> -> memref<128x128xf32, #tpu.memory_space<vmem_shared>>
      %dma_wait3A_77 = arith.constant 0 : i32
      %dma_wait3A_78 = tpu.memref_slice %arg8[%add3A_24, %dma_wait3A_77] : memref<10240x128xf32, #tpu.memory_space<vmem_shared>> -> memref<128x128xf32, #tpu.memory_space<vmem_shared>>
      tpu.wait_dma2 semaphore(%run_scoped3A : memref<!tpu.dma_semaphore, #tpu.memory_space<semaphore_mem>>) src(%arg6 : memref<128x128xf32, #tpu.memory_space<vmem>>) dst(%dma_wait3A_78 : memref<128x128xf32, #tpu.memory_space<vmem_shared>>)
      tpu.yield
    }) : () -> ()
    %mul3A_25 = arith.constant 640 : i32
    %mul3A_26 = arith.muli %arg1, %mul3A_25 : i32
    %add3A_27 = arith.constant 512 : i32
    %add3A_28 = arith.addi %mul3A_26, %add3A_27 : i32
    "tpu.region"() ({
      %run_scoped3A = tpu.sem_alloc : memref<!tpu.dma_semaphore, #tpu.memory_space<semaphore_mem>>
      %dma_start3A_71 = arith.constant 0 : i32
      %dma_start3A_72 = tpu.memref_slice %arg8[%add3A_28, %dma_start3A_71] : memref<10240x128xf32, #tpu.memory_space<vmem_shared>> -> memref<128x128xf32, #tpu.memory_space<vmem_shared>>
      %dma_start3A_73 = arith.constant 0 : i32
      %dma_start3A_74 = tpu.memref_slice %arg8[%add3A_28, %dma_start3A_73] : memref<10240x128xf32, #tpu.memory_space<vmem_shared>> -> memref<128x128xf32, #tpu.memory_space<vmem_shared>>
      tpu.enqueue_dma source(%arg6 : memref<128x128xf32, #tpu.memory_space<vmem>>) target(%dma_start3A_74 : memref<128x128xf32, #tpu.memory_space<vmem_shared>>) target_semaphore(%run_scoped3A : memref<!tpu.dma_semaphore, #tpu.memory_space<semaphore_mem>>)
      %dma_wait3A_75 = arith.constant 0 : i32
      %dma_wait3A_76 = tpu.memref_slice %arg8[%add3A_28, %dma_wait3A_75] : memref<10240x128xf32, #tpu.memory_space<vmem_shared>> -> memref<128x128xf32, #tpu.memory_space<vmem_shared>>
      %dma_wait3A_77 = arith.constant 0 : i32
      %dma_wait3A_78 = tpu.memref_slice %arg8[%add3A_28, %dma_wait3A_77] : memref<10240x128xf32, #tpu.memory_space<vmem_shared>> -> memref<128x128xf32, #tpu.memory_space<vmem_shared>>
      tpu.wait_dma2 semaphore(%run_scoped3A : memref<!tpu.dma_semaphore, #tpu.memory_space<semaphore_mem>>) src(%arg6 : memref<128x128xf32, #tpu.memory_space<vmem>>) dst(%dma_wait3A_78 : memref<128x128xf32, #tpu.memory_space<vmem_shared>>)
      tpu.yield
    }) : () -> ()
    %barrier3A = arith.constant 0 : index
    tpu.barrier barrier_id(%barrier3A)
    %add3A_29 = arith.constant 0 : i32
    %add3A_30 = arith.addi %add3A, %add3A_29 : i32
    %mul3A_31 = arith.constant 128 : i32
    %mul3A_32 = arith.muli %add3A_30, %mul3A_31 : i32
    %dma_start3A = arith.constant 0 : i32
    %dma_start3A_33 = tpu.memref_slice %arg2[%mul3A_32, %dma_start3A] : memref<327680x128xf32, #tpu.memory_space<hbm>> -> memref<128x128xf32, #tpu.memory_space<hbm>>
    %dma_start3A_34 = arith.constant 0 : i32
    %dma_start3A_35 = tpu.memref_slice %arg2[%mul3A_32, %dma_start3A_34] : memref<327680x128xf32, #tpu.memory_space<hbm>> -> memref<128x128xf32, #tpu.memory_space<hbm>>
    tpu.enqueue_dma source(%dma_start3A_35 : memref<128x128xf32, #tpu.memory_space<hbm>>) target(%arg6 : memref<128x128xf32, #tpu.memory_space<vmem>>) target_semaphore(%arg9 : memref<!tpu.dma_semaphore, #tpu.memory_space<semaphore_mem>>)
    %add3A_36 = arith.constant 1 : i32
    %add3A_37 = arith.addi %add3A, %add3A_36 : i32
    %mul3A_38 = arith.constant 128 : i32
    %mul3A_39 = arith.muli %add3A_37, %mul3A_38 : i32
    %dma_start3A_40 = arith.constant 0 : i32
    %dma_start3A_41 = tpu.memref_slice %arg2[%mul3A_39, %dma_start3A_40] : memref<327680x128xf32, #tpu.memory_space<hbm>> -> memref<128x128xf32, #tpu.memory_space<hbm>>
    %dma_start3A_42 = arith.constant 0 : i32
    %dma_start3A_43 = tpu.memref_slice %arg2[%mul3A_39, %dma_start3A_42] : memref<327680x128xf32, #tpu.memory_space<hbm>> -> memref<128x128xf32, #tpu.memory_space<hbm>>
    tpu.enqueue_dma source(%dma_start3A_43 : memref<128x128xf32, #tpu.memory_space<hbm>>) target(%arg7 : memref<128x128xf32, #tpu.memory_space<vmem>>) target_semaphore(%arg10 : memref<!tpu.dma_semaphore, #tpu.memory_space<semaphore_mem>>)
    %scan3A_44 = arith.constant 0 : i32
    %scan3A_45 = arith.constant 0 : i32
    %scan3A_46 = arith.constant 40 : i32
    %scan3A_47 = arith.addi %scan3A_45, %scan3A_46 : i32
    %scan3A_48 = arith.constant 1 : i32
    scf.for %scan3A_71 = %scan3A_45 to %scan3A_47 step %scan3A_48  : i32 {
      %mul3A_72 = arith.constant 2 : i32
      %mul3A_73 = arith.muli %scan3A_71, %mul3A_72 : i32
      %dma_wait3A_74 = arith.constant 0 : i32
      %dma_wait3A_75 = arith.constant 0 : i32
      %dma_wait3A_76 = tpu.memref_slice %arg2[%dma_wait3A_74, %dma_wait3A_75] : memref<327680x128xf32, #tpu.memory_space<hbm>> -> memref<128x128xf32, #tpu.memory_space<hbm>>
      %dma_wait3A_77 = arith.constant 0 : i32
      %dma_wait3A_78 = arith.constant 0 : i32
      %dma_wait3A_79 = tpu.memref_slice %arg2[%dma_wait3A_77, %dma_wait3A_78] : memref<327680x128xf32, #tpu.memory_space<hbm>> -> memref<128x128xf32, #tpu.memory_space<hbm>>
      tpu.wait_dma2 semaphore(%arg9 : memref<!tpu.dma_semaphore, #tpu.memory_space<semaphore_mem>>) src(%dma_wait3A_79 : memref<128x128xf32, #tpu.memory_space<hbm>>) dst(%arg6 : memref<128x128xf32, #tpu.memory_space<vmem>>)
      %add3A_80 = arith.constant 0 : i32
      %add3A_81 = arith.addi %mul3A_73, %add3A_80 : i32
      %dma_start3A_82 = arith.constant 0 : i32
      %dma_start3A_83 = tpu.memref_slice %arg5[%add3A_81, %dma_start3A_82] : memref<80x128xi32, #tpu.memory_space<vmem>> -> memref<1x128xi32, #tpu.memory_space<vmem>>
      %dma_start3A_84 = tpu.memref_squeeze %dma_start3A_83 : memref<1x128xi32, #tpu.memory_space<vmem>> -> memref<128xi32, #tpu.memory_space<vmem>>
      %dma_start3A_85 = arith.constant 0 : i32
      %dma_start3A_86 = arith.constant 0 : i32
      %dma_start3A_87 = tpu.memref_slice %arg8[%dma_start3A_85, %dma_start3A_86] : memref<10240x128xf32, #tpu.memory_space<vmem_shared>> -> memref<10240x128xf32, #tpu.memory_space<vmem_shared>>
      tpu.enqueue_indirect_dma source(%arg6 : memref<128x128xf32, #tpu.memory_space<vmem>>) target(%dma_start3A_87 : memref<10240x128xf32, #tpu.memory_space<vmem_shared>>) offsets(%dma_start3A_84 : memref<128xi32, #tpu.memory_space<vmem>>) semaphore(%arg11 : memref<!tpu.dma_semaphore, #tpu.memory_space<semaphore_mem>>) {add = true}
      %dma_wait3A_88 = arith.constant 0 : i32
      %dma_wait3A_89 = arith.constant 0 : i32
      %dma_wait3A_90 = tpu.memref_slice %arg2[%dma_wait3A_88, %dma_wait3A_89] : memref<327680x128xf32, #tpu.memory_space<hbm>> -> memref<128x128xf32, #tpu.memory_space<hbm>>
      %dma_wait3A_91 = arith.constant 0 : i32
      %dma_wait3A_92 = arith.constant 0 : i32
      %dma_wait3A_93 = tpu.memref_slice %arg2[%dma_wait3A_91, %dma_wait3A_92] : memref<327680x128xf32, #tpu.memory_space<hbm>> -> memref<128x128xf32, #tpu.memory_space<hbm>>
      tpu.wait_dma2 semaphore(%arg10 : memref<!tpu.dma_semaphore, #tpu.memory_space<semaphore_mem>>) src(%dma_wait3A_93 : memref<128x128xf32, #tpu.memory_space<hbm>>) dst(%arg7 : memref<128x128xf32, #tpu.memory_space<vmem>>)
      %add3A_94 = arith.constant 1 : i32
      %add3A_95 = arith.addi %mul3A_73, %add3A_94 : i32
      %dma_start3A_96 = arith.constant 0 : i32
      %dma_start3A_97 = tpu.memref_slice %arg5[%add3A_95, %dma_start3A_96] : memref<80x128xi32, #tpu.memory_space<vmem>> -> memref<1x128xi32, #tpu.memory_space<vmem>>
      %dma_start3A_98 = tpu.memref_squeeze %dma_start3A_97 : memref<1x128xi32, #tpu.memory_space<vmem>> -> memref<128xi32, #tpu.memory_space<vmem>>
      %dma_start3A_99 = arith.constant 0 : i32
      %dma_start3A_100 = arith.constant 0 : i32
      %dma_start3A_101 = tpu.memref_slice %arg8[%dma_start3A_99, %dma_start3A_100] : memref<10240x128xf32, #tpu.memory_space<vmem_shared>> -> memref<10240x128xf32, #tpu.memory_space<vmem_shared>>
      tpu.enqueue_indirect_dma source(%arg7 : memref<128x128xf32, #tpu.memory_space<vmem>>) target(%dma_start3A_101 : memref<10240x128xf32, #tpu.memory_space<vmem_shared>>) offsets(%dma_start3A_98 : memref<128xi32, #tpu.memory_space<vmem>>) semaphore(%arg12 : memref<!tpu.dma_semaphore, #tpu.memory_space<semaphore_mem>>) {add = true}
      %lt3A = arith.constant 39 : i32
      %lt3A_102 = arith.cmpi slt, %scan3A_71, %lt3A : i32
      %convert_element_type3A = arith.extui %lt3A_102 : i1 to i32
      %cond3A = arith.constant 0 : i32
      %cond3A_103 = arith.cmpi ne, %convert_element_type3A, %cond3A : i32
      scf.if %cond3A_103 {
        %dma_wait3A_109 = arith.constant 0 : i32
        %dma_wait3A_110 = arith.constant 0 : i32
        %dma_wait3A_111 = tpu.memref_slice %arg5[%dma_wait3A_109, %dma_wait3A_110] : memref<80x128xi32, #tpu.memory_space<vmem>> -> memref<1x128xi32, #tpu.memory_space<vmem>>
        %dma_wait3A_112 = tpu.memref_squeeze %dma_wait3A_111 : memref<1x128xi32, #tpu.memory_space<vmem>> -> memref<128xi32, #tpu.memory_space<vmem>>
        %dma_wait3A_113 = arith.constant 0 : i32
        %dma_wait3A_114 = arith.constant 0 : i32
        %dma_wait3A_115 = tpu.memref_slice %arg8[%dma_wait3A_113, %dma_wait3A_114] : memref<10240x128xf32, #tpu.memory_space<vmem_shared>> -> memref<10240x128xf32, #tpu.memory_space<vmem_shared>>
        tpu.wait_indirect_dma semaphore(%arg11 : memref<!tpu.dma_semaphore, #tpu.memory_space<semaphore_mem>>) src(%arg6 : memref<128x128xf32, #tpu.memory_space<vmem>>) dst(%dma_wait3A_115 : memref<10240x128xf32, #tpu.memory_space<vmem_shared>>)
        %add3A_116 = arith.constant 2 : i32
        %add3A_117 = arith.addi %mul3A_73, %add3A_116 : i32
        %add3A_118 = arith.constant 0 : i32
        %add3A_119 = arith.addi %add3A_117, %add3A_118 : i32
        %add3A_120 = arith.addi %add3A, %add3A_119 : i32
        %mul3A_121 = arith.constant 128 : i32
        %mul3A_122 = arith.muli %add3A_120, %mul3A_121 : i32
        %dma_start3A_123 = arith.constant 0 : i32
        %dma_start3A_124 = tpu.memref_slice %arg2[%mul3A_122, %dma_start3A_123] : memref<327680x128xf32, #tpu.memory_space<hbm>> -> memref<128x128xf32, #tpu.memory_space<hbm>>
        %dma_start3A_125 = arith.constant 0 : i32
        %dma_start3A_126 = tpu.memref_slice %arg2[%mul3A_122, %dma_start3A_125] : memref<327680x128xf32, #tpu.memory_space<hbm>> -> memref<128x128xf32, #tpu.memory_space<hbm>>
        tpu.enqueue_dma source(%dma_start3A_126 : memref<128x128xf32, #tpu.memory_space<hbm>>) target(%arg6 : memref<128x128xf32, #tpu.memory_space<vmem>>) target_semaphore(%arg9 : memref<!tpu.dma_semaphore, #tpu.memory_space<semaphore_mem>>)
      } else {
      }
      %lt3A_104 = arith.constant 39 : i32
      %lt3A_105 = arith.cmpi slt, %scan3A_71, %lt3A_104 : i32
      %convert_element_type3A_106 = arith.extui %lt3A_105 : i1 to i32
      %cond3A_107 = arith.constant 0 : i32
      %cond3A_108 = arith.cmpi ne, %convert_element_type3A_106, %cond3A_107 : i32
      scf.if %cond3A_108 {
        %dma_wait3A_109 = arith.constant 0 : i32
        %dma_wait3A_110 = arith.constant 0 : i32
        %dma_wait3A_111 = tpu.memref_slice %arg5[%dma_wait3A_109, %dma_wait3A_110] : memref<80x128xi32, #tpu.memory_space<vmem>> -> memref<1x128xi32, #tpu.memory_space<vmem>>
        %dma_wait3A_112 = tpu.memref_squeeze %dma_wait3A_111 : memref<1x128xi32, #tpu.memory_space<vmem>> -> memref<128xi32, #tpu.memory_space<vmem>>
        %dma_wait3A_113 = arith.constant 0 : i32
        %dma_wait3A_114 = arith.constant 0 : i32
        %dma_wait3A_115 = tpu.memref_slice %arg8[%dma_wait3A_113, %dma_wait3A_114] : memref<10240x128xf32, #tpu.memory_space<vmem_shared>> -> memref<10240x128xf32, #tpu.memory_space<vmem_shared>>
        tpu.wait_indirect_dma semaphore(%arg12 : memref<!tpu.dma_semaphore, #tpu.memory_space<semaphore_mem>>) src(%arg7 : memref<128x128xf32, #tpu.memory_space<vmem>>) dst(%dma_wait3A_115 : memref<10240x128xf32, #tpu.memory_space<vmem_shared>>)
        %add3A_116 = arith.constant 2 : i32
        %add3A_117 = arith.addi %mul3A_73, %add3A_116 : i32
        %add3A_118 = arith.constant 1 : i32
        %add3A_119 = arith.addi %add3A_117, %add3A_118 : i32
        %add3A_120 = arith.addi %add3A, %add3A_119 : i32
        %mul3A_121 = arith.constant 128 : i32
        %mul3A_122 = arith.muli %add3A_120, %mul3A_121 : i32
        %dma_start3A_123 = arith.constant 0 : i32
        %dma_start3A_124 = tpu.memref_slice %arg2[%mul3A_122, %dma_start3A_123] : memref<327680x128xf32, #tpu.memory_space<hbm>> -> memref<128x128xf32, #tpu.memory_space<hbm>>
        %dma_start3A_125 = arith.constant 0 : i32
        %dma_start3A_126 = tpu.memref_slice %arg2[%mul3A_122, %dma_start3A_125] : memref<327680x128xf32, #tpu.memory_space<hbm>> -> memref<128x128xf32, #tpu.memory_space<hbm>>
        tpu.enqueue_dma source(%dma_start3A_126 : memref<128x128xf32, #tpu.memory_space<hbm>>) target(%arg7 : memref<128x128xf32, #tpu.memory_space<vmem>>) target_semaphore(%arg10 : memref<!tpu.dma_semaphore, #tpu.memory_space<semaphore_mem>>)
      } else {
      }
    }
    %scan3A_49 = arith.constant 40 : i32
    %dma_wait3A = arith.constant 0 : i32
    %dma_wait3A_50 = arith.constant 0 : i32
    %dma_wait3A_51 = tpu.memref_slice %arg5[%dma_wait3A, %dma_wait3A_50] : memref<80x128xi32, #tpu.memory_space<vmem>> -> memref<1x128xi32, #tpu.memory_space<vmem>>
    %dma_wait3A_52 = tpu.memref_squeeze %dma_wait3A_51 : memref<1x128xi32, #tpu.memory_space<vmem>> -> memref<128xi32, #tpu.memory_space<vmem>>
    %dma_wait3A_53 = arith.constant 0 : i32
    %dma_wait3A_54 = arith.constant 0 : i32
    %dma_wait3A_55 = tpu.memref_slice %arg8[%dma_wait3A_53, %dma_wait3A_54] : memref<10240x128xf32, #tpu.memory_space<vmem_shared>> -> memref<10240x128xf32, #tpu.memory_space<vmem_shared>>
    tpu.wait_indirect_dma semaphore(%arg11 : memref<!tpu.dma_semaphore, #tpu.memory_space<semaphore_mem>>) src(%arg6 : memref<128x128xf32, #tpu.memory_space<vmem>>) dst(%dma_wait3A_55 : memref<10240x128xf32, #tpu.memory_space<vmem_shared>>)
    %dma_wait3A_56 = arith.constant 0 : i32
    %dma_wait3A_57 = arith.constant 0 : i32
    %dma_wait3A_58 = tpu.memref_slice %arg5[%dma_wait3A_56, %dma_wait3A_57] : memref<80x128xi32, #tpu.memory_space<vmem>> -> memref<1x128xi32, #tpu.memory_space<vmem>>
    %dma_wait3A_59 = tpu.memref_squeeze %dma_wait3A_58 : memref<1x128xi32, #tpu.memory_space<vmem>> -> memref<128xi32, #tpu.memory_space<vmem>>
    %dma_wait3A_60 = arith.constant 0 : i32
    %dma_wait3A_61 = arith.constant 0 : i32
    %dma_wait3A_62 = tpu.memref_slice %arg8[%dma_wait3A_60, %dma_wait3A_61] : memref<10240x128xf32, #tpu.memory_space<vmem_shared>> -> memref<10240x128xf32, #tpu.memory_space<vmem_shared>>
    tpu.wait_indirect_dma semaphore(%arg12 : memref<!tpu.dma_semaphore, #tpu.memory_space<semaphore_mem>>) src(%arg7 : memref<128x128xf32, #tpu.memory_space<vmem>>) dst(%dma_wait3A_62 : memref<10240x128xf32, #tpu.memory_space<vmem_shared>>)
    %barrier3A_63 = arith.constant 0 : index
    tpu.barrier barrier_id(%barrier3A_63)
    %mul3A_64 = arith.constant 10240 : i32
    %mul3A_65 = arith.muli %arg0, %mul3A_64 : i32
    %mul3A_66 = arith.constant 640 : i32
    %mul3A_67 = arith.muli %arg1, %mul3A_66 : i32
    %add3A_68 = arith.addi %mul3A_65, %mul3A_67 : i32
    %mul3A_69 = arith.constant 640 : i32
    %mul3A_70 = arith.muli %arg1, %mul3A_69 : i32
    "tpu.region"() ({
      %run_scoped3A = tpu.sem_alloc : memref<!tpu.dma_semaphore, #tpu.memory_space<semaphore_mem>>
      %dma_start3A_71 = arith.constant 0 : i32
      %dma_start3A_72 = tpu.memref_slice %arg4[%add3A_68, %dma_start3A_71] : memref<20480x128xf32, #tpu.memory_space<hbm>> -> memref<640x128xf32, #tpu.memory_space<hbm>>
      %dma_start3A_73 = arith.constant 0 : i32
      %dma_start3A_74 = tpu.memref_slice %arg8[%mul3A_70, %dma_start3A_73] : memref<10240x128xf32, #tpu.memory_space<vmem_shared>> -> memref<640x128xf32, #tpu.memory_space<vmem_shared>>
      tpu.enqueue_dma source(%dma_start3A_74 : memref<640x128xf32, #tpu.memory_space<vmem_shared>>) target(%dma_start3A_72 : memref<640x128xf32, #tpu.memory_space<hbm>>) target_semaphore(%run_scoped3A : memref<!tpu.dma_semaphore, #tpu.memory_space<semaphore_mem>>)
      %dma_wait3A_75 = arith.constant 0 : i32
      %dma_wait3A_76 = tpu.memref_slice %arg4[%add3A_68, %dma_wait3A_75] : memref<20480x128xf32, #tpu.memory_space<hbm>> -> memref<640x128xf32, #tpu.memory_space<hbm>>
      %dma_wait3A_77 = arith.constant 0 : i32
      %dma_wait3A_78 = tpu.memref_slice %arg8[%mul3A_70, %dma_wait3A_77] : memref<10240x128xf32, #tpu.memory_space<vmem_shared>> -> memref<640x128xf32, #tpu.memory_space<vmem_shared>>
      tpu.wait_dma2 semaphore(%run_scoped3A : memref<!tpu.dma_semaphore, #tpu.memory_space<semaphore_mem>>) src(%dma_wait3A_78 : memref<640x128xf32, #tpu.memory_space<vmem_shared>>) dst(%dma_wait3A_76 : memref<640x128xf32, #tpu.memory_space<hbm>>)
      tpu.yield
    }) : () -> ()
    return
  }
}

#map = affine_map<(d0, d1) -> (0, 0)>
module attributes {stable_mosaic.version = 14 : i64} {
  func.func @_sc_count(%arg0: i32, %arg1: i32, %arg2: memref<2560x128xi32, #tpu.memory_space<hbm>>, %arg3: memref<10240x16xf32, #tpu.memory_space<hbm>>, %arg4: memref<128x16xf32, #tpu.memory_space<hbm>>, %arg5: memref<20480x16xf32, #tpu.memory_space<hbm>>, %arg6: memref<80x128xi32, #tpu.memory_space<vmem>>, %arg7: memref<128x16xf32, #tpu.memory_space<vmem>>, %arg8: memref<10240x16xf32, #tpu.memory_space<vmem_shared>>, %arg9: memref<!tpu.dma_semaphore, #tpu.memory_space<semaphore_mem>>) attributes {dimension_semantics = [#tpu.dimension_semantics<core_parallel>, #tpu.dimension_semantics<subcore_parallel>], iteration_bounds = array<i64: 2, 16>, scalar_prefetch = 0 : i64, scratch_operands = 4 : i64, tpu.core_type = #tpu.core_type<sc_vector_subcore>, window_params = [{transform_indices = #map}, {transform_indices = #map}, {transform_indices = #map}, {transform_indices = #map}]} {
    %mul3A = arith.constant 1280 : i32
    %mul3A_0 = arith.muli %arg0, %mul3A : i32
    %mul3A_1 = arith.constant 80 : i32
    %mul3A_2 = arith.muli %arg1, %mul3A_1 : i32
    %add3A = arith.addi %mul3A_0, %mul3A_2 : i32
    "tpu.region"() ({
      %run_scoped3A = tpu.sem_alloc : memref<!tpu.dma_semaphore, #tpu.memory_space<semaphore_mem>>
      %dma_start3A = arith.constant 0 : i32
      %dma_start3A_26 = tpu.memref_slice %arg2[%add3A, %dma_start3A] : memref<2560x128xi32, #tpu.memory_space<hbm>> -> memref<80x128xi32, #tpu.memory_space<hbm>>
      %dma_start3A_27 = arith.constant 0 : i32
      %dma_start3A_28 = tpu.memref_slice %arg2[%add3A, %dma_start3A_27] : memref<2560x128xi32, #tpu.memory_space<hbm>> -> memref<80x128xi32, #tpu.memory_space<hbm>>
      tpu.enqueue_dma source(%dma_start3A_28 : memref<80x128xi32, #tpu.memory_space<hbm>>) target(%arg6 : memref<80x128xi32, #tpu.memory_space<vmem>>) target_semaphore(%run_scoped3A : memref<!tpu.dma_semaphore, #tpu.memory_space<semaphore_mem>>)
      %dma_wait3A = arith.constant 0 : i32
      %dma_wait3A_29 = tpu.memref_slice %arg2[%add3A, %dma_wait3A] : memref<2560x128xi32, #tpu.memory_space<hbm>> -> memref<80x128xi32, #tpu.memory_space<hbm>>
      %dma_wait3A_30 = arith.constant 0 : i32
      %dma_wait3A_31 = tpu.memref_slice %arg2[%add3A, %dma_wait3A_30] : memref<2560x128xi32, #tpu.memory_space<hbm>> -> memref<80x128xi32, #tpu.memory_space<hbm>>
      tpu.wait_dma2 semaphore(%run_scoped3A : memref<!tpu.dma_semaphore, #tpu.memory_space<semaphore_mem>>) src(%dma_wait3A_31 : memref<80x128xi32, #tpu.memory_space<hbm>>) dst(%arg6 : memref<80x128xi32, #tpu.memory_space<vmem>>)
      tpu.yield
    }) : () -> ()
    %mul3A_3 = arith.constant 640 : i32
    %mul3A_4 = arith.muli %arg1, %mul3A_3 : i32
    %mul3A_5 = arith.constant 640 : i32
    %mul3A_6 = arith.muli %arg1, %mul3A_5 : i32
    "tpu.region"() ({
      %run_scoped3A = tpu.sem_alloc : memref<!tpu.dma_semaphore, #tpu.memory_space<semaphore_mem>>
      %dma_start3A = arith.constant 0 : i32
      %dma_start3A_26 = tpu.memref_slice %arg8[%mul3A_6, %dma_start3A] : memref<10240x16xf32, #tpu.memory_space<vmem_shared>> -> memref<640x16xf32, #tpu.memory_space<vmem_shared>>
      %dma_start3A_27 = arith.constant 0 : i32
      %dma_start3A_28 = tpu.memref_slice %arg3[%mul3A_4, %dma_start3A_27] : memref<10240x16xf32, #tpu.memory_space<hbm>> -> memref<640x16xf32, #tpu.memory_space<hbm>>
      tpu.enqueue_dma source(%dma_start3A_28 : memref<640x16xf32, #tpu.memory_space<hbm>>) target(%dma_start3A_26 : memref<640x16xf32, #tpu.memory_space<vmem_shared>>) target_semaphore(%run_scoped3A : memref<!tpu.dma_semaphore, #tpu.memory_space<semaphore_mem>>)
      %dma_wait3A = arith.constant 0 : i32
      %dma_wait3A_29 = tpu.memref_slice %arg8[%mul3A_6, %dma_wait3A] : memref<10240x16xf32, #tpu.memory_space<vmem_shared>> -> memref<640x16xf32, #tpu.memory_space<vmem_shared>>
      %dma_wait3A_30 = arith.constant 0 : i32
      %dma_wait3A_31 = tpu.memref_slice %arg3[%mul3A_4, %dma_wait3A_30] : memref<10240x16xf32, #tpu.memory_space<hbm>> -> memref<640x16xf32, #tpu.memory_space<hbm>>
      tpu.wait_dma2 semaphore(%run_scoped3A : memref<!tpu.dma_semaphore, #tpu.memory_space<semaphore_mem>>) src(%dma_wait3A_31 : memref<640x16xf32, #tpu.memory_space<hbm>>) dst(%dma_wait3A_29 : memref<640x16xf32, #tpu.memory_space<vmem_shared>>)
      tpu.yield
    }) : () -> ()
    "tpu.region"() ({
      %run_scoped3A = tpu.sem_alloc : memref<!tpu.dma_semaphore, #tpu.memory_space<semaphore_mem>>
      tpu.enqueue_dma source(%arg4 : memref<128x16xf32, #tpu.memory_space<hbm>>) target(%arg7 : memref<128x16xf32, #tpu.memory_space<vmem>>) target_semaphore(%run_scoped3A : memref<!tpu.dma_semaphore, #tpu.memory_space<semaphore_mem>>)
      tpu.wait_dma2 semaphore(%run_scoped3A : memref<!tpu.dma_semaphore, #tpu.memory_space<semaphore_mem>>) src(%arg4 : memref<128x16xf32, #tpu.memory_space<hbm>>) dst(%arg7 : memref<128x16xf32, #tpu.memory_space<vmem>>)
      tpu.yield
    }) : () -> ()
    %barrier3A = arith.constant 0 : index
    tpu.barrier barrier_id(%barrier3A)
    %scan3A = arith.constant 0 : i32
    %scan3A_7 = arith.constant 0 : i32
    %scan3A_8 = arith.constant 80 : i32
    %scan3A_9 = arith.addi %scan3A_7, %scan3A_8 : i32
    %scan3A_10 = arith.constant 1 : i32
    scf.for %scan3A_26 = %scan3A_7 to %scan3A_9 step %scan3A_10  : i32 {
      %dma_start3A = arith.constant 0 : i32
      %dma_start3A_27 = tpu.memref_slice %arg6[%scan3A_26, %dma_start3A] : memref<80x128xi32, #tpu.memory_space<vmem>> -> memref<1x128xi32, #tpu.memory_space<vmem>>
      %dma_start3A_28 = tpu.memref_squeeze %dma_start3A_27 : memref<1x128xi32, #tpu.memory_space<vmem>> -> memref<128xi32, #tpu.memory_space<vmem>>
      %dma_start3A_29 = arith.constant 0 : i32
      %dma_start3A_30 = arith.constant 0 : i32
      %dma_start3A_31 = tpu.memref_slice %arg8[%dma_start3A_29, %dma_start3A_30] : memref<10240x16xf32, #tpu.memory_space<vmem_shared>> -> memref<10240x16xf32, #tpu.memory_space<vmem_shared>>
      tpu.enqueue_indirect_dma source(%arg7 : memref<128x16xf32, #tpu.memory_space<vmem>>) target(%dma_start3A_31 : memref<10240x16xf32, #tpu.memory_space<vmem_shared>>) offsets(%dma_start3A_28 : memref<128xi32, #tpu.memory_space<vmem>>) semaphore(%arg9 : memref<!tpu.dma_semaphore, #tpu.memory_space<semaphore_mem>>) {add = true}
    }
    %scan3A_11 = arith.constant 80 : i32
    %scan3A_12 = arith.constant 0 : i32
    %scan3A_13 = arith.constant 0 : i32
    %scan3A_14 = arith.constant 80 : i32
    %scan3A_15 = arith.addi %scan3A_13, %scan3A_14 : i32
    %scan3A_16 = arith.constant 1 : i32
    scf.for %scan3A_26 = %scan3A_13 to %scan3A_15 step %scan3A_16  : i32 {
      %dma_wait3A = arith.constant 0 : i32
      %dma_wait3A_27 = arith.constant 0 : i32
      %dma_wait3A_28 = tpu.memref_slice %arg6[%dma_wait3A, %dma_wait3A_27] : memref<80x128xi32, #tpu.memory_space<vmem>> -> memref<1x128xi32, #tpu.memory_space<vmem>>
      %dma_wait3A_29 = tpu.memref_squeeze %dma_wait3A_28 : memref<1x128xi32, #tpu.memory_space<vmem>> -> memref<128xi32, #tpu.memory_space<vmem>>
      %dma_wait3A_30 = arith.constant 0 : i32
      %dma_wait3A_31 = arith.constant 0 : i32
      %dma_wait3A_32 = tpu.memref_slice %arg8[%dma_wait3A_30, %dma_wait3A_31] : memref<10240x16xf32, #tpu.memory_space<vmem_shared>> -> memref<10240x16xf32, #tpu.memory_space<vmem_shared>>
      tpu.wait_indirect_dma semaphore(%arg9 : memref<!tpu.dma_semaphore, #tpu.memory_space<semaphore_mem>>) src(%arg7 : memref<128x16xf32, #tpu.memory_space<vmem>>) dst(%dma_wait3A_32 : memref<10240x16xf32, #tpu.memory_space<vmem_shared>>)
    }
    %scan3A_17 = arith.constant 80 : i32
    %barrier3A_18 = arith.constant 0 : index
    tpu.barrier barrier_id(%barrier3A_18)
    %mul3A_19 = arith.constant 10240 : i32
    %mul3A_20 = arith.muli %arg0, %mul3A_19 : i32
    %mul3A_21 = arith.constant 640 : i32
    %mul3A_22 = arith.muli %arg1, %mul3A_21 : i32
    %add3A_23 = arith.addi %mul3A_20, %mul3A_22 : i32
    %mul3A_24 = arith.constant 640 : i32
    %mul3A_25 = arith.muli %arg1, %mul3A_24 : i32
    "tpu.region"() ({
      %run_scoped3A = tpu.sem_alloc : memref<!tpu.dma_semaphore, #tpu.memory_space<semaphore_mem>>
      %dma_start3A = arith.constant 0 : i32
      %dma_start3A_26 = tpu.memref_slice %arg5[%add3A_23, %dma_start3A] : memref<20480x16xf32, #tpu.memory_space<hbm>> -> memref<640x16xf32, #tpu.memory_space<hbm>>
      %dma_start3A_27 = arith.constant 0 : i32
      %dma_start3A_28 = tpu.memref_slice %arg8[%mul3A_25, %dma_start3A_27] : memref<10240x16xf32, #tpu.memory_space<vmem_shared>> -> memref<640x16xf32, #tpu.memory_space<vmem_shared>>
      tpu.enqueue_dma source(%dma_start3A_28 : memref<640x16xf32, #tpu.memory_space<vmem_shared>>) target(%dma_start3A_26 : memref<640x16xf32, #tpu.memory_space<hbm>>) target_semaphore(%run_scoped3A : memref<!tpu.dma_semaphore, #tpu.memory_space<semaphore_mem>>)
      %dma_wait3A = arith.constant 0 : i32
      %dma_wait3A_29 = tpu.memref_slice %arg5[%add3A_23, %dma_wait3A] : memref<20480x16xf32, #tpu.memory_space<hbm>> -> memref<640x16xf32, #tpu.memory_space<hbm>>
      %dma_wait3A_30 = arith.constant 0 : i32
      %dma_wait3A_31 = tpu.memref_slice %arg8[%mul3A_25, %dma_wait3A_30] : memref<10240x16xf32, #tpu.memory_space<vmem_shared>> -> memref<640x16xf32, #tpu.memory_space<vmem_shared>>
      tpu.wait_dma2 semaphore(%run_scoped3A : memref<!tpu.dma_semaphore, #tpu.memory_space<semaphore_mem>>) src(%dma_wait3A_31 : memref<640x16xf32, #tpu.memory_space<vmem_shared>>) dst(%dma_wait3A_29 : memref<640x16xf32, #tpu.memory_space<hbm>>)
      tpu.yield
    }) : () -> ()
    return
  }
}

#map = affine_map<(d0, d1) -> (0, 0)>
module attributes {stable_mosaic.version = 14 : i64} {
  func.func @_sc_scatter(%arg0: i32, %arg1: i32, %arg2: memref<327680x128xf32, #tpu.memory_space<hbm>>, %arg3: memref<2560x128xi32, #tpu.memory_space<hbm>>, %arg4: memref<20480x128xf32, #tpu.memory_space<hbm>>, %arg5: memref<80x128xi32, #tpu.memory_space<vmem>>, %arg6: memref<128x128xf32, #tpu.memory_space<vmem>>, %arg7: memref<128x128xf32, #tpu.memory_space<vmem>>, %arg8: memref<10240x128xf32, #tpu.memory_space<vmem_shared>>, %arg9: memref<!tpu.dma_semaphore, #tpu.memory_space<semaphore_mem>>, %arg10: memref<!tpu.dma_semaphore, #tpu.memory_space<semaphore_mem>>, %arg11: memref<!tpu.dma_semaphore, #tpu.memory_space<semaphore_mem>>, %arg12: memref<!tpu.dma_semaphore, #tpu.memory_space<semaphore_mem>>) attributes {dimension_semantics = [#tpu.dimension_semantics<core_parallel>, #tpu.dimension_semantics<subcore_parallel>], iteration_bounds = array<i64: 2, 16>, scalar_prefetch = 0 : i64, scratch_operands = 8 : i64, tpu.core_type = #tpu.core_type<sc_vector_subcore>, window_params = [{transform_indices = #map}, {transform_indices = #map}, {transform_indices = #map}]} {
    %mul3A = arith.constant 1280 : i32
    %mul3A_0 = arith.muli %arg0, %mul3A : i32
    %mul3A_1 = arith.constant 80 : i32
    %mul3A_2 = arith.muli %arg1, %mul3A_1 : i32
    %add3A = arith.addi %mul3A_0, %mul3A_2 : i32
    "tpu.region"() ({
      %run_scoped3A = tpu.sem_alloc : memref<!tpu.dma_semaphore, #tpu.memory_space<semaphore_mem>>
      %dma_start3A_71 = arith.constant 0 : i32
      %dma_start3A_72 = tpu.memref_slice %arg3[%add3A, %dma_start3A_71] : memref<2560x128xi32, #tpu.memory_space<hbm>> -> memref<80x128xi32, #tpu.memory_space<hbm>>
      %dma_start3A_73 = arith.constant 0 : i32
      %dma_start3A_74 = tpu.memref_slice %arg3[%add3A, %dma_start3A_73] : memref<2560x128xi32, #tpu.memory_space<hbm>> -> memref<80x128xi32, #tpu.memory_space<hbm>>
      tpu.enqueue_dma source(%dma_start3A_74 : memref<80x128xi32, #tpu.memory_space<hbm>>) target(%arg5 : memref<80x128xi32, #tpu.memory_space<vmem>>) target_semaphore(%run_scoped3A : memref<!tpu.dma_semaphore, #tpu.memory_space<semaphore_mem>>)
      %dma_wait3A_75 = arith.constant 0 : i32
      %dma_wait3A_76 = tpu.memref_slice %arg3[%add3A, %dma_wait3A_75] : memref<2560x128xi32, #tpu.memory_space<hbm>> -> memref<80x128xi32, #tpu.memory_space<hbm>>
      %dma_wait3A_77 = arith.constant 0 : i32
      %dma_wait3A_78 = tpu.memref_slice %arg3[%add3A, %dma_wait3A_77] : memref<2560x128xi32, #tpu.memory_space<hbm>> -> memref<80x128xi32, #tpu.memory_space<hbm>>
      tpu.wait_dma2 semaphore(%run_scoped3A : memref<!tpu.dma_semaphore, #tpu.memory_space<semaphore_mem>>) src(%dma_wait3A_78 : memref<80x128xi32, #tpu.memory_space<hbm>>) dst(%arg5 : memref<80x128xi32, #tpu.memory_space<vmem>>)
      tpu.yield
    }) : () -> ()
    %broadcast_in_dim3A = arith.constant 0.000000e+00 : f32
    %broadcast_in_dim3A_3 = vector.broadcast %broadcast_in_dim3A : f32 to vector<16xf32>
    %scan3A = arith.constant 0 : i32
    %scan3A_4 = arith.constant 0 : i32
    %scan3A_5 = arith.constant 128 : i32
    %scan3A_6 = arith.addi %scan3A_4, %scan3A_5 : i32
    %scan3A_7 = arith.constant 1 : i32
    scf.for %scan3A_71 = %scan3A_4 to %scan3A_6 step %scan3A_7  : i32 {
      %swap3A = arith.index_cast %scan3A_71 : i32 to index
      %swap3A_72 = arith.constant 0 : index
      %swap3A_73 = tpu.vector_load %arg6[%swap3A, %swap3A_72] {strides = array<i32>} : memref<128x128xf32, #tpu.memory_space<vmem>>, vector<1x16xf32>,
      %swap3A_74 = vector.shape_cast %swap3A_73 : vector<1x16xf32> to vector<16xf32>
      %swap3A_75 = vector.shape_cast %broadcast_in_dim3A_3 : vector<16xf32> to vector<1x16xf32>
      tpu.vector_store %arg6[%swap3A, %swap3A_72], %swap3A_75 {strides = array<i32>} : memref<128x128xf32, #tpu.memory_space<vmem>>, vector<1x16xf32>,
      %swap3A_76 = arith.index_cast %scan3A_71 : i32 to index
      %swap3A_77 = arith.constant 16 : index
      %swap3A_78 = tpu.vector_load %arg6[%swap3A_76, %swap3A_77] {strides = array<i32>} : memref<128x128xf32, #tpu.memory_space<vmem>>, vector<1x16xf32>,
      %swap3A_79 = vector.shape_cast %swap3A_78 : vector<1x16xf32> to vector<16xf32>
      %swap3A_80 = vector.shape_cast %broadcast_in_dim3A_3 : vector<16xf32> to vector<1x16xf32>
      tpu.vector_store %arg6[%swap3A_76, %swap3A_77], %swap3A_80 {strides = array<i32>} : memref<128x128xf32, #tpu.memory_space<vmem>>, vector<1x16xf32>,
      %swap3A_81 = arith.index_cast %scan3A_71 : i32 to index
      %swap3A_82 = arith.constant 32 : index
      %swap3A_83 = tpu.vector_load %arg6[%swap3A_81, %swap3A_82] {strides = array<i32>} : memref<128x128xf32, #tpu.memory_space<vmem>>, vector<1x16xf32>,
      %swap3A_84 = vector.shape_cast %swap3A_83 : vector<1x16xf32> to vector<16xf32>
      %swap3A_85 = vector.shape_cast %broadcast_in_dim3A_3 : vector<16xf32> to vector<1x16xf32>
      tpu.vector_store %arg6[%swap3A_81, %swap3A_82], %swap3A_85 {strides = array<i32>} : memref<128x128xf32, #tpu.memory_space<vmem>>, vector<1x16xf32>,
      %swap3A_86 = arith.index_cast %scan3A_71 : i32 to index
      %swap3A_87 = arith.constant 48 : index
      %swap3A_88 = tpu.vector_load %arg6[%swap3A_86, %swap3A_87] {strides = array<i32>} : memref<128x128xf32, #tpu.memory_space<vmem>>, vector<1x16xf32>,
      %swap3A_89 = vector.shape_cast %swap3A_88 : vector<1x16xf32> to vector<16xf32>
      %swap3A_90 = vector.shape_cast %broadcast_in_dim3A_3 : vector<16xf32> to vector<1x16xf32>
      tpu.vector_store %arg6[%swap3A_86, %swap3A_87], %swap3A_90 {strides = array<i32>} : memref<128x128xf32, #tpu.memory_space<vmem>>, vector<1x16xf32>,
      %swap3A_91 = arith.index_cast %scan3A_71 : i32 to index
      %swap3A_92 = arith.constant 64 : index
      %swap3A_93 = tpu.vector_load %arg6[%swap3A_91, %swap3A_92] {strides = array<i32>} : memref<128x128xf32, #tpu.memory_space<vmem>>, vector<1x16xf32>,
      %swap3A_94 = vector.shape_cast %swap3A_93 : vector<1x16xf32> to vector<16xf32>
      %swap3A_95 = vector.shape_cast %broadcast_in_dim3A_3 : vector<16xf32> to vector<1x16xf32>
      tpu.vector_store %arg6[%swap3A_91, %swap3A_92], %swap3A_95 {strides = array<i32>} : memref<128x128xf32, #tpu.memory_space<vmem>>, vector<1x16xf32>,
      %swap3A_96 = arith.index_cast %scan3A_71 : i32 to index
      %swap3A_97 = arith.constant 80 : index
      %swap3A_98 = tpu.vector_load %arg6[%swap3A_96, %swap3A_97] {strides = array<i32>} : memref<128x128xf32, #tpu.memory_space<vmem>>, vector<1x16xf32>,
      %swap3A_99 = vector.shape_cast %swap3A_98 : vector<1x16xf32> to vector<16xf32>
      %swap3A_100 = vector.shape_cast %broadcast_in_dim3A_3 : vector<16xf32> to vector<1x16xf32>
      tpu.vector_store %arg6[%swap3A_96, %swap3A_97], %swap3A_100 {strides = array<i32>} : memref<128x128xf32, #tpu.memory_space<vmem>>, vector<1x16xf32>,
      %swap3A_101 = arith.index_cast %scan3A_71 : i32 to index
      %swap3A_102 = arith.constant 96 : index
      %swap3A_103 = tpu.vector_load %arg6[%swap3A_101, %swap3A_102] {strides = array<i32>} : memref<128x128xf32, #tpu.memory_space<vmem>>, vector<1x16xf32>,
      %swap3A_104 = vector.shape_cast %swap3A_103 : vector<1x16xf32> to vector<16xf32>
      %swap3A_105 = vector.shape_cast %broadcast_in_dim3A_3 : vector<16xf32> to vector<1x16xf32>
      tpu.vector_store %arg6[%swap3A_101, %swap3A_102], %swap3A_105 {strides = array<i32>} : memref<128x128xf32, #tpu.memory_space<vmem>>, vector<1x16xf32>,
      %swap3A_106 = arith.index_cast %scan3A_71 : i32 to index
      %swap3A_107 = arith.constant 112 : index
      %swap3A_108 = tpu.vector_load %arg6[%swap3A_106, %swap3A_107] {strides = array<i32>} : memref<128x128xf32, #tpu.memory_space<vmem>>, vector<1x16xf32>,
      %swap3A_109 = vector.shape_cast %swap3A_108 : vector<1x16xf32> to vector<16xf32>
      %swap3A_110 = vector.shape_cast %broadcast_in_dim3A_3 : vector<16xf32> to vector<1x16xf32>
      tpu.vector_store %arg6[%swap3A_106, %swap3A_107], %swap3A_110 {strides = array<i32>} : memref<128x128xf32, #tpu.memory_space<vmem>>, vector<1x16xf32>,
    }
    %scan3A_8 = arith.constant 128 : i32
    %mul3A_9 = arith.constant 640 : i32
    %mul3A_10 = arith.muli %arg1, %mul3A_9 : i32
    %add3A_11 = arith.constant 0 : i32
    %add3A_12 = arith.addi %mul3A_10, %add3A_11 : i32
    "tpu.region"() ({
      %run_scoped3A = tpu.sem_alloc : memref<!tpu.dma_semaphore, #tpu.memory_space<semaphore_mem>>
      %dma_start3A_71 = arith.constant 0 : i32
      %dma_start3A_72 = tpu.memref_slice %arg8[%add3A_12, %dma_start3A_71] : memref<10240x128xf32, #tpu.memory_space<vmem_shared>> -> memref<128x128xf32, #tpu.memory_space<vmem_shared>>
      %dma_start3A_73 = arith.constant 0 : i32
      %dma_start3A_74 = tpu.memref_slice %arg8[%add3A_12, %dma_start3A_73] : memref<10240x128xf32, #tpu.memory_space<vmem_shared>> -> memref<128x128xf32, #tpu.memory_space<vmem_shared>>
      tpu.enqueue_dma source(%arg6 : memref<128x128xf32, #tpu.memory_space<vmem>>) target(%dma_start3A_74 : memref<128x128xf32, #tpu.memory_space<vmem_shared>>) target_semaphore(%run_scoped3A : memref<!tpu.dma_semaphore, #tpu.memory_space<semaphore_mem>>)
      %dma_wait3A_75 = arith.constant 0 : i32
      %dma_wait3A_76 = tpu.memref_slice %arg8[%add3A_12, %dma_wait3A_75] : memref<10240x128xf32, #tpu.memory_space<vmem_shared>> -> memref<128x128xf32, #tpu.memory_space<vmem_shared>>
      %dma_wait3A_77 = arith.constant 0 : i32
      %dma_wait3A_78 = tpu.memref_slice %arg8[%add3A_12, %dma_wait3A_77] : memref<10240x128xf32, #tpu.memory_space<vmem_shared>> -> memref<128x128xf32, #tpu.memory_space<vmem_shared>>
      tpu.wait_dma2 semaphore(%run_scoped3A : memref<!tpu.dma_semaphore, #tpu.memory_space<semaphore_mem>>) src(%arg6 : memref<128x128xf32, #tpu.memory_space<vmem>>) dst(%dma_wait3A_78 : memref<128x128xf32, #tpu.memory_space<vmem_shared>>)
      tpu.yield
    }) : () -> ()
    %mul3A_13 = arith.constant 640 : i32
    %mul3A_14 = arith.muli %arg1, %mul3A_13 : i32
    %add3A_15 = arith.constant 128 : i32
    %add3A_16 = arith.addi %mul3A_14, %add3A_15 : i32
    "tpu.region"() ({
      %run_scoped3A = tpu.sem_alloc : memref<!tpu.dma_semaphore, #tpu.memory_space<semaphore_mem>>
      %dma_start3A_71 = arith.constant 0 : i32
      %dma_start3A_72 = tpu.memref_slice %arg8[%add3A_16, %dma_start3A_71] : memref<10240x128xf32, #tpu.memory_space<vmem_shared>> -> memref<128x128xf32, #tpu.memory_space<vmem_shared>>
      %dma_start3A_73 = arith.constant 0 : i32
      %dma_start3A_74 = tpu.memref_slice %arg8[%add3A_16, %dma_start3A_73] : memref<10240x128xf32, #tpu.memory_space<vmem_shared>> -> memref<128x128xf32, #tpu.memory_space<vmem_shared>>
      tpu.enqueue_dma source(%arg6 : memref<128x128xf32, #tpu.memory_space<vmem>>) target(%dma_start3A_74 : memref<128x128xf32, #tpu.memory_space<vmem_shared>>) target_semaphore(%run_scoped3A : memref<!tpu.dma_semaphore, #tpu.memory_space<semaphore_mem>>)
      %dma_wait3A_75 = arith.constant 0 : i32
      %dma_wait3A_76 = tpu.memref_slice %arg8[%add3A_16, %dma_wait3A_75] : memref<10240x128xf32, #tpu.memory_space<vmem_shared>> -> memref<128x128xf32, #tpu.memory_space<vmem_shared>>
      %dma_wait3A_77 = arith.constant 0 : i32
      %dma_wait3A_78 = tpu.memref_slice %arg8[%add3A_16, %dma_wait3A_77] : memref<10240x128xf32, #tpu.memory_space<vmem_shared>> -> memref<128x128xf32, #tpu.memory_space<vmem_shared>>
      tpu.wait_dma2 semaphore(%run_scoped3A : memref<!tpu.dma_semaphore, #tpu.memory_space<semaphore_mem>>) src(%arg6 : memref<128x128xf32, #tpu.memory_space<vmem>>) dst(%dma_wait3A_78 : memref<128x128xf32, #tpu.memory_space<vmem_shared>>)
      tpu.yield
    }) : () -> ()
    %mul3A_17 = arith.constant 640 : i32
    %mul3A_18 = arith.muli %arg1, %mul3A_17 : i32
    %add3A_19 = arith.constant 256 : i32
    %add3A_20 = arith.addi %mul3A_18, %add3A_19 : i32
    "tpu.region"() ({
      %run_scoped3A = tpu.sem_alloc : memref<!tpu.dma_semaphore, #tpu.memory_space<semaphore_mem>>
      %dma_start3A_71 = arith.constant 0 : i32
      %dma_start3A_72 = tpu.memref_slice %arg8[%add3A_20, %dma_start3A_71] : memref<10240x128xf32, #tpu.memory_space<vmem_shared>> -> memref<128x128xf32, #tpu.memory_space<vmem_shared>>
      %dma_start3A_73 = arith.constant 0 : i32
      %dma_start3A_74 = tpu.memref_slice %arg8[%add3A_20, %dma_start3A_73] : memref<10240x128xf32, #tpu.memory_space<vmem_shared>> -> memref<128x128xf32, #tpu.memory_space<vmem_shared>>
      tpu.enqueue_dma source(%arg6 : memref<128x128xf32, #tpu.memory_space<vmem>>) target(%dma_start3A_74 : memref<128x128xf32, #tpu.memory_space<vmem_shared>>) target_semaphore(%run_scoped3A : memref<!tpu.dma_semaphore, #tpu.memory_space<semaphore_mem>>)
      %dma_wait3A_75 = arith.constant 0 : i32
      %dma_wait3A_76 = tpu.memref_slice %arg8[%add3A_20, %dma_wait3A_75] : memref<10240x128xf32, #tpu.memory_space<vmem_shared>> -> memref<128x128xf32, #tpu.memory_space<vmem_shared>>
      %dma_wait3A_77 = arith.constant 0 : i32
      %dma_wait3A_78 = tpu.memref_slice %arg8[%add3A_20, %dma_wait3A_77] : memref<10240x128xf32, #tpu.memory_space<vmem_shared>> -> memref<128x128xf32, #tpu.memory_space<vmem_shared>>
      tpu.wait_dma2 semaphore(%run_scoped3A : memref<!tpu.dma_semaphore, #tpu.memory_space<semaphore_mem>>) src(%arg6 : memref<128x128xf32, #tpu.memory_space<vmem>>) dst(%dma_wait3A_78 : memref<128x128xf32, #tpu.memory_space<vmem_shared>>)
      tpu.yield
    }) : () -> ()
    %mul3A_21 = arith.constant 640 : i32
    %mul3A_22 = arith.muli %arg1, %mul3A_21 : i32
    %add3A_23 = arith.constant 384 : i32
    %add3A_24 = arith.addi %mul3A_22, %add3A_23 : i32
    "tpu.region"() ({
      %run_scoped3A = tpu.sem_alloc : memref<!tpu.dma_semaphore, #tpu.memory_space<semaphore_mem>>
      %dma_start3A_71 = arith.constant 0 : i32
      %dma_start3A_72 = tpu.memref_slice %arg8[%add3A_24, %dma_start3A_71] : memref<10240x128xf32, #tpu.memory_space<vmem_shared>> -> memref<128x128xf32, #tpu.memory_space<vmem_shared>>
      %dma_start3A_73 = arith.constant 0 : i32
      %dma_start3A_74 = tpu.memref_slice %arg8[%add3A_24, %dma_start3A_73] : memref<10240x128xf32, #tpu.memory_space<vmem_shared>> -> memref<128x128xf32, #tpu.memory_space<vmem_shared>>
      tpu.enqueue_dma source(%arg6 : memref<128x128xf32, #tpu.memory_space<vmem>>) target(%dma_start3A_74 : memref<128x128xf32, #tpu.memory_space<vmem_shared>>) target_semaphore(%run_scoped3A : memref<!tpu.dma_semaphore, #tpu.memory_space<semaphore_mem>>)
      %dma_wait3A_75 = arith.constant 0 : i32
      %dma_wait3A_76 = tpu.memref_slice %arg8[%add3A_24, %dma_wait3A_75] : memref<10240x128xf32, #tpu.memory_space<vmem_shared>> -> memref<128x128xf32, #tpu.memory_space<vmem_shared>>
      %dma_wait3A_77 = arith.constant 0 : i32
      %dma_wait3A_78 = tpu.memref_slice %arg8[%add3A_24, %dma_wait3A_77] : memref<10240x128xf32, #tpu.memory_space<vmem_shared>> -> memref<128x128xf32, #tpu.memory_space<vmem_shared>>
      tpu.wait_dma2 semaphore(%run_scoped3A : memref<!tpu.dma_semaphore, #tpu.memory_space<semaphore_mem>>) src(%arg6 : memref<128x128xf32, #tpu.memory_space<vmem>>) dst(%dma_wait3A_78 : memref<128x128xf32, #tpu.memory_space<vmem_shared>>)
      tpu.yield
    }) : () -> ()
    %mul3A_25 = arith.constant 640 : i32
    %mul3A_26 = arith.muli %arg1, %mul3A_25 : i32
    %add3A_27 = arith.constant 512 : i32
    %add3A_28 = arith.addi %mul3A_26, %add3A_27 : i32
    "tpu.region"() ({
      %run_scoped3A = tpu.sem_alloc : memref<!tpu.dma_semaphore, #tpu.memory_space<semaphore_mem>>
      %dma_start3A_71 = arith.constant 0 : i32
      %dma_start3A_72 = tpu.memref_slice %arg8[%add3A_28, %dma_start3A_71] : memref<10240x128xf32, #tpu.memory_space<vmem_shared>> -> memref<128x128xf32, #tpu.memory_space<vmem_shared>>
      %dma_start3A_73 = arith.constant 0 : i32
      %dma_start3A_74 = tpu.memref_slice %arg8[%add3A_28, %dma_start3A_73] : memref<10240x128xf32, #tpu.memory_space<vmem_shared>> -> memref<128x128xf32, #tpu.memory_space<vmem_shared>>
      tpu.enqueue_dma source(%arg6 : memref<128x128xf32, #tpu.memory_space<vmem>>) target(%dma_start3A_74 : memref<128x128xf32, #tpu.memory_space<vmem_shared>>) target_semaphore(%run_scoped3A : memref<!tpu.dma_semaphore, #tpu.memory_space<semaphore_mem>>)
      %dma_wait3A_75 = arith.constant 0 : i32
      %dma_wait3A_76 = tpu.memref_slice %arg8[%add3A_28, %dma_wait3A_75] : memref<10240x128xf32, #tpu.memory_space<vmem_shared>> -> memref<128x128xf32, #tpu.memory_space<vmem_shared>>
      %dma_wait3A_77 = arith.constant 0 : i32
      %dma_wait3A_78 = tpu.memref_slice %arg8[%add3A_28, %dma_wait3A_77] : memref<10240x128xf32, #tpu.memory_space<vmem_shared>> -> memref<128x128xf32, #tpu.memory_space<vmem_shared>>
      tpu.wait_dma2 semaphore(%run_scoped3A : memref<!tpu.dma_semaphore, #tpu.memory_space<semaphore_mem>>) src(%arg6 : memref<128x128xf32, #tpu.memory_space<vmem>>) dst(%dma_wait3A_78 : memref<128x128xf32, #tpu.memory_space<vmem_shared>>)
      tpu.yield
    }) : () -> ()
    %barrier3A = arith.constant 0 : index
    tpu.barrier barrier_id(%barrier3A)
    %add3A_29 = arith.constant 0 : i32
    %add3A_30 = arith.addi %add3A, %add3A_29 : i32
    %mul3A_31 = arith.constant 128 : i32
    %mul3A_32 = arith.muli %add3A_30, %mul3A_31 : i32
    %dma_start3A = arith.constant 0 : i32
    %dma_start3A_33 = tpu.memref_slice %arg2[%mul3A_32, %dma_start3A] : memref<327680x128xf32, #tpu.memory_space<hbm>> -> memref<128x128xf32, #tpu.memory_space<hbm>>
    %dma_start3A_34 = arith.constant 0 : i32
    %dma_start3A_35 = tpu.memref_slice %arg2[%mul3A_32, %dma_start3A_34] : memref<327680x128xf32, #tpu.memory_space<hbm>> -> memref<128x128xf32, #tpu.memory_space<hbm>>
    tpu.enqueue_dma source(%dma_start3A_35 : memref<128x128xf32, #tpu.memory_space<hbm>>) target(%arg6 : memref<128x128xf32, #tpu.memory_space<vmem>>) target_semaphore(%arg9 : memref<!tpu.dma_semaphore, #tpu.memory_space<semaphore_mem>>)
    %add3A_36 = arith.constant 1 : i32
    %add3A_37 = arith.addi %add3A, %add3A_36 : i32
    %mul3A_38 = arith.constant 128 : i32
    %mul3A_39 = arith.muli %add3A_37, %mul3A_38 : i32
    %dma_start3A_40 = arith.constant 0 : i32
    %dma_start3A_41 = tpu.memref_slice %arg2[%mul3A_39, %dma_start3A_40] : memref<327680x128xf32, #tpu.memory_space<hbm>> -> memref<128x128xf32, #tpu.memory_space<hbm>>
    %dma_start3A_42 = arith.constant 0 : i32
    %dma_start3A_43 = tpu.memref_slice %arg2[%mul3A_39, %dma_start3A_42] : memref<327680x128xf32, #tpu.memory_space<hbm>> -> memref<128x128xf32, #tpu.memory_space<hbm>>
    tpu.enqueue_dma source(%dma_start3A_43 : memref<128x128xf32, #tpu.memory_space<hbm>>) target(%arg7 : memref<128x128xf32, #tpu.memory_space<vmem>>) target_semaphore(%arg10 : memref<!tpu.dma_semaphore, #tpu.memory_space<semaphore_mem>>)
    %scan3A_44 = arith.constant 0 : i32
    %scan3A_45 = arith.constant 0 : i32
    %scan3A_46 = arith.constant 40 : i32
    %scan3A_47 = arith.addi %scan3A_45, %scan3A_46 : i32
    %scan3A_48 = arith.constant 1 : i32
    scf.for %scan3A_71 = %scan3A_45 to %scan3A_47 step %scan3A_48  : i32 {
      %mul3A_72 = arith.constant 2 : i32
      %mul3A_73 = arith.muli %scan3A_71, %mul3A_72 : i32
      %dma_wait3A_74 = arith.constant 0 : i32
      %dma_wait3A_75 = arith.constant 0 : i32
      %dma_wait3A_76 = tpu.memref_slice %arg2[%dma_wait3A_74, %dma_wait3A_75] : memref<327680x128xf32, #tpu.memory_space<hbm>> -> memref<128x128xf32, #tpu.memory_space<hbm>>
      %dma_wait3A_77 = arith.constant 0 : i32
      %dma_wait3A_78 = arith.constant 0 : i32
      %dma_wait3A_79 = tpu.memref_slice %arg2[%dma_wait3A_77, %dma_wait3A_78] : memref<327680x128xf32, #tpu.memory_space<hbm>> -> memref<128x128xf32, #tpu.memory_space<hbm>>
      tpu.wait_dma2 semaphore(%arg9 : memref<!tpu.dma_semaphore, #tpu.memory_space<semaphore_mem>>) src(%dma_wait3A_79 : memref<128x128xf32, #tpu.memory_space<hbm>>) dst(%arg6 : memref<128x128xf32, #tpu.memory_space<vmem>>)
      %add3A_80 = arith.constant 0 : i32
      %add3A_81 = arith.addi %mul3A_73, %add3A_80 : i32
      %dma_start3A_82 = arith.constant 0 : i32
      %dma_start3A_83 = tpu.memref_slice %arg5[%add3A_81, %dma_start3A_82] : memref<80x128xi32, #tpu.memory_space<vmem>> -> memref<1x128xi32, #tpu.memory_space<vmem>>
      %dma_start3A_84 = tpu.memref_squeeze %dma_start3A_83 : memref<1x128xi32, #tpu.memory_space<vmem>> -> memref<128xi32, #tpu.memory_space<vmem>>
      %dma_start3A_85 = arith.constant 0 : i32
      %dma_start3A_86 = arith.constant 0 : i32
      %dma_start3A_87 = tpu.memref_slice %arg8[%dma_start3A_85, %dma_start3A_86] : memref<10240x128xf32, #tpu.memory_space<vmem_shared>> -> memref<10240x128xf32, #tpu.memory_space<vmem_shared>>
      tpu.enqueue_indirect_dma source(%arg6 : memref<128x128xf32, #tpu.memory_space<vmem>>) target(%dma_start3A_87 : memref<10240x128xf32, #tpu.memory_space<vmem_shared>>) offsets(%dma_start3A_84 : memref<128xi32, #tpu.memory_space<vmem>>) semaphore(%arg11 : memref<!tpu.dma_semaphore, #tpu.memory_space<semaphore_mem>>) {add = true}
      %dma_wait3A_88 = arith.constant 0 : i32
      %dma_wait3A_89 = arith.constant 0 : i32
      %dma_wait3A_90 = tpu.memref_slice %arg2[%dma_wait3A_88, %dma_wait3A_89] : memref<327680x128xf32, #tpu.memory_space<hbm>> -> memref<128x128xf32, #tpu.memory_space<hbm>>
      %dma_wait3A_91 = arith.constant 0 : i32
      %dma_wait3A_92 = arith.constant 0 : i32
      %dma_wait3A_93 = tpu.memref_slice %arg2[%dma_wait3A_91, %dma_wait3A_92] : memref<327680x128xf32, #tpu.memory_space<hbm>> -> memref<128x128xf32, #tpu.memory_space<hbm>>
      tpu.wait_dma2 semaphore(%arg10 : memref<!tpu.dma_semaphore, #tpu.memory_space<semaphore_mem>>) src(%dma_wait3A_93 : memref<128x128xf32, #tpu.memory_space<hbm>>) dst(%arg7 : memref<128x128xf32, #tpu.memory_space<vmem>>)
      %add3A_94 = arith.constant 1 : i32
      %add3A_95 = arith.addi %mul3A_73, %add3A_94 : i32
      %dma_start3A_96 = arith.constant 0 : i32
      %dma_start3A_97 = tpu.memref_slice %arg5[%add3A_95, %dma_start3A_96] : memref<80x128xi32, #tpu.memory_space<vmem>> -> memref<1x128xi32, #tpu.memory_space<vmem>>
      %dma_start3A_98 = tpu.memref_squeeze %dma_start3A_97 : memref<1x128xi32, #tpu.memory_space<vmem>> -> memref<128xi32, #tpu.memory_space<vmem>>
      %dma_start3A_99 = arith.constant 0 : i32
      %dma_start3A_100 = arith.constant 0 : i32
      %dma_start3A_101 = tpu.memref_slice %arg8[%dma_start3A_99, %dma_start3A_100] : memref<10240x128xf32, #tpu.memory_space<vmem_shared>> -> memref<10240x128xf32, #tpu.memory_space<vmem_shared>>
      tpu.enqueue_indirect_dma source(%arg7 : memref<128x128xf32, #tpu.memory_space<vmem>>) target(%dma_start3A_101 : memref<10240x128xf32, #tpu.memory_space<vmem_shared>>) offsets(%dma_start3A_98 : memref<128xi32, #tpu.memory_space<vmem>>) semaphore(%arg12 : memref<!tpu.dma_semaphore, #tpu.memory_space<semaphore_mem>>) {add = true}
      %lt3A = arith.constant 39 : i32
      %lt3A_102 = arith.cmpi slt, %scan3A_71, %lt3A : i32
      %convert_element_type3A = arith.extui %lt3A_102 : i1 to i32
      %cond3A = arith.constant 0 : i32
      %cond3A_103 = arith.cmpi ne, %convert_element_type3A, %cond3A : i32
      scf.if %cond3A_103 {
        %dma_wait3A_109 = arith.constant 0 : i32
        %dma_wait3A_110 = arith.constant 0 : i32
        %dma_wait3A_111 = tpu.memref_slice %arg5[%dma_wait3A_109, %dma_wait3A_110] : memref<80x128xi32, #tpu.memory_space<vmem>> -> memref<1x128xi32, #tpu.memory_space<vmem>>
        %dma_wait3A_112 = tpu.memref_squeeze %dma_wait3A_111 : memref<1x128xi32, #tpu.memory_space<vmem>> -> memref<128xi32, #tpu.memory_space<vmem>>
        %dma_wait3A_113 = arith.constant 0 : i32
        %dma_wait3A_114 = arith.constant 0 : i32
        %dma_wait3A_115 = tpu.memref_slice %arg8[%dma_wait3A_113, %dma_wait3A_114] : memref<10240x128xf32, #tpu.memory_space<vmem_shared>> -> memref<10240x128xf32, #tpu.memory_space<vmem_shared>>
        tpu.wait_indirect_dma semaphore(%arg11 : memref<!tpu.dma_semaphore, #tpu.memory_space<semaphore_mem>>) src(%arg6 : memref<128x128xf32, #tpu.memory_space<vmem>>) dst(%dma_wait3A_115 : memref<10240x128xf32, #tpu.memory_space<vmem_shared>>)
        %add3A_116 = arith.constant 2 : i32
        %add3A_117 = arith.addi %mul3A_73, %add3A_116 : i32
        %add3A_118 = arith.constant 0 : i32
        %add3A_119 = arith.addi %add3A_117, %add3A_118 : i32
        %add3A_120 = arith.addi %add3A, %add3A_119 : i32
        %mul3A_121 = arith.constant 128 : i32
        %mul3A_122 = arith.muli %add3A_120, %mul3A_121 : i32
        %dma_start3A_123 = arith.constant 0 : i32
        %dma_start3A_124 = tpu.memref_slice %arg2[%mul3A_122, %dma_start3A_123] : memref<327680x128xf32, #tpu.memory_space<hbm>> -> memref<128x128xf32, #tpu.memory_space<hbm>>
        %dma_start3A_125 = arith.constant 0 : i32
        %dma_start3A_126 = tpu.memref_slice %arg2[%mul3A_122, %dma_start3A_125] : memref<327680x128xf32, #tpu.memory_space<hbm>> -> memref<128x128xf32, #tpu.memory_space<hbm>>
        tpu.enqueue_dma source(%dma_start3A_126 : memref<128x128xf32, #tpu.memory_space<hbm>>) target(%arg6 : memref<128x128xf32, #tpu.memory_space<vmem>>) target_semaphore(%arg9 : memref<!tpu.dma_semaphore, #tpu.memory_space<semaphore_mem>>)
      } else {
      }
      %lt3A_104 = arith.constant 39 : i32
      %lt3A_105 = arith.cmpi slt, %scan3A_71, %lt3A_104 : i32
      %convert_element_type3A_106 = arith.extui %lt3A_105 : i1 to i32
      %cond3A_107 = arith.constant 0 : i32
      %cond3A_108 = arith.cmpi ne, %convert_element_type3A_106, %cond3A_107 : i32
      scf.if %cond3A_108 {
        %dma_wait3A_109 = arith.constant 0 : i32
        %dma_wait3A_110 = arith.constant 0 : i32
        %dma_wait3A_111 = tpu.memref_slice %arg5[%dma_wait3A_109, %dma_wait3A_110] : memref<80x128xi32, #tpu.memory_space<vmem>> -> memref<1x128xi32, #tpu.memory_space<vmem>>
        %dma_wait3A_112 = tpu.memref_squeeze %dma_wait3A_111 : memref<1x128xi32, #tpu.memory_space<vmem>> -> memref<128xi32, #tpu.memory_space<vmem>>
        %dma_wait3A_113 = arith.constant 0 : i32
        %dma_wait3A_114 = arith.constant 0 : i32
        %dma_wait3A_115 = tpu.memref_slice %arg8[%dma_wait3A_113, %dma_wait3A_114] : memref<10240x128xf32, #tpu.memory_space<vmem_shared>> -> memref<10240x128xf32, #tpu.memory_space<vmem_shared>>
        tpu.wait_indirect_dma semaphore(%arg12 : memref<!tpu.dma_semaphore, #tpu.memory_space<semaphore_mem>>) src(%arg7 : memref<128x128xf32, #tpu.memory_space<vmem>>) dst(%dma_wait3A_115 : memref<10240x128xf32, #tpu.memory_space<vmem_shared>>)
        %add3A_116 = arith.constant 2 : i32
        %add3A_117 = arith.addi %mul3A_73, %add3A_116 : i32
        %add3A_118 = arith.constant 1 : i32
        %add3A_119 = arith.addi %add3A_117, %add3A_118 : i32
        %add3A_120 = arith.addi %add3A, %add3A_119 : i32
        %mul3A_121 = arith.constant 128 : i32
        %mul3A_122 = arith.muli %add3A_120, %mul3A_121 : i32
        %dma_start3A_123 = arith.constant 0 : i32
        %dma_start3A_124 = tpu.memref_slice %arg2[%mul3A_122, %dma_start3A_123] : memref<327680x128xf32, #tpu.memory_space<hbm>> -> memref<128x128xf32, #tpu.memory_space<hbm>>
        %dma_start3A_125 = arith.constant 0 : i32
        %dma_start3A_126 = tpu.memref_slice %arg2[%mul3A_122, %dma_start3A_125] : memref<327680x128xf32, #tpu.memory_space<hbm>> -> memref<128x128xf32, #tpu.memory_space<hbm>>
        tpu.enqueue_dma source(%dma_start3A_126 : memref<128x128xf32, #tpu.memory_space<hbm>>) target(%arg7 : memref<128x128xf32, #tpu.memory_space<vmem>>) target_semaphore(%arg10 : memref<!tpu.dma_semaphore, #tpu.memory_space<semaphore_mem>>)
      } else {
      }
    }
    %scan3A_49 = arith.constant 40 : i32
    %dma_wait3A = arith.constant 0 : i32
    %dma_wait3A_50 = arith.constant 0 : i32
    %dma_wait3A_51 = tpu.memref_slice %arg5[%dma_wait3A, %dma_wait3A_50] : memref<80x128xi32, #tpu.memory_space<vmem>> -> memref<1x128xi32, #tpu.memory_space<vmem>>
    %dma_wait3A_52 = tpu.memref_squeeze %dma_wait3A_51 : memref<1x128xi32, #tpu.memory_space<vmem>> -> memref<128xi32, #tpu.memory_space<vmem>>
    %dma_wait3A_53 = arith.constant 0 : i32
    %dma_wait3A_54 = arith.constant 0 : i32
    %dma_wait3A_55 = tpu.memref_slice %arg8[%dma_wait3A_53, %dma_wait3A_54] : memref<10240x128xf32, #tpu.memory_space<vmem_shared>> -> memref<10240x128xf32, #tpu.memory_space<vmem_shared>>
    tpu.wait_indirect_dma semaphore(%arg11 : memref<!tpu.dma_semaphore, #tpu.memory_space<semaphore_mem>>) src(%arg6 : memref<128x128xf32, #tpu.memory_space<vmem>>) dst(%dma_wait3A_55 : memref<10240x128xf32, #tpu.memory_space<vmem_shared>>)
    %dma_wait3A_56 = arith.constant 0 : i32
    %dma_wait3A_57 = arith.constant 0 : i32
    %dma_wait3A_58 = tpu.memref_slice %arg5[%dma_wait3A_56, %dma_wait3A_57] : memref<80x128xi32, #tpu.memory_space<vmem>> -> memref<1x128xi32, #tpu.memory_space<vmem>>
    %dma_wait3A_59 = tpu.memref_squeeze %dma_wait3A_58 : memref<1x128xi32, #tpu.memory_space<vmem>> -> memref<128xi32, #tpu.memory_space<vmem>>
    %dma_wait3A_60 = arith.constant 0 : i32
    %dma_wait3A_61 = arith.constant 0 : i32
    %dma_wait3A_62 = tpu.memref_slice %arg8[%dma_wait3A_60, %dma_wait3A_61] : memref<10240x128xf32, #tpu.memory_space<vmem_shared>> -> memref<10240x128xf32, #tpu.memory_space<vmem_shared>>
    tpu.wait_indirect_dma semaphore(%arg12 : memref<!tpu.dma_semaphore, #tpu.memory_space<semaphore_mem>>) src(%arg7 : memref<128x128xf32, #tpu.memory_space<vmem>>) dst(%dma_wait3A_62 : memref<10240x128xf32, #tpu.memory_space<vmem_shared>>)
    %barrier3A_63 = arith.constant 0 : index
    tpu.barrier barrier_id(%barrier3A_63)
    %mul3A_64 = arith.constant 10240 : i32
    %mul3A_65 = arith.muli %arg0, %mul3A_64 : i32
    %mul3A_66 = arith.constant 640 : i32
    %mul3A_67 = arith.muli %arg1, %mul3A_66 : i32
    %add3A_68 = arith.addi %mul3A_65, %mul3A_67 : i32
    %mul3A_69 = arith.constant 640 : i32
    %mul3A_70 = arith.muli %arg1, %mul3A_69 : i32
    "tpu.region"() ({
      %run_scoped3A = tpu.sem_alloc : memref<!tpu.dma_semaphore, #tpu.memory_space<semaphore_mem>>
      %dma_start3A_71 = arith.constant 0 : i32
      %dma_start3A_72 = tpu.memref_slice %arg4[%add3A_68, %dma_start3A_71] : memref<20480x128xf32, #tpu.memory_space<hbm>> -> memref<640x128xf32, #tpu.memory_space<hbm>>
      %dma_start3A_73 = arith.constant 0 : i32
      %dma_start3A_74 = tpu.memref_slice %arg8[%mul3A_70, %dma_start3A_73] : memref<10240x128xf32, #tpu.memory_space<vmem_shared>> -> memref<640x128xf32, #tpu.memory_space<vmem_shared>>
      tpu.enqueue_dma source(%dma_start3A_74 : memref<640x128xf32, #tpu.memory_space<vmem_shared>>) target(%dma_start3A_72 : memref<640x128xf32, #tpu.memory_space<hbm>>) target_semaphore(%run_scoped3A : memref<!tpu.dma_semaphore, #tpu.memory_space<semaphore_mem>>)
      %dma_wait3A_75 = arith.constant 0 : i32
      %dma_wait3A_76 = tpu.memref_slice %arg4[%add3A_68, %dma_wait3A_75] : memref<20480x128xf32, #tpu.memory_space<hbm>> -> memref<640x128xf32, #tpu.memory_space<hbm>>
      %dma_wait3A_77 = arith.constant 0 : i32
      %dma_wait3A_78 = tpu.memref_slice %arg8[%mul3A_70, %dma_wait3A_77] : memref<10240x128xf32, #tpu.memory_space<vmem_shared>> -> memref<640x128xf32, #tpu.memory_space<vmem_shared>>
      tpu.wait_dma2 semaphore(%run_scoped3A : memref<!tpu.dma_semaphore, #tpu.memory_space<semaphore_mem>>) src(%dma_wait3A_78 : memref<640x128xf32, #tpu.memory_space<vmem_shared>>) dst(%dma_wait3A_76 : memref<640x128xf32, #tpu.memory_space<hbm>>)
      tpu.yield
    }) : () -> ()
    return
  }
}

#map = affine_map<(d0, d1) -> (0, 0)>
module attributes {stable_mosaic.version = 14 : i64} {
  func.func @_sc_gather(%arg0: i32, %arg1: i32, %arg2: memref<10240x64xf32, #tpu.memory_space<hbm>>, %arg3: memref<10240x64xf32, #tpu.memory_space<hbm>>, %arg4: memref<2560x128xi32, #tpu.memory_space<hbm>>, %arg5: memref<2560x128xi32, #tpu.memory_space<hbm>>, %arg6: memref<327680x128xf32, #tpu.memory_space<hbm>>, %arg7: memref<112x128xi32, #tpu.memory_space<vmem>>, %arg8: memref<112x128xi32, #tpu.memory_space<vmem>>, %arg9: memref<128x64xf32, #tpu.memory_space<vmem>>, %arg10: memref<128x64xf32, #tpu.memory_space<vmem>>, %arg11: memref<128x64xf32, #tpu.memory_space<vmem>>, %arg12: memref<128x64xf32, #tpu.memory_space<vmem>>, %arg13: memref<!tpu.dma_semaphore, #tpu.memory_space<semaphore_mem>>, %arg14: memref<!tpu.dma_semaphore, #tpu.memory_space<semaphore_mem>>, %arg15: memref<!tpu.dma_semaphore, #tpu.memory_space<semaphore_mem>>, %arg16: memref<!tpu.dma_semaphore, #tpu.memory_space<semaphore_mem>>) attributes {dimension_semantics = [#tpu.dimension_semantics<core_parallel>, #tpu.dimension_semantics<subcore_parallel>], iteration_bounds = array<i64: 2, 16>, scalar_prefetch = 0 : i64, scratch_operands = 10 : i64, tpu.core_type = #tpu.core_type<sc_vector_subcore>, window_params = [{transform_indices = #map}, {transform_indices = #map}, {transform_indices = #map}, {transform_indices = #map}, {transform_indices = #map}]} {
    %eq3A = arith.constant 0 : i32
    %eq3A_0 = arith.cmpi eq, %arg0, %eq3A : i32
    %convert_element_type3A = arith.extui %eq3A_0 : i1 to i32
    %cond3A = arith.constant 0 : i32
    %cond3A_1 = arith.cmpi ne, %convert_element_type3A, %cond3A : i32
    scf.if %cond3A_1 {
      %mul3A = arith.constant 112 : i32
      %mul3A_7 = arith.muli %arg1, %mul3A : i32
      "tpu.region"() ({
        %run_scoped3A = tpu.sem_alloc : memref<!tpu.dma_semaphore, #tpu.memory_space<semaphore_mem>>
        %dma_start3A_63 = arith.constant 0 : i32
        %dma_start3A_64 = arith.constant 0 : i32
        %dma_start3A_65 = tpu.memref_slice %arg8[%dma_start3A_63, %dma_start3A_64] : memref<112x128xi32, #tpu.memory_space<vmem>> -> memref<112x128xi32, #tpu.memory_space<vmem>>
        %dma_start3A_66 = arith.constant 0 : i32
        %dma_start3A_67 = tpu.memref_slice %arg5[%mul3A_7, %dma_start3A_66] : memref<2560x128xi32, #tpu.memory_space<hbm>> -> memref<112x128xi32, #tpu.memory_space<hbm>>
        %dma_start3A_68 = arith.constant 0 : i32
        %dma_start3A_69 = arith.constant 0 : i32
        %dma_start3A_70 = tpu.memref_slice %arg8[%dma_start3A_68, %dma_start3A_69] : memref<112x128xi32, #tpu.memory_space<vmem>> -> memref<112x128xi32, #tpu.memory_space<vmem>>
        %dma_start3A_71 = arith.constant 0 : i32
        %dma_start3A_72 = tpu.memref_slice %arg5[%mul3A_7, %dma_start3A_71] : memref<2560x128xi32, #tpu.memory_space<hbm>> -> memref<112x128xi32, #tpu.memory_space<hbm>>
        tpu.enqueue_dma source(%dma_start3A_72 : memref<112x128xi32, #tpu.memory_space<hbm>>) target(%dma_start3A_70 : memref<112x128xi32, #tpu.memory_space<vmem>>) target_semaphore(%run_scoped3A : memref<!tpu.dma_semaphore, #tpu.memory_space<semaphore_mem>>)
        %dma_wait3A_73 = arith.constant 0 : i32
        %dma_wait3A_74 = arith.constant 0 : i32
        %dma_wait3A_75 = tpu.memref_slice %arg8[%dma_wait3A_73, %dma_wait3A_74] : memref<112x128xi32, #tpu.memory_space<vmem>> -> memref<112x128xi32, #tpu.memory_space<vmem>>
        %dma_wait3A_76 = arith.constant 0 : i32
        %dma_wait3A_77 = tpu.memref_slice %arg5[%mul3A_7, %dma_wait3A_76] : memref<2560x128xi32, #tpu.memory_space<hbm>> -> memref<112x128xi32, #tpu.memory_space<hbm>>
        %dma_wait3A_78 = arith.constant 0 : i32
        %dma_wait3A_79 = arith.constant 0 : i32
        %dma_wait3A_80 = tpu.memref_slice %arg8[%dma_wait3A_78, %dma_wait3A_79] : memref<112x128xi32, #tpu.memory_space<vmem>> -> memref<112x128xi32, #tpu.memory_space<vmem>>
        %dma_wait3A_81 = arith.constant 0 : i32
        %dma_wait3A_82 = tpu.memref_slice %arg5[%mul3A_7, %dma_wait3A_81] : memref<2560x128xi32, #tpu.memory_space<hbm>> -> memref<112x128xi32, #tpu.memory_space<hbm>>
        tpu.wait_dma2 semaphore(%run_scoped3A : memref<!tpu.dma_semaphore, #tpu.memory_space<semaphore_mem>>) src(%dma_wait3A_82 : memref<112x128xi32, #tpu.memory_space<hbm>>) dst(%dma_wait3A_80 : memref<112x128xi32, #tpu.memory_space<vmem>>)
        tpu.yield
      }) : () -> ()
      "tpu.region"() ({
        %run_scoped3A = tpu.sem_alloc : memref<!tpu.dma_semaphore, #tpu.memory_space<semaphore_mem>>
        %dma_start3A_63 = arith.constant 0 : i32
        %dma_start3A_64 = arith.constant 0 : i32
        %dma_start3A_65 = tpu.memref_slice %arg7[%dma_start3A_63, %dma_start3A_64] : memref<112x128xi32, #tpu.memory_space<vmem>> -> memref<112x128xi32, #tpu.memory_space<vmem>>
        %dma_start3A_66 = arith.constant 0 : i32
        %dma_start3A_67 = tpu.memref_slice %arg4[%mul3A_7, %dma_start3A_66] : memref<2560x128xi32, #tpu.memory_space<hbm>> -> memref<112x128xi32, #tpu.memory_space<hbm>>
        %dma_start3A_68 = arith.constant 0 : i32
        %dma_start3A_69 = arith.constant 0 : i32
        %dma_start3A_70 = tpu.memref_slice %arg7[%dma_start3A_68, %dma_start3A_69] : memref<112x128xi32, #tpu.memory_space<vmem>> -> memref<112x128xi32, #tpu.memory_space<vmem>>
        %dma_start3A_71 = arith.constant 0 : i32
        %dma_start3A_72 = tpu.memref_slice %arg4[%mul3A_7, %dma_start3A_71] : memref<2560x128xi32, #tpu.memory_space<hbm>> -> memref<112x128xi32, #tpu.memory_space<hbm>>
        tpu.enqueue_dma source(%dma_start3A_72 : memref<112x128xi32, #tpu.memory_space<hbm>>) target(%dma_start3A_70 : memref<112x128xi32, #tpu.memory_space<vmem>>) target_semaphore(%run_scoped3A : memref<!tpu.dma_semaphore, #tpu.memory_space<semaphore_mem>>)
        %dma_wait3A_73 = arith.constant 0 : i32
        %dma_wait3A_74 = arith.constant 0 : i32
        %dma_wait3A_75 = tpu.memref_slice %arg7[%dma_wait3A_73, %dma_wait3A_74] : memref<112x128xi32, #tpu.memory_space<vmem>> -> memref<112x128xi32, #tpu.memory_space<vmem>>
        %dma_wait3A_76 = arith.constant 0 : i32
        %dma_wait3A_77 = tpu.memref_slice %arg4[%mul3A_7, %dma_wait3A_76] : memref<2560x128xi32, #tpu.memory_space<hbm>> -> memref<112x128xi32, #tpu.memory_space<hbm>>
        %dma_wait3A_78 = arith.constant 0 : i32
        %dma_wait3A_79 = arith.constant 0 : i32
        %dma_wait3A_80 = tpu.memref_slice %arg7[%dma_wait3A_78, %dma_wait3A_79] : memref<112x128xi32, #tpu.memory_space<vmem>> -> memref<112x128xi32, #tpu.memory_space<vmem>>
        %dma_wait3A_81 = arith.constant 0 : i32
        %dma_wait3A_82 = tpu.memref_slice %arg4[%mul3A_7, %dma_wait3A_81] : memref<2560x128xi32, #tpu.memory_space<hbm>> -> memref<112x128xi32, #tpu.memory_space<hbm>>
        tpu.wait_dma2 semaphore(%run_scoped3A : memref<!tpu.dma_semaphore, #tpu.memory_space<semaphore_mem>>) src(%dma_wait3A_82 : memref<112x128xi32, #tpu.memory_space<hbm>>) dst(%dma_wait3A_80 : memref<112x128xi32, #tpu.memory_space<vmem>>)
        tpu.yield
      }) : () -> ()
      %dma_start3A = arith.constant 0 : i32
      %dma_start3A_8 = arith.constant 0 : i32
      %dma_start3A_9 = tpu.memref_slice %arg8[%dma_start3A, %dma_start3A_8] : memref<112x128xi32, #tpu.memory_space<vmem>> -> memref<1x128xi32, #tpu.memory_space<vmem>>
      %dma_start3A_10 = tpu.memref_squeeze %dma_start3A_9 : memref<1x128xi32, #tpu.memory_space<vmem>> -> memref<128xi32, #tpu.memory_space<vmem>>
      %dma_start3A_11 = arith.constant 0 : i32
      %dma_start3A_12 = arith.constant 0 : i32
      %dma_start3A_13 = tpu.memref_slice %arg2[%dma_start3A_11, %dma_start3A_12] : memref<10240x64xf32, #tpu.memory_space<hbm>> -> memref<10240x64xf32, #tpu.memory_space<hbm>>
      tpu.enqueue_indirect_dma source(%dma_start3A_13 : memref<10240x64xf32, #tpu.memory_space<hbm>>) target(%arg9 : memref<128x64xf32, #tpu.memory_space<vmem>>) offsets(%dma_start3A_10 : memref<128xi32, #tpu.memory_space<vmem>>) semaphore(%arg13 : memref<!tpu.dma_semaphore, #tpu.memory_space<semaphore_mem>>)
      %dma_start3A_14 = arith.constant 0 : i32
      %dma_start3A_15 = arith.constant 0 : i32
      %dma_start3A_16 = tpu.memref_slice %arg7[%dma_start3A_14, %dma_start3A_15] : memref<112x128xi32, #tpu.memory_space<vmem>> -> memref<1x128xi32, #tpu.memory_space<vmem>>
      %dma_start3A_17 = tpu.memref_squeeze %dma_start3A_16 : memref<1x128xi32, #tpu.memory_space<vmem>> -> memref<128xi32, #tpu.memory_space<vmem>>
      %dma_start3A_18 = arith.constant 0 : i32
      %dma_start3A_19 = arith.constant 0 : i32
      %dma_start3A_20 = tpu.memref_slice %arg3[%dma_start3A_18, %dma_start3A_19] : memref<10240x64xf32, #tpu.memory_space<hbm>> -> memref<10240x64xf32, #tpu.memory_space<hbm>>
      tpu.enqueue_indirect_dma source(%dma_start3A_20 : memref<10240x64xf32, #tpu.memory_space<hbm>>) target(%arg11 : memref<128x64xf32, #tpu.memory_space<vmem>>) offsets(%dma_start3A_17 : memref<128xi32, #tpu.memory_space<vmem>>) semaphore(%arg13 : memref<!tpu.dma_semaphore, #tpu.memory_space<semaphore_mem>>)
      %dma_start3A_21 = arith.constant 1 : i32
      %dma_start3A_22 = arith.constant 0 : i32
      %dma_start3A_23 = tpu.memref_slice %arg8[%dma_start3A_21, %dma_start3A_22] : memref<112x128xi32, #tpu.memory_space<vmem>> -> memref<1x128xi32, #tpu.memory_space<vmem>>
      %dma_start3A_24 = tpu.memref_squeeze %dma_start3A_23 : memref<1x128xi32, #tpu.memory_space<vmem>> -> memref<128xi32, #tpu.memory_space<vmem>>
      %dma_start3A_25 = arith.constant 0 : i32
      %dma_start3A_26 = arith.constant 0 : i32
      %dma_start3A_27 = tpu.memref_slice %arg2[%dma_start3A_25, %dma_start3A_26] : memref<10240x64xf32, #tpu.memory_space<hbm>> -> memref<10240x64xf32, #tpu.memory_space<hbm>>
      tpu.enqueue_indirect_dma source(%dma_start3A_27 : memref<10240x64xf32, #tpu.memory_space<hbm>>) target(%arg10 : memref<128x64xf32, #tpu.memory_space<vmem>>) offsets(%dma_start3A_24 : memref<128xi32, #tpu.memory_space<vmem>>) semaphore(%arg14 : memref<!tpu.dma_semaphore, #tpu.memory_space<semaphore_mem>>)
      %dma_start3A_28 = arith.constant 1 : i32
      %dma_start3A_29 = arith.constant 0 : i32
      %dma_start3A_30 = tpu.memref_slice %arg7[%dma_start3A_28, %dma_start3A_29] : memref<112x128xi32, #tpu.memory_space<vmem>> -> memref<1x128xi32, #tpu.memory_space<vmem>>
      %dma_start3A_31 = tpu.memref_squeeze %dma_start3A_30 : memref<1x128xi32, #tpu.memory_space<vmem>> -> memref<128xi32, #tpu.memory_space<vmem>>
      %dma_start3A_32 = arith.constant 0 : i32
      %dma_start3A_33 = arith.constant 0 : i32
      %dma_start3A_34 = tpu.memref_slice %arg3[%dma_start3A_32, %dma_start3A_33] : memref<10240x64xf32, #tpu.memory_space<hbm>> -> memref<10240x64xf32, #tpu.memory_space<hbm>>
      tpu.enqueue_indirect_dma source(%dma_start3A_34 : memref<10240x64xf32, #tpu.memory_space<hbm>>) target(%arg12 : memref<128x64xf32, #tpu.memory_space<vmem>>) offsets(%dma_start3A_31 : memref<128xi32, #tpu.memory_space<vmem>>) semaphore(%arg14 : memref<!tpu.dma_semaphore, #tpu.memory_space<semaphore_mem>>)
      %scan3A = arith.constant 0 : i32
      %scan3A_35 = arith.constant 0 : i32
      %scan3A_36 = arith.constant 56 : i32
      %scan3A_37 = arith.addi %scan3A_35, %scan3A_36 : i32
      %scan3A_38 = arith.constant 1 : i32
      scf.for %scan3A_63 = %scan3A_35 to %scan3A_37 step %scan3A_38  : i32 {
        %mul3A_64 = arith.constant 2 : i32
        %mul3A_65 = arith.muli %scan3A_63, %mul3A_64 : i32
        %dma_wait3A_66 = arith.constant 0 : i32
        %dma_wait3A_67 = arith.constant 0 : i32
        %dma_wait3A_68 = tpu.memref_slice %arg8[%dma_wait3A_66, %dma_wait3A_67] : memref<112x128xi32, #tpu.memory_space<vmem>> -> memref<1x128xi32, #tpu.memory_space<vmem>>
        %dma_wait3A_69 = tpu.memref_squeeze %dma_wait3A_68 : memref<1x128xi32, #tpu.memory_space<vmem>> -> memref<128xi32, #tpu.memory_space<vmem>>
        %dma_wait3A_70 = arith.constant 0 : i32
        %dma_wait3A_71 = arith.constant 0 : i32
        %dma_wait3A_72 = tpu.memref_slice %arg2[%dma_wait3A_70, %dma_wait3A_71] : memref<10240x64xf32, #tpu.memory_space<hbm>> -> memref<10240x64xf32, #tpu.memory_space<hbm>>
        tpu.wait_indirect_dma semaphore(%arg13 : memref<!tpu.dma_semaphore, #tpu.memory_space<semaphore_mem>>) src(%dma_wait3A_72 : memref<10240x64xf32, #tpu.memory_space<hbm>>) dst(%arg9 : memref<128x64xf32, #tpu.memory_space<vmem>>)
        %dma_wait3A_73 = arith.constant 0 : i32
        %dma_wait3A_74 = arith.constant 0 : i32
        %dma_wait3A_75 = tpu.memref_slice %arg7[%dma_wait3A_73, %dma_wait3A_74] : memref<112x128xi32, #tpu.memory_space<vmem>> -> memref<1x128xi32, #tpu.memory_space<vmem>>
        %dma_wait3A_76 = tpu.memref_squeeze %dma_wait3A_75 : memref<1x128xi32, #tpu.memory_space<vmem>> -> memref<128xi32, #tpu.memory_space<vmem>>
        %dma_wait3A_77 = arith.constant 0 : i32
        %dma_wait3A_78 = arith.constant 0 : i32
        %dma_wait3A_79 = tpu.memref_slice %arg3[%dma_wait3A_77, %dma_wait3A_78] : memref<10240x64xf32, #tpu.memory_space<hbm>> -> memref<10240x64xf32, #tpu.memory_space<hbm>>
        tpu.wait_indirect_dma semaphore(%arg13 : memref<!tpu.dma_semaphore, #tpu.memory_space<semaphore_mem>>) src(%dma_wait3A_79 : memref<10240x64xf32, #tpu.memory_space<hbm>>) dst(%arg11 : memref<128x64xf32, #tpu.memory_space<vmem>>)
        %add3A = arith.constant 0 : i32
        %add3A_80 = arith.addi %mul3A_65, %add3A : i32
        %add3A_81 = arith.addi %mul3A_7, %add3A_80 : i32
        %mul3A_82 = arith.constant 128 : i32
        %mul3A_83 = arith.muli %add3A_81, %mul3A_82 : i32
        %dma_start3A_84 = arith.constant 0 : i32
        %dma_start3A_85 = tpu.memref_slice %arg6[%mul3A_83, %dma_start3A_84] : memref<327680x128xf32, #tpu.memory_space<hbm>> -> memref<128x64xf32, #tpu.memory_space<hbm>>
        %dma_start3A_86 = arith.constant 0 : i32
        %dma_start3A_87 = tpu.memref_slice %arg6[%mul3A_83, %dma_start3A_86] : memref<327680x128xf32, #tpu.memory_space<hbm>> -> memref<128x64xf32, #tpu.memory_space<hbm>>
        tpu.enqueue_dma source(%arg9 : memref<128x64xf32, #tpu.memory_space<vmem>>) target(%dma_start3A_87 : memref<128x64xf32, #tpu.memory_space<hbm>>) target_semaphore(%arg15 : memref<!tpu.dma_semaphore, #tpu.memory_space<semaphore_mem>>)
        %dma_start3A_88 = arith.constant 64 : i32
        %dma_start3A_89 = tpu.memref_slice %arg6[%mul3A_83, %dma_start3A_88] : memref<327680x128xf32, #tpu.memory_space<hbm>> -> memref<128x64xf32, #tpu.memory_space<hbm>>
        %dma_start3A_90 = arith.constant 64 : i32
        %dma_start3A_91 = tpu.memref_slice %arg6[%mul3A_83, %dma_start3A_90] : memref<327680x128xf32, #tpu.memory_space<hbm>> -> memref<128x64xf32, #tpu.memory_space<hbm>>
        tpu.enqueue_dma source(%arg11 : memref<128x64xf32, #tpu.memory_space<vmem>>) target(%dma_start3A_91 : memref<128x64xf32, #tpu.memory_space<hbm>>) target_semaphore(%arg15 : memref<!tpu.dma_semaphore, #tpu.memory_space<semaphore_mem>>)
        %dma_wait3A_92 = arith.constant 0 : i32
        %dma_wait3A_93 = arith.constant 0 : i32
        %dma_wait3A_94 = tpu.memref_slice %arg8[%dma_wait3A_92, %dma_wait3A_93] : memref<112x128xi32, #tpu.memory_space<vmem>> -> memref<1x128xi32, #tpu.memory_space<vmem>>
        %dma_wait3A_95 = tpu.memref_squeeze %dma_wait3A_94 : memref<1x128xi32, #tpu.memory_space<vmem>> -> memref<128xi32, #tpu.memory_space<vmem>>
        %dma_wait3A_96 = arith.constant 0 : i32
        %dma_wait3A_97 = arith.constant 0 : i32
        %dma_wait3A_98 = tpu.memref_slice %arg2[%dma_wait3A_96, %dma_wait3A_97] : memref<10240x64xf32, #tpu.memory_space<hbm>> -> memref<10240x64xf32, #tpu.memory_space<hbm>>
        tpu.wait_indirect_dma semaphore(%arg14 : memref<!tpu.dma_semaphore, #tpu.memory_space<semaphore_mem>>) src(%dma_wait3A_98 : memref<10240x64xf32, #tpu.memory_space<hbm>>) dst(%arg10 : memref<128x64xf32, #tpu.memory_space<vmem>>)
        %dma_wait3A_99 = arith.constant 0 : i32
        %dma_wait3A_100 = arith.constant 0 : i32
        %dma_wait3A_101 = tpu.memref_slice %arg7[%dma_wait3A_99, %dma_wait3A_100] : memref<112x128xi32, #tpu.memory_space<vmem>> -> memref<1x128xi32, #tpu.memory_space<vmem>>
        %dma_wait3A_102 = tpu.memref_squeeze %dma_wait3A_101 : memref<1x128xi32, #tpu.memory_space<vmem>> -> memref<128xi32, #tpu.memory_space<vmem>>
        %dma_wait3A_103 = arith.constant 0 : i32
        %dma_wait3A_104 = arith.constant 0 : i32
        %dma_wait3A_105 = tpu.memref_slice %arg3[%dma_wait3A_103, %dma_wait3A_104] : memref<10240x64xf32, #tpu.memory_space<hbm>> -> memref<10240x64xf32, #tpu.memory_space<hbm>>
        tpu.wait_indirect_dma semaphore(%arg14 : memref<!tpu.dma_semaphore, #tpu.memory_space<semaphore_mem>>) src(%dma_wait3A_105 : memref<10240x64xf32, #tpu.memory_space<hbm>>) dst(%arg12 : memref<128x64xf32, #tpu.memory_space<vmem>>)
        %add3A_106 = arith.constant 1 : i32
        %add3A_107 = arith.addi %mul3A_65, %add3A_106 : i32
        %add3A_108 = arith.addi %mul3A_7, %add3A_107 : i32
        %mul3A_109 = arith.constant 128 : i32
        %mul3A_110 = arith.muli %add3A_108, %mul3A_109 : i32
        %dma_start3A_111 = arith.constant 0 : i32
        %dma_start3A_112 = tpu.memref_slice %arg6[%mul3A_110, %dma_start3A_111] : memref<327680x128xf32, #tpu.memory_space<hbm>> -> memref<128x64xf32, #tpu.memory_space<hbm>>
        %dma_start3A_113 = arith.constant 0 : i32
        %dma_start3A_114 = tpu.memref_slice %arg6[%mul3A_110, %dma_start3A_113] : memref<327680x128xf32, #tpu.memory_space<hbm>> -> memref<128x64xf32, #tpu.memory_space<hbm>>
        tpu.enqueue_dma source(%arg10 : memref<128x64xf32, #tpu.memory_space<vmem>>) target(%dma_start3A_114 : memref<128x64xf32, #tpu.memory_space<hbm>>) target_semaphore(%arg16 : memref<!tpu.dma_semaphore, #tpu.memory_space<semaphore_mem>>)
        %dma_start3A_115 = arith.constant 64 : i32
        %dma_start3A_116 = tpu.memref_slice %arg6[%mul3A_110, %dma_start3A_115] : memref<327680x128xf32, #tpu.memory_space<hbm>> -> memref<128x64xf32, #tpu.memory_space<hbm>>
        %dma_start3A_117 = arith.constant 64 : i32
        %dma_start3A_118 = tpu.memref_slice %arg6[%mul3A_110, %dma_start3A_117] : memref<327680x128xf32, #tpu.memory_space<hbm>> -> memref<128x64xf32, #tpu.memory_space<hbm>>
        tpu.enqueue_dma source(%arg12 : memref<128x64xf32, #tpu.memory_space<vmem>>) target(%dma_start3A_118 : memref<128x64xf32, #tpu.memory_space<hbm>>) target_semaphore(%arg16 : memref<!tpu.dma_semaphore, #tpu.memory_space<semaphore_mem>>)
        %lt3A = arith.constant 55 : i32
        %lt3A_119 = arith.cmpi slt, %scan3A_63, %lt3A : i32
        %convert_element_type3A_120 = arith.extui %lt3A_119 : i1 to i32
        %cond3A_121 = arith.constant 0 : i32
        %cond3A_122 = arith.cmpi ne, %convert_element_type3A_120, %cond3A_121 : i32
        scf.if %cond3A_122 {
          %dma_wait3A_128 = arith.constant 0 : i32
          %dma_wait3A_129 = arith.constant 0 : i32
          %dma_wait3A_130 = tpu.memref_slice %arg6[%dma_wait3A_128, %dma_wait3A_129] : memref<327680x128xf32, #tpu.memory_space<hbm>> -> memref<128x64xf32, #tpu.memory_space<hbm>>
          %dma_wait3A_131 = arith.constant 0 : i32
          %dma_wait3A_132 = arith.constant 0 : i32
          %dma_wait3A_133 = tpu.memref_slice %arg6[%dma_wait3A_131, %dma_wait3A_132] : memref<327680x128xf32, #tpu.memory_space<hbm>> -> memref<128x64xf32, #tpu.memory_space<hbm>>
          tpu.wait_dma2 semaphore(%arg15 : memref<!tpu.dma_semaphore, #tpu.memory_space<semaphore_mem>>) src(%arg9 : memref<128x64xf32, #tpu.memory_space<vmem>>) dst(%dma_wait3A_133 : memref<128x64xf32, #tpu.memory_space<hbm>>)
          %dma_wait3A_134 = arith.constant 0 : i32
          %dma_wait3A_135 = arith.constant 64 : i32
          %dma_wait3A_136 = tpu.memref_slice %arg6[%dma_wait3A_134, %dma_wait3A_135] : memref<327680x128xf32, #tpu.memory_space<hbm>> -> memref<128x64xf32, #tpu.memory_space<hbm>>
          %dma_wait3A_137 = arith.constant 0 : i32
          %dma_wait3A_138 = arith.constant 64 : i32
          %dma_wait3A_139 = tpu.memref_slice %arg6[%dma_wait3A_137, %dma_wait3A_138] : memref<327680x128xf32, #tpu.memory_space<hbm>> -> memref<128x64xf32, #tpu.memory_space<hbm>>
          tpu.wait_dma2 semaphore(%arg15 : memref<!tpu.dma_semaphore, #tpu.memory_space<semaphore_mem>>) src(%arg11 : memref<128x64xf32, #tpu.memory_space<vmem>>) dst(%dma_wait3A_139 : memref<128x64xf32, #tpu.memory_space<hbm>>)
          %add3A_140 = arith.constant 2 : i32
          %add3A_141 = arith.addi %mul3A_65, %add3A_140 : i32
          %add3A_142 = arith.constant 0 : i32
          %add3A_143 = arith.addi %add3A_141, %add3A_142 : i32
          %dma_start3A_144 = arith.constant 0 : i32
          %dma_start3A_145 = tpu.memref_slice %arg8[%add3A_143, %dma_start3A_144] : memref<112x128xi32, #tpu.memory_space<vmem>> -> memref<1x128xi32, #tpu.memory_space<vmem>>
          %dma_start3A_146 = tpu.memref_squeeze %dma_start3A_145 : memref<1x128xi32, #tpu.memory_space<vmem>> -> memref<128xi32, #tpu.memory_space<vmem>>
          %dma_start3A_147 = arith.constant 0 : i32
          %dma_start3A_148 = arith.constant 0 : i32
          %dma_start3A_149 = tpu.memref_slice %arg2[%dma_start3A_147, %dma_start3A_148] : memref<10240x64xf32, #tpu.memory_space<hbm>> -> memref<10240x64xf32, #tpu.memory_space<hbm>>
          tpu.enqueue_indirect_dma source(%dma_start3A_149 : memref<10240x64xf32, #tpu.memory_space<hbm>>) target(%arg9 : memref<128x64xf32, #tpu.memory_space<vmem>>) offsets(%dma_start3A_146 : memref<128xi32, #tpu.memory_space<vmem>>) semaphore(%arg13 : memref<!tpu.dma_semaphore, #tpu.memory_space<semaphore_mem>>)
          %dma_start3A_150 = arith.constant 0 : i32
          %dma_start3A_151 = tpu.memref_slice %arg7[%add3A_143, %dma_start3A_150] : memref<112x128xi32, #tpu.memory_space<vmem>> -> memref<1x128xi32, #tpu.memory_space<vmem>>
          %dma_start3A_152 = tpu.memref_squeeze %dma_start3A_151 : memref<1x128xi32, #tpu.memory_space<vmem>> -> memref<128xi32, #tpu.memory_space<vmem>>
          %dma_start3A_153 = arith.constant 0 : i32
          %dma_start3A_154 = arith.constant 0 : i32
          %dma_start3A_155 = tpu.memref_slice %arg3[%dma_start3A_153, %dma_start3A_154] : memref<10240x64xf32, #tpu.memory_space<hbm>> -> memref<10240x64xf32, #tpu.memory_space<hbm>>
          tpu.enqueue_indirect_dma source(%dma_start3A_155 : memref<10240x64xf32, #tpu.memory_space<hbm>>) target(%arg11 : memref<128x64xf32, #tpu.memory_space<vmem>>) offsets(%dma_start3A_152 : memref<128xi32, #tpu.memory_space<vmem>>) semaphore(%arg13 : memref<!tpu.dma_semaphore, #tpu.memory_space<semaphore_mem>>)
        } else {
        }
        %lt3A_123 = arith.constant 55 : i32
        %lt3A_124 = arith.cmpi slt, %scan3A_63, %lt3A_123 : i32
        %convert_element_type3A_125 = arith.extui %lt3A_124 : i1 to i32
        %cond3A_126 = arith.constant 0 : i32
        %cond3A_127 = arith.cmpi ne, %convert_element_type3A_125, %cond3A_126 : i32
        scf.if %cond3A_127 {
          %dma_wait3A_128 = arith.constant 0 : i32
          %dma_wait3A_129 = arith.constant 0 : i32
          %dma_wait3A_130 = tpu.memref_slice %arg6[%dma_wait3A_128, %dma_wait3A_129] : memref<327680x128xf32, #tpu.memory_space<hbm>> -> memref<128x64xf32, #tpu.memory_space<hbm>>
          %dma_wait3A_131 = arith.constant 0 : i32
          %dma_wait3A_132 = arith.constant 0 : i32
          %dma_wait3A_133 = tpu.memref_slice %arg6[%dma_wait3A_131, %dma_wait3A_132] : memref<327680x128xf32, #tpu.memory_space<hbm>> -> memref<128x64xf32, #tpu.memory_space<hbm>>
          tpu.wait_dma2 semaphore(%arg16 : memref<!tpu.dma_semaphore, #tpu.memory_space<semaphore_mem>>) src(%arg10 : memref<128x64xf32, #tpu.memory_space<vmem>>) dst(%dma_wait3A_133 : memref<128x64xf32, #tpu.memory_space<hbm>>)
          %dma_wait3A_134 = arith.constant 0 : i32
          %dma_wait3A_135 = arith.constant 64 : i32
          %dma_wait3A_136 = tpu.memref_slice %arg6[%dma_wait3A_134, %dma_wait3A_135] : memref<327680x128xf32, #tpu.memory_space<hbm>> -> memref<128x64xf32, #tpu.memory_space<hbm>>
          %dma_wait3A_137 = arith.constant 0 : i32
          %dma_wait3A_138 = arith.constant 64 : i32
          %dma_wait3A_139 = tpu.memref_slice %arg6[%dma_wait3A_137, %dma_wait3A_138] : memref<327680x128xf32, #tpu.memory_space<hbm>> -> memref<128x64xf32, #tpu.memory_space<hbm>>
          tpu.wait_dma2 semaphore(%arg16 : memref<!tpu.dma_semaphore, #tpu.memory_space<semaphore_mem>>) src(%arg12 : memref<128x64xf32, #tpu.memory_space<vmem>>) dst(%dma_wait3A_139 : memref<128x64xf32, #tpu.memory_space<hbm>>)
          %add3A_140 = arith.constant 2 : i32
          %add3A_141 = arith.addi %mul3A_65, %add3A_140 : i32
          %add3A_142 = arith.constant 1 : i32
          %add3A_143 = arith.addi %add3A_141, %add3A_142 : i32
          %dma_start3A_144 = arith.constant 0 : i32
          %dma_start3A_145 = tpu.memref_slice %arg8[%add3A_143, %dma_start3A_144] : memref<112x128xi32, #tpu.memory_space<vmem>> -> memref<1x128xi32, #tpu.memory_space<vmem>>
          %dma_start3A_146 = tpu.memref_squeeze %dma_start3A_145 : memref<1x128xi32, #tpu.memory_space<vmem>> -> memref<128xi32, #tpu.memory_space<vmem>>
          %dma_start3A_147 = arith.constant 0 : i32
          %dma_start3A_148 = arith.constant 0 : i32
          %dma_start3A_149 = tpu.memref_slice %arg2[%dma_start3A_147, %dma_start3A_148] : memref<10240x64xf32, #tpu.memory_space<hbm>> -> memref<10240x64xf32, #tpu.memory_space<hbm>>
          tpu.enqueue_indirect_dma source(%dma_start3A_149 : memref<10240x64xf32, #tpu.memory_space<hbm>>) target(%arg10 : memref<128x64xf32, #tpu.memory_space<vmem>>) offsets(%dma_start3A_146 : memref<128xi32, #tpu.memory_space<vmem>>) semaphore(%arg14 : memref<!tpu.dma_semaphore, #tpu.memory_space<semaphore_mem>>)
          %dma_start3A_150 = arith.constant 0 : i32
          %dma_start3A_151 = tpu.memref_slice %arg7[%add3A_143, %dma_start3A_150] : memref<112x128xi32, #tpu.memory_space<vmem>> -> memref<1x128xi32, #tpu.memory_space<vmem>>
          %dma_start3A_152 = tpu.memref_squeeze %dma_start3A_151 : memref<1x128xi32, #tpu.memory_space<vmem>> -> memref<128xi32, #tpu.memory_space<vmem>>
          %dma_start3A_153 = arith.constant 0 : i32
          %dma_start3A_154 = arith.constant 0 : i32
          %dma_start3A_155 = tpu.memref_slice %arg3[%dma_start3A_153, %dma_start3A_154] : memref<10240x64xf32, #tpu.memory_space<hbm>> -> memref<10240x64xf32, #tpu.memory_space<hbm>>
          tpu.enqueue_indirect_dma source(%dma_start3A_155 : memref<10240x64xf32, #tpu.memory_space<hbm>>) target(%arg12 : memref<128x64xf32, #tpu.memory_space<vmem>>) offsets(%dma_start3A_152 : memref<128xi32, #tpu.memory_space<vmem>>) semaphore(%arg14 : memref<!tpu.dma_semaphore, #tpu.memory_space<semaphore_mem>>)
        } else {
        }
      }
      %scan3A_39 = arith.constant 56 : i32
      %dma_wait3A = arith.constant 0 : i32
      %dma_wait3A_40 = arith.constant 0 : i32
      %dma_wait3A_41 = tpu.memref_slice %arg6[%dma_wait3A, %dma_wait3A_40] : memref<327680x128xf32, #tpu.memory_space<hbm>> -> memref<128x64xf32, #tpu.memory_space<hbm>>
      %dma_wait3A_42 = arith.constant 0 : i32
      %dma_wait3A_43 = arith.constant 0 : i32
      %dma_wait3A_44 = tpu.memref_slice %arg6[%dma_wait3A_42, %dma_wait3A_43] : memref<327680x128xf32, #tpu.memory_space<hbm>> -> memref<128x64xf32, #tpu.memory_space<hbm>>
      tpu.wait_dma2 semaphore(%arg15 : memref<!tpu.dma_semaphore, #tpu.memory_space<semaphore_mem>>) src(%arg9 : memref<128x64xf32, #tpu.memory_space<vmem>>) dst(%dma_wait3A_44 : memref<128x64xf32, #tpu.memory_space<hbm>>)
      %dma_wait3A_45 = arith.constant 0 : i32
      %dma_wait3A_46 = arith.constant 64 : i32
      %dma_wait3A_47 = tpu.memref_slice %arg6[%dma_wait3A_45, %dma_wait3A_46] : memref<327680x128xf32, #tpu.memory_space<hbm>> -> memref<128x64xf32, #tpu.memory_space<hbm>>
      %dma_wait3A_48 = arith.constant 0 : i32
      %dma_wait3A_49 = arith.constant 64 : i32
      %dma_wait3A_50 = tpu.memref_slice %arg6[%dma_wait3A_48, %dma_wait3A_49] : memref<327680x128xf32, #tpu.memory_space<hbm>> -> memref<128x64xf32, #tpu.memory_space<hbm>>
      tpu.wait_dma2 semaphore(%arg15 : memref<!tpu.dma_semaphore, #tpu.memory_space<semaphore_mem>>) src(%arg11 : memref<128x64xf32, #tpu.memory_space<vmem>>) dst(%dma_wait3A_50 : memref<128x64xf32, #tpu.memory_space<hbm>>)
      %dma_wait3A_51 = arith.constant 0 : i32
      %dma_wait3A_52 = arith.constant 0 : i32
      %dma_wait3A_53 = tpu.memref_slice %arg6[%dma_wait3A_51, %dma_wait3A_52] : memref<327680x128xf32, #tpu.memory_space<hbm>> -> memref<128x64xf32, #tpu.memory_space<hbm>>
      %dma_wait3A_54 = arith.constant 0 : i32
      %dma_wait3A_55 = arith.constant 0 : i32
      %dma_wait3A_56 = tpu.memref_slice %arg6[%dma_wait3A_54, %dma_wait3A_55] : memref<327680x128xf32, #tpu.memory_space<hbm>> -> memref<128x64xf32, #tpu.memory_space<hbm>>
      tpu.wait_dma2 semaphore(%arg16 : memref<!tpu.dma_semaphore, #tpu.memory_space<semaphore_mem>>) src(%arg10 : memref<128x64xf32, #tpu.memory_space<vmem>>) dst(%dma_wait3A_56 : memref<128x64xf32, #tpu.memory_space<hbm>>)
      %dma_wait3A_57 = arith.constant 0 : i32
      %dma_wait3A_58 = arith.constant 64 : i32
      %dma_wait3A_59 = tpu.memref_slice %arg6[%dma_wait3A_57, %dma_wait3A_58] : memref<327680x128xf32, #tpu.memory_space<hbm>> -> memref<128x64xf32, #tpu.memory_space<hbm>>
      %dma_wait3A_60 = arith.constant 0 : i32
      %dma_wait3A_61 = arith.constant 64 : i32
      %dma_wait3A_62 = tpu.memref_slice %arg6[%dma_wait3A_60, %dma_wait3A_61] : memref<327680x128xf32, #tpu.memory_space<hbm>> -> memref<128x64xf32, #tpu.memory_space<hbm>>
      tpu.wait_dma2 semaphore(%arg16 : memref<!tpu.dma_semaphore, #tpu.memory_space<semaphore_mem>>) src(%arg12 : memref<128x64xf32, #tpu.memory_space<vmem>>) dst(%dma_wait3A_62 : memref<128x64xf32, #tpu.memory_space<hbm>>)
    } else {
    }
    %eq3A_2 = arith.constant 1 : i32
    %eq3A_3 = arith.cmpi eq, %arg0, %eq3A_2 : i32
    %convert_element_type3A_4 = arith.extui %eq3A_3 : i1 to i32
    %cond3A_5 = arith.constant 0 : i32
    %cond3A_6 = arith.cmpi ne, %convert_element_type3A_4, %cond3A_5 : i32
    scf.if %cond3A_6 {
      %mul3A = arith.constant 48 : i32
      %mul3A_7 = arith.muli %arg1, %mul3A : i32
      %add3A = arith.constant 1792 : i32
      %add3A_8 = arith.addi %add3A, %mul3A_7 : i32
      "tpu.region"() ({
        %run_scoped3A = tpu.sem_alloc : memref<!tpu.dma_semaphore, #tpu.memory_space<semaphore_mem>>
        %dma_start3A_64 = arith.constant 0 : i32
        %dma_start3A_65 = arith.constant 0 : i32
        %dma_start3A_66 = tpu.memref_slice %arg8[%dma_start3A_64, %dma_start3A_65] : memref<112x128xi32, #tpu.memory_space<vmem>> -> memref<48x128xi32, #tpu.memory_space<vmem>>
        %dma_start3A_67 = arith.constant 0 : i32
        %dma_start3A_68 = tpu.memref_slice %arg5[%add3A_8, %dma_start3A_67] : memref<2560x128xi32, #tpu.memory_space<hbm>> -> memref<48x128xi32, #tpu.memory_space<hbm>>
        %dma_start3A_69 = arith.constant 0 : i32
        %dma_start3A_70 = arith.constant 0 : i32
        %dma_start3A_71 = tpu.memref_slice %arg8[%dma_start3A_69, %dma_start3A_70] : memref<112x128xi32, #tpu.memory_space<vmem>> -> memref<48x128xi32, #tpu.memory_space<vmem>>
        %dma_start3A_72 = arith.constant 0 : i32
        %dma_start3A_73 = tpu.memref_slice %arg5[%add3A_8, %dma_start3A_72] : memref<2560x128xi32, #tpu.memory_space<hbm>> -> memref<48x128xi32, #tpu.memory_space<hbm>>
        tpu.enqueue_dma source(%dma_start3A_73 : memref<48x128xi32, #tpu.memory_space<hbm>>) target(%dma_start3A_71 : memref<48x128xi32, #tpu.memory_space<vmem>>) target_semaphore(%run_scoped3A : memref<!tpu.dma_semaphore, #tpu.memory_space<semaphore_mem>>)
        %dma_wait3A_74 = arith.constant 0 : i32
        %dma_wait3A_75 = arith.constant 0 : i32
        %dma_wait3A_76 = tpu.memref_slice %arg8[%dma_wait3A_74, %dma_wait3A_75] : memref<112x128xi32, #tpu.memory_space<vmem>> -> memref<48x128xi32, #tpu.memory_space<vmem>>
        %dma_wait3A_77 = arith.constant 0 : i32
        %dma_wait3A_78 = tpu.memref_slice %arg5[%add3A_8, %dma_wait3A_77] : memref<2560x128xi32, #tpu.memory_space<hbm>> -> memref<48x128xi32, #tpu.memory_space<hbm>>
        %dma_wait3A_79 = arith.constant 0 : i32
        %dma_wait3A_80 = arith.constant 0 : i32
        %dma_wait3A_81 = tpu.memref_slice %arg8[%dma_wait3A_79, %dma_wait3A_80] : memref<112x128xi32, #tpu.memory_space<vmem>> -> memref<48x128xi32, #tpu.memory_space<vmem>>
        %dma_wait3A_82 = arith.constant 0 : i32
        %dma_wait3A_83 = tpu.memref_slice %arg5[%add3A_8, %dma_wait3A_82] : memref<2560x128xi32, #tpu.memory_space<hbm>> -> memref<48x128xi32, #tpu.memory_space<hbm>>
        tpu.wait_dma2 semaphore(%run_scoped3A : memref<!tpu.dma_semaphore, #tpu.memory_space<semaphore_mem>>) src(%dma_wait3A_83 : memref<48x128xi32, #tpu.memory_space<hbm>>) dst(%dma_wait3A_81 : memref<48x128xi32, #tpu.memory_space<vmem>>)
        tpu.yield
      }) : () -> ()
      "tpu.region"() ({
        %run_scoped3A = tpu.sem_alloc : memref<!tpu.dma_semaphore, #tpu.memory_space<semaphore_mem>>
        %dma_start3A_64 = arith.constant 0 : i32
        %dma_start3A_65 = arith.constant 0 : i32
        %dma_start3A_66 = tpu.memref_slice %arg7[%dma_start3A_64, %dma_start3A_65] : memref<112x128xi32, #tpu.memory_space<vmem>> -> memref<48x128xi32, #tpu.memory_space<vmem>>
        %dma_start3A_67 = arith.constant 0 : i32
        %dma_start3A_68 = tpu.memref_slice %arg4[%add3A_8, %dma_start3A_67] : memref<2560x128xi32, #tpu.memory_space<hbm>> -> memref<48x128xi32, #tpu.memory_space<hbm>>
        %dma_start3A_69 = arith.constant 0 : i32
        %dma_start3A_70 = arith.constant 0 : i32
        %dma_start3A_71 = tpu.memref_slice %arg7[%dma_start3A_69, %dma_start3A_70] : memref<112x128xi32, #tpu.memory_space<vmem>> -> memref<48x128xi32, #tpu.memory_space<vmem>>
        %dma_start3A_72 = arith.constant 0 : i32
        %dma_start3A_73 = tpu.memref_slice %arg4[%add3A_8, %dma_start3A_72] : memref<2560x128xi32, #tpu.memory_space<hbm>> -> memref<48x128xi32, #tpu.memory_space<hbm>>
        tpu.enqueue_dma source(%dma_start3A_73 : memref<48x128xi32, #tpu.memory_space<hbm>>) target(%dma_start3A_71 : memref<48x128xi32, #tpu.memory_space<vmem>>) target_semaphore(%run_scoped3A : memref<!tpu.dma_semaphore, #tpu.memory_space<semaphore_mem>>)
        %dma_wait3A_74 = arith.constant 0 : i32
        %dma_wait3A_75 = arith.constant 0 : i32
        %dma_wait3A_76 = tpu.memref_slice %arg7[%dma_wait3A_74, %dma_wait3A_75] : memref<112x128xi32, #tpu.memory_space<vmem>> -> memref<48x128xi32, #tpu.memory_space<vmem>>
        %dma_wait3A_77 = arith.constant 0 : i32
        %dma_wait3A_78 = tpu.memref_slice %arg4[%add3A_8, %dma_wait3A_77] : memref<2560x128xi32, #tpu.memory_space<hbm>> -> memref<48x128xi32, #tpu.memory_space<hbm>>
        %dma_wait3A_79 = arith.constant 0 : i32
        %dma_wait3A_80 = arith.constant 0 : i32
        %dma_wait3A_81 = tpu.memref_slice %arg7[%dma_wait3A_79, %dma_wait3A_80] : memref<112x128xi32, #tpu.memory_space<vmem>> -> memref<48x128xi32, #tpu.memory_space<vmem>>
        %dma_wait3A_82 = arith.constant 0 : i32
        %dma_wait3A_83 = tpu.memref_slice %arg4[%add3A_8, %dma_wait3A_82] : memref<2560x128xi32, #tpu.memory_space<hbm>> -> memref<48x128xi32, #tpu.memory_space<hbm>>
        tpu.wait_dma2 semaphore(%run_scoped3A : memref<!tpu.dma_semaphore, #tpu.memory_space<semaphore_mem>>) src(%dma_wait3A_83 : memref<48x128xi32, #tpu.memory_space<hbm>>) dst(%dma_wait3A_81 : memref<48x128xi32, #tpu.memory_space<vmem>>)
        tpu.yield
      }) : () -> ()
      %dma_start3A = arith.constant 0 : i32
      %dma_start3A_9 = arith.constant 0 : i32
      %dma_start3A_10 = tpu.memref_slice %arg8[%dma_start3A, %dma_start3A_9] : memref<112x128xi32, #tpu.memory_space<vmem>> -> memref<1x128xi32, #tpu.memory_space<vmem>>
      %dma_start3A_11 = tpu.memref_squeeze %dma_start3A_10 : memref<1x128xi32, #tpu.memory_space<vmem>> -> memref<128xi32, #tpu.memory_space<vmem>>
      %dma_start3A_12 = arith.constant 0 : i32
      %dma_start3A_13 = arith.constant 0 : i32
      %dma_start3A_14 = tpu.memref_slice %arg2[%dma_start3A_12, %dma_start3A_13] : memref<10240x64xf32, #tpu.memory_space<hbm>> -> memref<10240x64xf32, #tpu.memory_space<hbm>>
      tpu.enqueue_indirect_dma source(%dma_start3A_14 : memref<10240x64xf32, #tpu.memory_space<hbm>>) target(%arg9 : memref<128x64xf32, #tpu.memory_space<vmem>>) offsets(%dma_start3A_11 : memref<128xi32, #tpu.memory_space<vmem>>) semaphore(%arg13 : memref<!tpu.dma_semaphore, #tpu.memory_space<semaphore_mem>>)
      %dma_start3A_15 = arith.constant 0 : i32
      %dma_start3A_16 = arith.constant 0 : i32
      %dma_start3A_17 = tpu.memref_slice %arg7[%dma_start3A_15, %dma_start3A_16] : memref<112x128xi32, #tpu.memory_space<vmem>> -> memref<1x128xi32, #tpu.memory_space<vmem>>
      %dma_start3A_18 = tpu.memref_squeeze %dma_start3A_17 : memref<1x128xi32, #tpu.memory_space<vmem>> -> memref<128xi32, #tpu.memory_space<vmem>>
      %dma_start3A_19 = arith.constant 0 : i32
      %dma_start3A_20 = arith.constant 0 : i32
      %dma_start3A_21 = tpu.memref_slice %arg3[%dma_start3A_19, %dma_start3A_20] : memref<10240x64xf32, #tpu.memory_space<hbm>> -> memref<10240x64xf32, #tpu.memory_space<hbm>>
      tpu.enqueue_indirect_dma source(%dma_start3A_21 : memref<10240x64xf32, #tpu.memory_space<hbm>>) target(%arg11 : memref<128x64xf32, #tpu.memory_space<vmem>>) offsets(%dma_start3A_18 : memref<128xi32, #tpu.memory_space<vmem>>) semaphore(%arg13 : memref<!tpu.dma_semaphore, #tpu.memory_space<semaphore_mem>>)
      %dma_start3A_22 = arith.constant 1 : i32
      %dma_start3A_23 = arith.constant 0 : i32
      %dma_start3A_24 = tpu.memref_slice %arg8[%dma_start3A_22, %dma_start3A_23] : memref<112x128xi32, #tpu.memory_space<vmem>> -> memref<1x128xi32, #tpu.memory_space<vmem>>
      %dma_start3A_25 = tpu.memref_squeeze %dma_start3A_24 : memref<1x128xi32, #tpu.memory_space<vmem>> -> memref<128xi32, #tpu.memory_space<vmem>>
      %dma_start3A_26 = arith.constant 0 : i32
      %dma_start3A_27 = arith.constant 0 : i32
      %dma_start3A_28 = tpu.memref_slice %arg2[%dma_start3A_26, %dma_start3A_27] : memref<10240x64xf32, #tpu.memory_space<hbm>> -> memref<10240x64xf32, #tpu.memory_space<hbm>>
      tpu.enqueue_indirect_dma source(%dma_start3A_28 : memref<10240x64xf32, #tpu.memory_space<hbm>>) target(%arg10 : memref<128x64xf32, #tpu.memory_space<vmem>>) offsets(%dma_start3A_25 : memref<128xi32, #tpu.memory_space<vmem>>) semaphore(%arg14 : memref<!tpu.dma_semaphore, #tpu.memory_space<semaphore_mem>>)
      %dma_start3A_29 = arith.constant 1 : i32
      %dma_start3A_30 = arith.constant 0 : i32
      %dma_start3A_31 = tpu.memref_slice %arg7[%dma_start3A_29, %dma_start3A_30] : memref<112x128xi32, #tpu.memory_space<vmem>> -> memref<1x128xi32, #tpu.memory_space<vmem>>
      %dma_start3A_32 = tpu.memref_squeeze %dma_start3A_31 : memref<1x128xi32, #tpu.memory_space<vmem>> -> memref<128xi32, #tpu.memory_space<vmem>>
      %dma_start3A_33 = arith.constant 0 : i32
      %dma_start3A_34 = arith.constant 0 : i32
      %dma_start3A_35 = tpu.memref_slice %arg3[%dma_start3A_33, %dma_start3A_34] : memref<10240x64xf32, #tpu.memory_space<hbm>> -> memref<10240x64xf32, #tpu.memory_space<hbm>>
      tpu.enqueue_indirect_dma source(%dma_start3A_35 : memref<10240x64xf32, #tpu.memory_space<hbm>>) target(%arg12 : memref<128x64xf32, #tpu.memory_space<vmem>>) offsets(%dma_start3A_32 : memref<128xi32, #tpu.memory_space<vmem>>) semaphore(%arg14 : memref<!tpu.dma_semaphore, #tpu.memory_space<semaphore_mem>>)
      %scan3A = arith.constant 0 : i32
      %scan3A_36 = arith.constant 0 : i32
      %scan3A_37 = arith.constant 24 : i32
      %scan3A_38 = arith.addi %scan3A_36, %scan3A_37 : i32
      %scan3A_39 = arith.constant 1 : i32
      scf.for %scan3A_64 = %scan3A_36 to %scan3A_38 step %scan3A_39  : i32 {
        %mul3A_65 = arith.constant 2 : i32
        %mul3A_66 = arith.muli %scan3A_64, %mul3A_65 : i32
        %dma_wait3A_67 = arith.constant 0 : i32
        %dma_wait3A_68 = arith.constant 0 : i32
        %dma_wait3A_69 = tpu.memref_slice %arg8[%dma_wait3A_67, %dma_wait3A_68] : memref<112x128xi32, #tpu.memory_space<vmem>> -> memref<1x128xi32, #tpu.memory_space<vmem>>
        %dma_wait3A_70 = tpu.memref_squeeze %dma_wait3A_69 : memref<1x128xi32, #tpu.memory_space<vmem>> -> memref<128xi32, #tpu.memory_space<vmem>>
        %dma_wait3A_71 = arith.constant 0 : i32
        %dma_wait3A_72 = arith.constant 0 : i32
        %dma_wait3A_73 = tpu.memref_slice %arg2[%dma_wait3A_71, %dma_wait3A_72] : memref<10240x64xf32, #tpu.memory_space<hbm>> -> memref<10240x64xf32, #tpu.memory_space<hbm>>
        tpu.wait_indirect_dma semaphore(%arg13 : memref<!tpu.dma_semaphore, #tpu.memory_space<semaphore_mem>>) src(%dma_wait3A_73 : memref<10240x64xf32, #tpu.memory_space<hbm>>) dst(%arg9 : memref<128x64xf32, #tpu.memory_space<vmem>>)
        %dma_wait3A_74 = arith.constant 0 : i32
        %dma_wait3A_75 = arith.constant 0 : i32
        %dma_wait3A_76 = tpu.memref_slice %arg7[%dma_wait3A_74, %dma_wait3A_75] : memref<112x128xi32, #tpu.memory_space<vmem>> -> memref<1x128xi32, #tpu.memory_space<vmem>>
        %dma_wait3A_77 = tpu.memref_squeeze %dma_wait3A_76 : memref<1x128xi32, #tpu.memory_space<vmem>> -> memref<128xi32, #tpu.memory_space<vmem>>
        %dma_wait3A_78 = arith.constant 0 : i32
        %dma_wait3A_79 = arith.constant 0 : i32
        %dma_wait3A_80 = tpu.memref_slice %arg3[%dma_wait3A_78, %dma_wait3A_79] : memref<10240x64xf32, #tpu.memory_space<hbm>> -> memref<10240x64xf32, #tpu.memory_space<hbm>>
        tpu.wait_indirect_dma semaphore(%arg13 : memref<!tpu.dma_semaphore, #tpu.memory_space<semaphore_mem>>) src(%dma_wait3A_80 : memref<10240x64xf32, #tpu.memory_space<hbm>>) dst(%arg11 : memref<128x64xf32, #tpu.memory_space<vmem>>)
        %add3A_81 = arith.constant 0 : i32
        %add3A_82 = arith.addi %mul3A_66, %add3A_81 : i32
        %add3A_83 = arith.addi %add3A_8, %add3A_82 : i32
        %mul3A_84 = arith.constant 128 : i32
        %mul3A_85 = arith.muli %add3A_83, %mul3A_84 : i32
        %dma_start3A_86 = arith.constant 0 : i32
        %dma_start3A_87 = tpu.memref_slice %arg6[%mul3A_85, %dma_start3A_86] : memref<327680x128xf32, #tpu.memory_space<hbm>> -> memref<128x64xf32, #tpu.memory_space<hbm>>
        %dma_start3A_88 = arith.constant 0 : i32
        %dma_start3A_89 = tpu.memref_slice %arg6[%mul3A_85, %dma_start3A_88] : memref<327680x128xf32, #tpu.memory_space<hbm>> -> memref<128x64xf32, #tpu.memory_space<hbm>>
        tpu.enqueue_dma source(%arg9 : memref<128x64xf32, #tpu.memory_space<vmem>>) target(%dma_start3A_89 : memref<128x64xf32, #tpu.memory_space<hbm>>) target_semaphore(%arg15 : memref<!tpu.dma_semaphore, #tpu.memory_space<semaphore_mem>>)
        %dma_start3A_90 = arith.constant 64 : i32
        %dma_start3A_91 = tpu.memref_slice %arg6[%mul3A_85, %dma_start3A_90] : memref<327680x128xf32, #tpu.memory_space<hbm>> -> memref<128x64xf32, #tpu.memory_space<hbm>>
        %dma_start3A_92 = arith.constant 64 : i32
        %dma_start3A_93 = tpu.memref_slice %arg6[%mul3A_85, %dma_start3A_92] : memref<327680x128xf32, #tpu.memory_space<hbm>> -> memref<128x64xf32, #tpu.memory_space<hbm>>
        tpu.enqueue_dma source(%arg11 : memref<128x64xf32, #tpu.memory_space<vmem>>) target(%dma_start3A_93 : memref<128x64xf32, #tpu.memory_space<hbm>>) target_semaphore(%arg15 : memref<!tpu.dma_semaphore, #tpu.memory_space<semaphore_mem>>)
        %dma_wait3A_94 = arith.constant 0 : i32
        %dma_wait3A_95 = arith.constant 0 : i32
        %dma_wait3A_96 = tpu.memref_slice %arg8[%dma_wait3A_94, %dma_wait3A_95] : memref<112x128xi32, #tpu.memory_space<vmem>> -> memref<1x128xi32, #tpu.memory_space<vmem>>
        %dma_wait3A_97 = tpu.memref_squeeze %dma_wait3A_96 : memref<1x128xi32, #tpu.memory_space<vmem>> -> memref<128xi32, #tpu.memory_space<vmem>>
        %dma_wait3A_98 = arith.constant 0 : i32
        %dma_wait3A_99 = arith.constant 0 : i32
        %dma_wait3A_100 = tpu.memref_slice %arg2[%dma_wait3A_98, %dma_wait3A_99] : memref<10240x64xf32, #tpu.memory_space<hbm>> -> memref<10240x64xf32, #tpu.memory_space<hbm>>
        tpu.wait_indirect_dma semaphore(%arg14 : memref<!tpu.dma_semaphore, #tpu.memory_space<semaphore_mem>>) src(%dma_wait3A_100 : memref<10240x64xf32, #tpu.memory_space<hbm>>) dst(%arg10 : memref<128x64xf32, #tpu.memory_space<vmem>>)
        %dma_wait3A_101 = arith.constant 0 : i32
        %dma_wait3A_102 = arith.constant 0 : i32
        %dma_wait3A_103 = tpu.memref_slice %arg7[%dma_wait3A_101, %dma_wait3A_102] : memref<112x128xi32, #tpu.memory_space<vmem>> -> memref<1x128xi32, #tpu.memory_space<vmem>>
        %dma_wait3A_104 = tpu.memref_squeeze %dma_wait3A_103 : memref<1x128xi32, #tpu.memory_space<vmem>> -> memref<128xi32, #tpu.memory_space<vmem>>
        %dma_wait3A_105 = arith.constant 0 : i32
        %dma_wait3A_106 = arith.constant 0 : i32
        %dma_wait3A_107 = tpu.memref_slice %arg3[%dma_wait3A_105, %dma_wait3A_106] : memref<10240x64xf32, #tpu.memory_space<hbm>> -> memref<10240x64xf32, #tpu.memory_space<hbm>>
        tpu.wait_indirect_dma semaphore(%arg14 : memref<!tpu.dma_semaphore, #tpu.memory_space<semaphore_mem>>) src(%dma_wait3A_107 : memref<10240x64xf32, #tpu.memory_space<hbm>>) dst(%arg12 : memref<128x64xf32, #tpu.memory_space<vmem>>)
        %add3A_108 = arith.constant 1 : i32
        %add3A_109 = arith.addi %mul3A_66, %add3A_108 : i32
        %add3A_110 = arith.addi %add3A_8, %add3A_109 : i32
        %mul3A_111 = arith.constant 128 : i32
        %mul3A_112 = arith.muli %add3A_110, %mul3A_111 : i32
        %dma_start3A_113 = arith.constant 0 : i32
        %dma_start3A_114 = tpu.memref_slice %arg6[%mul3A_112, %dma_start3A_113] : memref<327680x128xf32, #tpu.memory_space<hbm>> -> memref<128x64xf32, #tpu.memory_space<hbm>>
        %dma_start3A_115 = arith.constant 0 : i32
        %dma_start3A_116 = tpu.memref_slice %arg6[%mul3A_112, %dma_start3A_115] : memref<327680x128xf32, #tpu.memory_space<hbm>> -> memref<128x64xf32, #tpu.memory_space<hbm>>
        tpu.enqueue_dma source(%arg10 : memref<128x64xf32, #tpu.memory_space<vmem>>) target(%dma_start3A_116 : memref<128x64xf32, #tpu.memory_space<hbm>>) target_semaphore(%arg16 : memref<!tpu.dma_semaphore, #tpu.memory_space<semaphore_mem>>)
        %dma_start3A_117 = arith.constant 64 : i32
        %dma_start3A_118 = tpu.memref_slice %arg6[%mul3A_112, %dma_start3A_117] : memref<327680x128xf32, #tpu.memory_space<hbm>> -> memref<128x64xf32, #tpu.memory_space<hbm>>
        %dma_start3A_119 = arith.constant 64 : i32
        %dma_start3A_120 = tpu.memref_slice %arg6[%mul3A_112, %dma_start3A_119] : memref<327680x128xf32, #tpu.memory_space<hbm>> -> memref<128x64xf32, #tpu.memory_space<hbm>>
        tpu.enqueue_dma source(%arg12 : memref<128x64xf32, #tpu.memory_space<vmem>>) target(%dma_start3A_120 : memref<128x64xf32, #tpu.memory_space<hbm>>) target_semaphore(%arg16 : memref<!tpu.dma_semaphore, #tpu.memory_space<semaphore_mem>>)
        %lt3A = arith.constant 23 : i32
        %lt3A_121 = arith.cmpi slt, %scan3A_64, %lt3A : i32
        %convert_element_type3A_122 = arith.extui %lt3A_121 : i1 to i32
        %cond3A_123 = arith.constant 0 : i32
        %cond3A_124 = arith.cmpi ne, %convert_element_type3A_122, %cond3A_123 : i32
        scf.if %cond3A_124 {
          %dma_wait3A_130 = arith.constant 0 : i32
          %dma_wait3A_131 = arith.constant 0 : i32
          %dma_wait3A_132 = tpu.memref_slice %arg6[%dma_wait3A_130, %dma_wait3A_131] : memref<327680x128xf32, #tpu.memory_space<hbm>> -> memref<128x64xf32, #tpu.memory_space<hbm>>
          %dma_wait3A_133 = arith.constant 0 : i32
          %dma_wait3A_134 = arith.constant 0 : i32
          %dma_wait3A_135 = tpu.memref_slice %arg6[%dma_wait3A_133, %dma_wait3A_134] : memref<327680x128xf32, #tpu.memory_space<hbm>> -> memref<128x64xf32, #tpu.memory_space<hbm>>
          tpu.wait_dma2 semaphore(%arg15 : memref<!tpu.dma_semaphore, #tpu.memory_space<semaphore_mem>>) src(%arg9 : memref<128x64xf32, #tpu.memory_space<vmem>>) dst(%dma_wait3A_135 : memref<128x64xf32, #tpu.memory_space<hbm>>)
          %dma_wait3A_136 = arith.constant 0 : i32
          %dma_wait3A_137 = arith.constant 64 : i32
          %dma_wait3A_138 = tpu.memref_slice %arg6[%dma_wait3A_136, %dma_wait3A_137] : memref<327680x128xf32, #tpu.memory_space<hbm>> -> memref<128x64xf32, #tpu.memory_space<hbm>>
          %dma_wait3A_139 = arith.constant 0 : i32
          %dma_wait3A_140 = arith.constant 64 : i32
          %dma_wait3A_141 = tpu.memref_slice %arg6[%dma_wait3A_139, %dma_wait3A_140] : memref<327680x128xf32, #tpu.memory_space<hbm>> -> memref<128x64xf32, #tpu.memory_space<hbm>>
          tpu.wait_dma2 semaphore(%arg15 : memref<!tpu.dma_semaphore, #tpu.memory_space<semaphore_mem>>) src(%arg11 : memref<128x64xf32, #tpu.memory_space<vmem>>) dst(%dma_wait3A_141 : memref<128x64xf32, #tpu.memory_space<hbm>>)
          %add3A_142 = arith.constant 2 : i32
          %add3A_143 = arith.addi %mul3A_66, %add3A_142 : i32
          %add3A_144 = arith.constant 0 : i32
          %add3A_145 = arith.addi %add3A_143, %add3A_144 : i32
          %dma_start3A_146 = arith.constant 0 : i32
          %dma_start3A_147 = tpu.memref_slice %arg8[%add3A_145, %dma_start3A_146] : memref<112x128xi32, #tpu.memory_space<vmem>> -> memref<1x128xi32, #tpu.memory_space<vmem>>
          %dma_start3A_148 = tpu.memref_squeeze %dma_start3A_147 : memref<1x128xi32, #tpu.memory_space<vmem>> -> memref<128xi32, #tpu.memory_space<vmem>>
          %dma_start3A_149 = arith.constant 0 : i32
          %dma_start3A_150 = arith.constant 0 : i32
          %dma_start3A_151 = tpu.memref_slice %arg2[%dma_start3A_149, %dma_start3A_150] : memref<10240x64xf32, #tpu.memory_space<hbm>> -> memref<10240x64xf32, #tpu.memory_space<hbm>>
          tpu.enqueue_indirect_dma source(%dma_start3A_151 : memref<10240x64xf32, #tpu.memory_space<hbm>>) target(%arg9 : memref<128x64xf32, #tpu.memory_space<vmem>>) offsets(%dma_start3A_148 : memref<128xi32, #tpu.memory_space<vmem>>) semaphore(%arg13 : memref<!tpu.dma_semaphore, #tpu.memory_space<semaphore_mem>>)
          %dma_start3A_152 = arith.constant 0 : i32
          %dma_start3A_153 = tpu.memref_slice %arg7[%add3A_145, %dma_start3A_152] : memref<112x128xi32, #tpu.memory_space<vmem>> -> memref<1x128xi32, #tpu.memory_space<vmem>>
          %dma_start3A_154 = tpu.memref_squeeze %dma_start3A_153 : memref<1x128xi32, #tpu.memory_space<vmem>> -> memref<128xi32, #tpu.memory_space<vmem>>
          %dma_start3A_155 = arith.constant 0 : i32
          %dma_start3A_156 = arith.constant 0 : i32
          %dma_start3A_157 = tpu.memref_slice %arg3[%dma_start3A_155, %dma_start3A_156] : memref<10240x64xf32, #tpu.memory_space<hbm>> -> memref<10240x64xf32, #tpu.memory_space<hbm>>
          tpu.enqueue_indirect_dma source(%dma_start3A_157 : memref<10240x64xf32, #tpu.memory_space<hbm>>) target(%arg11 : memref<128x64xf32, #tpu.memory_space<vmem>>) offsets(%dma_start3A_154 : memref<128xi32, #tpu.memory_space<vmem>>) semaphore(%arg13 : memref<!tpu.dma_semaphore, #tpu.memory_space<semaphore_mem>>)
        } else {
        }
        %lt3A_125 = arith.constant 23 : i32
        %lt3A_126 = arith.cmpi slt, %scan3A_64, %lt3A_125 : i32
        %convert_element_type3A_127 = arith.extui %lt3A_126 : i1 to i32
        %cond3A_128 = arith.constant 0 : i32
        %cond3A_129 = arith.cmpi ne, %convert_element_type3A_127, %cond3A_128 : i32
        scf.if %cond3A_129 {
          %dma_wait3A_130 = arith.constant 0 : i32
          %dma_wait3A_131 = arith.constant 0 : i32
          %dma_wait3A_132 = tpu.memref_slice %arg6[%dma_wait3A_130, %dma_wait3A_131] : memref<327680x128xf32, #tpu.memory_space<hbm>> -> memref<128x64xf32, #tpu.memory_space<hbm>>
          %dma_wait3A_133 = arith.constant 0 : i32
          %dma_wait3A_134 = arith.constant 0 : i32
          %dma_wait3A_135 = tpu.memref_slice %arg6[%dma_wait3A_133, %dma_wait3A_134] : memref<327680x128xf32, #tpu.memory_space<hbm>> -> memref<128x64xf32, #tpu.memory_space<hbm>>
          tpu.wait_dma2 semaphore(%arg16 : memref<!tpu.dma_semaphore, #tpu.memory_space<semaphore_mem>>) src(%arg10 : memref<128x64xf32, #tpu.memory_space<vmem>>) dst(%dma_wait3A_135 : memref<128x64xf32, #tpu.memory_space<hbm>>)
          %dma_wait3A_136 = arith.constant 0 : i32
          %dma_wait3A_137 = arith.constant 64 : i32
          %dma_wait3A_138 = tpu.memref_slice %arg6[%dma_wait3A_136, %dma_wait3A_137] : memref<327680x128xf32, #tpu.memory_space<hbm>> -> memref<128x64xf32, #tpu.memory_space<hbm>>
          %dma_wait3A_139 = arith.constant 0 : i32
          %dma_wait3A_140 = arith.constant 64 : i32
          %dma_wait3A_141 = tpu.memref_slice %arg6[%dma_wait3A_139, %dma_wait3A_140] : memref<327680x128xf32, #tpu.memory_space<hbm>> -> memref<128x64xf32, #tpu.memory_space<hbm>>
          tpu.wait_dma2 semaphore(%arg16 : memref<!tpu.dma_semaphore, #tpu.memory_space<semaphore_mem>>) src(%arg12 : memref<128x64xf32, #tpu.memory_space<vmem>>) dst(%dma_wait3A_141 : memref<128x64xf32, #tpu.memory_space<hbm>>)
          %add3A_142 = arith.constant 2 : i32
          %add3A_143 = arith.addi %mul3A_66, %add3A_142 : i32
          %add3A_144 = arith.constant 1 : i32
          %add3A_145 = arith.addi %add3A_143, %add3A_144 : i32
          %dma_start3A_146 = arith.constant 0 : i32
          %dma_start3A_147 = tpu.memref_slice %arg8[%add3A_145, %dma_start3A_146] : memref<112x128xi32, #tpu.memory_space<vmem>> -> memref<1x128xi32, #tpu.memory_space<vmem>>
          %dma_start3A_148 = tpu.memref_squeeze %dma_start3A_147 : memref<1x128xi32, #tpu.memory_space<vmem>> -> memref<128xi32, #tpu.memory_space<vmem>>
          %dma_start3A_149 = arith.constant 0 : i32
          %dma_start3A_150 = arith.constant 0 : i32
          %dma_start3A_151 = tpu.memref_slice %arg2[%dma_start3A_149, %dma_start3A_150] : memref<10240x64xf32, #tpu.memory_space<hbm>> -> memref<10240x64xf32, #tpu.memory_space<hbm>>
          tpu.enqueue_indirect_dma source(%dma_start3A_151 : memref<10240x64xf32, #tpu.memory_space<hbm>>) target(%arg10 : memref<128x64xf32, #tpu.memory_space<vmem>>) offsets(%dma_start3A_148 : memref<128xi32, #tpu.memory_space<vmem>>) semaphore(%arg14 : memref<!tpu.dma_semaphore, #tpu.memory_space<semaphore_mem>>)
          %dma_start3A_152 = arith.constant 0 : i32
          %dma_start3A_153 = tpu.memref_slice %arg7[%add3A_145, %dma_start3A_152] : memref<112x128xi32, #tpu.memory_space<vmem>> -> memref<1x128xi32, #tpu.memory_space<vmem>>
          %dma_start3A_154 = tpu.memref_squeeze %dma_start3A_153 : memref<1x128xi32, #tpu.memory_space<vmem>> -> memref<128xi32, #tpu.memory_space<vmem>>
          %dma_start3A_155 = arith.constant 0 : i32
          %dma_start3A_156 = arith.constant 0 : i32
          %dma_start3A_157 = tpu.memref_slice %arg3[%dma_start3A_155, %dma_start3A_156] : memref<10240x64xf32, #tpu.memory_space<hbm>> -> memref<10240x64xf32, #tpu.memory_space<hbm>>
          tpu.enqueue_indirect_dma source(%dma_start3A_157 : memref<10240x64xf32, #tpu.memory_space<hbm>>) target(%arg12 : memref<128x64xf32, #tpu.memory_space<vmem>>) offsets(%dma_start3A_154 : memref<128xi32, #tpu.memory_space<vmem>>) semaphore(%arg14 : memref<!tpu.dma_semaphore, #tpu.memory_space<semaphore_mem>>)
        } else {
        }
      }
      %scan3A_40 = arith.constant 24 : i32
      %dma_wait3A = arith.constant 0 : i32
      %dma_wait3A_41 = arith.constant 0 : i32
      %dma_wait3A_42 = tpu.memref_slice %arg6[%dma_wait3A, %dma_wait3A_41] : memref<327680x128xf32, #tpu.memory_space<hbm>> -> memref<128x64xf32, #tpu.memory_space<hbm>>
      %dma_wait3A_43 = arith.constant 0 : i32
      %dma_wait3A_44 = arith.constant 0 : i32
      %dma_wait3A_45 = tpu.memref_slice %arg6[%dma_wait3A_43, %dma_wait3A_44] : memref<327680x128xf32, #tpu.memory_space<hbm>> -> memref<128x64xf32, #tpu.memory_space<hbm>>
      tpu.wait_dma2 semaphore(%arg15 : memref<!tpu.dma_semaphore, #tpu.memory_space<semaphore_mem>>) src(%arg9 : memref<128x64xf32, #tpu.memory_space<vmem>>) dst(%dma_wait3A_45 : memref<128x64xf32, #tpu.memory_space<hbm>>)
      %dma_wait3A_46 = arith.constant 0 : i32
      %dma_wait3A_47 = arith.constant 64 : i32
      %dma_wait3A_48 = tpu.memref_slice %arg6[%dma_wait3A_46, %dma_wait3A_47] : memref<327680x128xf32, #tpu.memory_space<hbm>> -> memref<128x64xf32, #tpu.memory_space<hbm>>
      %dma_wait3A_49 = arith.constant 0 : i32
      %dma_wait3A_50 = arith.constant 64 : i32
      %dma_wait3A_51 = tpu.memref_slice %arg6[%dma_wait3A_49, %dma_wait3A_50] : memref<327680x128xf32, #tpu.memory_space<hbm>> -> memref<128x64xf32, #tpu.memory_space<hbm>>
      tpu.wait_dma2 semaphore(%arg15 : memref<!tpu.dma_semaphore, #tpu.memory_space<semaphore_mem>>) src(%arg11 : memref<128x64xf32, #tpu.memory_space<vmem>>) dst(%dma_wait3A_51 : memref<128x64xf32, #tpu.memory_space<hbm>>)
      %dma_wait3A_52 = arith.constant 0 : i32
      %dma_wait3A_53 = arith.constant 0 : i32
      %dma_wait3A_54 = tpu.memref_slice %arg6[%dma_wait3A_52, %dma_wait3A_53] : memref<327680x128xf32, #tpu.memory_space<hbm>> -> memref<128x64xf32, #tpu.memory_space<hbm>>
      %dma_wait3A_55 = arith.constant 0 : i32
      %dma_wait3A_56 = arith.constant 0 : i32
      %dma_wait3A_57 = tpu.memref_slice %arg6[%dma_wait3A_55, %dma_wait3A_56] : memref<327680x128xf32, #tpu.memory_space<hbm>> -> memref<128x64xf32, #tpu.memory_space<hbm>>
      tpu.wait_dma2 semaphore(%arg16 : memref<!tpu.dma_semaphore, #tpu.memory_space<semaphore_mem>>) src(%arg10 : memref<128x64xf32, #tpu.memory_space<vmem>>) dst(%dma_wait3A_57 : memref<128x64xf32, #tpu.memory_space<hbm>>)
      %dma_wait3A_58 = arith.constant 0 : i32
      %dma_wait3A_59 = arith.constant 64 : i32
      %dma_wait3A_60 = tpu.memref_slice %arg6[%dma_wait3A_58, %dma_wait3A_59] : memref<327680x128xf32, #tpu.memory_space<hbm>> -> memref<128x64xf32, #tpu.memory_space<hbm>>
      %dma_wait3A_61 = arith.constant 0 : i32
      %dma_wait3A_62 = arith.constant 64 : i32
      %dma_wait3A_63 = tpu.memref_slice %arg6[%dma_wait3A_61, %dma_wait3A_62] : memref<327680x128xf32, #tpu.memory_space<hbm>> -> memref<128x64xf32, #tpu.memory_space<hbm>>
      tpu.wait_dma2 semaphore(%arg16 : memref<!tpu.dma_semaphore, #tpu.memory_space<semaphore_mem>>) src(%arg12 : memref<128x64xf32, #tpu.memory_space<vmem>>) dst(%dma_wait3A_63 : memref<128x64xf32, #tpu.memory_space<hbm>>)
    } else {
    }
    return
  }
}

#map = affine_map<(d0, d1) -> (0, 0)>
module attributes {stable_mosaic.version = 14 : i64} {
  func.func @_sc_scatter(%arg0: i32, %arg1: i32, %arg2: memref<327680x128xf32, #tpu.memory_space<hbm>>, %arg3: memref<2560x128xi32, #tpu.memory_space<hbm>>, %arg4: memref<20480x128xf32, #tpu.memory_space<hbm>>, %arg5: memref<80x128xi32, #tpu.memory_space<vmem>>, %arg6: memref<128x128xf32, #tpu.memory_space<vmem>>, %arg7: memref<128x128xf32, #tpu.memory_space<vmem>>, %arg8: memref<10240x128xf32, #tpu.memory_space<vmem_shared>>, %arg9: memref<!tpu.dma_semaphore, #tpu.memory_space<semaphore_mem>>, %arg10: memref<!tpu.dma_semaphore, #tpu.memory_space<semaphore_mem>>, %arg11: memref<!tpu.dma_semaphore, #tpu.memory_space<semaphore_mem>>, %arg12: memref<!tpu.dma_semaphore, #tpu.memory_space<semaphore_mem>>) attributes {dimension_semantics = [#tpu.dimension_semantics<core_parallel>, #tpu.dimension_semantics<subcore_parallel>], iteration_bounds = array<i64: 2, 16>, scalar_prefetch = 0 : i64, scratch_operands = 8 : i64, tpu.core_type = #tpu.core_type<sc_vector_subcore>, window_params = [{transform_indices = #map}, {transform_indices = #map}, {transform_indices = #map}]} {
    %mul3A = arith.constant 1280 : i32
    %mul3A_0 = arith.muli %arg0, %mul3A : i32
    %mul3A_1 = arith.constant 80 : i32
    %mul3A_2 = arith.muli %arg1, %mul3A_1 : i32
    %add3A = arith.addi %mul3A_0, %mul3A_2 : i32
    "tpu.region"() ({
      %run_scoped3A = tpu.sem_alloc : memref<!tpu.dma_semaphore, #tpu.memory_space<semaphore_mem>>
      %dma_start3A_71 = arith.constant 0 : i32
      %dma_start3A_72 = tpu.memref_slice %arg3[%add3A, %dma_start3A_71] : memref<2560x128xi32, #tpu.memory_space<hbm>> -> memref<80x128xi32, #tpu.memory_space<hbm>>
      %dma_start3A_73 = arith.constant 0 : i32
      %dma_start3A_74 = tpu.memref_slice %arg3[%add3A, %dma_start3A_73] : memref<2560x128xi32, #tpu.memory_space<hbm>> -> memref<80x128xi32, #tpu.memory_space<hbm>>
      tpu.enqueue_dma source(%dma_start3A_74 : memref<80x128xi32, #tpu.memory_space<hbm>>) target(%arg5 : memref<80x128xi32, #tpu.memory_space<vmem>>) target_semaphore(%run_scoped3A : memref<!tpu.dma_semaphore, #tpu.memory_space<semaphore_mem>>)
      %dma_wait3A_75 = arith.constant 0 : i32
      %dma_wait3A_76 = tpu.memref_slice %arg3[%add3A, %dma_wait3A_75] : memref<2560x128xi32, #tpu.memory_space<hbm>> -> memref<80x128xi32, #tpu.memory_space<hbm>>
      %dma_wait3A_77 = arith.constant 0 : i32
      %dma_wait3A_78 = tpu.memref_slice %arg3[%add3A, %dma_wait3A_77] : memref<2560x128xi32, #tpu.memory_space<hbm>> -> memref<80x128xi32, #tpu.memory_space<hbm>>
      tpu.wait_dma2 semaphore(%run_scoped3A : memref<!tpu.dma_semaphore, #tpu.memory_space<semaphore_mem>>) src(%dma_wait3A_78 : memref<80x128xi32, #tpu.memory_space<hbm>>) dst(%arg5 : memref<80x128xi32, #tpu.memory_space<vmem>>)
      tpu.yield
    }) : () -> ()
    %broadcast_in_dim3A = arith.constant 0.000000e+00 : f32
    %broadcast_in_dim3A_3 = vector.broadcast %broadcast_in_dim3A : f32 to vector<16xf32>
    %scan3A = arith.constant 0 : i32
    %scan3A_4 = arith.constant 0 : i32
    %scan3A_5 = arith.constant 128 : i32
    %scan3A_6 = arith.addi %scan3A_4, %scan3A_5 : i32
    %scan3A_7 = arith.constant 1 : i32
    scf.for %scan3A_71 = %scan3A_4 to %scan3A_6 step %scan3A_7  : i32 {
      %swap3A = arith.index_cast %scan3A_71 : i32 to index
      %swap3A_72 = arith.constant 0 : index
      %swap3A_73 = tpu.vector_load %arg6[%swap3A, %swap3A_72] {strides = array<i32>} : memref<128x128xf32, #tpu.memory_space<vmem>>, vector<1x16xf32>,
      %swap3A_74 = vector.shape_cast %swap3A_73 : vector<1x16xf32> to vector<16xf32>
      %swap3A_75 = vector.shape_cast %broadcast_in_dim3A_3 : vector<16xf32> to vector<1x16xf32>
      tpu.vector_store %arg6[%swap3A, %swap3A_72], %swap3A_75 {strides = array<i32>} : memref<128x128xf32, #tpu.memory_space<vmem>>, vector<1x16xf32>,
      %swap3A_76 = arith.index_cast %scan3A_71 : i32 to index
      %swap3A_77 = arith.constant 16 : index
      %swap3A_78 = tpu.vector_load %arg6[%swap3A_76, %swap3A_77] {strides = array<i32>} : memref<128x128xf32, #tpu.memory_space<vmem>>, vector<1x16xf32>,
      %swap3A_79 = vector.shape_cast %swap3A_78 : vector<1x16xf32> to vector<16xf32>
      %swap3A_80 = vector.shape_cast %broadcast_in_dim3A_3 : vector<16xf32> to vector<1x16xf32>
      tpu.vector_store %arg6[%swap3A_76, %swap3A_77], %swap3A_80 {strides = array<i32>} : memref<128x128xf32, #tpu.memory_space<vmem>>, vector<1x16xf32>,
      %swap3A_81 = arith.index_cast %scan3A_71 : i32 to index
      %swap3A_82 = arith.constant 32 : index
      %swap3A_83 = tpu.vector_load %arg6[%swap3A_81, %swap3A_82] {strides = array<i32>} : memref<128x128xf32, #tpu.memory_space<vmem>>, vector<1x16xf32>,
      %swap3A_84 = vector.shape_cast %swap3A_83 : vector<1x16xf32> to vector<16xf32>
      %swap3A_85 = vector.shape_cast %broadcast_in_dim3A_3 : vector<16xf32> to vector<1x16xf32>
      tpu.vector_store %arg6[%swap3A_81, %swap3A_82], %swap3A_85 {strides = array<i32>} : memref<128x128xf32, #tpu.memory_space<vmem>>, vector<1x16xf32>,
      %swap3A_86 = arith.index_cast %scan3A_71 : i32 to index
      %swap3A_87 = arith.constant 48 : index
      %swap3A_88 = tpu.vector_load %arg6[%swap3A_86, %swap3A_87] {strides = array<i32>} : memref<128x128xf32, #tpu.memory_space<vmem>>, vector<1x16xf32>,
      %swap3A_89 = vector.shape_cast %swap3A_88 : vector<1x16xf32> to vector<16xf32>
      %swap3A_90 = vector.shape_cast %broadcast_in_dim3A_3 : vector<16xf32> to vector<1x16xf32>
      tpu.vector_store %arg6[%swap3A_86, %swap3A_87], %swap3A_90 {strides = array<i32>} : memref<128x128xf32, #tpu.memory_space<vmem>>, vector<1x16xf32>,
      %swap3A_91 = arith.index_cast %scan3A_71 : i32 to index
      %swap3A_92 = arith.constant 64 : index
      %swap3A_93 = tpu.vector_load %arg6[%swap3A_91, %swap3A_92] {strides = array<i32>} : memref<128x128xf32, #tpu.memory_space<vmem>>, vector<1x16xf32>,
      %swap3A_94 = vector.shape_cast %swap3A_93 : vector<1x16xf32> to vector<16xf32>
      %swap3A_95 = vector.shape_cast %broadcast_in_dim3A_3 : vector<16xf32> to vector<1x16xf32>
      tpu.vector_store %arg6[%swap3A_91, %swap3A_92], %swap3A_95 {strides = array<i32>} : memref<128x128xf32, #tpu.memory_space<vmem>>, vector<1x16xf32>,
      %swap3A_96 = arith.index_cast %scan3A_71 : i32 to index
      %swap3A_97 = arith.constant 80 : index
      %swap3A_98 = tpu.vector_load %arg6[%swap3A_96, %swap3A_97] {strides = array<i32>} : memref<128x128xf32, #tpu.memory_space<vmem>>, vector<1x16xf32>,
      %swap3A_99 = vector.shape_cast %swap3A_98 : vector<1x16xf32> to vector<16xf32>
      %swap3A_100 = vector.shape_cast %broadcast_in_dim3A_3 : vector<16xf32> to vector<1x16xf32>
      tpu.vector_store %arg6[%swap3A_96, %swap3A_97], %swap3A_100 {strides = array<i32>} : memref<128x128xf32, #tpu.memory_space<vmem>>, vector<1x16xf32>,
      %swap3A_101 = arith.index_cast %scan3A_71 : i32 to index
      %swap3A_102 = arith.constant 96 : index
      %swap3A_103 = tpu.vector_load %arg6[%swap3A_101, %swap3A_102] {strides = array<i32>} : memref<128x128xf32, #tpu.memory_space<vmem>>, vector<1x16xf32>,
      %swap3A_104 = vector.shape_cast %swap3A_103 : vector<1x16xf32> to vector<16xf32>
      %swap3A_105 = vector.shape_cast %broadcast_in_dim3A_3 : vector<16xf32> to vector<1x16xf32>
      tpu.vector_store %arg6[%swap3A_101, %swap3A_102], %swap3A_105 {strides = array<i32>} : memref<128x128xf32, #tpu.memory_space<vmem>>, vector<1x16xf32>,
      %swap3A_106 = arith.index_cast %scan3A_71 : i32 to index
      %swap3A_107 = arith.constant 112 : index
      %swap3A_108 = tpu.vector_load %arg6[%swap3A_106, %swap3A_107] {strides = array<i32>} : memref<128x128xf32, #tpu.memory_space<vmem>>, vector<1x16xf32>,
      %swap3A_109 = vector.shape_cast %swap3A_108 : vector<1x16xf32> to vector<16xf32>
      %swap3A_110 = vector.shape_cast %broadcast_in_dim3A_3 : vector<16xf32> to vector<1x16xf32>
      tpu.vector_store %arg6[%swap3A_106, %swap3A_107], %swap3A_110 {strides = array<i32>} : memref<128x128xf32, #tpu.memory_space<vmem>>, vector<1x16xf32>,
    }
    %scan3A_8 = arith.constant 128 : i32
    %mul3A_9 = arith.constant 640 : i32
    %mul3A_10 = arith.muli %arg1, %mul3A_9 : i32
    %add3A_11 = arith.constant 0 : i32
    %add3A_12 = arith.addi %mul3A_10, %add3A_11 : i32
    "tpu.region"() ({
      %run_scoped3A = tpu.sem_alloc : memref<!tpu.dma_semaphore, #tpu.memory_space<semaphore_mem>>
      %dma_start3A_71 = arith.constant 0 : i32
      %dma_start3A_72 = tpu.memref_slice %arg8[%add3A_12, %dma_start3A_71] : memref<10240x128xf32, #tpu.memory_space<vmem_shared>> -> memref<128x128xf32, #tpu.memory_space<vmem_shared>>
      %dma_start3A_73 = arith.constant 0 : i32
      %dma_start3A_74 = tpu.memref_slice %arg8[%add3A_12, %dma_start3A_73] : memref<10240x128xf32, #tpu.memory_space<vmem_shared>> -> memref<128x128xf32, #tpu.memory_space<vmem_shared>>
      tpu.enqueue_dma source(%arg6 : memref<128x128xf32, #tpu.memory_space<vmem>>) target(%dma_start3A_74 : memref<128x128xf32, #tpu.memory_space<vmem_shared>>) target_semaphore(%run_scoped3A : memref<!tpu.dma_semaphore, #tpu.memory_space<semaphore_mem>>)
      %dma_wait3A_75 = arith.constant 0 : i32
      %dma_wait3A_76 = tpu.memref_slice %arg8[%add3A_12, %dma_wait3A_75] : memref<10240x128xf32, #tpu.memory_space<vmem_shared>> -> memref<128x128xf32, #tpu.memory_space<vmem_shared>>
      %dma_wait3A_77 = arith.constant 0 : i32
      %dma_wait3A_78 = tpu.memref_slice %arg8[%add3A_12, %dma_wait3A_77] : memref<10240x128xf32, #tpu.memory_space<vmem_shared>> -> memref<128x128xf32, #tpu.memory_space<vmem_shared>>
      tpu.wait_dma2 semaphore(%run_scoped3A : memref<!tpu.dma_semaphore, #tpu.memory_space<semaphore_mem>>) src(%arg6 : memref<128x128xf32, #tpu.memory_space<vmem>>) dst(%dma_wait3A_78 : memref<128x128xf32, #tpu.memory_space<vmem_shared>>)
      tpu.yield
    }) : () -> ()
    %mul3A_13 = arith.constant 640 : i32
    %mul3A_14 = arith.muli %arg1, %mul3A_13 : i32
    %add3A_15 = arith.constant 128 : i32
    %add3A_16 = arith.addi %mul3A_14, %add3A_15 : i32
    "tpu.region"() ({
      %run_scoped3A = tpu.sem_alloc : memref<!tpu.dma_semaphore, #tpu.memory_space<semaphore_mem>>
      %dma_start3A_71 = arith.constant 0 : i32
      %dma_start3A_72 = tpu.memref_slice %arg8[%add3A_16, %dma_start3A_71] : memref<10240x128xf32, #tpu.memory_space<vmem_shared>> -> memref<128x128xf32, #tpu.memory_space<vmem_shared>>
      %dma_start3A_73 = arith.constant 0 : i32
      %dma_start3A_74 = tpu.memref_slice %arg8[%add3A_16, %dma_start3A_73] : memref<10240x128xf32, #tpu.memory_space<vmem_shared>> -> memref<128x128xf32, #tpu.memory_space<vmem_shared>>
      tpu.enqueue_dma source(%arg6 : memref<128x128xf32, #tpu.memory_space<vmem>>) target(%dma_start3A_74 : memref<128x128xf32, #tpu.memory_space<vmem_shared>>) target_semaphore(%run_scoped3A : memref<!tpu.dma_semaphore, #tpu.memory_space<semaphore_mem>>)
      %dma_wait3A_75 = arith.constant 0 : i32
      %dma_wait3A_76 = tpu.memref_slice %arg8[%add3A_16, %dma_wait3A_75] : memref<10240x128xf32, #tpu.memory_space<vmem_shared>> -> memref<128x128xf32, #tpu.memory_space<vmem_shared>>
      %dma_wait3A_77 = arith.constant 0 : i32
      %dma_wait3A_78 = tpu.memref_slice %arg8[%add3A_16, %dma_wait3A_77] : memref<10240x128xf32, #tpu.memory_space<vmem_shared>> -> memref<128x128xf32, #tpu.memory_space<vmem_shared>>
      tpu.wait_dma2 semaphore(%run_scoped3A : memref<!tpu.dma_semaphore, #tpu.memory_space<semaphore_mem>>) src(%arg6 : memref<128x128xf32, #tpu.memory_space<vmem>>) dst(%dma_wait3A_78 : memref<128x128xf32, #tpu.memory_space<vmem_shared>>)
      tpu.yield
    }) : () -> ()
    %mul3A_17 = arith.constant 640 : i32
    %mul3A_18 = arith.muli %arg1, %mul3A_17 : i32
    %add3A_19 = arith.constant 256 : i32
    %add3A_20 = arith.addi %mul3A_18, %add3A_19 : i32
    "tpu.region"() ({
      %run_scoped3A = tpu.sem_alloc : memref<!tpu.dma_semaphore, #tpu.memory_space<semaphore_mem>>
      %dma_start3A_71 = arith.constant 0 : i32
      %dma_start3A_72 = tpu.memref_slice %arg8[%add3A_20, %dma_start3A_71] : memref<10240x128xf32, #tpu.memory_space<vmem_shared>> -> memref<128x128xf32, #tpu.memory_space<vmem_shared>>
      %dma_start3A_73 = arith.constant 0 : i32
      %dma_start3A_74 = tpu.memref_slice %arg8[%add3A_20, %dma_start3A_73] : memref<10240x128xf32, #tpu.memory_space<vmem_shared>> -> memref<128x128xf32, #tpu.memory_space<vmem_shared>>
      tpu.enqueue_dma source(%arg6 : memref<128x128xf32, #tpu.memory_space<vmem>>) target(%dma_start3A_74 : memref<128x128xf32, #tpu.memory_space<vmem_shared>>) target_semaphore(%run_scoped3A : memref<!tpu.dma_semaphore, #tpu.memory_space<semaphore_mem>>)
      %dma_wait3A_75 = arith.constant 0 : i32
      %dma_wait3A_76 = tpu.memref_slice %arg8[%add3A_20, %dma_wait3A_75] : memref<10240x128xf32, #tpu.memory_space<vmem_shared>> -> memref<128x128xf32, #tpu.memory_space<vmem_shared>>
      %dma_wait3A_77 = arith.constant 0 : i32
      %dma_wait3A_78 = tpu.memref_slice %arg8[%add3A_20, %dma_wait3A_77] : memref<10240x128xf32, #tpu.memory_space<vmem_shared>> -> memref<128x128xf32, #tpu.memory_space<vmem_shared>>
      tpu.wait_dma2 semaphore(%run_scoped3A : memref<!tpu.dma_semaphore, #tpu.memory_space<semaphore_mem>>) src(%arg6 : memref<128x128xf32, #tpu.memory_space<vmem>>) dst(%dma_wait3A_78 : memref<128x128xf32, #tpu.memory_space<vmem_shared>>)
      tpu.yield
    }) : () -> ()
    %mul3A_21 = arith.constant 640 : i32
    %mul3A_22 = arith.muli %arg1, %mul3A_21 : i32
    %add3A_23 = arith.constant 384 : i32
    %add3A_24 = arith.addi %mul3A_22, %add3A_23 : i32
    "tpu.region"() ({
      %run_scoped3A = tpu.sem_alloc : memref<!tpu.dma_semaphore, #tpu.memory_space<semaphore_mem>>
      %dma_start3A_71 = arith.constant 0 : i32
      %dma_start3A_72 = tpu.memref_slice %arg8[%add3A_24, %dma_start3A_71] : memref<10240x128xf32, #tpu.memory_space<vmem_shared>> -> memref<128x128xf32, #tpu.memory_space<vmem_shared>>
      %dma_start3A_73 = arith.constant 0 : i32
      %dma_start3A_74 = tpu.memref_slice %arg8[%add3A_24, %dma_start3A_73] : memref<10240x128xf32, #tpu.memory_space<vmem_shared>> -> memref<128x128xf32, #tpu.memory_space<vmem_shared>>
      tpu.enqueue_dma source(%arg6 : memref<128x128xf32, #tpu.memory_space<vmem>>) target(%dma_start3A_74 : memref<128x128xf32, #tpu.memory_space<vmem_shared>>) target_semaphore(%run_scoped3A : memref<!tpu.dma_semaphore, #tpu.memory_space<semaphore_mem>>)
      %dma_wait3A_75 = arith.constant 0 : i32
      %dma_wait3A_76 = tpu.memref_slice %arg8[%add3A_24, %dma_wait3A_75] : memref<10240x128xf32, #tpu.memory_space<vmem_shared>> -> memref<128x128xf32, #tpu.memory_space<vmem_shared>>
      %dma_wait3A_77 = arith.constant 0 : i32
      %dma_wait3A_78 = tpu.memref_slice %arg8[%add3A_24, %dma_wait3A_77] : memref<10240x128xf32, #tpu.memory_space<vmem_shared>> -> memref<128x128xf32, #tpu.memory_space<vmem_shared>>
      tpu.wait_dma2 semaphore(%run_scoped3A : memref<!tpu.dma_semaphore, #tpu.memory_space<semaphore_mem>>) src(%arg6 : memref<128x128xf32, #tpu.memory_space<vmem>>) dst(%dma_wait3A_78 : memref<128x128xf32, #tpu.memory_space<vmem_shared>>)
      tpu.yield
    }) : () -> ()
    %mul3A_25 = arith.constant 640 : i32
    %mul3A_26 = arith.muli %arg1, %mul3A_25 : i32
    %add3A_27 = arith.constant 512 : i32
    %add3A_28 = arith.addi %mul3A_26, %add3A_27 : i32
    "tpu.region"() ({
      %run_scoped3A = tpu.sem_alloc : memref<!tpu.dma_semaphore, #tpu.memory_space<semaphore_mem>>
      %dma_start3A_71 = arith.constant 0 : i32
      %dma_start3A_72 = tpu.memref_slice %arg8[%add3A_28, %dma_start3A_71] : memref<10240x128xf32, #tpu.memory_space<vmem_shared>> -> memref<128x128xf32, #tpu.memory_space<vmem_shared>>
      %dma_start3A_73 = arith.constant 0 : i32
      %dma_start3A_74 = tpu.memref_slice %arg8[%add3A_28, %dma_start3A_73] : memref<10240x128xf32, #tpu.memory_space<vmem_shared>> -> memref<128x128xf32, #tpu.memory_space<vmem_shared>>
      tpu.enqueue_dma source(%arg6 : memref<128x128xf32, #tpu.memory_space<vmem>>) target(%dma_start3A_74 : memref<128x128xf32, #tpu.memory_space<vmem_shared>>) target_semaphore(%run_scoped3A : memref<!tpu.dma_semaphore, #tpu.memory_space<semaphore_mem>>)
      %dma_wait3A_75 = arith.constant 0 : i32
      %dma_wait3A_76 = tpu.memref_slice %arg8[%add3A_28, %dma_wait3A_75] : memref<10240x128xf32, #tpu.memory_space<vmem_shared>> -> memref<128x128xf32, #tpu.memory_space<vmem_shared>>
      %dma_wait3A_77 = arith.constant 0 : i32
      %dma_wait3A_78 = tpu.memref_slice %arg8[%add3A_28, %dma_wait3A_77] : memref<10240x128xf32, #tpu.memory_space<vmem_shared>> -> memref<128x128xf32, #tpu.memory_space<vmem_shared>>
      tpu.wait_dma2 semaphore(%run_scoped3A : memref<!tpu.dma_semaphore, #tpu.memory_space<semaphore_mem>>) src(%arg6 : memref<128x128xf32, #tpu.memory_space<vmem>>) dst(%dma_wait3A_78 : memref<128x128xf32, #tpu.memory_space<vmem_shared>>)
      tpu.yield
    }) : () -> ()
    %barrier3A = arith.constant 0 : index
    tpu.barrier barrier_id(%barrier3A)
    %add3A_29 = arith.constant 0 : i32
    %add3A_30 = arith.addi %add3A, %add3A_29 : i32
    %mul3A_31 = arith.constant 128 : i32
    %mul3A_32 = arith.muli %add3A_30, %mul3A_31 : i32
    %dma_start3A = arith.constant 0 : i32
    %dma_start3A_33 = tpu.memref_slice %arg2[%mul3A_32, %dma_start3A] : memref<327680x128xf32, #tpu.memory_space<hbm>> -> memref<128x128xf32, #tpu.memory_space<hbm>>
    %dma_start3A_34 = arith.constant 0 : i32
    %dma_start3A_35 = tpu.memref_slice %arg2[%mul3A_32, %dma_start3A_34] : memref<327680x128xf32, #tpu.memory_space<hbm>> -> memref<128x128xf32, #tpu.memory_space<hbm>>
    tpu.enqueue_dma source(%dma_start3A_35 : memref<128x128xf32, #tpu.memory_space<hbm>>) target(%arg6 : memref<128x128xf32, #tpu.memory_space<vmem>>) target_semaphore(%arg9 : memref<!tpu.dma_semaphore, #tpu.memory_space<semaphore_mem>>)
    %add3A_36 = arith.constant 1 : i32
    %add3A_37 = arith.addi %add3A, %add3A_36 : i32
    %mul3A_38 = arith.constant 128 : i32
    %mul3A_39 = arith.muli %add3A_37, %mul3A_38 : i32
    %dma_start3A_40 = arith.constant 0 : i32
    %dma_start3A_41 = tpu.memref_slice %arg2[%mul3A_39, %dma_start3A_40] : memref<327680x128xf32, #tpu.memory_space<hbm>> -> memref<128x128xf32, #tpu.memory_space<hbm>>
    %dma_start3A_42 = arith.constant 0 : i32
    %dma_start3A_43 = tpu.memref_slice %arg2[%mul3A_39, %dma_start3A_42] : memref<327680x128xf32, #tpu.memory_space<hbm>> -> memref<128x128xf32, #tpu.memory_space<hbm>>
    tpu.enqueue_dma source(%dma_start3A_43 : memref<128x128xf32, #tpu.memory_space<hbm>>) target(%arg7 : memref<128x128xf32, #tpu.memory_space<vmem>>) target_semaphore(%arg10 : memref<!tpu.dma_semaphore, #tpu.memory_space<semaphore_mem>>)
    %scan3A_44 = arith.constant 0 : i32
    %scan3A_45 = arith.constant 0 : i32
    %scan3A_46 = arith.constant 40 : i32
    %scan3A_47 = arith.addi %scan3A_45, %scan3A_46 : i32
    %scan3A_48 = arith.constant 1 : i32
    scf.for %scan3A_71 = %scan3A_45 to %scan3A_47 step %scan3A_48  : i32 {
      %mul3A_72 = arith.constant 2 : i32
      %mul3A_73 = arith.muli %scan3A_71, %mul3A_72 : i32
      %dma_wait3A_74 = arith.constant 0 : i32
      %dma_wait3A_75 = arith.constant 0 : i32
      %dma_wait3A_76 = tpu.memref_slice %arg2[%dma_wait3A_74, %dma_wait3A_75] : memref<327680x128xf32, #tpu.memory_space<hbm>> -> memref<128x128xf32, #tpu.memory_space<hbm>>
      %dma_wait3A_77 = arith.constant 0 : i32
      %dma_wait3A_78 = arith.constant 0 : i32
      %dma_wait3A_79 = tpu.memref_slice %arg2[%dma_wait3A_77, %dma_wait3A_78] : memref<327680x128xf32, #tpu.memory_space<hbm>> -> memref<128x128xf32, #tpu.memory_space<hbm>>
      tpu.wait_dma2 semaphore(%arg9 : memref<!tpu.dma_semaphore, #tpu.memory_space<semaphore_mem>>) src(%dma_wait3A_79 : memref<128x128xf32, #tpu.memory_space<hbm>>) dst(%arg6 : memref<128x128xf32, #tpu.memory_space<vmem>>)
      %add3A_80 = arith.constant 0 : i32
      %add3A_81 = arith.addi %mul3A_73, %add3A_80 : i32
      %dma_start3A_82 = arith.constant 0 : i32
      %dma_start3A_83 = tpu.memref_slice %arg5[%add3A_81, %dma_start3A_82] : memref<80x128xi32, #tpu.memory_space<vmem>> -> memref<1x128xi32, #tpu.memory_space<vmem>>
      %dma_start3A_84 = tpu.memref_squeeze %dma_start3A_83 : memref<1x128xi32, #tpu.memory_space<vmem>> -> memref<128xi32, #tpu.memory_space<vmem>>
      %dma_start3A_85 = arith.constant 0 : i32
      %dma_start3A_86 = arith.constant 0 : i32
      %dma_start3A_87 = tpu.memref_slice %arg8[%dma_start3A_85, %dma_start3A_86] : memref<10240x128xf32, #tpu.memory_space<vmem_shared>> -> memref<10240x128xf32, #tpu.memory_space<vmem_shared>>
      tpu.enqueue_indirect_dma source(%arg6 : memref<128x128xf32, #tpu.memory_space<vmem>>) target(%dma_start3A_87 : memref<10240x128xf32, #tpu.memory_space<vmem_shared>>) offsets(%dma_start3A_84 : memref<128xi32, #tpu.memory_space<vmem>>) semaphore(%arg11 : memref<!tpu.dma_semaphore, #tpu.memory_space<semaphore_mem>>) {add = true}
      %dma_wait3A_88 = arith.constant 0 : i32
      %dma_wait3A_89 = arith.constant 0 : i32
      %dma_wait3A_90 = tpu.memref_slice %arg2[%dma_wait3A_88, %dma_wait3A_89] : memref<327680x128xf32, #tpu.memory_space<hbm>> -> memref<128x128xf32, #tpu.memory_space<hbm>>
      %dma_wait3A_91 = arith.constant 0 : i32
      %dma_wait3A_92 = arith.constant 0 : i32
      %dma_wait3A_93 = tpu.memref_slice %arg2[%dma_wait3A_91, %dma_wait3A_92] : memref<327680x128xf32, #tpu.memory_space<hbm>> -> memref<128x128xf32, #tpu.memory_space<hbm>>
      tpu.wait_dma2 semaphore(%arg10 : memref<!tpu.dma_semaphore, #tpu.memory_space<semaphore_mem>>) src(%dma_wait3A_93 : memref<128x128xf32, #tpu.memory_space<hbm>>) dst(%arg7 : memref<128x128xf32, #tpu.memory_space<vmem>>)
      %add3A_94 = arith.constant 1 : i32
      %add3A_95 = arith.addi %mul3A_73, %add3A_94 : i32
      %dma_start3A_96 = arith.constant 0 : i32
      %dma_start3A_97 = tpu.memref_slice %arg5[%add3A_95, %dma_start3A_96] : memref<80x128xi32, #tpu.memory_space<vmem>> -> memref<1x128xi32, #tpu.memory_space<vmem>>
      %dma_start3A_98 = tpu.memref_squeeze %dma_start3A_97 : memref<1x128xi32, #tpu.memory_space<vmem>> -> memref<128xi32, #tpu.memory_space<vmem>>
      %dma_start3A_99 = arith.constant 0 : i32
      %dma_start3A_100 = arith.constant 0 : i32
      %dma_start3A_101 = tpu.memref_slice %arg8[%dma_start3A_99, %dma_start3A_100] : memref<10240x128xf32, #tpu.memory_space<vmem_shared>> -> memref<10240x128xf32, #tpu.memory_space<vmem_shared>>
      tpu.enqueue_indirect_dma source(%arg7 : memref<128x128xf32, #tpu.memory_space<vmem>>) target(%dma_start3A_101 : memref<10240x128xf32, #tpu.memory_space<vmem_shared>>) offsets(%dma_start3A_98 : memref<128xi32, #tpu.memory_space<vmem>>) semaphore(%arg12 : memref<!tpu.dma_semaphore, #tpu.memory_space<semaphore_mem>>) {add = true}
      %lt3A = arith.constant 39 : i32
      %lt3A_102 = arith.cmpi slt, %scan3A_71, %lt3A : i32
      %convert_element_type3A = arith.extui %lt3A_102 : i1 to i32
      %cond3A = arith.constant 0 : i32
      %cond3A_103 = arith.cmpi ne, %convert_element_type3A, %cond3A : i32
      scf.if %cond3A_103 {
        %dma_wait3A_109 = arith.constant 0 : i32
        %dma_wait3A_110 = arith.constant 0 : i32
        %dma_wait3A_111 = tpu.memref_slice %arg5[%dma_wait3A_109, %dma_wait3A_110] : memref<80x128xi32, #tpu.memory_space<vmem>> -> memref<1x128xi32, #tpu.memory_space<vmem>>
        %dma_wait3A_112 = tpu.memref_squeeze %dma_wait3A_111 : memref<1x128xi32, #tpu.memory_space<vmem>> -> memref<128xi32, #tpu.memory_space<vmem>>
        %dma_wait3A_113 = arith.constant 0 : i32
        %dma_wait3A_114 = arith.constant 0 : i32
        %dma_wait3A_115 = tpu.memref_slice %arg8[%dma_wait3A_113, %dma_wait3A_114] : memref<10240x128xf32, #tpu.memory_space<vmem_shared>> -> memref<10240x128xf32, #tpu.memory_space<vmem_shared>>
        tpu.wait_indirect_dma semaphore(%arg11 : memref<!tpu.dma_semaphore, #tpu.memory_space<semaphore_mem>>) src(%arg6 : memref<128x128xf32, #tpu.memory_space<vmem>>) dst(%dma_wait3A_115 : memref<10240x128xf32, #tpu.memory_space<vmem_shared>>)
        %add3A_116 = arith.constant 2 : i32
        %add3A_117 = arith.addi %mul3A_73, %add3A_116 : i32
        %add3A_118 = arith.constant 0 : i32
        %add3A_119 = arith.addi %add3A_117, %add3A_118 : i32
        %add3A_120 = arith.addi %add3A, %add3A_119 : i32
        %mul3A_121 = arith.constant 128 : i32
        %mul3A_122 = arith.muli %add3A_120, %mul3A_121 : i32
        %dma_start3A_123 = arith.constant 0 : i32
        %dma_start3A_124 = tpu.memref_slice %arg2[%mul3A_122, %dma_start3A_123] : memref<327680x128xf32, #tpu.memory_space<hbm>> -> memref<128x128xf32, #tpu.memory_space<hbm>>
        %dma_start3A_125 = arith.constant 0 : i32
        %dma_start3A_126 = tpu.memref_slice %arg2[%mul3A_122, %dma_start3A_125] : memref<327680x128xf32, #tpu.memory_space<hbm>> -> memref<128x128xf32, #tpu.memory_space<hbm>>
        tpu.enqueue_dma source(%dma_start3A_126 : memref<128x128xf32, #tpu.memory_space<hbm>>) target(%arg6 : memref<128x128xf32, #tpu.memory_space<vmem>>) target_semaphore(%arg9 : memref<!tpu.dma_semaphore, #tpu.memory_space<semaphore_mem>>)
      } else {
      }
      %lt3A_104 = arith.constant 39 : i32
      %lt3A_105 = arith.cmpi slt, %scan3A_71, %lt3A_104 : i32
      %convert_element_type3A_106 = arith.extui %lt3A_105 : i1 to i32
      %cond3A_107 = arith.constant 0 : i32
      %cond3A_108 = arith.cmpi ne, %convert_element_type3A_106, %cond3A_107 : i32
      scf.if %cond3A_108 {
        %dma_wait3A_109 = arith.constant 0 : i32
        %dma_wait3A_110 = arith.constant 0 : i32
        %dma_wait3A_111 = tpu.memref_slice %arg5[%dma_wait3A_109, %dma_wait3A_110] : memref<80x128xi32, #tpu.memory_space<vmem>> -> memref<1x128xi32, #tpu.memory_space<vmem>>
        %dma_wait3A_112 = tpu.memref_squeeze %dma_wait3A_111 : memref<1x128xi32, #tpu.memory_space<vmem>> -> memref<128xi32, #tpu.memory_space<vmem>>
        %dma_wait3A_113 = arith.constant 0 : i32
        %dma_wait3A_114 = arith.constant 0 : i32
        %dma_wait3A_115 = tpu.memref_slice %arg8[%dma_wait3A_113, %dma_wait3A_114] : memref<10240x128xf32, #tpu.memory_space<vmem_shared>> -> memref<10240x128xf32, #tpu.memory_space<vmem_shared>>
        tpu.wait_indirect_dma semaphore(%arg12 : memref<!tpu.dma_semaphore, #tpu.memory_space<semaphore_mem>>) src(%arg7 : memref<128x128xf32, #tpu.memory_space<vmem>>) dst(%dma_wait3A_115 : memref<10240x128xf32, #tpu.memory_space<vmem_shared>>)
        %add3A_116 = arith.constant 2 : i32
        %add3A_117 = arith.addi %mul3A_73, %add3A_116 : i32
        %add3A_118 = arith.constant 1 : i32
        %add3A_119 = arith.addi %add3A_117, %add3A_118 : i32
        %add3A_120 = arith.addi %add3A, %add3A_119 : i32
        %mul3A_121 = arith.constant 128 : i32
        %mul3A_122 = arith.muli %add3A_120, %mul3A_121 : i32
        %dma_start3A_123 = arith.constant 0 : i32
        %dma_start3A_124 = tpu.memref_slice %arg2[%mul3A_122, %dma_start3A_123] : memref<327680x128xf32, #tpu.memory_space<hbm>> -> memref<128x128xf32, #tpu.memory_space<hbm>>
        %dma_start3A_125 = arith.constant 0 : i32
        %dma_start3A_126 = tpu.memref_slice %arg2[%mul3A_122, %dma_start3A_125] : memref<327680x128xf32, #tpu.memory_space<hbm>> -> memref<128x128xf32, #tpu.memory_space<hbm>>
        tpu.enqueue_dma source(%dma_start3A_126 : memref<128x128xf32, #tpu.memory_space<hbm>>) target(%arg7 : memref<128x128xf32, #tpu.memory_space<vmem>>) target_semaphore(%arg10 : memref<!tpu.dma_semaphore, #tpu.memory_space<semaphore_mem>>)
      } else {
      }
    }
    %scan3A_49 = arith.constant 40 : i32
    %dma_wait3A = arith.constant 0 : i32
    %dma_wait3A_50 = arith.constant 0 : i32
    %dma_wait3A_51 = tpu.memref_slice %arg5[%dma_wait3A, %dma_wait3A_50] : memref<80x128xi32, #tpu.memory_space<vmem>> -> memref<1x128xi32, #tpu.memory_space<vmem>>
    %dma_wait3A_52 = tpu.memref_squeeze %dma_wait3A_51 : memref<1x128xi32, #tpu.memory_space<vmem>> -> memref<128xi32, #tpu.memory_space<vmem>>
    %dma_wait3A_53 = arith.constant 0 : i32
    %dma_wait3A_54 = arith.constant 0 : i32
    %dma_wait3A_55 = tpu.memref_slice %arg8[%dma_wait3A_53, %dma_wait3A_54] : memref<10240x128xf32, #tpu.memory_space<vmem_shared>> -> memref<10240x128xf32, #tpu.memory_space<vmem_shared>>
    tpu.wait_indirect_dma semaphore(%arg11 : memref<!tpu.dma_semaphore, #tpu.memory_space<semaphore_mem>>) src(%arg6 : memref<128x128xf32, #tpu.memory_space<vmem>>) dst(%dma_wait3A_55 : memref<10240x128xf32, #tpu.memory_space<vmem_shared>>)
    %dma_wait3A_56 = arith.constant 0 : i32
    %dma_wait3A_57 = arith.constant 0 : i32
    %dma_wait3A_58 = tpu.memref_slice %arg5[%dma_wait3A_56, %dma_wait3A_57] : memref<80x128xi32, #tpu.memory_space<vmem>> -> memref<1x128xi32, #tpu.memory_space<vmem>>
    %dma_wait3A_59 = tpu.memref_squeeze %dma_wait3A_58 : memref<1x128xi32, #tpu.memory_space<vmem>> -> memref<128xi32, #tpu.memory_space<vmem>>
    %dma_wait3A_60 = arith.constant 0 : i32
    %dma_wait3A_61 = arith.constant 0 : i32
    %dma_wait3A_62 = tpu.memref_slice %arg8[%dma_wait3A_60, %dma_wait3A_61] : memref<10240x128xf32, #tpu.memory_space<vmem_shared>> -> memref<10240x128xf32, #tpu.memory_space<vmem_shared>>
    tpu.wait_indirect_dma semaphore(%arg12 : memref<!tpu.dma_semaphore, #tpu.memory_space<semaphore_mem>>) src(%arg7 : memref<128x128xf32, #tpu.memory_space<vmem>>) dst(%dma_wait3A_62 : memref<10240x128xf32, #tpu.memory_space<vmem_shared>>)
    %barrier3A_63 = arith.constant 0 : index
    tpu.barrier barrier_id(%barrier3A_63)
    %mul3A_64 = arith.constant 10240 : i32
    %mul3A_65 = arith.muli %arg0, %mul3A_64 : i32
    %mul3A_66 = arith.constant 640 : i32
    %mul3A_67 = arith.muli %arg1, %mul3A_66 : i32
    %add3A_68 = arith.addi %mul3A_65, %mul3A_67 : i32
    %mul3A_69 = arith.constant 640 : i32
    %mul3A_70 = arith.muli %arg1, %mul3A_69 : i32
    "tpu.region"() ({
      %run_scoped3A = tpu.sem_alloc : memref<!tpu.dma_semaphore, #tpu.memory_space<semaphore_mem>>
      %dma_start3A_71 = arith.constant 0 : i32
      %dma_start3A_72 = tpu.memref_slice %arg4[%add3A_68, %dma_start3A_71] : memref<20480x128xf32, #tpu.memory_space<hbm>> -> memref<640x128xf32, #tpu.memory_space<hbm>>
      %dma_start3A_73 = arith.constant 0 : i32
      %dma_start3A_74 = tpu.memref_slice %arg8[%mul3A_70, %dma_start3A_73] : memref<10240x128xf32, #tpu.memory_space<vmem_shared>> -> memref<640x128xf32, #tpu.memory_space<vmem_shared>>
      tpu.enqueue_dma source(%dma_start3A_74 : memref<640x128xf32, #tpu.memory_space<vmem_shared>>) target(%dma_start3A_72 : memref<640x128xf32, #tpu.memory_space<hbm>>) target_semaphore(%run_scoped3A : memref<!tpu.dma_semaphore, #tpu.memory_space<semaphore_mem>>)
      %dma_wait3A_75 = arith.constant 0 : i32
      %dma_wait3A_76 = tpu.memref_slice %arg4[%add3A_68, %dma_wait3A_75] : memref<20480x128xf32, #tpu.memory_space<hbm>> -> memref<640x128xf32, #tpu.memory_space<hbm>>
      %dma_wait3A_77 = arith.constant 0 : i32
      %dma_wait3A_78 = tpu.memref_slice %arg8[%mul3A_70, %dma_wait3A_77] : memref<10240x128xf32, #tpu.memory_space<vmem_shared>> -> memref<640x128xf32, #tpu.memory_space<vmem_shared>>
      tpu.wait_dma2 semaphore(%run_scoped3A : memref<!tpu.dma_semaphore, #tpu.memory_space<semaphore_mem>>) src(%dma_wait3A_78 : memref<640x128xf32, #tpu.memory_space<vmem_shared>>) dst(%dma_wait3A_76 : memref<640x128xf32, #tpu.memory_space<hbm>>)
      tpu.yield
    }) : () -> ()
    return
  }
}

module attributes {stable_mosaic.version = 14 : i64} {
  func.func @_pre_body(%arg0: memref<10240x128xf32, #tpu.memory_space<vmem>>, %arg1: memref<128x64xf32, #tpu.memory_space<vmem>>, %arg2: memref<128x64xf32, #tpu.memory_space<vmem>>, %arg3: memref<1x64xf32, #tpu.memory_space<vmem>>, %arg4: memref<10240x64xf32, #tpu.memory_space<vmem>>, %arg5: memref<10240x64xf32, #tpu.memory_space<vmem>>) attributes {dimension_semantics = [], scalar_prefetch = 0 : i64, scratch_operands = 0 : i64, tpu.core_type = #tpu.core_type<tc>} {
    %get3A = arith.constant 0 : index
    %get3A_0 = arith.constant 0 : index
    %get3A_1 = vector.load %arg0[%get3A, %get3A_0] : memref<10240x128xf32, #tpu.memory_space<vmem>>, vector<10240x128xf32>
    %get3A_2 = arith.constant 0 : index
    %get3A_3 = arith.constant 0 : index
    %get3A_4 = vector.load %arg1[%get3A_2, %get3A_3] : memref<128x64xf32, #tpu.memory_space<vmem>>, vector<128x64xf32>
    %dot_general3A = arith.constant dense<0.000000e+00> : vector<10240x64xf32>
    %dot_general3A_5 = tpu.matmul %get3A_1, %get3A_4, %dot_general3A {dimension_numbers = #tpu.dot_dimension_numbers<[1], [0], [0], [1], [0, 0, 1, 1], [], []>, transpose_lhs_hint = false} : vector<10240x128xf32>, vector<128x64xf32>, vector<10240x64xf32> -> vector<10240x64xf32>
    %swap3A = arith.constant 0 : index
    %swap3A_6 = arith.constant 0 : index
    %swap3A_7 = vector.load %arg4[%swap3A, %swap3A_6] : memref<10240x64xf32, #tpu.memory_space<vmem>>, vector<10240x64xf32>
    tpu.vector_store %arg4[%swap3A, %swap3A_6], %dot_general3A_5 {strides = array<i32>} : memref<10240x64xf32, #tpu.memory_space<vmem>>, vector<10240x64xf32>,
    %get3A_8 = arith.constant 0 : index
    %get3A_9 = arith.constant 0 : index
    %get3A_10 = vector.load %arg2[%get3A_8, %get3A_9] : memref<128x64xf32, #tpu.memory_space<vmem>>, vector<128x64xf32>
    %dot_general3A_11 = arith.constant dense<0.000000e+00> : vector<10240x64xf32>
    %dot_general3A_12 = tpu.matmul %get3A_1, %get3A_10, %dot_general3A_11 {dimension_numbers = #tpu.dot_dimension_numbers<[1], [0], [0], [1], [0, 0, 1, 1], [], []>, transpose_lhs_hint = false} : vector<10240x128xf32>, vector<128x64xf32>, vector<10240x64xf32> -> vector<10240x64xf32>
    %get3A_13 = arith.constant 0 : index
    %get3A_14 = arith.constant 0 : index
    %get3A_15 = vector.load %arg3[%get3A_13, %get3A_14] : memref<1x64xf32, #tpu.memory_space<vmem>>, vector<1x64xf32>
    %add3A = vector.broadcast %get3A_15 : vector<1x64xf32> to vector<10240x64xf32>
    %add3A_16 = arith.addf %dot_general3A_12, %add3A : vector<10240x64xf32>
    %swap3A_17 = arith.constant 0 : index
    %swap3A_18 = arith.constant 0 : index
    %swap3A_19 = vector.load %arg5[%swap3A_17, %swap3A_18] : memref<10240x64xf32, #tpu.memory_space<vmem>>, vector<10240x64xf32>
    tpu.vector_store %arg5[%swap3A_17, %swap3A_18], %add3A_16 {strides = array<i32>} : memref<10240x64xf32, #tpu.memory_space<vmem>>, vector<10240x64xf32>,
    return
  }
}

module attributes {stable_mosaic.version = 14 : i64} {
  func.func @_edge_body(%arg0: i32, %arg1: memref<4096x128xf32, #tpu.memory_space<vmem>>, %arg2: memref<64x64xf32, #tpu.memory_space<vmem>>, %arg3: memref<1x64xf32, #tpu.memory_space<vmem>>, %arg4: memref<4096x128xf32, #tpu.memory_space<vmem>>) attributes {dimension_semantics = [#tpu.dimension_semantics<arbitrary>], iteration_bounds = array<i64: 80>, scalar_prefetch = 0 : i64, scratch_operands = 0 : i64, tpu.core_type = #tpu.core_type<tc>, window_params = [{transform_indices = @transform_0, window_bounds = array<i64: 4096, 128>}, {pipeline_mode = #tpu.pipeline_mode<synchronous>, transform_indices = @transform_1, window_bounds = array<i64: 64, 64>}, {pipeline_mode = #tpu.pipeline_mode<synchronous>, transform_indices = @transform_2, window_bounds = array<i64: 1, 64>}, {transform_indices = @transform_3, window_bounds = array<i64: 4096, 128>}]} {
    %get3A = arith.constant 0 : index
    %get3A_0 = arith.constant 0 : index
    %get3A_1 = vector.load %arg1[%get3A, %get3A_0] : memref<4096x128xf32, #tpu.memory_space<vmem>>, vector<4096x64xf32>
    %get3A_2 = arith.constant 0 : index
    %get3A_3 = arith.constant 64 : index
    %get3A_4 = vector.load %arg1[%get3A_2, %get3A_3] : memref<4096x128xf32, #tpu.memory_space<vmem>>, vector<4096x64xf32>
    %add3A = arith.addf %get3A_1, %get3A_4 : vector<4096x64xf32>
    %max3A = arith.constant 0.000000e+00 : f32
    %max3A_5 = vector.broadcast %max3A : f32 to vector<4096x64xf32>
    %max3A_6 = arith.maximumf %add3A, %max3A_5 : vector<4096x64xf32>
    %get3A_7 = arith.constant 0 : index
    %get3A_8 = arith.constant 0 : index
    %get3A_9 = vector.load %arg2[%get3A_7, %get3A_8] : memref<64x64xf32, #tpu.memory_space<vmem>>, vector<64x64xf32>
    %dot_general3A = arith.constant dense<0.000000e+00> : vector<4096x64xf32>
    %dot_general3A_10 = tpu.matmul %max3A_6, %get3A_9, %dot_general3A {dimension_numbers = #tpu.dot_dimension_numbers<[1], [0], [0], [1], [0, 0, 1, 1], [], []>, transpose_lhs_hint = false} : vector<4096x64xf32>, vector<64x64xf32>, vector<4096x64xf32> -> vector<4096x64xf32>
    %get3A_11 = arith.constant 0 : index
    %get3A_12 = arith.constant 0 : index
    %get3A_13 = vector.load %arg3[%get3A_11, %get3A_12] : memref<1x64xf32, #tpu.memory_space<vmem>>, vector<1x64xf32>
    %add3A_14 = vector.broadcast %get3A_13 : vector<1x64xf32> to vector<4096x64xf32>
    %add3A_15 = arith.addf %dot_general3A_10, %add3A_14 : vector<4096x64xf32>
    %max3A_16 = arith.constant 0.000000e+00 : f32
    %max3A_17 = vector.broadcast %max3A_16 : f32 to vector<4096x64xf32>
    %max3A_18 = arith.maximumf %add3A_15, %max3A_17 : vector<4096x64xf32>
    %broadcast_in_dim3A = arith.constant 0.000000e+00 : f32
    %broadcast_in_dim3A_19 = vector.broadcast %broadcast_in_dim3A : f32 to vector<4096x64xf32>
    %concatenate3A = tpu.concatenate %max3A_18, %broadcast_in_dim3A_19 in 1 : vector<4096x64xf32>, vector<4096x64xf32> -> vector<4096x128xf32>
    %swap3A = arith.constant 0 : index
    %swap3A_20 = arith.constant 0 : index
    %swap3A_21 = vector.load %arg4[%swap3A, %swap3A_20] : memref<4096x128xf32, #tpu.memory_space<vmem>>, vector<4096x128xf32>
    tpu.vector_store %arg4[%swap3A, %swap3A_20], %concatenate3A {strides = array<i32>} : memref<4096x128xf32, #tpu.memory_space<vmem>>, vector<4096x128xf32>,
    return
  }
  func.func @transform_0(%arg0: i32) -> (i32, i32) {
    %c0_i32 = arith.constant 0 : i32
    %c0_i32_0 = arith.constant 0 : i32
    return %arg0, %c0_i32 : i32, i32
  }
  func.func @transform_1(%arg0: i32) -> (i32, i32) {
    %c0_i32 = arith.constant 0 : i32
    %c0_i32_0 = arith.constant 0 : i32
    %c0_i32_1 = arith.constant 0 : i32
    return %c0_i32, %c0_i32_0 : i32, i32
  }
  func.func @transform_2(%arg0: i32) -> (i32, i32) {
    %c0_i32 = arith.constant 0 : i32
    %c0_i32_0 = arith.constant 0 : i32
    %c0_i32_1 = arith.constant 0 : i32
    return %c0_i32, %c0_i32_0 : i32, i32
  }
  func.func @transform_3(%arg0: i32) -> (i32, i32) {
    %c0_i32 = arith.constant 0 : i32
    %c0_i32_0 = arith.constant 0 : i32
    return %arg0, %c0_i32 : i32, i32
  }
}

module attributes {stable_mosaic.version = 14 : i64} {
  func.func @body(%arg0: memref<10240x128xf32, #tpu.memory_space<vmem>>, %arg1: memref<2x10240x128xf32, #tpu.memory_space<vmem>>, %arg2: memref<2x10240x16xf32, #tpu.memory_space<vmem>>, %arg3: memref<128x64xf32, #tpu.memory_space<vmem>>, %arg4: memref<64x64xf32, #tpu.memory_space<vmem>>, %arg5: memref<1x64xf32, #tpu.memory_space<vmem>>, %arg6: memref<64x64xf32, #tpu.memory_space<vmem>>, %arg7: memref<1x64xf32, #tpu.memory_space<vmem>>, %arg8: memref<64x64xf32, #tpu.memory_space<vmem>>, %arg9: memref<64x64xf32, #tpu.memory_space<vmem>>, %arg10: memref<1x64xf32, #tpu.memory_space<vmem>>, %arg11: memref<10240x64xf32, #tpu.memory_space<vmem>>, %arg12: memref<10240x64xf32, #tpu.memory_space<vmem>>, %arg13: memref<10240x64xf32, #tpu.memory_space<vmem>>) attributes {dimension_semantics = [], scalar_prefetch = 0 : i64, scratch_operands = 0 : i64, tpu.core_type = #tpu.core_type<tc>} {
    %get3A = arith.constant 0 : index
    %get3A_0 = arith.constant 0 : index
    %get3A_1 = vector.load %arg0[%get3A, %get3A_0] : memref<10240x128xf32, #tpu.memory_space<vmem>>, vector<10240x128xf32>
    %get3A_2 = arith.constant 0 : index
    %get3A_3 = arith.constant 0 : index
    %get3A_4 = arith.constant 0 : index
    %get3A_5 = vector.load %arg1[%get3A_2, %get3A_3, %get3A_4] : memref<2x10240x128xf32, #tpu.memory_space<vmem>>, vector<1x10240x128xf32>
    %get3A_6 = vector.shape_cast %get3A_5 : vector<1x10240x128xf32> to vector<10240x128xf32>
    %get3A_7 = arith.constant 1 : index
    %get3A_8 = arith.constant 0 : index
    %get3A_9 = arith.constant 0 : index
    %get3A_10 = vector.load %arg1[%get3A_7, %get3A_8, %get3A_9] : memref<2x10240x128xf32, #tpu.memory_space<vmem>>, vector<1x10240x128xf32>
    %get3A_11 = vector.shape_cast %get3A_10 : vector<1x10240x128xf32> to vector<10240x128xf32>
    %add3A = arith.addf %get3A_6, %get3A_11 : vector<10240x128xf32>
    %slice3A = vector.extract_strided_slice %add3A {offsets = [0, 0], sizes = [10240, 64], strides = [1, 1]} : vector<10240x128xf32> to vector<10240x64xf32>
    %get3A_12 = arith.constant 0 : index
    %get3A_13 = arith.constant 0 : index
    %get3A_14 = arith.constant 0 : index
    %get3A_15 = vector.load %arg2[%get3A_12, %get3A_13, %get3A_14] : memref<2x10240x16xf32, #tpu.memory_space<vmem>>, vector<1x10240x16xf32>
    %get3A_16 = vector.shape_cast %get3A_15 : vector<1x10240x16xf32> to vector<10240x16xf32>
    %get3A_17 = arith.constant 1 : index
    %get3A_18 = arith.constant 0 : index
    %get3A_19 = arith.constant 0 : index
    %get3A_20 = vector.load %arg2[%get3A_17, %get3A_18, %get3A_19] : memref<2x10240x16xf32, #tpu.memory_space<vmem>>, vector<1x10240x16xf32>
    %get3A_21 = vector.shape_cast %get3A_20 : vector<1x10240x16xf32> to vector<10240x16xf32>
    %add3A_22 = arith.addf %get3A_16, %get3A_21 : vector<10240x16xf32>
    %max3A = arith.constant 1.000000e+00 : f32
    %max3A_23 = vector.broadcast %max3A : f32 to vector<10240x16xf32>
    %max3A_24 = arith.maximumf %add3A_22, %max3A_23 : vector<10240x16xf32>
    %slice3A_25 = vector.extract_strided_slice %max3A_24 {offsets = [0, 0], sizes = [10240, 1], strides = [1, 1]} : vector<10240x16xf32> to vector<10240x1xf32>
    %div3A = vector.broadcast %slice3A_25 : vector<10240x1xf32> to vector<10240x64xf32>
    %div3A_26 = arith.divf %slice3A, %div3A : vector<10240x64xf32>
    %get3A_27 = arith.constant 0 : index
    %get3A_28 = arith.constant 0 : index
    %get3A_29 = vector.load %arg3[%get3A_27, %get3A_28] : memref<128x64xf32, #tpu.memory_space<vmem>>, vector<128x64xf32>
    %dot_general3A = arith.constant dense<0.000000e+00> : vector<10240x64xf32>
    %dot_general3A_30 = tpu.matmul %get3A_1, %get3A_29, %dot_general3A {dimension_numbers = #tpu.dot_dimension_numbers<[1], [0], [0], [1], [0, 0, 1, 1], [], []>, transpose_lhs_hint = false} : vector<10240x128xf32>, vector<128x64xf32>, vector<10240x64xf32> -> vector<10240x64xf32>
    %get3A_31 = arith.constant 0 : index
    %get3A_32 = arith.constant 0 : index
    %get3A_33 = vector.load %arg4[%get3A_31, %get3A_32] : memref<64x64xf32, #tpu.memory_space<vmem>>, vector<64x64xf32>
    %dot_general3A_34 = arith.constant dense<0.000000e+00> : vector<10240x64xf32>
    %dot_general3A_35 = tpu.matmul %div3A_26, %get3A_33, %dot_general3A_34 {dimension_numbers = #tpu.dot_dimension_numbers<[1], [0], [0], [1], [0, 0, 1, 1], [], []>, transpose_lhs_hint = false} : vector<10240x64xf32>, vector<64x64xf32>, vector<10240x64xf32> -> vector<10240x64xf32>
    %add3A_36 = arith.addf %dot_general3A_30, %dot_general3A_35 : vector<10240x64xf32>
    %get3A_37 = arith.constant 0 : index
    %get3A_38 = arith.constant 0 : index
    %get3A_39 = vector.load %arg5[%get3A_37, %get3A_38] : memref<1x64xf32, #tpu.memory_space<vmem>>, vector<1x64xf32>
    %add3A_40 = vector.broadcast %get3A_39 : vector<1x64xf32> to vector<10240x64xf32>
    %add3A_41 = arith.addf %add3A_36, %add3A_40 : vector<10240x64xf32>
    %max3A_42 = arith.constant 0.000000e+00 : f32
    %max3A_43 = vector.broadcast %max3A_42 : f32 to vector<10240x64xf32>
    %max3A_44 = arith.maximumf %add3A_41, %max3A_43 : vector<10240x64xf32>
    %get3A_45 = arith.constant 0 : index
    %get3A_46 = arith.constant 0 : index
    %get3A_47 = vector.load %arg6[%get3A_45, %get3A_46] : memref<64x64xf32, #tpu.memory_space<vmem>>, vector<64x64xf32>
    %dot_general3A_48 = arith.constant dense<0.000000e+00> : vector<10240x64xf32>
    %dot_general3A_49 = tpu.matmul %max3A_44, %get3A_47, %dot_general3A_48 {dimension_numbers = #tpu.dot_dimension_numbers<[1], [0], [0], [1], [0, 0, 1, 1], [], []>, transpose_lhs_hint = false} : vector<10240x64xf32>, vector<64x64xf32>, vector<10240x64xf32> -> vector<10240x64xf32>
    %get3A_50 = arith.constant 0 : index
    %get3A_51 = arith.constant 0 : index
    %get3A_52 = vector.load %arg7[%get3A_50, %get3A_51] : memref<1x64xf32, #tpu.memory_space<vmem>>, vector<1x64xf32>
    %add3A_53 = vector.broadcast %get3A_52 : vector<1x64xf32> to vector<10240x64xf32>
    %add3A_54 = arith.addf %dot_general3A_49, %add3A_53 : vector<10240x64xf32>
    %max3A_55 = arith.constant 0.000000e+00 : f32
    %max3A_56 = vector.broadcast %max3A_55 : f32 to vector<10240x64xf32>
    %max3A_57 = arith.maximumf %add3A_54, %max3A_56 : vector<10240x64xf32>
    %iota3A = tpu.iota {dimensions = array<i32: 0>} : vector<10240x1xi32>
    %lt3A = arith.constant 10000 : i32
    %lt3A_58 = vector.broadcast %lt3A : i32 to vector<10240x1xi32>
    %lt3A_59 = arith.cmpi slt, %iota3A, %lt3A_58 : vector<10240x1xi32>
    %jit3A = arith.constant 0.000000e+00 : f32
    %broadcast_in_dim3A = vector.shape_cast %lt3A_59 : vector<10240x1xi1> to vector<10240x1xi1>
    %broadcast_in_dim3A_60 = vector.broadcast %broadcast_in_dim3A : vector<10240x1xi1> to vector<10240x64xi1>
    %broadcast_in_dim3A_61 = vector.broadcast %jit3A : f32 to vector<10240x64xf32>
    %select_n3A = arith.select %broadcast_in_dim3A_60, %max3A_57, %broadcast_in_dim3A_61 : vector<10240x64xi1>, vector<10240x64xf32>
    %reduce_sum3A = arith.constant dense<0.000000e+00> : vector<64xf32>
    %reduce_sum3A_62 = vector.multi_reduction <add>, %select_n3A, %reduce_sum3A [0] : vector<10240x64xf32> to vector<64xf32>
    %broadcast_in_dim3A_63 = vector.shape_cast %reduce_sum3A_62 : vector<64xf32> to vector<1x64xf32>
    %mul3A = arith.constant 9.99999974E-5 : f32
    %mul3A_64 = vector.broadcast %mul3A : f32 to vector<1x64xf32>
    %mul3A_65 = arith.mulf %broadcast_in_dim3A_63, %mul3A_64 : vector<1x64xf32>
    %sub3A = vector.broadcast %mul3A_65 : vector<1x64xf32> to vector<10240x64xf32>
    %sub3A_66 = arith.subf %max3A_57, %sub3A : vector<10240x64xf32>
    %jit3A_67 = arith.constant 0.000000e+00 : f32
    %broadcast_in_dim3A_68 = vector.shape_cast %lt3A_59 : vector<10240x1xi1> to vector<10240x1xi1>
    %broadcast_in_dim3A_69 = vector.broadcast %broadcast_in_dim3A_68 : vector<10240x1xi1> to vector<10240x64xi1>
    %broadcast_in_dim3A_70 = vector.broadcast %jit3A_67 : f32 to vector<10240x64xf32>
    %select_n3A_71 = arith.select %broadcast_in_dim3A_69, %sub3A_66, %broadcast_in_dim3A_70 : vector<10240x64xi1>, vector<10240x64xf32>
    %mul3A_72 = arith.mulf %select_n3A_71, %select_n3A_71 : vector<10240x64xf32>
    %reduce_sum3A_73 = arith.constant dense<0.000000e+00> : vector<64xf32>
    %reduce_sum3A_74 = vector.multi_reduction <add>, %mul3A_72, %reduce_sum3A_73 [0] : vector<10240x64xf32> to vector<64xf32>
    %broadcast_in_dim3A_75 = vector.shape_cast %reduce_sum3A_74 : vector<64xf32> to vector<1x64xf32>
    %mul3A_76 = arith.constant 9.99999974E-5 : f32
    %mul3A_77 = vector.broadcast %mul3A_76 : f32 to vector<1x64xf32>
    %mul3A_78 = arith.mulf %broadcast_in_dim3A_75, %mul3A_77 : vector<1x64xf32>
    %add3A_79 = arith.constant 9.99999974E-6 : f32
    %add3A_80 = vector.broadcast %add3A_79 : f32 to vector<1x64xf32>
    %add3A_81 = arith.addf %mul3A_78, %add3A_80 : vector<1x64xf32>
    %sqrt3A = math.sqrt %add3A_81 : vector<1x64xf32>
    %div3A_82 = vector.broadcast %sqrt3A : vector<1x64xf32> to vector<10240x64xf32>
    %div3A_83 = arith.divf %sub3A_66, %div3A_82 : vector<10240x64xf32>
    %swap3A = arith.constant 0 : index
    %swap3A_84 = arith.constant 0 : index
    %swap3A_85 = vector.load %arg11[%swap3A, %swap3A_84] : memref<10240x64xf32, #tpu.memory_space<vmem>>, vector<10240x64xf32>
    tpu.vector_store %arg11[%swap3A, %swap3A_84], %div3A_83 {strides = array<i32>} : memref<10240x64xf32, #tpu.memory_space<vmem>>, vector<10240x64xf32>,
    %get3A_86 = arith.constant 0 : index
    %get3A_87 = arith.constant 0 : index
    %get3A_88 = vector.load %arg8[%get3A_86, %get3A_87] : memref<64x64xf32, #tpu.memory_space<vmem>>, vector<64x64xf32>
    %dot_general3A_89 = arith.constant dense<0.000000e+00> : vector<10240x64xf32>
    %dot_general3A_90 = tpu.matmul %div3A_83, %get3A_88, %dot_general3A_89 {dimension_numbers = #tpu.dot_dimension_numbers<[1], [0], [0], [1], [0, 0, 1, 1], [], []>, transpose_lhs_hint = false} : vector<10240x64xf32>, vector<64x64xf32>, vector<10240x64xf32> -> vector<10240x64xf32>
    %swap3A_91 = arith.constant 0 : index
    %swap3A_92 = arith.constant 0 : index
    %swap3A_93 = vector.load %arg12[%swap3A_91, %swap3A_92] : memref<10240x64xf32, #tpu.memory_space<vmem>>, vector<10240x64xf32>
    tpu.vector_store %arg12[%swap3A_91, %swap3A_92], %dot_general3A_90 {strides = array<i32>} : memref<10240x64xf32, #tpu.memory_space<vmem>>, vector<10240x64xf32>,
    %get3A_94 = arith.constant 0 : index
    %get3A_95 = arith.constant 0 : index
    %get3A_96 = vector.load %arg9[%get3A_94, %get3A_95] : memref<64x64xf32, #tpu.memory_space<vmem>>, vector<64x64xf32>
    %dot_general3A_97 = arith.constant dense<0.000000e+00> : vector<10240x64xf32>
    %dot_general3A_98 = tpu.matmul %div3A_83, %get3A_96, %dot_general3A_97 {dimension_numbers = #tpu.dot_dimension_numbers<[1], [0], [0], [1], [0, 0, 1, 1], [], []>, transpose_lhs_hint = false} : vector<10240x64xf32>, vector<64x64xf32>, vector<10240x64xf32> -> vector<10240x64xf32>
    %get3A_99 = arith.constant 0 : index
    %get3A_100 = arith.constant 0 : index
    %get3A_101 = vector.load %arg10[%get3A_99, %get3A_100] : memref<1x64xf32, #tpu.memory_space<vmem>>, vector<1x64xf32>
    %add3A_102 = vector.broadcast %get3A_101 : vector<1x64xf32> to vector<10240x64xf32>
    %add3A_103 = arith.addf %dot_general3A_98, %add3A_102 : vector<10240x64xf32>
    %swap3A_104 = arith.constant 0 : index
    %swap3A_105 = arith.constant 0 : index
    %swap3A_106 = vector.load %arg13[%swap3A_104, %swap3A_105] : memref<10240x64xf32, #tpu.memory_space<vmem>>, vector<10240x64xf32>
    tpu.vector_store %arg13[%swap3A_104, %swap3A_105], %add3A_103 {strides = array<i32>} : memref<10240x64xf32, #tpu.memory_space<vmem>>, vector<10240x64xf32>,
    return
  }
}

module attributes {stable_mosaic.version = 14 : i64} {
  func.func @body(%arg0: memref<10240x64xf32, #tpu.memory_space<vmem>>, %arg1: memref<2x10240x128xf32, #tpu.memory_space<vmem>>, %arg2: memref<2x10240x16xf32, #tpu.memory_space<vmem>>, %arg3: memref<64x64xf32, #tpu.memory_space<vmem>>, %arg4: memref<64x64xf32, #tpu.memory_space<vmem>>, %arg5: memref<1x64xf32, #tpu.memory_space<vmem>>, %arg6: memref<64x64xf32, #tpu.memory_space<vmem>>, %arg7: memref<1x64xf32, #tpu.memory_space<vmem>>, %arg8: memref<64x64xf32, #tpu.memory_space<vmem>>, %arg9: memref<64x64xf32, #tpu.memory_space<vmem>>, %arg10: memref<1x64xf32, #tpu.memory_space<vmem>>, %arg11: memref<10240x64xf32, #tpu.memory_space<vmem>>, %arg12: memref<10240x64xf32, #tpu.memory_space<vmem>>, %arg13: memref<10240x64xf32, #tpu.memory_space<vmem>>) attributes {dimension_semantics = [], scalar_prefetch = 0 : i64, scratch_operands = 0 : i64, tpu.core_type = #tpu.core_type<tc>} {
    %get3A = arith.constant 0 : index
    %get3A_0 = arith.constant 0 : index
    %get3A_1 = vector.load %arg0[%get3A, %get3A_0] : memref<10240x64xf32, #tpu.memory_space<vmem>>, vector<10240x64xf32>
    %get3A_2 = arith.constant 0 : index
    %get3A_3 = arith.constant 0 : index
    %get3A_4 = arith.constant 0 : index
    %get3A_5 = vector.load %arg1[%get3A_2, %get3A_3, %get3A_4] : memref<2x10240x128xf32, #tpu.memory_space<vmem>>, vector<1x10240x128xf32>
    %get3A_6 = vector.shape_cast %get3A_5 : vector<1x10240x128xf32> to vector<10240x128xf32>
    %get3A_7 = arith.constant 1 : index
    %get3A_8 = arith.constant 0 : index
    %get3A_9 = arith.constant 0 : index
    %get3A_10 = vector.load %arg1[%get3A_7, %get3A_8, %get3A_9] : memref<2x10240x128xf32, #tpu.memory_space<vmem>>, vector<1x10240x128xf32>
    %get3A_11 = vector.shape_cast %get3A_10 : vector<1x10240x128xf32> to vector<10240x128xf32>
    %add3A = arith.addf %get3A_6, %get3A_11 : vector<10240x128xf32>
    %slice3A = vector.extract_strided_slice %add3A {offsets = [0, 0], sizes = [10240, 64], strides = [1, 1]} : vector<10240x128xf32> to vector<10240x64xf32>
    %get3A_12 = arith.constant 0 : index
    %get3A_13 = arith.constant 0 : index
    %get3A_14 = arith.constant 0 : index
    %get3A_15 = vector.load %arg2[%get3A_12, %get3A_13, %get3A_14] : memref<2x10240x16xf32, #tpu.memory_space<vmem>>, vector<1x10240x16xf32>
    %get3A_16 = vector.shape_cast %get3A_15 : vector<1x10240x16xf32> to vector<10240x16xf32>
    %get3A_17 = arith.constant 1 : index
    %get3A_18 = arith.constant 0 : index
    %get3A_19 = arith.constant 0 : index
    %get3A_20 = vector.load %arg2[%get3A_17, %get3A_18, %get3A_19] : memref<2x10240x16xf32, #tpu.memory_space<vmem>>, vector<1x10240x16xf32>
    %get3A_21 = vector.shape_cast %get3A_20 : vector<1x10240x16xf32> to vector<10240x16xf32>
    %add3A_22 = arith.addf %get3A_16, %get3A_21 : vector<10240x16xf32>
    %max3A = arith.constant 1.000000e+00 : f32
    %max3A_23 = vector.broadcast %max3A : f32 to vector<10240x16xf32>
    %max3A_24 = arith.maximumf %add3A_22, %max3A_23 : vector<10240x16xf32>
    %slice3A_25 = vector.extract_strided_slice %max3A_24 {offsets = [0, 0], sizes = [10240, 1], strides = [1, 1]} : vector<10240x16xf32> to vector<10240x1xf32>
    %div3A = vector.broadcast %slice3A_25 : vector<10240x1xf32> to vector<10240x64xf32>
    %div3A_26 = arith.divf %slice3A, %div3A : vector<10240x64xf32>
    %get3A_27 = arith.constant 0 : index
    %get3A_28 = arith.constant 0 : index
    %get3A_29 = vector.load %arg3[%get3A_27, %get3A_28] : memref<64x64xf32, #tpu.memory_space<vmem>>, vector<64x64xf32>
    %dot_general3A = arith.constant dense<0.000000e+00> : vector<10240x64xf32>
    %dot_general3A_30 = tpu.matmul %get3A_1, %get3A_29, %dot_general3A {dimension_numbers = #tpu.dot_dimension_numbers<[1], [0], [0], [1], [0, 0, 1, 1], [], []>, transpose_lhs_hint = false} : vector<10240x64xf32>, vector<64x64xf32>, vector<10240x64xf32> -> vector<10240x64xf32>
    %get3A_31 = arith.constant 0 : index
    %get3A_32 = arith.constant 0 : index
    %get3A_33 = vector.load %arg4[%get3A_31, %get3A_32] : memref<64x64xf32, #tpu.memory_space<vmem>>, vector<64x64xf32>
    %dot_general3A_34 = arith.constant dense<0.000000e+00> : vector<10240x64xf32>
    %dot_general3A_35 = tpu.matmul %div3A_26, %get3A_33, %dot_general3A_34 {dimension_numbers = #tpu.dot_dimension_numbers<[1], [0], [0], [1], [0, 0, 1, 1], [], []>, transpose_lhs_hint = false} : vector<10240x64xf32>, vector<64x64xf32>, vector<10240x64xf32> -> vector<10240x64xf32>
    %add3A_36 = arith.addf %dot_general3A_30, %dot_general3A_35 : vector<10240x64xf32>
    %get3A_37 = arith.constant 0 : index
    %get3A_38 = arith.constant 0 : index
    %get3A_39 = vector.load %arg5[%get3A_37, %get3A_38] : memref<1x64xf32, #tpu.memory_space<vmem>>, vector<1x64xf32>
    %add3A_40 = vector.broadcast %get3A_39 : vector<1x64xf32> to vector<10240x64xf32>
    %add3A_41 = arith.addf %add3A_36, %add3A_40 : vector<10240x64xf32>
    %max3A_42 = arith.constant 0.000000e+00 : f32
    %max3A_43 = vector.broadcast %max3A_42 : f32 to vector<10240x64xf32>
    %max3A_44 = arith.maximumf %add3A_41, %max3A_43 : vector<10240x64xf32>
    %get3A_45 = arith.constant 0 : index
    %get3A_46 = arith.constant 0 : index
    %get3A_47 = vector.load %arg6[%get3A_45, %get3A_46] : memref<64x64xf32, #tpu.memory_space<vmem>>, vector<64x64xf32>
    %dot_general3A_48 = arith.constant dense<0.000000e+00> : vector<10240x64xf32>
    %dot_general3A_49 = tpu.matmul %max3A_44, %get3A_47, %dot_general3A_48 {dimension_numbers = #tpu.dot_dimension_numbers<[1], [0], [0], [1], [0, 0, 1, 1], [], []>, transpose_lhs_hint = false} : vector<10240x64xf32>, vector<64x64xf32>, vector<10240x64xf32> -> vector<10240x64xf32>
    %get3A_50 = arith.constant 0 : index
    %get3A_51 = arith.constant 0 : index
    %get3A_52 = vector.load %arg7[%get3A_50, %get3A_51] : memref<1x64xf32, #tpu.memory_space<vmem>>, vector<1x64xf32>
    %add3A_53 = vector.broadcast %get3A_52 : vector<1x64xf32> to vector<10240x64xf32>
    %add3A_54 = arith.addf %dot_general3A_49, %add3A_53 : vector<10240x64xf32>
    %max3A_55 = arith.constant 0.000000e+00 : f32
    %max3A_56 = vector.broadcast %max3A_55 : f32 to vector<10240x64xf32>
    %max3A_57 = arith.maximumf %add3A_54, %max3A_56 : vector<10240x64xf32>
    %add3A_58 = arith.addf %max3A_57, %get3A_1 : vector<10240x64xf32>
    %iota3A = tpu.iota {dimensions = array<i32: 0>} : vector<10240x1xi32>
    %lt3A = arith.constant 10000 : i32
    %lt3A_59 = vector.broadcast %lt3A : i32 to vector<10240x1xi32>
    %lt3A_60 = arith.cmpi slt, %iota3A, %lt3A_59 : vector<10240x1xi32>
    %jit3A = arith.constant 0.000000e+00 : f32
    %broadcast_in_dim3A = vector.shape_cast %lt3A_60 : vector<10240x1xi1> to vector<10240x1xi1>
    %broadcast_in_dim3A_61 = vector.broadcast %broadcast_in_dim3A : vector<10240x1xi1> to vector<10240x64xi1>
    %broadcast_in_dim3A_62 = vector.broadcast %jit3A : f32 to vector<10240x64xf32>
    %select_n3A = arith.select %broadcast_in_dim3A_61, %add3A_58, %broadcast_in_dim3A_62 : vector<10240x64xi1>, vector<10240x64xf32>
    %reduce_sum3A = arith.constant dense<0.000000e+00> : vector<64xf32>
    %reduce_sum3A_63 = vector.multi_reduction <add>, %select_n3A, %reduce_sum3A [0] : vector<10240x64xf32> to vector<64xf32>
    %broadcast_in_dim3A_64 = vector.shape_cast %reduce_sum3A_63 : vector<64xf32> to vector<1x64xf32>
    %mul3A = arith.constant 9.99999974E-5 : f32
    %mul3A_65 = vector.broadcast %mul3A : f32 to vector<1x64xf32>
    %mul3A_66 = arith.mulf %broadcast_in_dim3A_64, %mul3A_65 : vector<1x64xf32>
    %sub3A = vector.broadcast %mul3A_66 : vector<1x64xf32> to vector<10240x64xf32>
    %sub3A_67 = arith.subf %add3A_58, %sub3A : vector<10240x64xf32>
    %jit3A_68 = arith.constant 0.000000e+00 : f32
    %broadcast_in_dim3A_69 = vector.shape_cast %lt3A_60 : vector<10240x1xi1> to vector<10240x1xi1>
    %broadcast_in_dim3A_70 = vector.broadcast %broadcast_in_dim3A_69 : vector<10240x1xi1> to vector<10240x64xi1>
    %broadcast_in_dim3A_71 = vector.broadcast %jit3A_68 : f32 to vector<10240x64xf32>
    %select_n3A_72 = arith.select %broadcast_in_dim3A_70, %sub3A_67, %broadcast_in_dim3A_71 : vector<10240x64xi1>, vector<10240x64xf32>
    %mul3A_73 = arith.mulf %select_n3A_72, %select_n3A_72 : vector<10240x64xf32>
    %reduce_sum3A_74 = arith.constant dense<0.000000e+00> : vector<64xf32>
    %reduce_sum3A_75 = vector.multi_reduction <add>, %mul3A_73, %reduce_sum3A_74 [0] : vector<10240x64xf32> to vector<64xf32>
    %broadcast_in_dim3A_76 = vector.shape_cast %reduce_sum3A_75 : vector<64xf32> to vector<1x64xf32>
    %mul3A_77 = arith.constant 9.99999974E-5 : f32
    %mul3A_78 = vector.broadcast %mul3A_77 : f32 to vector<1x64xf32>
    %mul3A_79 = arith.mulf %broadcast_in_dim3A_76, %mul3A_78 : vector<1x64xf32>
    %add3A_80 = arith.constant 9.99999974E-6 : f32
    %add3A_81 = vector.broadcast %add3A_80 : f32 to vector<1x64xf32>
    %add3A_82 = arith.addf %mul3A_79, %add3A_81 : vector<1x64xf32>
    %sqrt3A = math.sqrt %add3A_82 : vector<1x64xf32>
    %div3A_83 = vector.broadcast %sqrt3A : vector<1x64xf32> to vector<10240x64xf32>
    %div3A_84 = arith.divf %sub3A_67, %div3A_83 : vector<10240x64xf32>
    %swap3A = arith.constant 0 : index
    %swap3A_85 = arith.constant 0 : index
    %swap3A_86 = vector.load %arg11[%swap3A, %swap3A_85] : memref<10240x64xf32, #tpu.memory_space<vmem>>, vector<10240x64xf32>
    tpu.vector_store %arg11[%swap3A, %swap3A_85], %div3A_84 {strides = array<i32>} : memref<10240x64xf32, #tpu.memory_space<vmem>>, vector<10240x64xf32>,
    %get3A_87 = arith.constant 0 : index
    %get3A_88 = arith.constant 0 : index
    %get3A_89 = vector.load %arg8[%get3A_87, %get3A_88] : memref<64x64xf32, #tpu.memory_space<vmem>>, vector<64x64xf32>
    %dot_general3A_90 = arith.constant dense<0.000000e+00> : vector<10240x64xf32>
    %dot_general3A_91 = tpu.matmul %div3A_84, %get3A_89, %dot_general3A_90 {dimension_numbers = #tpu.dot_dimension_numbers<[1], [0], [0], [1], [0, 0, 1, 1], [], []>, transpose_lhs_hint = false} : vector<10240x64xf32>, vector<64x64xf32>, vector<10240x64xf32> -> vector<10240x64xf32>
    %swap3A_92 = arith.constant 0 : index
    %swap3A_93 = arith.constant 0 : index
    %swap3A_94 = vector.load %arg12[%swap3A_92, %swap3A_93] : memref<10240x64xf32, #tpu.memory_space<vmem>>, vector<10240x64xf32>
    tpu.vector_store %arg12[%swap3A_92, %swap3A_93], %dot_general3A_91 {strides = array<i32>} : memref<10240x64xf32, #tpu.memory_space<vmem>>, vector<10240x64xf32>,
    %get3A_95 = arith.constant 0 : index
    %get3A_96 = arith.constant 0 : index
    %get3A_97 = vector.load %arg9[%get3A_95, %get3A_96] : memref<64x64xf32, #tpu.memory_space<vmem>>, vector<64x64xf32>
    %dot_general3A_98 = arith.constant dense<0.000000e+00> : vector<10240x64xf32>
    %dot_general3A_99 = tpu.matmul %div3A_84, %get3A_97, %dot_general3A_98 {dimension_numbers = #tpu.dot_dimension_numbers<[1], [0], [0], [1], [0, 0, 1, 1], [], []>, transpose_lhs_hint = false} : vector<10240x64xf32>, vector<64x64xf32>, vector<10240x64xf32> -> vector<10240x64xf32>
    %get3A_100 = arith.constant 0 : index
    %get3A_101 = arith.constant 0 : index
    %get3A_102 = vector.load %arg10[%get3A_100, %get3A_101] : memref<1x64xf32, #tpu.memory_space<vmem>>, vector<1x64xf32>
    %add3A_103 = vector.broadcast %get3A_102 : vector<1x64xf32> to vector<10240x64xf32>
    %add3A_104 = arith.addf %dot_general3A_99, %add3A_103 : vector<10240x64xf32>
    %swap3A_105 = arith.constant 0 : index
    %swap3A_106 = arith.constant 0 : index
    %swap3A_107 = vector.load %arg13[%swap3A_105, %swap3A_106] : memref<10240x64xf32, #tpu.memory_space<vmem>>, vector<10240x64xf32>
    tpu.vector_store %arg13[%swap3A_105, %swap3A_106], %add3A_104 {strides = array<i32>} : memref<10240x64xf32, #tpu.memory_space<vmem>>, vector<10240x64xf32>,
    return
  }
}

module attributes {stable_mosaic.version = 14 : i64} {
  func.func @body(%arg0: memref<10240x64xf32, #tpu.memory_space<vmem>>, %arg1: memref<2x10240x128xf32, #tpu.memory_space<vmem>>, %arg2: memref<2x10240x16xf32, #tpu.memory_space<vmem>>, %arg3: memref<64x64xf32, #tpu.memory_space<vmem>>, %arg4: memref<64x64xf32, #tpu.memory_space<vmem>>, %arg5: memref<1x64xf32, #tpu.memory_space<vmem>>, %arg6: memref<64x128xf32, #tpu.memory_space<vmem>>, %arg7: memref<1x128xf32, #tpu.memory_space<vmem>>, %arg8: memref<10240x128xf32, #tpu.memory_space<vmem>>) attributes {dimension_semantics = [], scalar_prefetch = 0 : i64, scratch_operands = 0 : i64, tpu.core_type = #tpu.core_type<tc>} {
    %get3A = arith.constant 0 : index
    %get3A_0 = arith.constant 0 : index
    %get3A_1 = vector.load %arg0[%get3A, %get3A_0] : memref<10240x64xf32, #tpu.memory_space<vmem>>, vector<10240x64xf32>
    %get3A_2 = arith.constant 0 : index
    %get3A_3 = arith.constant 0 : index
    %get3A_4 = arith.constant 0 : index
    %get3A_5 = vector.load %arg1[%get3A_2, %get3A_3, %get3A_4] : memref<2x10240x128xf32, #tpu.memory_space<vmem>>, vector<1x10240x128xf32>
    %get3A_6 = vector.shape_cast %get3A_5 : vector<1x10240x128xf32> to vector<10240x128xf32>
    %get3A_7 = arith.constant 1 : index
    %get3A_8 = arith.constant 0 : index
    %get3A_9 = arith.constant 0 : index
    %get3A_10 = vector.load %arg1[%get3A_7, %get3A_8, %get3A_9] : memref<2x10240x128xf32, #tpu.memory_space<vmem>>, vector<1x10240x128xf32>
    %get3A_11 = vector.shape_cast %get3A_10 : vector<1x10240x128xf32> to vector<10240x128xf32>
    %add3A = arith.addf %get3A_6, %get3A_11 : vector<10240x128xf32>
    %slice3A = vector.extract_strided_slice %add3A {offsets = [0, 0], sizes = [10240, 64], strides = [1, 1]} : vector<10240x128xf32> to vector<10240x64xf32>
    %get3A_12 = arith.constant 0 : index
    %get3A_13 = arith.constant 0 : index
    %get3A_14 = arith.constant 0 : index
    %get3A_15 = vector.load %arg2[%get3A_12, %get3A_13, %get3A_14] : memref<2x10240x16xf32, #tpu.memory_space<vmem>>, vector<1x10240x16xf32>
    %get3A_16 = vector.shape_cast %get3A_15 : vector<1x10240x16xf32> to vector<10240x16xf32>
    %get3A_17 = arith.constant 1 : index
    %get3A_18 = arith.constant 0 : index
    %get3A_19 = arith.constant 0 : index
    %get3A_20 = vector.load %arg2[%get3A_17, %get3A_18, %get3A_19] : memref<2x10240x16xf32, #tpu.memory_space<vmem>>, vector<1x10240x16xf32>
    %get3A_21 = vector.shape_cast %get3A_20 : vector<1x10240x16xf32> to vector<10240x16xf32>
    %add3A_22 = arith.addf %get3A_16, %get3A_21 : vector<10240x16xf32>
    %max3A = arith.constant 1.000000e+00 : f32
    %max3A_23 = vector.broadcast %max3A : f32 to vector<10240x16xf32>
    %max3A_24 = arith.maximumf %add3A_22, %max3A_23 : vector<10240x16xf32>
    %slice3A_25 = vector.extract_strided_slice %max3A_24 {offsets = [0, 0], sizes = [10240, 1], strides = [1, 1]} : vector<10240x16xf32> to vector<10240x1xf32>
    %div3A = vector.broadcast %slice3A_25 : vector<10240x1xf32> to vector<10240x64xf32>
    %div3A_26 = arith.divf %slice3A, %div3A : vector<10240x64xf32>
    %get3A_27 = arith.constant 0 : index
    %get3A_28 = arith.constant 0 : index
    %get3A_29 = vector.load %arg3[%get3A_27, %get3A_28] : memref<64x64xf32, #tpu.memory_space<vmem>>, vector<64x64xf32>
    %dot_general3A = arith.constant dense<0.000000e+00> : vector<10240x64xf32>
    %dot_general3A_30 = tpu.matmul %get3A_1, %get3A_29, %dot_general3A {dimension_numbers = #tpu.dot_dimension_numbers<[1], [0], [0], [1], [0, 0, 1, 1], [], []>, transpose_lhs_hint = false} : vector<10240x64xf32>, vector<64x64xf32>, vector<10240x64xf32> -> vector<10240x64xf32>
    %get3A_31 = arith.constant 0 : index
    %get3A_32 = arith.constant 0 : index
    %get3A_33 = vector.load %arg4[%get3A_31, %get3A_32] : memref<64x64xf32, #tpu.memory_space<vmem>>, vector<64x64xf32>
    %dot_general3A_34 = arith.constant dense<0.000000e+00> : vector<10240x64xf32>
    %dot_general3A_35 = tpu.matmul %div3A_26, %get3A_33, %dot_general3A_34 {dimension_numbers = #tpu.dot_dimension_numbers<[1], [0], [0], [1], [0, 0, 1, 1], [], []>, transpose_lhs_hint = false} : vector<10240x64xf32>, vector<64x64xf32>, vector<10240x64xf32> -> vector<10240x64xf32>
    %add3A_36 = arith.addf %dot_general3A_30, %dot_general3A_35 : vector<10240x64xf32>
    %get3A_37 = arith.constant 0 : index
    %get3A_38 = arith.constant 0 : index
    %get3A_39 = vector.load %arg5[%get3A_37, %get3A_38] : memref<1x64xf32, #tpu.memory_space<vmem>>, vector<1x64xf32>
    %add3A_40 = vector.broadcast %get3A_39 : vector<1x64xf32> to vector<10240x64xf32>
    %add3A_41 = arith.addf %add3A_36, %add3A_40 : vector<10240x64xf32>
    %max3A_42 = arith.constant 0.000000e+00 : f32
    %max3A_43 = vector.broadcast %max3A_42 : f32 to vector<10240x64xf32>
    %max3A_44 = arith.maximumf %add3A_41, %max3A_43 : vector<10240x64xf32>
    %get3A_45 = arith.constant 0 : index
    %get3A_46 = arith.constant 0 : index
    %get3A_47 = vector.load %arg6[%get3A_45, %get3A_46] : memref<64x128xf32, #tpu.memory_space<vmem>>, vector<64x128xf32>
    %dot_general3A_48 = arith.constant dense<0.000000e+00> : vector<10240x128xf32>
    %dot_general3A_49 = tpu.matmul %max3A_44, %get3A_47, %dot_general3A_48 {dimension_numbers = #tpu.dot_dimension_numbers<[1], [0], [0], [1], [0, 0, 1, 1], [], []>, transpose_lhs_hint = false} : vector<10240x64xf32>, vector<64x128xf32>, vector<10240x128xf32> -> vector<10240x128xf32>
    %get3A_50 = arith.constant 0 : index
    %get3A_51 = arith.constant 0 : index
    %get3A_52 = vector.load %arg7[%get3A_50, %get3A_51] : memref<1x128xf32, #tpu.memory_space<vmem>>, vector<1x128xf32>
    %add3A_53 = vector.broadcast %get3A_52 : vector<1x128xf32> to vector<10240x128xf32>
    %add3A_54 = arith.addf %dot_general3A_49, %add3A_53 : vector<10240x128xf32>
    %max3A_55 = arith.constant 0.000000e+00 : f32
    %max3A_56 = vector.broadcast %max3A_55 : f32 to vector<10240x128xf32>
    %max3A_57 = arith.maximumf %add3A_54, %max3A_56 : vector<10240x128xf32>
    %iota3A = tpu.iota {dimensions = array<i32: 0>} : vector<10240x1xi32>
    %lt3A = arith.constant 10000 : i32
    %lt3A_58 = vector.broadcast %lt3A : i32 to vector<10240x1xi32>
    %lt3A_59 = arith.cmpi slt, %iota3A, %lt3A_58 : vector<10240x1xi32>
    %jit3A = arith.constant 0.000000e+00 : f32
    %broadcast_in_dim3A = vector.shape_cast %lt3A_59 : vector<10240x1xi1> to vector<10240x1xi1>
    %broadcast_in_dim3A_60 = vector.broadcast %broadcast_in_dim3A : vector<10240x1xi1> to vector<10240x128xi1>
    %broadcast_in_dim3A_61 = vector.broadcast %jit3A : f32 to vector<10240x128xf32>
    %select_n3A = arith.select %broadcast_in_dim3A_60, %max3A_57, %broadcast_in_dim3A_61 : vector<10240x128xi1>, vector<10240x128xf32>
    %reduce_sum3A = arith.constant dense<0.000000e+00> : vector<128xf32>
    %reduce_sum3A_62 = vector.multi_reduction <add>, %select_n3A, %reduce_sum3A [0] : vector<10240x128xf32> to vector<128xf32>
    %broadcast_in_dim3A_63 = vector.shape_cast %reduce_sum3A_62 : vector<128xf32> to vector<1x128xf32>
    %mul3A = arith.constant 9.99999974E-5 : f32
    %mul3A_64 = vector.broadcast %mul3A : f32 to vector<1x128xf32>
    %mul3A_65 = arith.mulf %broadcast_in_dim3A_63, %mul3A_64 : vector<1x128xf32>
    %sub3A = vector.broadcast %mul3A_65 : vector<1x128xf32> to vector<10240x128xf32>
    %sub3A_66 = arith.subf %max3A_57, %sub3A : vector<10240x128xf32>
    %jit3A_67 = arith.constant 0.000000e+00 : f32
    %broadcast_in_dim3A_68 = vector.shape_cast %lt3A_59 : vector<10240x1xi1> to vector<10240x1xi1>
    %broadcast_in_dim3A_69 = vector.broadcast %broadcast_in_dim3A_68 : vector<10240x1xi1> to vector<10240x128xi1>
    %broadcast_in_dim3A_70 = vector.broadcast %jit3A_67 : f32 to vector<10240x128xf32>
    %select_n3A_71 = arith.select %broadcast_in_dim3A_69, %sub3A_66, %broadcast_in_dim3A_70 : vector<10240x128xi1>, vector<10240x128xf32>
    %mul3A_72 = arith.mulf %select_n3A_71, %select_n3A_71 : vector<10240x128xf32>
    %reduce_sum3A_73 = arith.constant dense<0.000000e+00> : vector<128xf32>
    %reduce_sum3A_74 = vector.multi_reduction <add>, %mul3A_72, %reduce_sum3A_73 [0] : vector<10240x128xf32> to vector<128xf32>
    %broadcast_in_dim3A_75 = vector.shape_cast %reduce_sum3A_74 : vector<128xf32> to vector<1x128xf32>
    %mul3A_76 = arith.constant 9.99999974E-5 : f32
    %mul3A_77 = vector.broadcast %mul3A_76 : f32 to vector<1x128xf32>
    %mul3A_78 = arith.mulf %broadcast_in_dim3A_75, %mul3A_77 : vector<1x128xf32>
    %add3A_79 = arith.constant 9.99999974E-6 : f32
    %add3A_80 = vector.broadcast %add3A_79 : f32 to vector<1x128xf32>
    %add3A_81 = arith.addf %mul3A_78, %add3A_80 : vector<1x128xf32>
    %sqrt3A = math.sqrt %add3A_81 : vector<1x128xf32>
    %div3A_82 = vector.broadcast %sqrt3A : vector<1x128xf32> to vector<10240x128xf32>
    %div3A_83 = arith.divf %sub3A_66, %div3A_82 : vector<10240x128xf32>
    %swap3A = arith.constant 0 : index
    %swap3A_84 = arith.constant 0 : index
    %swap3A_85 = vector.load %arg8[%swap3A, %swap3A_84] : memref<10240x128xf32, #tpu.memory_space<vmem>>, vector<10240x128xf32>
    tpu.vector_store %arg8[%swap3A, %swap3A_84], %div3A_83 {strides = array<i32>} : memref<10240x128xf32, #tpu.memory_space<vmem>>, vector<10240x128xf32>,
    return
  }
}

</mosaic_0001>

<sc_bundles>
// kernel: kernel.16.cloned.1.call-start
scs
__scs_entry_jumppad:
0x0: {  	(pc) =	sbr.rel $0x88, $3  }
0x1: {  	(tag) =	ssettag $0x0;
	lr =	simm.s32 $0x1  }
0x2: {  	[smem:$0x3F87] =	sst lr;
	_ =	strace $0xD0000000  }
0x3: {  	_ = 	snop  }
0x4: {  	_ = 	snop  }
0x5: {  	_ = 	snop  }
0x6: {  	_ = 	snop  }
0x7: {  	_ = 	snop  }
__scs_overlays_trampoline_lowered:
0x8: {  	[smem:$0x3F96] =	sst s0  }
0x9: {  	[smem:$0x3F97] =	sst s1  }
0xa: {  	[smem:$0x3F98] =	sst s2  }
0xb: {  	[smem:$0x3F99] =	sst s3  }
0xc: {  	[smem:$0x3F9A] =	sst s4  }
0xd: {  	[smem:$0x3F9B] =	sst s5  }
0xe: {  	[smem:$0x3F9C] =	sst s6  }
0xf: {  	[smem:$0x3F9D] =	sst s7  }
0x10: {  	[smem:$0x3F9E] =	sst s8  }
0x11: {  	[smem:$0x3F9F] =	sst s9;
	s0 =	simm.s32 @!p0 $0x0  }
0x12: {  	s1 =	sld [smem:$0x3F85];
	s0 =	simm.s32 @p0 $0x1  }
0x13: {  	[smem:$0x3FA0] =	sst s0;
	s0 =	simm.s32 @!p1 $0x0  }
0x14: {  	s2 =	sld [smem:$0x3F84];
	s0 =	simm.s32 @p1 $0x1  }
0x15: {  	[smem:$0x3FA1] =	sst s0;
	s0 =	simm.s32 @!p2 $0x0  }
0x16: {  	s3 =	sld [smem:$0x3FDB];
	s0 =	simm.s32 @p2 $0x1  }
0x17: {  	s4 =	simm.s32 $0x1BF5;
	[smem:$0x3FA3] =	sst s0  }
0x18: {  	s0 =	sld [smem:$0x3F86];
	_ =	swait.ge [sflag:s4], $0x0  }
0x19: {  	s7 =	sld [smem:$0x3F87]  }
0x1a: {  	s8 =	sadd.s32 $0xFFFFE003, lr  }
0x1b: {  	s9 =	sadd.s32 $0xFFFFFEF7, lr;
	s5 =	simm.s32 $0xFFFFFFFF;
	p2 =	slt.u32 s8, $0xFFFFF086  }
0x1c: {  	p1 =	slt.u32 s9, $0xF7A;
	s5 =	simm.s32 @!p2 $0x0  }
0x1d: {  	s5 =	simm.s32 @p1 $0x1;
	p0 =	seq.s32 s7, s2  }
0x1e: {  	s7 =	smul.u32 @!p0 $0xF7A, s2;
	p2 =	seq.s32 @!p0 s5, $0x0  }
0x1f: {  	s9 =	smul.u32 $0xF7A, s1;
	s8 =	simm.s32 @!p0 $0x1BF5;
	p2 =	por !p2, p0  }
0x20: {  	[sflag:s8] =	ssyncset.s32 @!p0 $0xFFFFF086;
	s6 =	sadd.s32 @!p0 s3, s7;
	s7 =	simm.s32 @!p0 $0x108  }
0x21: {  	s3 =	sadd.s32 s3, s9;
	s6 =	sadd.s32 @!p0 $0x88, s6;
	s7 =	simm.s32 @p2 $0x1082  }
0x22: {  	[simem:s7], [sflag:s8] =	dma.local @!p0 [hbm:s6], $0xF7A  }
0x23: {  	s9 =	sor.u32 $0xD0000000, s2;
	s6 =	simm.s32 $0x108;
	_ =	swait.ge @!p0 [sflag:s8], $0x0  }
0x24: {  	s3 =	sadd.s32 $0x88, s3;
	s6 =	simm.s32 @!p1 $0x1082;
	[sflag:s4] =	ssyncset.s32 $0xFFFFF086  }
0x25: {  	[simem:s6], [sflag:s4] =	dma.local [hbm:s3], $0xF7A  }
0x26: {  	[smem:$0x3F87] =	sst s1;
	(tag) =	ssettag s2;
	_ =	strace s9  }
0x27: {  	s1 =	sld [smem:$0x3F97]  }
0x28: {  	s2 =	sld [smem:$0x3F98]  }
0x29: {  	s4 =	sld [smem:$0x3F9A]  }
0x2a: {  	p0 =	seq.s32 s5, $0x0;
	s5 =	sld [smem:$0x3F9B]  }
0x2b: {  	s6 =	sld [smem:$0x3F9C]  }
0x2c: {  	s7 =	sld [smem:$0x3F9D]  }
0x2d: {  	s3 =	simm.s32 $0x108;
	s8 =	sld [smem:$0x3F9E]  }
0x2e: {  	s3 =	simm.s32 @!p0 $0x1082;
	s9 =	sld [smem:$0x3F9F]  }
0x2f: {  	lr =	sadd.s32 s0, s3;
	s0 =	sld [smem:$0x3F96]  }
0x30: {  	s3 =	sld [smem:$0x3F99]  }
0x31: {  	[smem:$0x3FA2] =	sst s10  }
0x32: {  	s10 =	sld [smem:$0x3FA0];
	_ =	sdelay $0x3  }
0x33: {  	p0 =	seq.s32 s10, $0x1;
	s10 =	sld [smem:$0x3FA2];
	_ =	sdelay $0x3  }
0x34: {  	[smem:$0x3FA2] =	sst s10  }
0x35: {  	s10 =	sld [smem:$0x3FA1];
	_ =	sdelay $0x3  }
0x36: {  	p1 =	seq.s32 s10, $0x1;
	s10 =	sld [smem:$0x3FA2];
	_ =	sdelay $0x3  }
0x37: {  	[smem:$0x3FA2] =	sst s10  }
0x38: {  	s10 =	sld [smem:$0x3FA3]  }
0x39: {  	_ = 	snop;
	(pc) =	sbr.ind lr, $3  }
0x3a: {  	_ = 	snop  }
0x3b: {  	_ = 	snop  }
0x3c: {  	p2 =	seq.s32 s10, $0x1;
	s10 =	sld [smem:$0x3FA2]  }
0x3d: {  	_ =	shalt  }
0x3e: {  	_ =	shalt  }
0x3f: {  	_ =	shalt  }
0x40: {  	_ =	shalt  }
0x41: {  	_ =	shalt  }
0x42: {  	_ =	shalt  }
0x43: {  	_ =	shalt  }
0x44: {  	_ =	shalt  }
0x45: {  	_ =	shalt  }
0x46: {  	_ =	shalt  }
0x47: {  	_ =	shalt  }
0x48: {  	_ =	shalt  }
0x49: {  	_ =	shalt  }
0x4a: {  	_ =	shalt  }
0x4b: {  	_ =	shalt  }
0x4c: {  	_ =	shalt  }
0x4d: {  	_ =	shalt  }
0x4e: {  	_ =	shalt  }
0x4f: {  	_ =	shalt  }
0x50: {  	_ =	shalt  }
0x51: {  	_ =	shalt  }
0x52: {  	_ =	shalt  }
0x53: {  	_ =	shalt  }
0x54: {  	_ =	shalt  }
0x55: {  	_ =	shalt  }
0x56: {  	_ =	shalt  }
0x57: {  	_ =	shalt  }
0x58: {  	_ =	shalt  }
0x59: {  	_ =	shalt  }
0x5a: {  	_ =	shalt  }
0x5b: {  	_ =	shalt  }
0x5c: {  	_ =	shalt  }
0x5d: {  	_ =	shalt  }
0x5e: {  	_ =	shalt  }
0x5f: {  	_ =	shalt  }
0x60: {  	_ =	shalt  }
0x61: {  	_ =	shalt  }
0x62: {  	_ =	shalt  }
0x63: {  	_ =	shalt  }
0x64: {  	_ =	shalt  }
0x65: {  	_ =	shalt  }
0x66: {  	_ =	shalt  }
0x67: {  	_ =	shalt  }
0x68: {  	_ =	shalt  }
0x69: {  	_ =	shalt  }
0x6a: {  	_ =	shalt  }
0x6b: {  	_ =	shalt  }
0x6c: {  	_ =	shalt  }
0x6d: {  	_ =	shalt  }
0x6e: {  	_ =	shalt  }
0x6f: {  	_ =	shalt  }
0x70: {  	_ =	shalt  }
0x71: {  	_ =	shalt  }
0x72: {  	_ =	shalt  }
0x73: {  	_ =	shalt  }
0x74: {  	_ =	shalt  }
0x75: {  	_ =	shalt  }
0x76: {  	_ =	shalt  }
0x77: {  	_ =	shalt  }
0x78: {  	_ =	shalt  }
0x79: {  	_ =	shalt  }
0x7a: {  	_ =	shalt  }
0x7b: {  	_ =	shalt  }
0x7c: {  	_ =	shalt  }
0x7d: {  	_ =	shalt  }
0x7e: {  	_ =	shalt  }
0x7f: {  	_ =	shalt  }
0x80: {  	_ =	shalt  }
0x81: {  	_ =	shalt  }
0x82: {  	_ =	shalt  }
0x83: {  	_ =	shalt  }
0x84: {  	_ =	shalt  }
0x85: {  	_ =	shalt  }
0x86: {  	_ =	shalt  }
0x87: {  	_ =	shalt  }
.Lfunc_end0:
.L_simem_size_0:
called_computation_lowered:
.L_overlay_start_0:
0x88: {  	s2 =	sld [smem:$0x3FD9]  }
0x89: {  	s3 =	sld [smem:$0x3FFE];
	_ =	sdelay $0x1  }
0x8a: {  	s1 =	srdreg.scid  }
0x8b: {  	s0 =	sand.u32 $0x1, s1  }
0x8c: {  	s17 =	sshll.u32 s0, $0xA;
	s2 =	sadd.s32 s3, s2  }
0x8d: {  	s2 =	sadd.s32 s2, s17  }
0x8e: {  	[smem:$0x3FAE] =	sst s2  }
0x8f: {  	_ = 	snop  }
0x90: {  	(tm) =	ssettm $0x1  }
0x91: {  	s18 =	sld [smem:$0x3FFB];
	_ =	sdelay $0x3  }
0x92: {  	_ =	strace s18  }
0x93: {  	s2 =	sld [smem:$0x3FFC];
	_ =	sdelay $0x3  }
0x94: {  	_ =	strace s2  }
0x95: {  	s2 =	sld [smem:$0x3FFD];
	_ =	sdelay $0x3  }
0x96: {  	_ =	strace s2  }
0x97: {  	_ =	strace $0x8FFFFFFF  }
0x98: {  	s19 =	sld [smem:$0x3FDB];
	_ =	sdelay $0x1  }
0x99: {  	s20 =	simm.s32 $_scs_section_size  }
0x9a: {  	s4 =	simm.s32 $_size__tile_overlayer_lowered;
	s5 =	simm.s32 $_tile_overlayer_lowered  }
0x9b: {  	s6 =	simm.s32 $0x1BFF;
	s21 =	sshll.u32 s5, $0x1;
	s3 =	sadd.s32 s20, s19  }
0x9c: {  	s22 =	simm.s32 $0x0;
	s4 =	sshll.u32 s4, $0x1;
	s5 =	sadd.s32 s21, s3  }
0x9d: {  	[timem:s22], [sflag:s6] =	dma.local [hbm:s5], s4  }
0x9e: {  	_ =	swait.ge [sflag:s6], s4  }
0x9f: {  	s4 =	ssub.s32 $0x0, s4;
	[sflag:s6] =	ssyncset.done $0x0  }
0xa0: {  	[sflag:s6] =	ssyncadd.s32 s4;
	_ =	sdelay $0x1  }
0xa1: {  	s23 =	simm.s32 $0x1B8B  }
0xa2: {  	_ =	swait.ge [sflag:s23], $0x1  }
0xa3: {  	[sflag:s23] =	ssyncset.done $0x0  }
0xa4: {  	[sflag:s23] =	ssyncadd.s32 $0xFFFFFFFF  }
0xa5: {  	s4 =	sld [smem:$0x0]  }
0xa6: {  	s5 =	sand.u32 $0xFFFFFFFE, s1  }
0xa7: {  	p0 =	sne.s32 s1, s5  }
0xa8: {  	s5 =	sshll.u32 @p0 s5, $0xE  }
0xa9: {  	s5 =	sadd.s32 @p0 $0x11B8D, s5;
	s6 =	sshll.u32 @p0 s4, $0x11  }
0xaa: {  	s5 =	sor.u32 @p0 s6, s5  }
0xab: {  	[sflag:s5] =	ssyncadd.remote.s32 @p0 $0x1;
	_ =	sdelay $0x1  }
0xac: {  	s5 =	simm.s32 @p0 $0x1B8D  }
0xad: {  	_ =	swait.eq @p0 [sflag:s5], $0x1  }
0xae: {  	[sflag:s5] =	ssyncadd.s32 @p0 $0xFFFFFFFF  }
0xaf: {  	s6 =	sshll.u32 @!p0 s1, $0xE  }
0xb0: {  	s6 =	sor.u32 @!p0 $0x4000, s6;
	s5 =	simm.s32 @!p0 $0x1B8D  }
0xb1: {  	s4 =	sshll.u32 @!p0 s4, $0x11;
	s6 =	sadd.s32 @!p0 $0x11B8D, s6;
	_ =	swait.eq @!p0 [sflag:s5], $0x1  }
0xb2: {  	s4 =	sor.u32 @!p0 s4, s6;
	[sflag:s5] =	ssyncadd.s32 @!p0 $0xFFFFFFFF  }
0xb3: {  	s25 =	simm.s32 $0x1B8E;
	s24 =	sld [smem:$0x3FFE];
	[sflag:s4] =	ssyncadd.remote.s32 @!p0 $0x1  }
0xb4: {  	s26 =	simm.s32 $execute0_lowered;
	[smem:$0x3FD2] =	sst s25  }
0xb5: {  	s5 =	sshll.u32 s26, $0x1;
	_ =	strace $0x80000049;
	[dreg:$0x1] =	wrdreg $0xFFFFFFFF  }
0xb6: {  	s28 =	simm.s32 $_size_execute0_lowered;
	s3 =	sadd.s32 s3, s5;
	[dreg:$0x0] =	wrdreg $0x0  }
0xb7: {  	s5 =	sshll.u32 s28, $0x1;
	[dreg:$0x2] =	wrdreg s3  }
0xb8: {  	[dreg:$0x3] =	wrdreg s5  }
0xb9: {  	[dreg:$0x4] =	wrdreg $0xC0  }
0xba: {  	_ =	task [dreg:s22], $0x5FFFF  }
0xbb: {  	[dreg:$0x1] =	wrdreg $0xFFFFFFFF  }
0xbc: {  	[dreg:$0x0] =	wrdreg $0x60  }
0xbd: {  	[dreg:$0x2] =	wrdreg s24  }
0xbe: {  	[dreg:$0x3] =	wrdreg $0x30000  }
0xbf: {  	[dreg:$0x4] =	wrdreg $0x9  }
0xc0: {  	_ =	task.clear_ibuf [dreg:s22], $0x5FFFF;
	_ =	strace $0x90000049  }
0xc1: {  	s29 =	simm.s32 $0x9;
	_ =	strace $0x8000004B  }
0xc2: {  	_ =	swait.ge [sflag:s29], $0x1  }
0xc3: {  	[sflag:s29] =	ssyncadd.s32 $0xFFFFFFFF  }
0xc4: {  	_ =	strace $0x9000004B  }
0xc5: {  	_ =	sfence  }
0xc6: {  	s30 =	sld [smem:$0x0];
	_ =	sdelay $0x2  }
0xc7: {  	s31 =	sshll.u32 s1, $0xD;
	s1 =	sshrl.u32 s1, $0x2  }
0xc8: {  	s4 =	sand.u32 $0x4000, s31;
	s1 =	sadd.s32 s1, s30  }
0xc9: {  	s0 =	sor.u32 s4, s0;
	s1 =	sshll.u32 s1, $0x11  }
0xca: {  	s0 =	sor.u32 s1, s0  }
0xcb: {  	s0 =	sadd.s32 $0x8F2B, s0  }
0xcc: {  	[sflag:s0] =	ssyncadd.remote.s32 $0x1  }
0xcd: {  	_ =	sfence.sel $0xFFFF  }
0xce: {  	[dreg:$0x0] =	wrdreg $0xFFFFFFFF;
	(pc) =	sbr.abs _section_cstart, $3  }
0xcf: {  	[dreg:$0x1] =	wrdreg $0xFFFFFFFF  }
0xd0: {  	_ =	task.clear_ibuf [dreg:s22], $0x2FFFF;
	_ =	strace $0x9FFFFFFF  }
0xd1: {  	(tm) =	ssettm $0x7FFFFFFF  }
tec
execute0_lowered:
.L_overlay_start_1:
0x0: {  	(tag) =	ssettag $0x1  }
0x1: {  	s4 =	rddreg [dreg:$0x0]  }
0x2: {  	s0 =	stileid.u32;
	s1 =	srdreg.scid  }
0x3: {  	s2 =	rddreg [dreg:$0x1];
	s3 =	simm.s32 $0x0;
	s12 =	simm.s32 $0x2800  }
0x4: {  	s13 =	simm.s32 $0x80;
	s14 =	simm.s32 $0x1;
	s15 =	simm.s32 $0x0  }
0x5: {  	s6 =	smul.u32 $0x2800, s0;
	s5 =	sand.u32 $0x1, s1;
	s1 =	rddreg [dreg:$0x2]  }
0x6: {  	[smem:$0x7FF] =	sst s3;
	s8 =	smul.u32 $0x500, s0;
	s10 =	sshll.u32 s0, $0x6  }
0x7: {  	s7 =	smul.u32 $0x5000, s5;
	_ =	strace $0x8000004A;
	s5 =	ssub.s32 $0x2, s5  }
0x8: {  	s10 =	sor.u32 $0x1C02, s10;
	s9 =	sshrl.u32 s6, $0x3;
	s31 =	sshrl.u32 s5, $0x1  }
0x9: {  	s11 =	sadd.s32 s6, s2;
	s7 =	sadd.s32 s8, s7;
	s30 =	sadd.s32 s9, s4  }
0xa: {  	s9 =	ssub.s32 s5, s31;
	s11 =	sshrl.u32 s11, $0x3;
	s7 =	sadd.s32 s7, s4  }
0xb: {  	s4 =	sadd.s32 $0x55BE00, s4;
	s6 =	sadd.s32 $0x556E00, s30;
	s8 =	smax.u32 s9, $0x1  }
0xc: {  	s9 =	simm.s32 $0x2;
	s5 =	sadd.s32 $0x4CE00, s7;
	s7 =	sadd.s32 $0x55C000, s7  }
.LBB2_1:
0xd: {  	[tilespmem:s3], [sflag:$0x2] =	stream.linear.gather [hbm4b:s5+s3], $0x2800, $0x38;
	[tilespmem:$0x5800] =	vst v63  }
0xe: {  	_ =	swait.ge [sflag:s9], $0x2800  }
0xf: {  	[sflag:s9] =	ssyncset.done $0x0  }
0x10: {  	[sflag:s9] =	ssyncadd.s32 $0xFFFFD800  }
0x11: {  	[spmem:s11], [sflag:s10] =	dma.local [hbm:s6], $0x500  }
0x12: {  	_ =	swait.ge [sflag:s9], $0x500  }
0x13: {  	[sflag:s9] =	ssyncset.done $0x0  }
0x14: {  	[sflag:s9] =	ssyncadd.s32 $0xFFFFFB00  }
0x15: {  	[tilespmem:s12], [sflag:$0x2] =	stream.linear.gather [hbm4b:s4+s3], $0x800, $0x38;
	[tilespmem:$0x5800] =	vst v63  }
0x16: {  	_ =	swait.ge [sflag:s9], $0x800  }
0x17: {  	[sflag:s9] =	ssyncset.done $0x0  }
0x18: {  	[sflag:s9] =	ssyncadd.s32 $0xFFFFF800  }
0x19: {  	s16 =	simm.s32 $0x0;
	[bflag:$0x0] =	sbarrier.arrive $0xFFFF  }
.LBB2_2:
0x1a: {  	p0 =	sne.s32 s16, $0x9E00  }
.Ltmp0:
0x1b: {  	_ = 	snop;
	(pc) =	sbr.rel @p0 .LBB2_2-.Ltmp0, $3  }
0x1c: {  	_ =	sdelay $0x1  }
0x1d: {  	s17 =	sshra.s32 s16, $0x2;
	s16 =	sadd.s32 $0x200, s16  }
0x1e: {  	[spmem:s2] =	stream.indirect.scatter.add.f32 [tilespmem:s12], [sflag:$0x1], $0x10, s17, s13, $0xb8;
	[tilespmem:$0x5800] =	vst v63  }
0x1f: {  	_ =	swait.ge [sflag:s14], $0x800  }
0x20: {  	s16 =	simm.s32 $0x4F;
	[sflag:s14] =	ssyncset.done $0x0  }
.LBB2_4:
0x21: {  	p0 =	sne.s32 s16, $0x1;
	s16 =	sadd.s32 $0xFFFFFFFF, s16;
	[sflag:s14] =	ssyncadd.s32 $0xFFFFF800  }
.Ltmp1:
0x22: {  	(pc) =	sbr.rel @p0 .LBB2_4-.Ltmp1, $3  }
0x23: {  	_ =	sdelay $0x1  }
0x24: {  	_ =	swait.ge [sflag:s14], $0x800  }
0x25: {  	[sflag:s14] =	ssyncset.done $0x0  }
0x26: {  	s15 =	sadd.s32 $0x1, s15  }
0x27: {  	[sflag:s14] =	ssyncadd.s32 $0xFFFFF800;
	p0 =	sne.s32 s15, s8  }
.Ltmp2:
0x28: {  	[bflag:$0x0] =	sbarrier.arrive $0xFFFF;
	(pc) =	sbr.rel @p0 .LBB2_1-.Ltmp2, $4  }
0x29: {  	[hbm:s7], [sflag:s10] =	dma.local [spmem:s11], $0x500  }
0x2a: {  	_ =	swait.ge [sflag:s9], $0x500  }
0x2b: {  	[sflag:s9] =	ssyncset.done $0x0  }
0x2c: {  	[sflag:s9] =	ssyncadd.s32 $0xFFFFFB00  }
0x2d: {  	_ =	sfence.sel $0x180000  }
0x2e: {  	[bflag:$0x0] =	sbarrier.arrive $0xFFFF  }
0x2f: {  	p0 =	sne.s32 s0, $0x0;
	_ =	strace $0x9000004A  }
0x30: {  	s0 =	sadd.s32 @!p0 $0x100000, s1;
	[bflag:$0x2] =	sbarrier.arrive $0xFFFF  }
0x31: {  	[sflag:s0] =	ssyncadd.tile.s32 @!p0 $0x1;
	_ =	shalt  }
.Lfunc_end2:
_tile_overlayer_lowered:
.L_overlay_start_2:
0x32: {  	(tag) =	ssettag $0x2  }
0x33: {  	s0 =	rddreg [dreg:$0x0];
	s2 =	stileid.u32  }
0x34: {  	s1 =	rddreg [dreg:$0x1];
	p0 =	sne.s32 s2, $0x0  }
0x35: {  	s3 =	rddreg [dreg:$0x2];
	[bflag:$0x3] =	sbarrier.arrive $0xFFFF;
	s2 =	simm.s32 @!p0 $0x1C02  }
0x36: {  	[timem:s3], [sflag:s2] =	dma.local @!p0 [hbm:s0], s1  }
0x37: {  	s0 =	simm.s32 @!p0 $0x2  }
0x38: {  	_ =	swait.ge @!p0 [sflag:s0], s1  }
0x39: {  	s1 =	ssub.s32 @!p0 $0x0, s1;
	[sflag:s0] =	ssyncset.done @!p0 $0x0  }
0x3a: {  	[sflag:s0] =	ssyncadd.s32 @!p0 s1  }
0x3b: {  	[bflag:$0x3] =	sbarrier.arrive $0xFFFF  }
0x3c: {  	_ =	shalt  }

// kernel: kernel.19.cloned.1.call-start
scs
__scs_entry_jumppad:
0x0: {  	(pc) =	sbr.rel $0x88, $3  }
0x1: {  	(tag) =	ssettag $0x0;
	lr =	simm.s32 $0x1  }
0x2: {  	[smem:$0x3F87] =	sst lr;
	_ =	strace $0xD0000000  }
0x3: {  	_ = 	snop  }
0x4: {  	_ = 	snop  }
0x5: {  	_ = 	snop  }
0x6: {  	_ = 	snop  }
0x7: {  	_ = 	snop  }
__scs_overlays_trampoline_lowered:
0x8: {  	[smem:$0x3F96] =	sst s0  }
0x9: {  	[smem:$0x3F97] =	sst s1  }
0xa: {  	[smem:$0x3F98] =	sst s2  }
0xb: {  	[smem:$0x3F99] =	sst s3  }
0xc: {  	[smem:$0x3F9A] =	sst s4  }
0xd: {  	[smem:$0x3F9B] =	sst s5  }
0xe: {  	[smem:$0x3F9C] =	sst s6  }
0xf: {  	[smem:$0x3F9D] =	sst s7  }
0x10: {  	[smem:$0x3F9E] =	sst s8  }
0x11: {  	[smem:$0x3F9F] =	sst s9;
	s0 =	simm.s32 @!p0 $0x0  }
0x12: {  	s1 =	sld [smem:$0x3F85];
	s0 =	simm.s32 @p0 $0x1  }
0x13: {  	[smem:$0x3FA0] =	sst s0;
	s0 =	simm.s32 @!p1 $0x0  }
0x14: {  	s2 =	sld [smem:$0x3F84];
	s0 =	simm.s32 @p1 $0x1  }
0x15: {  	[smem:$0x3FA1] =	sst s0;
	s0 =	simm.s32 @!p2 $0x0  }
0x16: {  	s3 =	sld [smem:$0x3FDB];
	s0 =	simm.s32 @p2 $0x1  }
0x17: {  	s4 =	simm.s32 $0x1BF5;
	[smem:$0x3FA3] =	sst s0  }
0x18: {  	s0 =	sld [smem:$0x3F86];
	_ =	swait.ge [sflag:s4], $0x0  }
0x19: {  	s7 =	sld [smem:$0x3F87]  }
0x1a: {  	s8 =	sadd.s32 $0xFFFFE003, lr  }
0x1b: {  	s9 =	sadd.s32 $0xFFFFFEF7, lr;
	s5 =	simm.s32 $0xFFFFFFFF;
	p2 =	slt.u32 s8, $0xFFFFF086  }
0x1c: {  	p1 =	slt.u32 s9, $0xF7A;
	s5 =	simm.s32 @!p2 $0x0  }
0x1d: {  	s5 =	simm.s32 @p1 $0x1;
	p0 =	seq.s32 s7, s2  }
0x1e: {  	s7 =	smul.u32 @!p0 $0xF7A, s2;
	p2 =	seq.s32 @!p0 s5, $0x0  }
0x1f: {  	s9 =	smul.u32 $0xF7A, s1;
	s8 =	simm.s32 @!p0 $0x1BF5;
	p2 =	por !p2, p0  }
0x20: {  	[sflag:s8] =	ssyncset.s32 @!p0 $0xFFFFF086;
	s6 =	sadd.s32 @!p0 s3, s7;
	s7 =	simm.s32 @!p0 $0x108  }
0x21: {  	s3 =	sadd.s32 s3, s9;
	s6 =	sadd.s32 @!p0 $0x88, s6;
	s7 =	simm.s32 @p2 $0x1082  }
0x22: {  	[simem:s7], [sflag:s8] =	dma.local @!p0 [hbm:s6], $0xF7A  }
0x23: {  	s9 =	sor.u32 $0xD0000000, s2;
	s6 =	simm.s32 $0x108;
	_ =	swait.ge @!p0 [sflag:s8], $0x0  }
0x24: {  	s3 =	sadd.s32 $0x88, s3;
	s6 =	simm.s32 @!p1 $0x1082;
	[sflag:s4] =	ssyncset.s32 $0xFFFFF086  }
0x25: {  	[simem:s6], [sflag:s4] =	dma.local [hbm:s3], $0xF7A  }
0x26: {  	[smem:$0x3F87] =	sst s1;
	(tag) =	ssettag s2;
	_ =	strace s9  }
0x27: {  	s1 =	sld [smem:$0x3F97]  }
0x28: {  	s2 =	sld [smem:$0x3F98]  }
0x29: {  	s4 =	sld [smem:$0x3F9A]  }
0x2a: {  	p0 =	seq.s32 s5, $0x0;
	s5 =	sld [smem:$0x3F9B]  }
0x2b: {  	s6 =	sld [smem:$0x3F9C]  }
0x2c: {  	s7 =	sld [smem:$0x3F9D]  }
0x2d: {  	s3 =	simm.s32 $0x108;
	s8 =	sld [smem:$0x3F9E]  }
0x2e: {  	s3 =	simm.s32 @!p0 $0x1082;
	s9 =	sld [smem:$0x3F9F]  }
0x2f: {  	lr =	sadd.s32 s0, s3;
	s0 =	sld [smem:$0x3F96]  }
0x30: {  	s3 =	sld [smem:$0x3F99]  }
0x31: {  	[smem:$0x3FA2] =	sst s10  }
0x32: {  	s10 =	sld [smem:$0x3FA0];
	_ =	sdelay $0x3  }
0x33: {  	p0 =	seq.s32 s10, $0x1;
	s10 =	sld [smem:$0x3FA2];
	_ =	sdelay $0x3  }
0x34: {  	[smem:$0x3FA2] =	sst s10  }
0x35: {  	s10 =	sld [smem:$0x3FA1];
	_ =	sdelay $0x3  }
0x36: {  	p1 =	seq.s32 s10, $0x1;
	s10 =	sld [smem:$0x3FA2];
	_ =	sdelay $0x3  }
0x37: {  	[smem:$0x3FA2] =	sst s10  }
0x38: {  	s10 =	sld [smem:$0x3FA3]  }
0x39: {  	_ = 	snop;
	(pc) =	sbr.ind lr, $3  }
0x3a: {  	_ = 	snop  }
0x3b: {  	_ = 	snop  }
0x3c: {  	p2 =	seq.s32 s10, $0x1;
	s10 =	sld [smem:$0x3FA2]  }
0x3d: {  	_ =	shalt  }
0x3e: {  	_ =	shalt  }
0x3f: {  	_ =	shalt  }
0x40: {  	_ =	shalt  }
0x41: {  	_ =	shalt  }
0x42: {  	_ =	shalt  }
0x43: {  	_ =	shalt  }
0x44: {  	_ =	shalt  }
0x45: {  	_ =	shalt  }
0x46: {  	_ =	shalt  }
0x47: {  	_ =	shalt  }
0x48: {  	_ =	shalt  }
0x49: {  	_ =	shalt  }
0x4a: {  	_ =	shalt  }
0x4b: {  	_ =	shalt  }
0x4c: {  	_ =	shalt  }
0x4d: {  	_ =	shalt  }
0x4e: {  	_ =	shalt  }
0x4f: {  	_ =	shalt  }
0x50: {  	_ =	shalt  }
0x51: {  	_ =	shalt  }
0x52: {  	_ =	shalt  }
0x53: {  	_ =	shalt  }
0x54: {  	_ =	shalt  }
0x55: {  	_ =	shalt  }
0x56: {  	_ =	shalt  }
0x57: {  	_ =	shalt  }
0x58: {  	_ =	shalt  }
0x59: {  	_ =	shalt  }
0x5a: {  	_ =	shalt  }
0x5b: {  	_ =	shalt  }
0x5c: {  	_ =	shalt  }
0x5d: {  	_ =	shalt  }
0x5e: {  	_ =	shalt  }
0x5f: {  	_ =	shalt  }
0x60: {  	_ =	shalt  }
0x61: {  	_ =	shalt  }
0x62: {  	_ =	shalt  }
0x63: {  	_ =	shalt  }
0x64: {  	_ =	shalt  }
0x65: {  	_ =	shalt  }
0x66: {  	_ =	shalt  }
0x67: {  	_ =	shalt  }
0x68: {  	_ =	shalt  }
0x69: {  	_ =	shalt  }
0x6a: {  	_ =	shalt  }
0x6b: {  	_ =	shalt  }
0x6c: {  	_ =	shalt  }
0x6d: {  	_ =	shalt  }
0x6e: {  	_ =	shalt  }
0x6f: {  	_ =	shalt  }
0x70: {  	_ =	shalt  }
0x71: {  	_ =	shalt  }
0x72: {  	_ =	shalt  }
0x73: {  	_ =	shalt  }
0x74: {  	_ =	shalt  }
0x75: {  	_ =	shalt  }
0x76: {  	_ =	shalt  }
0x77: {  	_ =	shalt  }
0x78: {  	_ =	shalt  }
0x79: {  	_ =	shalt  }
0x7a: {  	_ =	shalt  }
0x7b: {  	_ =	shalt  }
0x7c: {  	_ =	shalt  }
0x7d: {  	_ =	shalt  }
0x7e: {  	_ =	shalt  }
0x7f: {  	_ =	shalt  }
0x80: {  	_ =	shalt  }
0x81: {  	_ =	shalt  }
0x82: {  	_ =	shalt  }
0x83: {  	_ =	shalt  }
0x84: {  	_ =	shalt  }
0x85: {  	_ =	shalt  }
0x86: {  	_ =	shalt  }
0x87: {  	_ =	shalt  }
.Lfunc_end0:
.L_simem_size_0:
called_computation.1_lowered:
.L_overlay_start_0:
0x88: {  	s2 =	sld [smem:$0x3FD9]  }
0x89: {  	s3 =	sld [smem:$0x3FFE];
	_ =	sdelay $0x1  }
0x8a: {  	s1 =	srdreg.scid  }
0x8b: {  	s0 =	sand.u32 $0x1, s1  }
0x8c: {  	s17 =	sshll.u32 s0, $0xA;
	s2 =	sadd.s32 s3, s2  }
0x8d: {  	s2 =	sadd.s32 s2, s17  }
0x8e: {  	[smem:$0x3FAE] =	sst s2  }
0x8f: {  	_ = 	snop  }
0x90: {  	s2 =	sld [smem:$0x3FD0];
	(tm) =	ssettm $0x1  }
0x91: {  	s18 =	sld [smem:$0x3FFB];
	_ =	sdelay $0x3  }
0x92: {  	_ =	strace s18  }
0x93: {  	s3 =	sld [smem:$0x3FFC];
	_ =	sdelay $0x3  }
0x94: {  	_ =	strace s3  }
0x95: {  	s3 =	sld [smem:$0x3FFD];
	_ =	sdelay $0x3  }
0x96: {  	_ =	strace s3  }
0x97: {  	_ =	strace $0x8FFFFFFF  }
0x98: {  	s19 =	sld [smem:$0x3FDB];
	_ =	sdelay $0x1  }
0x99: {  	s4 =	simm.s32 $_scs_section_size  }
0x9a: {  	s5 =	simm.s32 $_size__tile_overlayer_lowered;
	s6 =	simm.s32 $_tile_overlayer_lowered  }
0x9b: {  	s22 =	simm.s32 $0x1BFF;
	s21 =	sshll.u32 s6, $0x1;
	s3 =	sadd.s32 s4, s19  }
0x9c: {  	s7 =	simm.s32 $0x0;
	s20 =	sshll.u32 s5, $0x1;
	s5 =	sadd.s32 s21, s3  }
0x9d: {  	[timem:s7], [sflag:s22] =	dma.local [hbm:s5], s20  }
0x9e: {  	_ =	swait.ge [sflag:s22], s20  }
0x9f: {  	s4 =	ssub.s32 $0x0, s20;
	[sflag:s22] =	ssyncset.done $0x0  }
0xa0: {  	[sflag:s22] =	ssyncadd.s32 s4;
	_ =	sdelay $0x1  }
0xa1: {  	s23 =	simm.s32 $0x1B8B  }
0xa2: {  	_ =	swait.ge [sflag:s23], $0x1  }
0xa3: {  	[sflag:s23] =	ssyncset.done $0x0  }
0xa4: {  	s25 =	simm.s32 $0x1B8E;
	s24 =	sld [smem:$0x3FFE];
	[sflag:s23] =	ssyncadd.s32 $0xFFFFFFFF  }
0xa5: {  	s26 =	simm.s32 $execute0_lowered;
	[smem:$0x3FD2] =	sst s25  }
0xa6: {  	s5 =	sshll.u32 s26, $0x1;
	_ =	strace $0x80000046;
	[dreg:$0x1] =	wrdreg $0xFFFFFFFF  }
0xa7: {  	s28 =	simm.s32 $_size_execute0_lowered;
	s3 =	sadd.s32 s3, s5;
	[dreg:$0x0] =	wrdreg $0x0  }
0xa8: {  	s5 =	sshll.u32 s28, $0x1;
	[dreg:$0x2] =	wrdreg s3  }
0xa9: {  	[dreg:$0x3] =	wrdreg s5  }
0xaa: {  	[dreg:$0x4] =	wrdreg $0xC0  }
0xab: {  	_ =	task [dreg:s7], $0x5FFFF  }
0xac: {  	[dreg:$0x1] =	wrdreg $0xFFFFFFFF  }
0xad: {  	[dreg:$0x0] =	wrdreg $0x60  }
0xae: {  	[dreg:$0x2] =	wrdreg s2  }
0xaf: {  	[dreg:$0x3] =	wrdreg s24  }
0xb0: {  	[dreg:$0x4] =	wrdreg $0xA  }
0xb1: {  	_ =	task.clear_ibuf [dreg:s7], $0x5FFFF;
	_ =	strace $0x90000046  }
0xb2: {  	s29 =	simm.s32 $0xA;
	_ =	strace $0x80000048  }
0xb3: {  	_ =	swait.ge [sflag:s29], $0x1  }
0xb4: {  	[sflag:s29] =	ssyncadd.s32 $0xFFFFFFFF  }
0xb5: {  	_ =	strace $0x90000048  }
0xb6: {  	_ =	sfence  }
0xb7: {  	s30 =	sld [smem:$0x0];
	_ =	sdelay $0x2  }
0xb8: {  	s31 =	sshll.u32 s1, $0xD;
	s1 =	sshrl.u32 s1, $0x2  }
0xb9: {  	s3 =	sand.u32 $0x4000, s31;
	s1 =	sadd.s32 s1, s30  }
0xba: {  	s0 =	sor.u32 s3, s0;
	s1 =	sshll.u32 s1, $0x11  }
0xbb: {  	s0 =	sor.u32 s1, s0  }
0xbc: {  	s0 =	sadd.s32 $0x8F2B, s0  }
0xbd: {  	[sflag:s0] =	ssyncadd.remote.s32 $0x1  }
0xbe: {  	_ =	sfence.sel $0xFFFF  }
0xbf: {  	[dreg:$0x0] =	wrdreg $0xFFFFFFFF;
	(pc) =	sbr.abs _section_cstart, $3  }
0xc0: {  	[dreg:$0x1] =	wrdreg $0xFFFFFFFF  }
0xc1: {  	_ =	task.clear_ibuf [dreg:s7], $0x2FFFF;
	_ =	strace $0x9FFFFFFF  }
0xc2: {  	(tm) =	ssettm $0x7FFFFFFF  }
0xc3: {  	_ =	shalt  }
tec
execute0_lowered:
.L_overlay_start_1:
0x0: {  	(tag) =	ssettag $0x1  }
0x1: {  	s1 =	rddreg [dreg:$0x0]  }
0x2: {  	s0 =	rddreg [dreg:$0x1];
	s2 =	simm.s32 $0x0  }
0x3: {  	s3 =	srdreg.scid;
	s13 =	stileid.u32;
	s18 =	simm.s32 $0x3800  }
0x4: {  	s19 =	simm.s32 $0x5;
	s20 =	simm.s32 $0x80;
	s21 =	simm.s32 $0x7000  }
0x5: {  	s28 =	simm.s32 $0x40;
	s29 =	simm.s32 $0x2;
	s30 =	simm.s32 $0x3  }
0x6: {  	s31 =	simm.s32 $0x4;
	[smem:$0x7FF] =	sst s2;
	s9 =	smul.u32 $0x700, s13  }
0x7: {  	s4 =	sadd.s32 $0x2EE00, s0;
	s6 =	sadd.s32 $0x42E00, s0;
	s11 =	smul.u32 $0x300, s13  }
0x8: {  	s3 =	sand.u32 $0x1, s3;
	s7 =	sadd.s32 $0x4CE00, s0;
	s16 =	smul.u32 $0x38000, s13  }
0x9: {  	s5 =	sadd.s32 $0x56E00, s0;
	s26 =	smul.u32 $0x18000, s13;
	s8 =	ssub.s32 $0x2, s3  }
0xa: {  	_ =	strace $0x80000047;
	p0 =	seq.s32 s3, $0x1;
	s10 =	sshrl.u32 s8, $0x1  }
0xb: {  	s22 =	sadd.s32 s7, s9;
	s23 =	sadd.s32 s6, s9;
	s24 =	sadd.s32 $0x7000, s11  }
0xc: {  	s13 =	sadd.s32 $0x37800, s16;
	s14 =	sadd.s32 $0x397000, s26;
	s15 =	sadd.s32 $0x397800, s26  }
0xd: {  	s17 =	sadd.s32 s26, s5;
	s26 =	simm.s32 $0x1;
	[dreg:$0x3] =	wrdreg s22  }
.Ltmp0:
0xe: {  	s12 =	ssub.s32 s8, s10;
	[dreg:$0x4] =	wrdreg s23;
	(pc) =	sbr.rel .LBB2_1-.Ltmp0, $4  }
0xf: {  	s8 =	sadd.s32 $0x56E08, s0;
	s25 =	sadd.s32 s7, s24;
	s3 =	sadd.s32 s6, s24  }
0x10: {  	s22 =	simm.s32 $0xB000;
	s23 =	simm.s32 $0x3880;
	[dreg:$0x5] =	wrdreg s25  }
0x11: {  	s24 =	simm.s32 $0x9000;
	[dreg:$0x6] =	wrdreg s3;
	s11 =	smax.u32 s12, $0x1  }
0x12: {  	s12 =	sadd.s32 $0x37000, s16;
	s16 =	sadd.s32 s16, s5;
	s25 =	simm.s32 $0xD000  }
.LBB2_7:
0x13: {  	[tilespmem:s25], [sflag:$0x2] =	stream.indirect.gather [hbm4b:s4+s20], $0x40, s0, s20, $0xb8;
	[tilespmem:$0xF000] =	vst v63  }
0x14: {  	s3 =	smov.u32 s14;
	s0 =	smov.u32 s15  }
.LBB2_8:
0x15: {  	_ =	swait.ge [sflag:s26], $0x2000  }
0x16: {  	[sflag:s26] =	ssyncset.done $0x0  }
0x17: {  	[sflag:s26] =	ssyncadd.s32 $0xFFFFE000  }
0x18: {  	_ =	swait.ge [sflag:s26], $0x2000  }
0x19: {  	[sflag:s26] =	ssyncset.done $0x0  }
0x1a: {  	s6 =	sadd.s32 s5, s3;
	[sflag:s26] =	ssyncadd.s32 $0xFFFFE000  }
0x1b: {  	[hbm4b:s6+s28] =	stream.strided.scatter [tilespmem:s21], [sflag:$0x3], $0x2000, s20, s28, $0x38;
	[tilespmem:$0xF000] =	vst v63  }
0x1c: {  	s7 =	sadd.s32 s3, s8  }
0x1d: {  	[hbm4b:s7+s28] =	stream.strided.scatter [tilespmem:s22], [sflag:$0x3], $0x2000, s20, s28, $0x38;
	[tilespmem:$0xF000] =	vst v63  }
0x1e: {  	_ =	swait.ge [sflag:s29], $0x2000  }
0x1f: {  	[sflag:s29] =	ssyncset.done $0x0  }
0x20: {  	[sflag:s29] =	ssyncadd.s32 $0xFFFFE000  }
0x21: {  	_ =	swait.ge [sflag:s29], $0x2000  }
0x22: {  	[sflag:s29] =	ssyncset.done $0x0  }
0x23: {  	s9 =	sadd.s32 s5, s0;
	[sflag:s29] =	ssyncadd.s32 $0xFFFFE000  }
0x24: {  	[hbm4b:s9+s28] =	stream.strided.scatter [tilespmem:s24], [sflag:$0x4], $0x2000, s20, s28, $0x38;
	[tilespmem:$0xF000] =	vst v63  }
0x25: {  	s10 =	sadd.s32 s0, s8  }
0x26: {  	[hbm4b:s10+s28] =	stream.strided.scatter [tilespmem:s25], [sflag:$0x4], $0x2000, s20, s28, $0x38;
	[tilespmem:$0xF000] =	vst v63  }
0x27: {  	_ =	swait.ge [sflag:s30], $0x2000  }
0x28: {  	[sflag:s30] =	ssyncset.done $0x0  }
0x29: {  	[sflag:s30] =	ssyncadd.s32 $0xFFFFE000  }
0x2a: {  	_ =	swait.ge [sflag:s30], $0x2000  }
0x2b: {  	[sflag:s30] =	ssyncset.done $0x0  }
0x2c: {  	s2 =	sadd.s32 $0x1, s2;
	[sflag:s30] =	ssyncadd.s32 $0xFFFFE000  }
0x2d: {  	p1 =	sne.s32 s2, s11;
	_ =	swait.ge [sflag:s31], $0x2000  }
.Ltmp1:
0x2e: {  	[sflag:s31] =	ssyncset.done $0x0;
	(pc) =	sbr.rel @!p1 .LBB2_9-.Ltmp1, $4  }
0x2f: {  	[sflag:s31] =	ssyncadd.s32 $0xFFFFE000  }
0x30: {  	_ =	swait.ge [sflag:s31], $0x2000  }
0x31: {  	[sflag:s31] =	ssyncset.done $0x0  }
0x32: {  	[sflag:s31] =	ssyncadd.s32 $0xFFFFE000  }
.LBB2_1:
.Ltmp2:
0x33: {  	(pc) =	sbr.rel @!p0 .LBB2_2-.Ltmp2, $2  }
0x34: {  	_ =	sdelay $0x2  }
0x35: {  	s0 =	simm.s32 $0x0  }
0x36: {  	s3 =	rddreg [dreg:$0x5]  }
0x37: {  	[tilespmem:s18], [sflag:$0x5] =	stream.linear.gather [hbm4b:s3+s0], $0x1800, $0x38;
	[tilespmem:$0xF000] =	vst v63  }
0x38: {  	_ =	swait.ge [sflag:s19], $0x1800  }
0x39: {  	[sflag:s19] =	ssyncset.done $0x0  }
0x3a: {  	s6 =	rddreg [dreg:$0x6];
	[sflag:s19] =	ssyncadd.s32 $0xFFFFE800  }
0x3b: {  	[tilespmem:s0], [sflag:$0x5] =	stream.linear.gather [hbm4b:s6+s0], $0x1800, $0x38;
	[tilespmem:$0xF000] =	vst v63  }
0x3c: {  	_ =	swait.ge [sflag:s19], $0x1800  }
0x3d: {  	[sflag:s19] =	ssyncset.done $0x0  }
0x3e: {  	[sflag:s19] =	ssyncadd.s32 $0xFFFFE800  }
0x3f: {  	[tilespmem:s21], [sflag:$0x1] =	stream.indirect.gather [hbm4b:s1+s20], $0x40, s18, s20, $0xb8;
	[tilespmem:$0xF000] =	vst v63  }
0x40: {  	_ = 	snop  }
0x41: {  	[tilespmem:s22], [sflag:$0x1] =	stream.indirect.gather [hbm4b:s4+s20], $0x40, s0, s20, $0xb8;
	[tilespmem:$0xF000] =	vst v63  }
0x42: {  	_ = 	snop  }
0x43: {  	[tilespmem:s24], [sflag:$0x2] =	stream.indirect.gather [hbm4b:s1+s20], $0x40, s23, s20, $0xb8;
	[tilespmem:$0xF000] =	vst v63  }
0x44: {  	_ = 	snop  }
0x45: {  	[tilespmem:s25], [sflag:$0x2] =	stream.indirect.gather [hbm4b:s4+s20], $0x40, s20, s20, $0xb8;
	[tilespmem:$0xF000] =	vst v63  }
0x46: {  	_ =	swait.ge [sflag:s26], $0x2000  }
0x47: {  	[sflag:s26] =	ssyncset.done $0x0  }
0x48: {  	[sflag:s26] =	ssyncadd.s32 $0xFFFFE000  }
0x49: {  	_ =	swait.ge [sflag:s26], $0x2000  }
0x4a: {  	s7 =	sadd.s32 $0x0, s17;
	[sflag:s26] =	ssyncset.done $0x0  }
0x4b: {  	s9 =	sadd.s32 $0x380000, s7;
	[sflag:s26] =	ssyncadd.s32 $0xFFFFE000  }
0x4c: {  	[hbm4b:s9+s28] =	stream.strided.scatter [tilespmem:s21], [sflag:$0x3], $0x2000, s20, s28, $0x38;
	[tilespmem:$0xF000] =	vst v63  }
0x4d: {  	s10 =	sadd.s32 $0x380008, s7  }
0x4e: {  	[hbm4b:s10+s28] =	stream.strided.scatter [tilespmem:s22], [sflag:$0x3], $0x2000, s20, s28, $0x38;
	[tilespmem:$0xF000] =	vst v63  }
0x4f: {  	_ =	swait.ge [sflag:s29], $0x2000  }
0x50: {  	[sflag:s29] =	ssyncset.done $0x0  }
0x51: {  	[sflag:s29] =	ssyncadd.s32 $0xFFFFE000  }
0x52: {  	_ =	swait.ge [sflag:s29], $0x2000  }
0x53: {  	[sflag:s29] =	ssyncset.done $0x0  }
0x54: {  	s6 =	sadd.s32 $0x380800, s7;
	[sflag:s29] =	ssyncadd.s32 $0xFFFFE000  }
0x55: {  	[hbm4b:s6+s28] =	stream.strided.scatter [tilespmem:s24], [sflag:$0x4], $0x2000, s20, s28, $0x38;
	[tilespmem:$0xF000] =	vst v63  }
0x56: {  	s0 =	sadd.s32 $0x380808, s7  }
0x57: {  	[hbm4b:s0+s28] =	stream.strided.scatter [tilespmem:s25], [sflag:$0x4], $0x2000, s20, s28, $0x38;
	[tilespmem:$0xF000] =	vst v63  }
0x58: {  	_ =	swait.ge [sflag:s30], $0x2000  }
0x59: {  	[sflag:s30] =	ssyncset.done $0x0  }
0x5a: {  	[sflag:s30] =	ssyncadd.s32 $0xFFFFE000  }
0x5b: {  	_ =	swait.ge [sflag:s30], $0x2000  }
0x5c: {  	[sflag:s30] =	ssyncset.done $0x0  }
0x5d: {  	s7 =	simm.s32 $0x3900;
	[sflag:s30] =	ssyncadd.s32 $0xFFFFE000  }
0x5e: {  	[tilespmem:s21], [sflag:$0x1] =	stream.indirect.gather [hbm4b:s1+s20], $0x40, s7, s20, $0xb8;
	[tilespmem:$0xF000] =	vst v63  }
0x5f: {  	s9 =	simm.s32 $0x100  }
0x60: {  	[tilespmem:s22], [sflag:$0x1] =	stream.indirect.gather [hbm4b:s4+s20], $0x40, s9, s20, $0xb8;
	[tilespmem:$0xF000] =	vst v63  }
0x61: {  	_ =	swait.ge [sflag:s31], $0x2000  }
0x62: {  	[sflag:s31] =	ssyncset.done $0x0  }
0x63: {  	[sflag:s31] =	ssyncadd.s32 $0xFFFFE000  }
0x64: {  	s3 =	simm.s32 $0x1000;
	_ =	swait.ge [sflag:s31], $0x2000  }
0x65: {  	s10 =	simm.s32 $0x3980;
	s6 =	simm.s32 $0x280;
	[sflag:s31] =	ssyncset.done $0x0  }
0x66: {  	s0 =	simm.s32 $0x180;
	s7 =	simm.s32 $0x3A80;
	[sflag:s31] =	ssyncadd.s32 $0xFFFFE000  }
0x67: {  	[tilespmem:s24], [sflag:$0x2] =	stream.indirect.gather [hbm4b:s1+s20], $0x40, s10, s20, $0xb8;
	[tilespmem:$0xF000] =	vst v63  }
.LBB2_6:
0x68: {  	[tilespmem:s25], [sflag:$0x2] =	stream.indirect.gather [hbm4b:s4+s20], $0x40, s0, s20, $0xb8;
	[tilespmem:$0xF000] =	vst v63  }
0x69: {  	s9 =	smov.u32 s3;
	s0 =	smov.u32 s6  }
0x6a: {  	p1 =	sne.s32 s3, $0x16000;
	s3 =	sadd.s32 $0x1000, s3;
	_ =	swait.ge [sflag:s26], $0x2000  }
0x6b: {  	[sflag:s26] =	ssyncset.done $0x0  }
0x6c: {  	[sflag:s26] =	ssyncadd.s32 $0xFFFFE000  }
0x6d: {  	_ =	swait.ge [sflag:s26], $0x2000  }
0x6e: {  	s9 =	sadd.s32 s9, s17;
	[sflag:s26] =	ssyncset.done $0x0  }
0x6f: {  	s10 =	sadd.s32 $0x380000, s9;
	[sflag:s26] =	ssyncadd.s32 $0xFFFFE000  }
0x70: {  	[hbm4b:s10+s28] =	stream.strided.scatter [tilespmem:s21], [sflag:$0x3], $0x2000, s20, s28, $0x38;
	[tilespmem:$0xF000] =	vst v63  }
0x71: {  	s10 =	sadd.s32 $0x380008, s9  }
0x72: {  	[hbm4b:s10+s28] =	stream.strided.scatter [tilespmem:s22], [sflag:$0x3], $0x2000, s20, s28, $0x38;
	[tilespmem:$0xF000] =	vst v63  }
0x73: {  	_ =	swait.ge [sflag:s29], $0x2000  }
0x74: {  	[sflag:s29] =	ssyncset.done $0x0  }
0x75: {  	[sflag:s29] =	ssyncadd.s32 $0xFFFFE000  }
0x76: {  	_ =	swait.ge [sflag:s29], $0x2000  }
0x77: {  	[sflag:s29] =	ssyncset.done $0x0  }
0x78: {  	s10 =	sadd.s32 $0x380800, s9;
	[sflag:s29] =	ssyncadd.s32 $0xFFFFE000  }
0x79: {  	[hbm4b:s10+s28] =	stream.strided.scatter [tilespmem:s24], [sflag:$0x4], $0x2000, s20, s28, $0x38;
	[tilespmem:$0xF000] =	vst v63  }
0x7a: {  	s9 =	sadd.s32 $0x380808, s9  }
0x7b: {  	[hbm4b:s9+s28] =	stream.strided.scatter [tilespmem:s25], [sflag:$0x4], $0x2000, s20, s28, $0x38;
	[tilespmem:$0xF000] =	vst v63  }
0x7c: {  	_ =	swait.ge [sflag:s30], $0x2000  }
0x7d: {  	[sflag:s30] =	ssyncset.done $0x0  }
0x7e: {  	[sflag:s30] =	ssyncadd.s32 $0xFFFFE000  }
0x7f: {  	_ =	swait.ge [sflag:s30], $0x2000  }
0x80: {  	[sflag:s30] =	ssyncset.done $0x0  }
0x81: {  	s9 =	sadd.s32 $0xFFFFFF80, s7;
	[sflag:s30] =	ssyncadd.s32 $0xFFFFE000  }
0x82: {  	[tilespmem:s21], [sflag:$0x1] =	stream.indirect.gather [hbm4b:s1+s20], $0x40, s9, s20, $0xb8;
	[tilespmem:$0xF000] =	vst v63  }
0x83: {  	s9 =	sadd.s32 $0xFFFFFF80, s6  }
0x84: {  	[tilespmem:s22], [sflag:$0x1] =	stream.indirect.gather [hbm4b:s4+s20], $0x40, s9, s20, $0xb8;
	[tilespmem:$0xF000] =	vst v63  }
0x85: {  	_ =	swait.ge [sflag:s31], $0x2000  }
0x86: {  	[sflag:s31] =	ssyncset.done $0x0  }
0x87: {  	[sflag:s31] =	ssyncadd.s32 $0xFFFFE000  }
.Ltmp3:
0x88: {  	_ =	swait.ge [sflag:s31], $0x2000;
	(pc) =	sbr.rel @p1 .LBB2_6-.Ltmp3, $4  }
0x89: {  	[sflag:s31] =	ssyncset.done $0x0  }
0x8a: {  	[sflag:s31] =	ssyncadd.s32 $0xFFFFE000  }
0x8b: {  	[tilespmem:s24], [sflag:$0x2] =	stream.indirect.gather [hbm4b:s1+s20], $0x40, s7, s20, $0xb8;
	[tilespmem:$0xF000] =	vst v63  }
0x8c: {  	s6 =	sadd.s32 $0x100, s6;
	s7 =	sadd.s32 $0x100, s7  }
.Ltmp4:
0x8d: {  	_ = 	snop;
	(pc) =	sbr.rel .LBB2_7-.Ltmp4, $1  }
0x8e: {  	_ =	sdelay $0x3  }
.LBB2_2:
0x8f: {  	s3 =	rddreg [dreg:$0x3]  }
0x90: {  	[tilespmem:s18], [sflag:$0x5] =	stream.linear.gather [hbm4b:s3+s0], $0x3800, $0x38;
	[tilespmem:$0xF000] =	vst v63  }
0x91: {  	_ =	swait.ge [sflag:s19], $0x3800  }
0x92: {  	[sflag:s19] =	ssyncset.done $0x0  }
0x93: {  	s7 =	rddreg [dreg:$0x4];
	[sflag:s19] =	ssyncadd.s32 $0xFFFFC800  }
0x94: {  	[tilespmem:s0], [sflag:$0x5] =	stream.linear.gather [hbm4b:s7+s0], $0x3800, $0x38;
	[tilespmem:$0xF000] =	vst v63  }
0x95: {  	_ =	swait.ge [sflag:s19], $0x3800  }
0x96: {  	[sflag:s19] =	ssyncset.done $0x0  }
0x97: {  	[sflag:s19] =	ssyncadd.s32 $0xFFFFC800  }
0x98: {  	[tilespmem:s21], [sflag:$0x1] =	stream.indirect.gather [hbm4b:s1+s20], $0x40, s18, s20, $0xb8;
	[tilespmem:$0xF000] =	vst v63  }
0x99: {  	_ = 	snop  }
0x9a: {  	[tilespmem:s22], [sflag:$0x1] =	stream.indirect.gather [hbm4b:s4+s20], $0x40, s0, s20, $0xb8;
	[tilespmem:$0xF000] =	vst v63  }
0x9b: {  	_ = 	snop  }
0x9c: {  	[tilespmem:s24], [sflag:$0x2] =	stream.indirect.gather [hbm4b:s1+s20], $0x40, s23, s20, $0xb8;
	[tilespmem:$0xF000] =	vst v63  }
0x9d: {  	_ = 	snop  }
0x9e: {  	[tilespmem:s25], [sflag:$0x2] =	stream.indirect.gather [hbm4b:s4+s20], $0x40, s20, s20, $0xb8;
	[tilespmem:$0xF000] =	vst v63  }
0x9f: {  	_ =	swait.ge [sflag:s26], $0x2000  }
0xa0: {  	[sflag:s26] =	ssyncset.done $0x0  }
0xa1: {  	[sflag:s26] =	ssyncadd.s32 $0xFFFFE000  }
0xa2: {  	_ =	swait.ge [sflag:s26], $0x2000  }
0xa3: {  	[sflag:s26] =	ssyncset.done $0x0  }
0xa4: {  	s9 =	sadd.s32 $0x0, s16;
	[sflag:s26] =	ssyncadd.s32 $0xFFFFE000  }
0xa5: {  	[hbm4b:s9+s28] =	stream.strided.scatter [tilespmem:s21], [sflag:$0x3], $0x2000, s20, s28, $0x38;
	[tilespmem:$0xF000] =	vst v63  }
0xa6: {  	s10 =	sadd.s32 $0x8, s9  }
0xa7: {  	[hbm4b:s10+s28] =	stream.strided.scatter [tilespmem:s22], [sflag:$0x3], $0x2000, s20, s28, $0x38;
	[tilespmem:$0xF000] =	vst v63  }
0xa8: {  	_ =	swait.ge [sflag:s29], $0x2000  }
0xa9: {  	[sflag:s29] =	ssyncset.done $0x0  }
0xaa: {  	[sflag:s29] =	ssyncadd.s32 $0xFFFFE000  }
0xab: {  	_ =	swait.ge [sflag:s29], $0x2000  }
0xac: {  	[sflag:s29] =	ssyncset.done $0x0  }
0xad: {  	s6 =	sadd.s32 $0x800, s9;
	[sflag:s29] =	ssyncadd.s32 $0xFFFFE000  }
0xae: {  	[hbm4b:s6+s28] =	stream.strided.scatter [tilespmem:s24], [sflag:$0x4], $0x2000, s20, s28, $0x38;
	[tilespmem:$0xF000] =	vst v63  }
0xaf: {  	s0 =	sadd.s32 $0x808, s9  }
0xb0: {  	[hbm4b:s0+s28] =	stream.strided.scatter [tilespmem:s25], [sflag:$0x4], $0x2000, s20, s28, $0x38;
	[tilespmem:$0xF000] =	vst v63  }
0xb1: {  	_ =	swait.ge [sflag:s30], $0x2000  }
0xb2: {  	[sflag:s30] =	ssyncset.done $0x0  }
0xb3: {  	[sflag:s30] =	ssyncadd.s32 $0xFFFFE000  }
0xb4: {  	_ =	swait.ge [sflag:s30], $0x2000  }
0xb5: {  	[sflag:s30] =	ssyncset.done $0x0  }
0xb6: {  	s7 =	simm.s32 $0x3900;
	[sflag:s30] =	ssyncadd.s32 $0xFFFFE000  }
0xb7: {  	[tilespmem:s21], [sflag:$0x1] =	stream.indirect.gather [hbm4b:s1+s20], $0x40, s7, s20, $0xb8;
	[tilespmem:$0xF000] =	vst v63  }
0xb8: {  	s9 =	simm.s32 $0x100  }
0xb9: {  	[tilespmem:s22], [sflag:$0x1] =	stream.indirect.gather [hbm4b:s4+s20], $0x40, s9, s20, $0xb8;
	[tilespmem:$0xF000] =	vst v63  }
0xba: {  	_ =	swait.ge [sflag:s31], $0x2000  }
0xbb: {  	[sflag:s31] =	ssyncset.done $0x0  }
0xbc: {  	[sflag:s31] =	ssyncadd.s32 $0xFFFFE000  }
0xbd: {  	s3 =	simm.s32 $0x1000;
	_ =	swait.ge [sflag:s31], $0x2000  }
0xbe: {  	s10 =	simm.s32 $0x3980;
	s6 =	simm.s32 $0x280;
	[sflag:s31] =	ssyncset.done $0x0  }
0xbf: {  	s0 =	simm.s32 $0x180;
	s7 =	simm.s32 $0x3A80;
	[sflag:s31] =	ssyncadd.s32 $0xFFFFE000  }
0xc0: {  	[tilespmem:s24], [sflag:$0x2] =	stream.indirect.gather [hbm4b:s1+s20], $0x40, s10, s20, $0xb8;
	[tilespmem:$0xF000] =	vst v63  }
.LBB2_3:
0xc1: {  	[tilespmem:s25], [sflag:$0x2] =	stream.indirect.gather [hbm4b:s4+s20], $0x40, s0, s20, $0xb8;
	[tilespmem:$0xF000] =	vst v63  }
0xc2: {  	s9 =	smov.u32 s3;
	s0 =	smov.u32 s6  }
0xc3: {  	p1 =	seq.s32 s3, $0x36000;
	s3 =	sadd.s32 $0x1000, s3;
	_ =	swait.ge [sflag:s26], $0x2000  }
0xc4: {  	[sflag:s26] =	ssyncset.done $0x0  }
0xc5: {  	[sflag:s26] =	ssyncadd.s32 $0xFFFFE000  }
0xc6: {  	_ =	swait.ge [sflag:s26], $0x2000  }
0xc7: {  	[sflag:s26] =	ssyncset.done $0x0  }
0xc8: {  	s9 =	sadd.s32 s9, s16;
	[sflag:s26] =	ssyncadd.s32 $0xFFFFE000  }
0xc9: {  	[hbm4b:s9+s28] =	stream.strided.scatter [tilespmem:s21], [sflag:$0x3], $0x2000, s20, s28, $0x38;
	[tilespmem:$0xF000] =	vst v63  }
0xca: {  	s10 =	sadd.s32 $0x8, s9  }
0xcb: {  	[hbm4b:s10+s28] =	stream.strided.scatter [tilespmem:s22], [sflag:$0x3], $0x2000, s20, s28, $0x38;
	[tilespmem:$0xF000] =	vst v63  }
0xcc: {  	_ =	swait.ge [sflag:s29], $0x2000  }
0xcd: {  	[sflag:s29] =	ssyncset.done $0x0  }
0xce: {  	[sflag:s29] =	ssyncadd.s32 $0xFFFFE000  }
0xcf: {  	_ =	swait.ge [sflag:s29], $0x2000  }
0xd0: {  	[sflag:s29] =	ssyncset.done $0x0  }
0xd1: {  	s10 =	sadd.s32 $0x800, s9;
	[sflag:s29] =	ssyncadd.s32 $0xFFFFE000  }
0xd2: {  	[hbm4b:s10+s28] =	stream.strided.scatter [tilespmem:s24], [sflag:$0x4], $0x2000, s20, s28, $0x38;
	[tilespmem:$0xF000] =	vst v63  }
0xd3: {  	s9 =	sadd.s32 $0x808, s9  }
0xd4: {  	[hbm4b:s9+s28] =	stream.strided.scatter [tilespmem:s25], [sflag:$0x4], $0x2000, s20, s28, $0x38;
	[tilespmem:$0xF000] =	vst v63  }
0xd5: {  	_ =	swait.ge [sflag:s30], $0x2000  }
0xd6: {  	[sflag:s30] =	ssyncset.done $0x0  }
0xd7: {  	[sflag:s30] =	ssyncadd.s32 $0xFFFFE000  }
0xd8: {  	_ =	swait.ge [sflag:s30], $0x2000  }
0xd9: {  	[sflag:s30] =	ssyncset.done $0x0  }
0xda: {  	s9 =	sadd.s32 $0xFFFFFF80, s7;
	[sflag:s30] =	ssyncadd.s32 $0xFFFFE000  }
0xdb: {  	[tilespmem:s21], [sflag:$0x1] =	stream.indirect.gather [hbm4b:s1+s20], $0x40, s9, s20, $0xb8;
	[tilespmem:$0xF000] =	vst v63  }
0xdc: {  	s9 =	sadd.s32 $0xFFFFFF80, s6  }
0xdd: {  	[tilespmem:s22], [sflag:$0x1] =	stream.indirect.gather [hbm4b:s4+s20], $0x40, s9, s20, $0xb8;
	[tilespmem:$0xF000] =	vst v63  }
0xde: {  	_ =	swait.ge [sflag:s31], $0x2000  }
0xdf: {  	[sflag:s31] =	ssyncset.done $0x0  }
0xe0: {  	[sflag:s31] =	ssyncadd.s32 $0xFFFFE000  }
.Ltmp5:
0xe1: {  	_ =	swait.ge [sflag:s31], $0x2000;
	(pc) =	sbr.rel @!p1 .LBB2_3-.Ltmp5, $4  }
0xe2: {  	[sflag:s31] =	ssyncset.done $0x0  }
0xe3: {  	[sflag:s31] =	ssyncadd.s32 $0xFFFFE000  }
0xe4: {  	[tilespmem:s24], [sflag:$0x2] =	stream.indirect.gather [hbm4b:s1+s20], $0x40, s7, s20, $0xb8;
	[tilespmem:$0xF000] =	vst v63  }
0xe5: {  	s6 =	sadd.s32 $0x100, s6;
	s7 =	sadd.s32 $0x100, s7  }
.Ltmp6:
0xe6: {  	(pc) =	sbr.rel .LBB2_8-.Ltmp6, $3  }
0xe7: {  	_ =	sdelay $0x1  }
0xe8: {  	[tilespmem:s25], [sflag:$0x2] =	stream.indirect.gather [hbm4b:s4+s20], $0x40, s0, s20, $0xb8;
	[tilespmem:$0xF000] =	vst v63  }
0xe9: {  	s3 =	smov.u32 s12;
	s0 =	smov.u32 s13  }
.LBB2_9:
0xea: {  	_ =	sfence.sel $0x180000  }
0xeb: {  	[bflag:$0x0] =	sbarrier.arrive $0xFFFF  }
0xec: {  	_ =	strace $0x90000047  }
0xed: {  	s0 =	stileid.u32;
	[bflag:$0x2] =	sbarrier.arrive $0xFFFF  }
0xee: {  	p0 =	sne.s32 s0, $0x0;
	s0 =	rddreg [dreg:$0x2]  }
0xef: {  	s0 =	sadd.s32 @!p0 $0x100000, s0  }
0xf0: {  	[sflag:s0] =	ssyncadd.tile.s32 @!p0 $0x1;
	_ =	shalt  }
.Lfunc_end2:
_tile_overlayer_lowered:
.L_overlay_start_2:
0xf1: {  	(tag) =	ssettag $0x2  }
0xf2: {  	s0 =	rddreg [dreg:$0x0];
	s2 =	stileid.u32  }
0xf3: {  	s1 =	rddreg [dreg:$0x1];
	p0 =	sne.s32 s2, $0x0  }
0xf4: {  	s3 =	rddreg [dreg:$0x2];
	[bflag:$0x3] =	sbarrier.arrive $0xFFFF;
	s2 =	simm.s32 @!p0 $0x1C05  }
0xf5: {  	[timem:s3], [sflag:s2] =	dma.local @!p0 [hbm:s0], s1  }
0xf6: {  	s0 =	simm.s32 @!p0 $0x5  }
0xf7: {  	_ =	swait.ge @!p0 [sflag:s0], s1  }
0xf8: {  	s1 =	ssub.s32 @!p0 $0x0, s1;
	[sflag:s0] =	ssyncset.done @!p0 $0x0  }
0xf9: {  	[sflag:s0] =	ssyncadd.s32 @!p0 s1  }
0xfa: {  	[bflag:$0x3] =	sbarrier.arrive $0xFFFF  }
0xfb: {  	_ =	shalt  }

// kernel: kernel.22.cloned.1.call-start
scs
__scs_entry_jumppad:
0x0: {  	(pc) =	sbr.rel $0x88, $3  }
0x1: {  	(tag) =	ssettag $0x0;
	lr =	simm.s32 $0x1  }
0x2: {  	[smem:$0x3F87] =	sst lr;
	_ =	strace $0xD0000000  }
0x3: {  	_ = 	snop  }
0x4: {  	_ = 	snop  }
0x5: {  	_ = 	snop  }
0x6: {  	_ = 	snop  }
0x7: {  	_ = 	snop  }
__scs_overlays_trampoline_lowered:
0x8: {  	[smem:$0x3F96] =	sst s0  }
0x9: {  	[smem:$0x3F97] =	sst s1  }
0xa: {  	[smem:$0x3F98] =	sst s2  }
0xb: {  	[smem:$0x3F99] =	sst s3  }
0xc: {  	[smem:$0x3F9A] =	sst s4  }
0xd: {  	[smem:$0x3F9B] =	sst s5  }
0xe: {  	[smem:$0x3F9C] =	sst s6  }
0xf: {  	[smem:$0x3F9D] =	sst s7  }
0x10: {  	[smem:$0x3F9E] =	sst s8  }
0x11: {  	[smem:$0x3F9F] =	sst s9;
	s0 =	simm.s32 @!p0 $0x0  }
0x12: {  	s1 =	sld [smem:$0x3F85];
	s0 =	simm.s32 @p0 $0x1  }
0x13: {  	[smem:$0x3FA0] =	sst s0;
	s0 =	simm.s32 @!p1 $0x0  }
0x14: {  	s2 =	sld [smem:$0x3F84];
	s0 =	simm.s32 @p1 $0x1  }
0x15: {  	[smem:$0x3FA1] =	sst s0;
	s0 =	simm.s32 @!p2 $0x0  }
0x16: {  	s3 =	sld [smem:$0x3FDB];
	s0 =	simm.s32 @p2 $0x1  }
0x17: {  	s4 =	simm.s32 $0x1BF5;
	[smem:$0x3FA3] =	sst s0  }
0x18: {  	s0 =	sld [smem:$0x3F86];
	_ =	swait.ge [sflag:s4], $0x0  }
0x19: {  	s7 =	sld [smem:$0x3F87]  }
0x1a: {  	s8 =	sadd.s32 $0xFFFFE003, lr  }
0x1b: {  	s9 =	sadd.s32 $0xFFFFFEF7, lr;
	s5 =	simm.s32 $0xFFFFFFFF;
	p2 =	slt.u32 s8, $0xFFFFF086  }
0x1c: {  	p1 =	slt.u32 s9, $0xF7A;
	s5 =	simm.s32 @!p2 $0x0  }
0x1d: {  	s5 =	simm.s32 @p1 $0x1;
	p0 =	seq.s32 s7, s2  }
0x1e: {  	s7 =	smul.u32 @!p0 $0xF7A, s2;
	p2 =	seq.s32 @!p0 s5, $0x0  }
0x1f: {  	s9 =	smul.u32 $0xF7A, s1;
	s8 =	simm.s32 @!p0 $0x1BF5;
	p2 =	por !p2, p0  }
0x20: {  	[sflag:s8] =	ssyncset.s32 @!p0 $0xFFFFF086;
	s6 =	sadd.s32 @!p0 s3, s7;
	s7 =	simm.s32 @!p0 $0x108  }
0x21: {  	s3 =	sadd.s32 s3, s9;
	s6 =	sadd.s32 @!p0 $0x88, s6;
	s7 =	simm.s32 @p2 $0x1082  }
0x22: {  	[simem:s7], [sflag:s8] =	dma.local @!p0 [hbm:s6], $0xF7A  }
0x23: {  	s9 =	sor.u32 $0xD0000000, s2;
	s6 =	simm.s32 $0x108;
	_ =	swait.ge @!p0 [sflag:s8], $0x0  }
0x24: {  	s3 =	sadd.s32 $0x88, s3;
	s6 =	simm.s32 @!p1 $0x1082;
	[sflag:s4] =	ssyncset.s32 $0xFFFFF086  }
0x25: {  	[simem:s6], [sflag:s4] =	dma.local [hbm:s3], $0xF7A  }
0x26: {  	[smem:$0x3F87] =	sst s1;
	(tag) =	ssettag s2;
	_ =	strace s9  }
0x27: {  	s1 =	sld [smem:$0x3F97]  }
0x28: {  	s2 =	sld [smem:$0x3F98]  }
0x29: {  	s4 =	sld [smem:$0x3F9A]  }
0x2a: {  	p0 =	seq.s32 s5, $0x0;
	s5 =	sld [smem:$0x3F9B]  }
0x2b: {  	s6 =	sld [smem:$0x3F9C]  }
0x2c: {  	s7 =	sld [smem:$0x3F9D]  }
0x2d: {  	s3 =	simm.s32 $0x108;
	s8 =	sld [smem:$0x3F9E]  }
0x2e: {  	s3 =	simm.s32 @!p0 $0x1082;
	s9 =	sld [smem:$0x3F9F]  }
0x2f: {  	lr =	sadd.s32 s0, s3;
	s0 =	sld [smem:$0x3F96]  }
0x30: {  	s3 =	sld [smem:$0x3F99]  }
0x31: {  	[smem:$0x3FA2] =	sst s10  }
0x32: {  	s10 =	sld [smem:$0x3FA0];
	_ =	sdelay $0x3  }
0x33: {  	p0 =	seq.s32 s10, $0x1;
	s10 =	sld [smem:$0x3FA2];
	_ =	sdelay $0x3  }
0x34: {  	[smem:$0x3FA2] =	sst s10  }
0x35: {  	s10 =	sld [smem:$0x3FA1];
	_ =	sdelay $0x3  }
0x36: {  	p1 =	seq.s32 s10, $0x1;
	s10 =	sld [smem:$0x3FA2];
	_ =	sdelay $0x3  }
0x37: {  	[smem:$0x3FA2] =	sst s10  }
0x38: {  	s10 =	sld [smem:$0x3FA3]  }
0x39: {  	_ = 	snop;
	(pc) =	sbr.ind lr, $3  }
0x3a: {  	_ = 	snop  }
0x3b: {  	_ = 	snop  }
0x3c: {  	p2 =	seq.s32 s10, $0x1;
	s10 =	sld [smem:$0x3FA2]  }
0x3d: {  	_ =	shalt  }
0x3e: {  	_ =	shalt  }
0x3f: {  	_ =	shalt  }
0x40: {  	_ =	shalt  }
0x41: {  	_ =	shalt  }
0x42: {  	_ =	shalt  }
0x43: {  	_ =	shalt  }
0x44: {  	_ =	shalt  }
0x45: {  	_ =	shalt  }
0x46: {  	_ =	shalt  }
0x47: {  	_ =	shalt  }
0x48: {  	_ =	shalt  }
0x49: {  	_ =	shalt  }
0x4a: {  	_ =	shalt  }
0x4b: {  	_ =	shalt  }
0x4c: {  	_ =	shalt  }
0x4d: {  	_ =	shalt  }
0x4e: {  	_ =	shalt  }
0x4f: {  	_ =	shalt  }
0x50: {  	_ =	shalt  }
0x51: {  	_ =	shalt  }
0x52: {  	_ =	shalt  }
0x53: {  	_ =	shalt  }
0x54: {  	_ =	shalt  }
0x55: {  	_ =	shalt  }
0x56: {  	_ =	shalt  }
0x57: {  	_ =	shalt  }
0x58: {  	_ =	shalt  }
0x59: {  	_ =	shalt  }
0x5a: {  	_ =	shalt  }
0x5b: {  	_ =	shalt  }
0x5c: {  	_ =	shalt  }
0x5d: {  	_ =	shalt  }
0x5e: {  	_ =	shalt  }
0x5f: {  	_ =	shalt  }
0x60: {  	_ =	shalt  }
0x61: {  	_ =	shalt  }
0x62: {  	_ =	shalt  }
0x63: {  	_ =	shalt  }
0x64: {  	_ =	shalt  }
0x65: {  	_ =	shalt  }
0x66: {  	_ =	shalt  }
0x67: {  	_ =	shalt  }
0x68: {  	_ =	shalt  }
0x69: {  	_ =	shalt  }
0x6a: {  	_ =	shalt  }
0x6b: {  	_ =	shalt  }
0x6c: {  	_ =	shalt  }
0x6d: {  	_ =	shalt  }
0x6e: {  	_ =	shalt  }
0x6f: {  	_ =	shalt  }
0x70: {  	_ =	shalt  }
0x71: {  	_ =	shalt  }
0x72: {  	_ =	shalt  }
0x73: {  	_ =	shalt  }
0x74: {  	_ =	shalt  }
0x75: {  	_ =	shalt  }
0x76: {  	_ =	shalt  }
0x77: {  	_ =	shalt  }
0x78: {  	_ =	shalt  }
0x79: {  	_ =	shalt  }
0x7a: {  	_ =	shalt  }
0x7b: {  	_ =	shalt  }
0x7c: {  	_ =	shalt  }
0x7d: {  	_ =	shalt  }
0x7e: {  	_ =	shalt  }
0x7f: {  	_ =	shalt  }
0x80: {  	_ =	shalt  }
0x81: {  	_ =	shalt  }
0x82: {  	_ =	shalt  }
0x83: {  	_ =	shalt  }
0x84: {  	_ =	shalt  }
0x85: {  	_ =	shalt  }
0x86: {  	_ =	shalt  }
0x87: {  	_ =	shalt  }
.Lfunc_end0:
.L_simem_size_0:
called_computation.2_lowered:
.L_overlay_start_0:
0x88: {  	s2 =	sld [smem:$0x3FD9]  }
0x89: {  	s3 =	sld [smem:$0x3FFE];
	_ =	sdelay $0x1  }
0x8a: {  	s1 =	srdreg.scid  }
0x8b: {  	s0 =	sand.u32 $0x1, s1  }
0x8c: {  	s17 =	sshll.u32 s0, $0xA;
	s2 =	sadd.s32 s3, s2  }
0x8d: {  	s2 =	sadd.s32 s2, s17  }
0x8e: {  	[smem:$0x3FAE] =	sst s2  }
0x8f: {  	_ = 	snop  }
0x90: {  	(tm) =	ssettm $0x1  }
0x91: {  	s18 =	sld [smem:$0x3FFB];
	_ =	sdelay $0x3  }
0x92: {  	_ =	strace s18  }
0x93: {  	s2 =	sld [smem:$0x3FFC];
	_ =	sdelay $0x3  }
0x94: {  	_ =	strace s2  }
0x95: {  	s2 =	sld [smem:$0x3FFD];
	_ =	sdelay $0x3  }
0x96: {  	_ =	strace s2  }
0x97: {  	_ =	strace $0x8FFFFFFF  }
0x98: {  	s19 =	sld [smem:$0x3FDB];
	_ =	sdelay $0x1  }
0x99: {  	s20 =	simm.s32 $_scs_section_size  }
0x9a: {  	s4 =	simm.s32 $_size__tile_overlayer_lowered;
	s5 =	simm.s32 $_tile_overlayer_lowered  }
0x9b: {  	s6 =	simm.s32 $0x1BFF;
	s21 =	sshll.u32 s5, $0x1;
	s3 =	sadd.s32 s20, s19  }
0x9c: {  	s22 =	simm.s32 $0x0;
	s4 =	sshll.u32 s4, $0x1;
	s5 =	sadd.s32 s21, s3  }
0x9d: {  	[timem:s22], [sflag:s6] =	dma.local [hbm:s5], s4  }
0x9e: {  	_ =	swait.ge [sflag:s6], s4  }
0x9f: {  	s4 =	ssub.s32 $0x0, s4;
	[sflag:s6] =	ssyncset.done $0x0  }
0xa0: {  	[sflag:s6] =	ssyncadd.s32 s4;
	_ =	sdelay $0x1  }
0xa1: {  	s23 =	simm.s32 $0x1B8B  }
0xa2: {  	_ =	swait.ge [sflag:s23], $0x1  }
0xa3: {  	[sflag:s23] =	ssyncset.done $0x0  }
0xa4: {  	[sflag:s23] =	ssyncadd.s32 $0xFFFFFFFF  }
0xa5: {  	s4 =	sld [smem:$0x0]  }
0xa6: {  	s5 =	sand.u32 $0xFFFFFFFE, s1  }
0xa7: {  	p0 =	sne.s32 s1, s5  }
0xa8: {  	s5 =	sshll.u32 @p0 s5, $0xE  }
0xa9: {  	s5 =	sadd.s32 @p0 $0x11B8D, s5;
	s6 =	sshll.u32 @p0 s4, $0x11  }
0xaa: {  	s5 =	sor.u32 @p0 s6, s5  }
0xab: {  	[sflag:s5] =	ssyncadd.remote.s32 @p0 $0x1;
	_ =	sdelay $0x1  }
0xac: {  	s5 =	simm.s32 @p0 $0x1B8D  }
0xad: {  	_ =	swait.eq @p0 [sflag:s5], $0x1  }
0xae: {  	[sflag:s5] =	ssyncadd.s32 @p0 $0xFFFFFFFF  }
0xaf: {  	s6 =	sshll.u32 @!p0 s1, $0xE  }
0xb0: {  	s6 =	sor.u32 @!p0 $0x4000, s6;
	s5 =	simm.s32 @!p0 $0x1B8D  }
0xb1: {  	s4 =	sshll.u32 @!p0 s4, $0x11;
	s6 =	sadd.s32 @!p0 $0x11B8D, s6;
	_ =	swait.eq @!p0 [sflag:s5], $0x1  }
0xb2: {  	s4 =	sor.u32 @!p0 s4, s6;
	[sflag:s5] =	ssyncadd.s32 @!p0 $0xFFFFFFFF  }
0xb3: {  	s25 =	simm.s32 $0x1B8E;
	s24 =	sld [smem:$0x3FFE];
	[sflag:s4] =	ssyncadd.remote.s32 @!p0 $0x1  }
0xb4: {  	s26 =	simm.s32 $execute0_lowered;
	[smem:$0x3FD2] =	sst s25  }
0xb5: {  	s5 =	sshll.u32 s26, $0x1;
	_ =	strace $0x8000004C;
	[dreg:$0x1] =	wrdreg $0xFFFFFFFF  }
0xb6: {  	s28 =	simm.s32 $_size_execute0_lowered;
	s3 =	sadd.s32 s3, s5;
	[dreg:$0x0] =	wrdreg $0x0  }
0xb7: {  	s5 =	sshll.u32 s28, $0x1;
	[dreg:$0x2] =	wrdreg s3  }
0xb8: {  	[dreg:$0x3] =	wrdreg s5  }
0xb9: {  	[dreg:$0x4] =	wrdreg $0xC0  }
0xba: {  	_ =	task [dreg:s22], $0x5FFFF  }
0xbb: {  	[dreg:$0x1] =	wrdreg $0xFFFFFFFF  }
0xbc: {  	[dreg:$0x0] =	wrdreg $0x60  }
0xbd: {  	[dreg:$0x2] =	wrdreg s24  }
0xbe: {  	[dreg:$0x3] =	wrdreg $0xA8000  }
0xbf: {  	[dreg:$0x4] =	wrdreg $0xA  }
0xc0: {  	_ =	task.clear_ibuf [dreg:s22], $0x5FFFF;
	_ =	strace $0x9000004C  }
0xc1: {  	s29 =	simm.s32 $0xA;
	_ =	strace $0x8000004E  }
0xc2: {  	_ =	swait.ge [sflag:s29], $0x1  }
0xc3: {  	[sflag:s29] =	ssyncadd.s32 $0xFFFFFFFF  }
0xc4: {  	_ =	strace $0x9000004E  }
0xc5: {  	_ =	sfence  }
0xc6: {  	s30 =	sld [smem:$0x0];
	_ =	sdelay $0x2  }
0xc7: {  	s31 =	sshll.u32 s1, $0xD;
	s1 =	sshrl.u32 s1, $0x2  }
0xc8: {  	s4 =	sand.u32 $0x4000, s31;
	s1 =	sadd.s32 s1, s30  }
0xc9: {  	s0 =	sor.u32 s4, s0;
	s1 =	sshll.u32 s1, $0x11  }
0xca: {  	s0 =	sor.u32 s1, s0  }
0xcb: {  	s0 =	sadd.s32 $0x8F2B, s0  }
0xcc: {  	[sflag:s0] =	ssyncadd.remote.s32 $0x1  }
0xcd: {  	_ =	sfence.sel $0xFFFF  }
0xce: {  	[dreg:$0x0] =	wrdreg $0xFFFFFFFF;
	(pc) =	sbr.abs _section_cstart, $3  }
0xcf: {  	[dreg:$0x1] =	wrdreg $0xFFFFFFFF  }
0xd0: {  	_ =	task.clear_ibuf [dreg:s22], $0x2FFFF;
	_ =	strace $0x9FFFFFFF  }
0xd1: {  	(tm) =	ssettm $0x7FFFFFFF  }
tec
execute0_lowered:
.L_overlay_start_1:
0x0: {  	(tag) =	ssettag $0x1  }
0x1: {  	s4 =	rddreg [dreg:$0x0]  }
0x2: {  	s0 =	srdreg.scid;
	s2 =	rddreg [dreg:$0x1]  }
0x3: {  	s1 =	rddreg [dreg:$0x2];
	s3 =	simm.s32 $0x0;
	s8 =	sand.u32 $0x1, s0  }
0x4: {  	s17 =	simm.s32 $0x6800;
	s0 =	stileid.u32;
	s5 =	smul.u32 $0x500, s8  }
0x5: {  	s18 =	simm.s32 $0x1;
	s19 =	simm.s32 $0x80;
	s6 =	smul.u32 $0x50, s0  }
0x6: {  	s20 =	simm.s32 $0x2;
	s21 =	simm.s32 $0x3;
	s7 =	smul.u32 $0x2800, s0  }
0x7: {  	s22 =	simm.s32 $0x4;
	s23 =	simm.s32 $0x2700;
	s28 =	smul.u32 $0x28000, s8  }
0x8: {  	s24 =	simm.s32 $0x2780;
	s25 =	simm.s32 $0x0;
	s10 =	smul.u32 $0x50000, s0  }
0x9: {  	[smem:$0x7FF] =	sst s3;
	s12 =	sadd.s32 $0x566000, s4;
	s15 =	smul.u32 $0x280000, s8  }
0xa: {  	_ =	strace $0x8000004D;
	s29 =	ssub.s32 $0x2, s8;
	s16 =	smul.u32 $0x28000, s0  }
0xb: {  	s30 =	sshrl.u32 s29, $0x1;
	s9 =	sadd.s32 s6, s5;
	s5 =	sadd.s32 s7, s28  }
0xc: {  	s10 =	sshrl.u32 s10, $0x2;
	s14 =	ssub.s32 s29, s30;
	s15 =	sadd.s32 s15, s12  }
0xd: {  	s6 =	sshll.u32 s9, $0x4;
	s13 =	sadd.s32 s5, s4;
	s9 =	sshll.u32 s9, $0xB  }
0xe: {  	s31 =	sadd.s32 s16, s15;
	s15 =	simm.s32 $0x5;
	s16 =	simm.s32 $0x2800  }
0xf: {  	s6 =	sadd.s32 s6, s4;
	s4 =	sadd.s32 s10, s2;
	s9 =	sadd.s32 s12, s9  }
0x10: {  	s12 =	sadd.s32 $0x56E00, s13;
	s13 =	smax.u32 s14, $0x1;
	s14 =	sadd.s32 $0x1800, s31  }
0x11: {  	s5 =	sadd.s32 $0x4CE00, s6;
	s6 =	sadd.s32 $0x4000, s4;
	s7 =	sadd.s32 $0x8000, s4  }
0x12: {  	v0 =	vimm.f32 $0.0e+00;
	s8 =	sadd.s32 $0xC000, s4;
	s10 =	sadd.s32 $0x10000, s4;
	s11 =	sadd.s32 $0x800, s9  }
.LBB2_1:
0x13: {  	[tilespmem:s3], [sflag:$0x5] =	stream.linear.gather [hbm4b:s5+s3], $0x2800, $0x38;
	[tilespmem:$0x1E800] =	vst v63  }
0x14: {  	_ =	swait.ge [sflag:s15], $0x2800  }
0x15: {  	[sflag:s15] =	ssyncset.done $0x0  }
0x16: {  	s26 =	simm.s32 $0x0;
	s28 =	simm.s32 $0x200;
	[sflag:s15] =	ssyncadd.s32 $0xFFFFD800  }
.LBB2_2:
0x17: {  	p0 =	sne.s32 s28, $0xFE00;
	[tilespmem:s26+$0x2870] =	vst v0  }
0x18: {  	[tilespmem:s26+$0x2800] =	vst v0  }
0x19: {  	[tilespmem:s26+$0x2810] =	vst v0  }
.Ltmp0:
0x1a: {  	[tilespmem:s26+$0x2820] =	vst v0;
	(pc) =	sbr.rel @p0 .LBB2_2-.Ltmp0, $4  }
0x1b: {  	[tilespmem:s26+$0x2830] =	vst v0  }
0x1c: {  	[tilespmem:s26+$0x2840] =	vst v0  }
0x1d: {  	[tilespmem:s26+$0x2850] =	vst v0  }
0x1e: {  	[tilespmem:s26+$0x2860] =	vst v0;
	s26 =	sshra.s32 s28, $0x2;
	s28 =	sadd.s32 $0x200, s28  }
0x1f: {  	[tilespmem:s26+$0x2870] =	vst v0  }
0x20: {  	[tilespmem:s26+$0x2800] =	vst v0  }
0x21: {  	[tilespmem:s26+$0x2810] =	vst v0  }
0x22: {  	[tilespmem:s26+$0x2820] =	vst v0  }
0x23: {  	[tilespmem:s26+$0x2830] =	vst v0  }
0x24: {  	[tilespmem:s26+$0x2840] =	vst v0  }
0x25: {  	[tilespmem:s26+$0x2850] =	vst v0  }
0x26: {  	[tilespmem:s26+$0x2860] =	vst v0  }
0x27: {  	[spmem:s4] =	stream.linear.scatter [tilespmem:s16], [sflag:$0x5], $0x4000, $0x38;
	[tilespmem:$0x1E800] =	vst v63  }
0x28: {  	_ =	swait.ge [sflag:s15], $0x4000  }
0x29: {  	[sflag:s15] =	ssyncset.done $0x0  }
0x2a: {  	[sflag:s15] =	ssyncadd.s32 $0xFFFFC000  }
0x2b: {  	[spmem:s6] =	stream.linear.scatter [tilespmem:s16], [sflag:$0x5], $0x4000, $0x38;
	[tilespmem:$0x1E800] =	vst v63  }
0x2c: {  	_ =	swait.ge [sflag:s15], $0x4000  }
0x2d: {  	[sflag:s15] =	ssyncset.done $0x0  }
0x2e: {  	[sflag:s15] =	ssyncadd.s32 $0xFFFFC000  }
0x2f: {  	[spmem:s7] =	stream.linear.scatter [tilespmem:s16], [sflag:$0x5], $0x4000, $0x38;
	[tilespmem:$0x1E800] =	vst v63  }
0x30: {  	_ =	swait.ge [sflag:s15], $0x4000  }
0x31: {  	[sflag:s15] =	ssyncset.done $0x0  }
0x32: {  	[sflag:s15] =	ssyncadd.s32 $0xFFFFC000  }
0x33: {  	[spmem:s8] =	stream.linear.scatter [tilespmem:s16], [sflag:$0x5], $0x4000, $0x38;
	[tilespmem:$0x1E800] =	vst v63  }
0x34: {  	_ =	swait.ge [sflag:s15], $0x4000  }
0x35: {  	[sflag:s15] =	ssyncset.done $0x0  }
0x36: {  	[sflag:s15] =	ssyncadd.s32 $0xFFFFC000  }
0x37: {  	[spmem:s10] =	stream.linear.scatter [tilespmem:s16], [sflag:$0x5], $0x4000, $0x38;
	[tilespmem:$0x1E800] =	vst v63  }
0x38: {  	_ =	swait.ge [sflag:s15], $0x4000  }
0x39: {  	[sflag:s15] =	ssyncset.done $0x0  }
0x3a: {  	[sflag:s15] =	ssyncadd.s32 $0xFFFFC000  }
0x3b: {  	s30 =	simm.s32 $0x0;
	[bflag:$0x0] =	sbarrier.arrive $0xFFFF  }
0x3c: {  	[tilespmem:s16], [sflag:$0x1] =	stream.linear.gather [hbm4b:s9+s30], $0x4000, $0x38;
	[tilespmem:$0x1E800] =	vst v63  }
0x3d: {  	_ = 	snop  }
0x3e: {  	[tilespmem:s17], [sflag:$0x2] =	stream.linear.gather [hbm4b:s11+s30], $0x4000, $0x38;
	[tilespmem:$0x1E800] =	vst v63  }
0x3f: {  	_ =	swait.ge [sflag:s18], $0x4000  }
0x40: {  	[sflag:s18] =	ssyncset.done $0x0  }
0x41: {  	s31 =	simm.s32 $0x0;
	[sflag:s18] =	ssyncadd.s32 $0xFFFFC000  }
0x42: {  	[spmem:s2] =	stream.indirect.scatter.add.f32 [tilespmem:s16], [sflag:$0x3], $0x80, s31, s19, $0xb8;
	[tilespmem:$0x1E800] =	vst v63  }
0x43: {  	_ =	swait.ge [sflag:s20], $0x4000  }
0x44: {  	[sflag:s20] =	ssyncset.done $0x0  }
0x45: {  	s30 =	simm.s32 $0x80;
	[sflag:s20] =	ssyncadd.s32 $0xFFFFC000  }
0x46: {  	[spmem:s2] =	stream.indirect.scatter.add.f32 [tilespmem:s17], [sflag:$0x4], $0x80, s30, s19, $0xb8;
	[tilespmem:$0x1E800] =	vst v63  }
0x47: {  	_ =	swait.ge [sflag:s21], $0x4000  }
0x48: {  	[sflag:s21] =	ssyncset.done $0x0  }
0x49: {  	s31 =	sadd.s32 $0xFFFFF800, s14;
	[sflag:s21] =	ssyncadd.s32 $0xFFFFC000  }
0x4a: {  	[tilespmem:s16], [sflag:$0x1] =	stream.linear.gather [hbm4b:s31+s3], $0x4000, $0x38;
	[tilespmem:$0x1E800] =	vst v63  }
0x4b: {  	_ =	swait.ge [sflag:s22], $0x4000  }
0x4c: {  	s26 =	simm.s32 $0x400;
	[sflag:s22] =	ssyncset.done $0x0  }
0x4d: {  	s28 =	sadd.s32 $0x1000, s14;
	s29 =	smov.u32 s14;
	[sflag:s22] =	ssyncadd.s32 $0xFFFFC000  }
.LBB2_4:
0x4e: {  	[tilespmem:s17], [sflag:$0x2] =	stream.linear.gather [hbm4b:s29+s3], $0x4000, $0x38;
	[tilespmem:$0x1E800] =	vst v63  }
0x4f: {  	s30 =	smov.u32 s26;
	s29 =	smov.u32 s28  }
0x50: {  	p0 =	sne.s32 s26, $0x9800;
	s26 =	sadd.s32 $0x400, s26;
	_ =	swait.ge [sflag:s18], $0x4000  }
0x51: {  	[sflag:s18] =	ssyncset.done $0x0  }
0x52: {  	s30 =	sshra.s32 s30, $0x2;
	[sflag:s18] =	ssyncadd.s32 $0xFFFFC000  }
0x53: {  	[spmem:s2] =	stream.indirect.scatter.add.f32 [tilespmem:s16], [sflag:$0x3], $0x80, s30, s19, $0xb8;
	[tilespmem:$0x1E800] =	vst v63  }
0x54: {  	_ =	swait.ge [sflag:s20], $0x4000  }
0x55: {  	[sflag:s20] =	ssyncset.done $0x0  }
0x56: {  	s30 =	sadd.s32 $0x80, s30;
	[sflag:s20] =	ssyncadd.s32 $0xFFFFC000  }
0x57: {  	[spmem:s2] =	stream.indirect.scatter.add.f32 [tilespmem:s17], [sflag:$0x4], $0x80, s30, s19, $0xb8;
	[tilespmem:$0x1E800] =	vst v63  }
0x58: {  	_ =	swait.ge [sflag:s21], $0x4000  }
0x59: {  	[sflag:s21] =	ssyncset.done $0x0  }
.Ltmp1:
0x5a: {  	s30 =	sadd.s32 $0xFFFFF800, s28;
	[sflag:s21] =	ssyncadd.s32 $0xFFFFC000;
	(pc) =	sbr.rel @p0 .LBB2_4-.Ltmp1, $4  }
0x5b: {  	[tilespmem:s16], [sflag:$0x1] =	stream.linear.gather [hbm4b:s30+s3], $0x4000, $0x38;
	[tilespmem:$0x1E800] =	vst v63  }
0x5c: {  	_ =	swait.ge [sflag:s22], $0x4000  }
0x5d: {  	[sflag:s22] =	ssyncset.done $0x0  }
0x5e: {  	s28 =	sadd.s32 $0x1000, s28;
	[sflag:s22] =	ssyncadd.s32 $0xFFFFC000  }
0x5f: {  	[tilespmem:s17], [sflag:$0x2] =	stream.linear.gather [hbm4b:s29+s3], $0x4000, $0x38;
	[tilespmem:$0x1E800] =	vst v63  }
0x60: {  	_ =	swait.ge [sflag:s18], $0x4000  }
0x61: {  	[sflag:s18] =	ssyncset.done $0x0  }
0x62: {  	[sflag:s18] =	ssyncadd.s32 $0xFFFFC000  }
0x63: {  	[spmem:s2] =	stream.indirect.scatter.add.f32 [tilespmem:s16], [sflag:$0x3], $0x80, s23, s19, $0xb8;
	[tilespmem:$0x1E800] =	vst v63  }
0x64: {  	_ =	swait.ge [sflag:s20], $0x4000  }
0x65: {  	[sflag:s20] =	ssyncset.done $0x0  }
0x66: {  	[sflag:s20] =	ssyncadd.s32 $0xFFFFC000  }
0x67: {  	[spmem:s2] =	stream.indirect.scatter.add.f32 [tilespmem:s17], [sflag:$0x4], $0x80, s24, s19, $0xb8;
	[tilespmem:$0x1E800] =	vst v63  }
0x68: {  	_ =	swait.ge [sflag:s21], $0x4000  }
0x69: {  	[sflag:s21] =	ssyncset.done $0x0  }
0x6a: {  	[sflag:s21] =	ssyncadd.s32 $0xFFFFC000  }
0x6b: {  	_ =	swait.ge [sflag:s22], $0x4000  }
0x6c: {  	s26 =	sshll.u32 s0, $0x6;
	s25 =	sadd.s32 $0x1, s25;
	[sflag:s22] =	ssyncset.done $0x0  }
0x6d: {  	s28 =	sshrl.u32 s4, $0x3;
	p0 =	sne.s32 s25, s13;
	[sflag:s22] =	ssyncadd.s32 $0xFFFFC000  }
.Ltmp2:
0x6e: {  	s26 =	sor.u32 $0x1C05, s26;
	[bflag:$0x0] =	sbarrier.arrive $0xFFFF;
	(pc) =	sbr.rel @p0 .LBB2_1-.Ltmp2, $4  }
0x6f: {  	[hbm:s12], [sflag:s26] =	dma.local [spmem:s28], $0x2800  }
0x70: {  	_ =	swait.ge [sflag:s15], $0x2800  }
0x71: {  	[sflag:s15] =	ssyncset.done $0x0  }
0x72: {  	[sflag:s15] =	ssyncadd.s32 $0xFFFFD800  }
0x73: {  	_ =	sfence.sel $0x180000  }
0x74: {  	[bflag:$0x0] =	sbarrier.arrive $0xFFFF  }
0x75: {  	p0 =	sne.s32 s0, $0x0;
	_ =	strace $0x9000004D  }
0x76: {  	s0 =	sadd.s32 @!p0 $0x100000, s1;
	[bflag:$0x2] =	sbarrier.arrive $0xFFFF  }
0x77: {  	[sflag:s0] =	ssyncadd.tile.s32 @!p0 $0x1;
	_ =	shalt  }
.Lfunc_end2:
_tile_overlayer_lowered:
.L_overlay_start_2:
0x78: {  	(tag) =	ssettag $0x2  }
0x79: {  	s0 =	rddreg [dreg:$0x0];
	s2 =	stileid.u32  }
0x7a: {  	s1 =	rddreg [dreg:$0x1];
	p0 =	sne.s32 s2, $0x0  }
0x7b: {  	s3 =	rddreg [dreg:$0x2];
	[bflag:$0x3] =	sbarrier.arrive $0xFFFF;
	s2 =	simm.s32 @!p0 $0x1C05  }
0x7c: {  	[timem:s3], [sflag:s2] =	dma.local @!p0 [hbm:s0], s1  }
0x7d: {  	s0 =	simm.s32 @!p0 $0x5  }
0x7e: {  	_ =	swait.ge @!p0 [sflag:s0], s1  }
0x7f: {  	s1 =	ssub.s32 @!p0 $0x0, s1;
	[sflag:s0] =	ssyncset.done @!p0 $0x0  }
0x80: {  	[sflag:s0] =	ssyncadd.s32 @!p0 s1  }
0x81: {  	[bflag:$0x3] =	sbarrier.arrive $0xFFFF  }
0x82: {  	_ =	shalt  }

// kernel: kernel.25.cloned.1.call-start
scs
__scs_entry_jumppad:
0x0: {  	(pc) =	sbr.rel $0x88, $3  }
0x1: {  	(tag) =	ssettag $0x0;
	lr =	simm.s32 $0x1  }
0x2: {  	[smem:$0x3F87] =	sst lr;
	_ =	strace $0xD0000000  }
0x3: {  	_ = 	snop  }
0x4: {  	_ = 	snop  }
0x5: {  	_ = 	snop  }
0x6: {  	_ = 	snop  }
0x7: {  	_ = 	snop  }
__scs_overlays_trampoline_lowered:
0x8: {  	[smem:$0x3F96] =	sst s0  }
0x9: {  	[smem:$0x3F97] =	sst s1  }
0xa: {  	[smem:$0x3F98] =	sst s2  }
0xb: {  	[smem:$0x3F99] =	sst s3  }
0xc: {  	[smem:$0x3F9A] =	sst s4  }
0xd: {  	[smem:$0x3F9B] =	sst s5  }
0xe: {  	[smem:$0x3F9C] =	sst s6  }
0xf: {  	[smem:$0x3F9D] =	sst s7  }
0x10: {  	[smem:$0x3F9E] =	sst s8  }
0x11: {  	[smem:$0x3F9F] =	sst s9;
	s0 =	simm.s32 @!p0 $0x0  }
0x12: {  	s1 =	sld [smem:$0x3F85];
	s0 =	simm.s32 @p0 $0x1  }
0x13: {  	[smem:$0x3FA0] =	sst s0;
	s0 =	simm.s32 @!p1 $0x0  }
0x14: {  	s2 =	sld [smem:$0x3F84];
	s0 =	simm.s32 @p1 $0x1  }
0x15: {  	[smem:$0x3FA1] =	sst s0;
	s0 =	simm.s32 @!p2 $0x0  }
0x16: {  	s3 =	sld [smem:$0x3FDB];
	s0 =	simm.s32 @p2 $0x1  }
0x17: {  	s4 =	simm.s32 $0x1BF5;
	[smem:$0x3FA3] =	sst s0  }
0x18: {  	s0 =	sld [smem:$0x3F86];
	_ =	swait.ge [sflag:s4], $0x0  }
0x19: {  	s7 =	sld [smem:$0x3F87]  }
0x1a: {  	s8 =	sadd.s32 $0xFFFFE003, lr  }
0x1b: {  	s9 =	sadd.s32 $0xFFFFFEF7, lr;
	s5 =	simm.s32 $0xFFFFFFFF;
	p2 =	slt.u32 s8, $0xFFFFF086  }
0x1c: {  	p1 =	slt.u32 s9, $0xF7A;
	s5 =	simm.s32 @!p2 $0x0  }
0x1d: {  	s5 =	simm.s32 @p1 $0x1;
	p0 =	seq.s32 s7, s2  }
0x1e: {  	s7 =	smul.u32 @!p0 $0xF7A, s2;
	p2 =	seq.s32 @!p0 s5, $0x0  }
0x1f: {  	s9 =	smul.u32 $0xF7A, s1;
	s8 =	simm.s32 @!p0 $0x1BF5;
	p2 =	por !p2, p0  }
0x20: {  	[sflag:s8] =	ssyncset.s32 @!p0 $0xFFFFF086;
	s6 =	sadd.s32 @!p0 s3, s7;
	s7 =	simm.s32 @!p0 $0x108  }
0x21: {  	s3 =	sadd.s32 s3, s9;
	s6 =	sadd.s32 @!p0 $0x88, s6;
	s7 =	simm.s32 @p2 $0x1082  }
0x22: {  	[simem:s7], [sflag:s8] =	dma.local @!p0 [hbm:s6], $0xF7A  }
0x23: {  	s9 =	sor.u32 $0xD0000000, s2;
	s6 =	simm.s32 $0x108;
	_ =	swait.ge @!p0 [sflag:s8], $0x0  }
0x24: {  	s3 =	sadd.s32 $0x88, s3;
	s6 =	simm.s32 @!p1 $0x1082;
	[sflag:s4] =	ssyncset.s32 $0xFFFFF086  }
0x25: {  	[simem:s6], [sflag:s4] =	dma.local [hbm:s3], $0xF7A  }
0x26: {  	[smem:$0x3F87] =	sst s1;
	(tag) =	ssettag s2;
	_ =	strace s9  }
0x27: {  	s1 =	sld [smem:$0x3F97]  }
0x28: {  	s2 =	sld [smem:$0x3F98]  }
0x29: {  	s4 =	sld [smem:$0x3F9A]  }
0x2a: {  	p0 =	seq.s32 s5, $0x0;
	s5 =	sld [smem:$0x3F9B]  }
0x2b: {  	s6 =	sld [smem:$0x3F9C]  }
0x2c: {  	s7 =	sld [smem:$0x3F9D]  }
0x2d: {  	s3 =	simm.s32 $0x108;
	s8 =	sld [smem:$0x3F9E]  }
0x2e: {  	s3 =	simm.s32 @!p0 $0x1082;
	s9 =	sld [smem:$0x3F9F]  }
0x2f: {  	lr =	sadd.s32 s0, s3;
	s0 =	sld [smem:$0x3F96]  }
0x30: {  	s3 =	sld [smem:$0x3F99]  }
0x31: {  	[smem:$0x3FA2] =	sst s10  }
0x32: {  	s10 =	sld [smem:$0x3FA0];
	_ =	sdelay $0x3  }
0x33: {  	p0 =	seq.s32 s10, $0x1;
	s10 =	sld [smem:$0x3FA2];
	_ =	sdelay $0x3  }
0x34: {  	[smem:$0x3FA2] =	sst s10  }
0x35: {  	s10 =	sld [smem:$0x3FA1];
	_ =	sdelay $0x3  }
0x36: {  	p1 =	seq.s32 s10, $0x1;
	s10 =	sld [smem:$0x3FA2];
	_ =	sdelay $0x3  }
0x37: {  	[smem:$0x3FA2] =	sst s10  }
0x38: {  	s10 =	sld [smem:$0x3FA3]  }
0x39: {  	_ = 	snop;
	(pc) =	sbr.ind lr, $3  }
0x3a: {  	_ = 	snop  }
0x3b: {  	_ = 	snop  }
0x3c: {  	p2 =	seq.s32 s10, $0x1;
	s10 =	sld [smem:$0x3FA2]  }
0x3d: {  	_ =	shalt  }
0x3e: {  	_ =	shalt  }
0x3f: {  	_ =	shalt  }
0x40: {  	_ =	shalt  }
0x41: {  	_ =	shalt  }
0x42: {  	_ =	shalt  }
0x43: {  	_ =	shalt  }
0x44: {  	_ =	shalt  }
0x45: {  	_ =	shalt  }
0x46: {  	_ =	shalt  }
0x47: {  	_ =	shalt  }
0x48: {  	_ =	shalt  }
0x49: {  	_ =	shalt  }
0x4a: {  	_ =	shalt  }
0x4b: {  	_ =	shalt  }
0x4c: {  	_ =	shalt  }
0x4d: {  	_ =	shalt  }
0x4e: {  	_ =	shalt  }
0x4f: {  	_ =	shalt  }
0x50: {  	_ =	shalt  }
0x51: {  	_ =	shalt  }
0x52: {  	_ =	shalt  }
0x53: {  	_ =	shalt  }
0x54: {  	_ =	shalt  }
0x55: {  	_ =	shalt  }
0x56: {  	_ =	shalt  }
0x57: {  	_ =	shalt  }
0x58: {  	_ =	shalt  }
0x59: {  	_ =	shalt  }
0x5a: {  	_ =	shalt  }
0x5b: {  	_ =	shalt  }
0x5c: {  	_ =	shalt  }
0x5d: {  	_ =	shalt  }
0x5e: {  	_ =	shalt  }
0x5f: {  	_ =	shalt  }
0x60: {  	_ =	shalt  }
0x61: {  	_ =	shalt  }
0x62: {  	_ =	shalt  }
0x63: {  	_ =	shalt  }
0x64: {  	_ =	shalt  }
0x65: {  	_ =	shalt  }
0x66: {  	_ =	shalt  }
0x67: {  	_ =	shalt  }
0x68: {  	_ =	shalt  }
0x69: {  	_ =	shalt  }
0x6a: {  	_ =	shalt  }
0x6b: {  	_ =	shalt  }
0x6c: {  	_ =	shalt  }
0x6d: {  	_ =	shalt  }
0x6e: {  	_ =	shalt  }
0x6f: {  	_ =	shalt  }
0x70: {  	_ =	shalt  }
0x71: {  	_ =	shalt  }
0x72: {  	_ =	shalt  }
0x73: {  	_ =	shalt  }
0x74: {  	_ =	shalt  }
0x75: {  	_ =	shalt  }
0x76: {  	_ =	shalt  }
0x77: {  	_ =	shalt  }
0x78: {  	_ =	shalt  }
0x79: {  	_ =	shalt  }
0x7a: {  	_ =	shalt  }
0x7b: {  	_ =	shalt  }
0x7c: {  	_ =	shalt  }
0x7d: {  	_ =	shalt  }
0x7e: {  	_ =	shalt  }
0x7f: {  	_ =	shalt  }
0x80: {  	_ =	shalt  }
0x81: {  	_ =	shalt  }
0x82: {  	_ =	shalt  }
0x83: {  	_ =	shalt  }
0x84: {  	_ =	shalt  }
0x85: {  	_ =	shalt  }
0x86: {  	_ =	shalt  }
0x87: {  	_ =	shalt  }
.Lfunc_end0:
.L_simem_size_0:
called_computation.3_lowered:
.L_overlay_start_0:
0x88: {  	s2 =	sld [smem:$0x3FD9]  }
0x89: {  	s3 =	sld [smem:$0x3FFE];
	_ =	sdelay $0x1  }
0x8a: {  	s1 =	srdreg.scid  }
0x8b: {  	s0 =	sand.u32 $0x1, s1  }
0x8c: {  	s17 =	sshll.u32 s0, $0xA;
	s2 =	sadd.s32 s3, s2  }
0x8d: {  	s2 =	sadd.s32 s2, s17  }
0x8e: {  	[smem:$0x3FAE] =	sst s2  }
0x8f: {  	_ = 	snop  }
0x90: {  	s2 =	sld [smem:$0x3FD0];
	(tm) =	ssettm $0x1  }
0x91: {  	s18 =	sld [smem:$0x3FFB];
	_ =	sdelay $0x3  }
0x92: {  	_ =	strace s18  }
0x93: {  	s3 =	sld [smem:$0x3FFC];
	_ =	sdelay $0x3  }
0x94: {  	_ =	strace s3  }
0x95: {  	s3 =	sld [smem:$0x3FFD];
	_ =	sdelay $0x3  }
0x96: {  	_ =	strace s3  }
0x97: {  	_ =	strace $0x8FFFFFFF  }
0x98: {  	s19 =	sld [smem:$0x3FDB];
	_ =	sdelay $0x1  }
0x99: {  	s4 =	simm.s32 $_scs_section_size  }
0x9a: {  	s5 =	simm.s32 $_size__tile_overlayer_lowered;
	s6 =	simm.s32 $_tile_overlayer_lowered  }
0x9b: {  	s22 =	simm.s32 $0x1BFF;
	s21 =	sshll.u32 s6, $0x1;
	s3 =	sadd.s32 s4, s19  }
0x9c: {  	s7 =	simm.s32 $0x0;
	s20 =	sshll.u32 s5, $0x1;
	s5 =	sadd.s32 s21, s3  }
0x9d: {  	[timem:s7], [sflag:s22] =	dma.local [hbm:s5], s20  }
0x9e: {  	_ =	swait.ge [sflag:s22], s20  }
0x9f: {  	s4 =	ssub.s32 $0x0, s20;
	[sflag:s22] =	ssyncset.done $0x0  }
0xa0: {  	[sflag:s22] =	ssyncadd.s32 s4;
	_ =	sdelay $0x1  }
0xa1: {  	s23 =	simm.s32 $0x1B8B  }
0xa2: {  	_ =	swait.ge [sflag:s23], $0x1  }
0xa3: {  	[sflag:s23] =	ssyncset.done $0x0  }
0xa4: {  	s25 =	simm.s32 $0x1B8E;
	s24 =	sld [smem:$0x3FFE];
	[sflag:s23] =	ssyncadd.s32 $0xFFFFFFFF  }
0xa5: {  	s26 =	simm.s32 $execute0_lowered;
	[smem:$0x3FD2] =	sst s25  }
0xa6: {  	s5 =	sshll.u32 s26, $0x1;
	_ =	strace $0x8000004F;
	[dreg:$0x1] =	wrdreg $0xFFFFFFFF  }
0xa7: {  	s28 =	simm.s32 $_size_execute0_lowered;
	s3 =	sadd.s32 s3, s5;
	[dreg:$0x0] =	wrdreg $0x0  }
0xa8: {  	s5 =	sshll.u32 s28, $0x1;
	[dreg:$0x2] =	wrdreg s3  }
0xa9: {  	[dreg:$0x3] =	wrdreg s5  }
0xaa: {  	[dreg:$0x4] =	wrdreg $0xC0  }
0xab: {  	_ =	task [dreg:s7], $0x5FFFF  }
0xac: {  	[dreg:$0x1] =	wrdreg $0xFFFFFFFF  }
0xad: {  	[dreg:$0x0] =	wrdreg $0x60  }
0xae: {  	[dreg:$0x2] =	wrdreg s2  }
0xaf: {  	[dreg:$0x3] =	wrdreg s24  }
0xb0: {  	[dreg:$0x4] =	wrdreg $0x9  }
0xb1: {  	_ =	task.clear_ibuf [dreg:s7], $0x5FFFF;
	_ =	strace $0x9000004F  }
0xb2: {  	s29 =	simm.s32 $0x9;
	_ =	strace $0x80000051  }
0xb3: {  	_ =	swait.ge [sflag:s29], $0x1  }
0xb4: {  	[sflag:s29] =	ssyncadd.s32 $0xFFFFFFFF  }
0xb5: {  	_ =	strace $0x90000051  }
0xb6: {  	_ =	sfence  }
0xb7: {  	s30 =	sld [smem:$0x0];
	_ =	sdelay $0x2  }
0xb8: {  	s31 =	sshll.u32 s1, $0xD;
	s1 =	sshrl.u32 s1, $0x2  }
0xb9: {  	s3 =	sand.u32 $0x4000, s31;
	s1 =	sadd.s32 s1, s30  }
0xba: {  	s0 =	sor.u32 s3, s0;
	s1 =	sshll.u32 s1, $0x11  }
0xbb: {  	s0 =	sor.u32 s1, s0  }
0xbc: {  	s0 =	sadd.s32 $0x8F2B, s0  }
0xbd: {  	[sflag:s0] =	ssyncadd.remote.s32 $0x1  }
0xbe: {  	_ =	sfence.sel $0xFFFF  }
0xbf: {  	[dreg:$0x0] =	wrdreg $0xFFFFFFFF;
	(pc) =	sbr.abs _section_cstart, $3  }
0xc0: {  	[dreg:$0x1] =	wrdreg $0xFFFFFFFF  }
0xc1: {  	_ =	task.clear_ibuf [dreg:s7], $0x2FFFF;
	_ =	strace $0x9FFFFFFF  }
0xc2: {  	(tm) =	ssettm $0x7FFFFFFF  }
0xc3: {  	_ =	shalt  }
tec
execute0_lowered:
.L_overlay_start_1:
0x0: {  	(tag) =	ssettag $0x1  }
0x1: {  	s1 =	rddreg [dreg:$0x0]  }
0x2: {  	s0 =	rddreg [dreg:$0x1];
	s2 =	simm.s32 $0x0  }
0x3: {  	s3 =	srdreg.scid;
	s13 =	stileid.u32;
	s18 =	simm.s32 $0x3800  }
0x4: {  	s19 =	simm.s32 $0x5;
	s20 =	simm.s32 $0x80;
	s21 =	simm.s32 $0x7000  }
0x5: {  	s28 =	simm.s32 $0x40;
	s29 =	simm.s32 $0x2;
	s30 =	simm.s32 $0x3  }
0x6: {  	s31 =	simm.s32 $0x4;
	[smem:$0x7FF] =	sst s2;
	s9 =	smul.u32 $0x700, s13  }
0x7: {  	s4 =	sadd.s32 $0x2EE00, s0;
	s6 =	sadd.s32 $0x42E00, s0;
	s11 =	smul.u32 $0x300, s13  }
0x8: {  	s3 =	sand.u32 $0x1, s3;
	s7 =	sadd.s32 $0x4CE00, s0;
	s16 =	smul.u32 $0x38000, s13  }
0x9: {  	s5 =	sadd.s32 $0xF6E00, s0;
	s26 =	smul.u32 $0x18000, s13;
	s8 =	ssub.s32 $0x2, s3  }
0xa: {  	_ =	strace $0x80000050;
	p0 =	seq.s32 s3, $0x1;
	s10 =	sshrl.u32 s8, $0x1  }
0xb: {  	s22 =	sadd.s32 s7, s9;
	s23 =	sadd.s32 s6, s9;
	s24 =	sadd.s32 $0x7000, s11  }
0xc: {  	s13 =	sadd.s32 $0x37800, s16;
	s14 =	sadd.s32 $0x397000, s26;
	s15 =	sadd.s32 $0x397800, s26  }
0xd: {  	s17 =	sadd.s32 s26, s5;
	s26 =	simm.s32 $0x1;
	[dreg:$0x3] =	wrdreg s22  }
.Ltmp0:
0xe: {  	s12 =	ssub.s32 s8, s10;
	[dreg:$0x4] =	wrdreg s23;
	(pc) =	sbr.rel .LBB2_1-.Ltmp0, $4  }
0xf: {  	s8 =	sadd.s32 $0xF6E08, s0;
	s25 =	sadd.s32 s7, s24;
	s3 =	sadd.s32 s6, s24  }
0x10: {  	s22 =	simm.s32 $0xB000;
	s23 =	simm.s32 $0x3880;
	[dreg:$0x5] =	wrdreg s25  }
0x11: {  	s24 =	simm.s32 $0x9000;
	[dreg:$0x6] =	wrdreg s3;
	s11 =	smax.u32 s12, $0x1  }
0x12: {  	s12 =	sadd.s32 $0x37000, s16;
	s16 =	sadd.s32 s16, s5;
	s25 =	simm.s32 $0xD000  }
.LBB2_7:
0x13: {  	[tilespmem:s25], [sflag:$0x2] =	stream.indirect.gather [hbm4b:s4+s20], $0x40, s0, s20, $0xb8;
	[tilespmem:$0xF000] =	vst v63  }
0x14: {  	s3 =	smov.u32 s14;
	s0 =	smov.u32 s15  }
.LBB2_8:
0x15: {  	_ =	swait.ge [sflag:s26], $0x2000  }
0x16: {  	[sflag:s26] =	ssyncset.done $0x0  }
0x17: {  	[sflag:s26] =	ssyncadd.s32 $0xFFFFE000  }
0x18: {  	_ =	swait.ge [sflag:s26], $0x2000  }
0x19: {  	[sflag:s26] =	ssyncset.done $0x0  }
0x1a: {  	s6 =	sadd.s32 s5, s3;
	[sflag:s26] =	ssyncadd.s32 $0xFFFFE000  }
0x1b: {  	[hbm4b:s6+s28] =	stream.strided.scatter [tilespmem:s21], [sflag:$0x3], $0x2000, s20, s28, $0x38;
	[tilespmem:$0xF000] =	vst v63  }
0x1c: {  	s7 =	sadd.s32 s3, s8  }
0x1d: {  	[hbm4b:s7+s28] =	stream.strided.scatter [tilespmem:s22], [sflag:$0x3], $0x2000, s20, s28, $0x38;
	[tilespmem:$0xF000] =	vst v63  }
0x1e: {  	_ =	swait.ge [sflag:s29], $0x2000  }
0x1f: {  	[sflag:s29] =	ssyncset.done $0x0  }
0x20: {  	[sflag:s29] =	ssyncadd.s32 $0xFFFFE000  }
0x21: {  	_ =	swait.ge [sflag:s29], $0x2000  }
0x22: {  	[sflag:s29] =	ssyncset.done $0x0  }
0x23: {  	s9 =	sadd.s32 s5, s0;
	[sflag:s29] =	ssyncadd.s32 $0xFFFFE000  }
0x24: {  	[hbm4b:s9+s28] =	stream.strided.scatter [tilespmem:s24], [sflag:$0x4], $0x2000, s20, s28, $0x38;
	[tilespmem:$0xF000] =	vst v63  }
0x25: {  	s10 =	sadd.s32 s0, s8  }
0x26: {  	[hbm4b:s10+s28] =	stream.strided.scatter [tilespmem:s25], [sflag:$0x4], $0x2000, s20, s28, $0x38;
	[tilespmem:$0xF000] =	vst v63  }
0x27: {  	_ =	swait.ge [sflag:s30], $0x2000  }
0x28: {  	[sflag:s30] =	ssyncset.done $0x0  }
0x29: {  	[sflag:s30] =	ssyncadd.s32 $0xFFFFE000  }
0x2a: {  	_ =	swait.ge [sflag:s30], $0x2000  }
0x2b: {  	[sflag:s30] =	ssyncset.done $0x0  }
0x2c: {  	s2 =	sadd.s32 $0x1, s2;
	[sflag:s30] =	ssyncadd.s32 $0xFFFFE000  }
0x2d: {  	p1 =	sne.s32 s2, s11;
	_ =	swait.ge [sflag:s31], $0x2000  }
.Ltmp1:
0x2e: {  	[sflag:s31] =	ssyncset.done $0x0;
	(pc) =	sbr.rel @!p1 .LBB2_9-.Ltmp1, $4  }
0x2f: {  	[sflag:s31] =	ssyncadd.s32 $0xFFFFE000  }
0x30: {  	_ =	swait.ge [sflag:s31], $0x2000  }
0x31: {  	[sflag:s31] =	ssyncset.done $0x0  }
0x32: {  	[sflag:s31] =	ssyncadd.s32 $0xFFFFE000  }
.LBB2_1:
.Ltmp2:
0x33: {  	(pc) =	sbr.rel @!p0 .LBB2_2-.Ltmp2, $2  }
0x34: {  	_ =	sdelay $0x2  }
0x35: {  	s0 =	simm.s32 $0x0  }
0x36: {  	s3 =	rddreg [dreg:$0x5]  }
0x37: {  	[tilespmem:s18], [sflag:$0x5] =	stream.linear.gather [hbm4b:s3+s0], $0x1800, $0x38;
	[tilespmem:$0xF000] =	vst v63  }
0x38: {  	_ =	swait.ge [sflag:s19], $0x1800  }
0x39: {  	[sflag:s19] =	ssyncset.done $0x0  }
0x3a: {  	s6 =	rddreg [dreg:$0x6];
	[sflag:s19] =	ssyncadd.s32 $0xFFFFE800  }
0x3b: {  	[tilespmem:s0], [sflag:$0x5] =	stream.linear.gather [hbm4b:s6+s0], $0x1800, $0x38;
	[tilespmem:$0xF000] =	vst v63  }
0x3c: {  	_ =	swait.ge [sflag:s19], $0x1800  }
0x3d: {  	[sflag:s19] =	ssyncset.done $0x0  }
0x3e: {  	[sflag:s19] =	ssyncadd.s32 $0xFFFFE800  }
0x3f: {  	[tilespmem:s21], [sflag:$0x1] =	stream.indirect.gather [hbm4b:s1+s20], $0x40, s18, s20, $0xb8;
	[tilespmem:$0xF000] =	vst v63  }
0x40: {  	_ = 	snop  }
0x41: {  	[tilespmem:s22], [sflag:$0x1] =	stream.indirect.gather [hbm4b:s4+s20], $0x40, s0, s20, $0xb8;
	[tilespmem:$0xF000] =	vst v63  }
0x42: {  	_ = 	snop  }
0x43: {  	[tilespmem:s24], [sflag:$0x2] =	stream.indirect.gather [hbm4b:s1+s20], $0x40, s23, s20, $0xb8;
	[tilespmem:$0xF000] =	vst v63  }
0x44: {  	_ = 	snop  }
0x45: {  	[tilespmem:s25], [sflag:$0x2] =	stream.indirect.gather [hbm4b:s4+s20], $0x40, s20, s20, $0xb8;
	[tilespmem:$0xF000] =	vst v63  }
0x46: {  	_ =	swait.ge [sflag:s26], $0x2000  }
0x47: {  	[sflag:s26] =	ssyncset.done $0x0  }
0x48: {  	[sflag:s26] =	ssyncadd.s32 $0xFFFFE000  }
0x49: {  	_ =	swait.ge [sflag:s26], $0x2000  }
0x4a: {  	s7 =	sadd.s32 $0x0, s17;
	[sflag:s26] =	ssyncset.done $0x0  }
0x4b: {  	s9 =	sadd.s32 $0x380000, s7;
	[sflag:s26] =	ssyncadd.s32 $0xFFFFE000  }
0x4c: {  	[hbm4b:s9+s28] =	stream.strided.scatter [tilespmem:s21], [sflag:$0x3], $0x2000, s20, s28, $0x38;
	[tilespmem:$0xF000] =	vst v63  }
0x4d: {  	s10 =	sadd.s32 $0x380008, s7  }
0x4e: {  	[hbm4b:s10+s28] =	stream.strided.scatter [tilespmem:s22], [sflag:$0x3], $0x2000, s20, s28, $0x38;
	[tilespmem:$0xF000] =	vst v63  }
0x4f: {  	_ =	swait.ge [sflag:s29], $0x2000  }
0x50: {  	[sflag:s29] =	ssyncset.done $0x0  }
0x51: {  	[sflag:s29] =	ssyncadd.s32 $0xFFFFE000  }
0x52: {  	_ =	swait.ge [sflag:s29], $0x2000  }
0x53: {  	[sflag:s29] =	ssyncset.done $0x0  }
0x54: {  	s6 =	sadd.s32 $0x380800, s7;
	[sflag:s29] =	ssyncadd.s32 $0xFFFFE000  }
0x55: {  	[hbm4b:s6+s28] =	stream.strided.scatter [tilespmem:s24], [sflag:$0x4], $0x2000, s20, s28, $0x38;
	[tilespmem:$0xF000] =	vst v63  }
0x56: {  	s0 =	sadd.s32 $0x380808, s7  }
0x57: {  	[hbm4b:s0+s28] =	stream.strided.scatter [tilespmem:s25], [sflag:$0x4], $0x2000, s20, s28, $0x38;
	[tilespmem:$0xF000] =	vst v63  }
0x58: {  	_ =	swait.ge [sflag:s30], $0x2000  }
0x59: {  	[sflag:s30] =	ssyncset.done $0x0  }
0x5a: {  	[sflag:s30] =	ssyncadd.s32 $0xFFFFE000  }
0x5b: {  	_ =	swait.ge [sflag:s30], $0x2000  }
0x5c: {  	[sflag:s30] =	ssyncset.done $0x0  }
0x5d: {  	s7 =	simm.s32 $0x3900;
	[sflag:s30] =	ssyncadd.s32 $0xFFFFE000  }
0x5e: {  	[tilespmem:s21], [sflag:$0x1] =	stream.indirect.gather [hbm4b:s1+s20], $0x40, s7, s20, $0xb8;
	[tilespmem:$0xF000] =	vst v63  }
0x5f: {  	s9 =	simm.s32 $0x100  }
0x60: {  	[tilespmem:s22], [sflag:$0x1] =	stream.indirect.gather [hbm4b:s4+s20], $0x40, s9, s20, $0xb8;
	[tilespmem:$0xF000] =	vst v63  }
0x61: {  	_ =	swait.ge [sflag:s31], $0x2000  }
0x62: {  	[sflag:s31] =	ssyncset.done $0x0  }
0x63: {  	[sflag:s31] =	ssyncadd.s32 $0xFFFFE000  }
0x64: {  	s3 =	simm.s32 $0x1000;
	_ =	swait.ge [sflag:s31], $0x2000  }
0x65: {  	s10 =	simm.s32 $0x3980;
	s6 =	simm.s32 $0x280;
	[sflag:s31] =	ssyncset.done $0x0  }
0x66: {  	s0 =	simm.s32 $0x180;
	s7 =	simm.s32 $0x3A80;
	[sflag:s31] =	ssyncadd.s32 $0xFFFFE000  }
0x67: {  	[tilespmem:s24], [sflag:$0x2] =	stream.indirect.gather [hbm4b:s1+s20], $0x40, s10, s20, $0xb8;
	[tilespmem:$0xF000] =	vst v63  }
.LBB2_6:
0x68: {  	[tilespmem:s25], [sflag:$0x2] =	stream.indirect.gather [hbm4b:s4+s20], $0x40, s0, s20, $0xb8;
	[tilespmem:$0xF000] =	vst v63  }
0x69: {  	s9 =	smov.u32 s3;
	s0 =	smov.u32 s6  }
0x6a: {  	p1 =	sne.s32 s3, $0x16000;
	s3 =	sadd.s32 $0x1000, s3;
	_ =	swait.ge [sflag:s26], $0x2000  }
0x6b: {  	[sflag:s26] =	ssyncset.done $0x0  }
0x6c: {  	[sflag:s26] =	ssyncadd.s32 $0xFFFFE000  }
0x6d: {  	_ =	swait.ge [sflag:s26], $0x2000  }
0x6e: {  	s9 =	sadd.s32 s9, s17;
	[sflag:s26] =	ssyncset.done $0x0  }
0x6f: {  	s10 =	sadd.s32 $0x380000, s9;
	[sflag:s26] =	ssyncadd.s32 $0xFFFFE000  }
0x70: {  	[hbm4b:s10+s28] =	stream.strided.scatter [tilespmem:s21], [sflag:$0x3], $0x2000, s20, s28, $0x38;
	[tilespmem:$0xF000] =	vst v63  }
0x71: {  	s10 =	sadd.s32 $0x380008, s9  }
0x72: {  	[hbm4b:s10+s28] =	stream.strided.scatter [tilespmem:s22], [sflag:$0x3], $0x2000, s20, s28, $0x38;
	[tilespmem:$0xF000] =	vst v63  }
0x73: {  	_ =	swait.ge [sflag:s29], $0x2000  }
0x74: {  	[sflag:s29] =	ssyncset.done $0x0  }
0x75: {  	[sflag:s29] =	ssyncadd.s32 $0xFFFFE000  }
0x76: {  	_ =	swait.ge [sflag:s29], $0x2000  }
0x77: {  	[sflag:s29] =	ssyncset.done $0x0  }
0x78: {  	s10 =	sadd.s32 $0x380800, s9;
	[sflag:s29] =	ssyncadd.s32 $0xFFFFE000  }
0x79: {  	[hbm4b:s10+s28] =	stream.strided.scatter [tilespmem:s24], [sflag:$0x4], $0x2000, s20, s28, $0x38;
	[tilespmem:$0xF000] =	vst v63  }
0x7a: {  	s9 =	sadd.s32 $0x380808, s9  }
0x7b: {  	[hbm4b:s9+s28] =	stream.strided.scatter [tilespmem:s25], [sflag:$0x4], $0x2000, s20, s28, $0x38;
	[tilespmem:$0xF000] =	vst v63  }
0x7c: {  	_ =	swait.ge [sflag:s30], $0x2000  }
0x7d: {  	[sflag:s30] =	ssyncset.done $0x0  }
0x7e: {  	[sflag:s30] =	ssyncadd.s32 $0xFFFFE000  }
0x7f: {  	_ =	swait.ge [sflag:s30], $0x2000  }
0x80: {  	[sflag:s30] =	ssyncset.done $0x0  }
0x81: {  	s9 =	sadd.s32 $0xFFFFFF80, s7;
	[sflag:s30] =	ssyncadd.s32 $0xFFFFE000  }
0x82: {  	[tilespmem:s21], [sflag:$0x1] =	stream.indirect.gather [hbm4b:s1+s20], $0x40, s9, s20, $0xb8;
	[tilespmem:$0xF000] =	vst v63  }
0x83: {  	s9 =	sadd.s32 $0xFFFFFF80, s6  }
0x84: {  	[tilespmem:s22], [sflag:$0x1] =	stream.indirect.gather [hbm4b:s4+s20], $0x40, s9, s20, $0xb8;
	[tilespmem:$0xF000] =	vst v63  }
0x85: {  	_ =	swait.ge [sflag:s31], $0x2000  }
0x86: {  	[sflag:s31] =	ssyncset.done $0x0  }
0x87: {  	[sflag:s31] =	ssyncadd.s32 $0xFFFFE000  }
.Ltmp3:
0x88: {  	_ =	swait.ge [sflag:s31], $0x2000;
	(pc) =	sbr.rel @p1 .LBB2_6-.Ltmp3, $4  }
0x89: {  	[sflag:s31] =	ssyncset.done $0x0  }
0x8a: {  	[sflag:s31] =	ssyncadd.s32 $0xFFFFE000  }
0x8b: {  	[tilespmem:s24], [sflag:$0x2] =	stream.indirect.gather [hbm4b:s1+s20], $0x40, s7, s20, $0xb8;
	[tilespmem:$0xF000] =	vst v63  }
0x8c: {  	s6 =	sadd.s32 $0x100, s6;
	s7 =	sadd.s32 $0x100, s7  }
.Ltmp4:
0x8d: {  	_ = 	snop;
	(pc) =	sbr.rel .LBB2_7-.Ltmp4, $1  }
0x8e: {  	_ =	sdelay $0x3  }
.LBB2_2:
0x8f: {  	s3 =	rddreg [dreg:$0x3]  }
0x90: {  	[tilespmem:s18], [sflag:$0x5] =	stream.linear.gather [hbm4b:s3+s0], $0x3800, $0x38;
	[tilespmem:$0xF000] =	vst v63  }
0x91: {  	_ =	swait.ge [sflag:s19], $0x3800  }
0x92: {  	[sflag:s19] =	ssyncset.done $0x0  }
0x93: {  	s7 =	rddreg [dreg:$0x4];
	[sflag:s19] =	ssyncadd.s32 $0xFFFFC800  }
0x94: {  	[tilespmem:s0], [sflag:$0x5] =	stream.linear.gather [hbm4b:s7+s0], $0x3800, $0x38;
	[tilespmem:$0xF000] =	vst v63  }
0x95: {  	_ =	swait.ge [sflag:s19], $0x3800  }
0x96: {  	[sflag:s19] =	ssyncset.done $0x0  }
0x97: {  	[sflag:s19] =	ssyncadd.s32 $0xFFFFC800  }
0x98: {  	[tilespmem:s21], [sflag:$0x1] =	stream.indirect.gather [hbm4b:s1+s20], $0x40, s18, s20, $0xb8;
	[tilespmem:$0xF000] =	vst v63  }
0x99: {  	_ = 	snop  }
0x9a: {  	[tilespmem:s22], [sflag:$0x1] =	stream.indirect.gather [hbm4b:s4+s20], $0x40, s0, s20, $0xb8;
	[tilespmem:$0xF000] =	vst v63  }
0x9b: {  	_ = 	snop  }
0x9c: {  	[tilespmem:s24], [sflag:$0x2] =	stream.indirect.gather [hbm4b:s1+s20], $0x40, s23, s20, $0xb8;
	[tilespmem:$0xF000] =	vst v63  }
0x9d: {  	_ = 	snop  }
0x9e: {  	[tilespmem:s25], [sflag:$0x2] =	stream.indirect.gather [hbm4b:s4+s20], $0x40, s20, s20, $0xb8;
	[tilespmem:$0xF000] =	vst v63  }
0x9f: {  	_ =	swait.ge [sflag:s26], $0x2000  }
0xa0: {  	[sflag:s26] =	ssyncset.done $0x0  }
0xa1: {  	[sflag:s26] =	ssyncadd.s32 $0xFFFFE000  }
0xa2: {  	_ =	swait.ge [sflag:s26], $0x2000  }
0xa3: {  	[sflag:s26] =	ssyncset.done $0x0  }
0xa4: {  	s9 =	sadd.s32 $0x0, s16;
	[sflag:s26] =	ssyncadd.s32 $0xFFFFE000  }
0xa5: {  	[hbm4b:s9+s28] =	stream.strided.scatter [tilespmem:s21], [sflag:$0x3], $0x2000, s20, s28, $0x38;
	[tilespmem:$0xF000] =	vst v63  }
0xa6: {  	s10 =	sadd.s32 $0x8, s9  }
0xa7: {  	[hbm4b:s10+s28] =	stream.strided.scatter [tilespmem:s22], [sflag:$0x3], $0x2000, s20, s28, $0x38;
	[tilespmem:$0xF000] =	vst v63  }
0xa8: {  	_ =	swait.ge [sflag:s29], $0x2000  }
0xa9: {  	[sflag:s29] =	ssyncset.done $0x0  }
0xaa: {  	[sflag:s29] =	ssyncadd.s32 $0xFFFFE000  }
0xab: {  	_ =	swait.ge [sflag:s29], $0x2000  }
0xac: {  	[sflag:s29] =	ssyncset.done $0x0  }
0xad: {  	s6 =	sadd.s32 $0x800, s9;
	[sflag:s29] =	ssyncadd.s32 $0xFFFFE000  }
0xae: {  	[hbm4b:s6+s28] =	stream.strided.scatter [tilespmem:s24], [sflag:$0x4], $0x2000, s20, s28, $0x38;
	[tilespmem:$0xF000] =	vst v63  }
0xaf: {  	s0 =	sadd.s32 $0x808, s9  }
0xb0: {  	[hbm4b:s0+s28] =	stream.strided.scatter [tilespmem:s25], [sflag:$0x4], $0x2000, s20, s28, $0x38;
	[tilespmem:$0xF000] =	vst v63  }
0xb1: {  	_ =	swait.ge [sflag:s30], $0x2000  }
0xb2: {  	[sflag:s30] =	ssyncset.done $0x0  }
0xb3: {  	[sflag:s30] =	ssyncadd.s32 $0xFFFFE000  }
0xb4: {  	_ =	swait.ge [sflag:s30], $0x2000  }
0xb5: {  	[sflag:s30] =	ssyncset.done $0x0  }
0xb6: {  	s7 =	simm.s32 $0x3900;
	[sflag:s30] =	ssyncadd.s32 $0xFFFFE000  }
0xb7: {  	[tilespmem:s21], [sflag:$0x1] =	stream.indirect.gather [hbm4b:s1+s20], $0x40, s7, s20, $0xb8;
	[tilespmem:$0xF000] =	vst v63  }
0xb8: {  	s9 =	simm.s32 $0x100  }
0xb9: {  	[tilespmem:s22], [sflag:$0x1] =	stream.indirect.gather [hbm4b:s4+s20], $0x40, s9, s20, $0xb8;
	[tilespmem:$0xF000] =	vst v63  }
0xba: {  	_ =	swait.ge [sflag:s31], $0x2000  }
0xbb: {  	[sflag:s31] =	ssyncset.done $0x0  }
0xbc: {  	[sflag:s31] =	ssyncadd.s32 $0xFFFFE000  }
0xbd: {  	s3 =	simm.s32 $0x1000;
	_ =	swait.ge [sflag:s31], $0x2000  }
0xbe: {  	s10 =	simm.s32 $0x3980;
	s6 =	simm.s32 $0x280;
	[sflag:s31] =	ssyncset.done $0x0  }
0xbf: {  	s0 =	simm.s32 $0x180;
	s7 =	simm.s32 $0x3A80;
	[sflag:s31] =	ssyncadd.s32 $0xFFFFE000  }
0xc0: {  	[tilespmem:s24], [sflag:$0x2] =	stream.indirect.gather [hbm4b:s1+s20], $0x40, s10, s20, $0xb8;
	[tilespmem:$0xF000] =	vst v63  }
.LBB2_3:
0xc1: {  	[tilespmem:s25], [sflag:$0x2] =	stream.indirect.gather [hbm4b:s4+s20], $0x40, s0, s20, $0xb8;
	[tilespmem:$0xF000] =	vst v63  }
0xc2: {  	s9 =	smov.u32 s3;
	s0 =	smov.u32 s6  }
0xc3: {  	p1 =	seq.s32 s3, $0x36000;
	s3 =	sadd.s32 $0x1000, s3;
	_ =	swait.ge [sflag:s26], $0x2000  }
0xc4: {  	[sflag:s26] =	ssyncset.done $0x0  }
0xc5: {  	[sflag:s26] =	ssyncadd.s32 $0xFFFFE000  }
0xc6: {  	_ =	swait.ge [sflag:s26], $0x2000  }
0xc7: {  	[sflag:s26] =	ssyncset.done $0x0  }
0xc8: {  	s9 =	sadd.s32 s9, s16;
	[sflag:s26] =	ssyncadd.s32 $0xFFFFE000  }
0xc9: {  	[hbm4b:s9+s28] =	stream.strided.scatter [tilespmem:s21], [sflag:$0x3], $0x2000, s20, s28, $0x38;
	[tilespmem:$0xF000] =	vst v63  }
0xca: {  	s10 =	sadd.s32 $0x8, s9  }
0xcb: {  	[hbm4b:s10+s28] =	stream.strided.scatter [tilespmem:s22], [sflag:$0x3], $0x2000, s20, s28, $0x38;
	[tilespmem:$0xF000] =	vst v63  }
0xcc: {  	_ =	swait.ge [sflag:s29], $0x2000  }
0xcd: {  	[sflag:s29] =	ssyncset.done $0x0  }
0xce: {  	[sflag:s29] =	ssyncadd.s32 $0xFFFFE000  }
0xcf: {  	_ =	swait.ge [sflag:s29], $0x2000  }
0xd0: {  	[sflag:s29] =	ssyncset.done $0x0  }
0xd1: {  	s10 =	sadd.s32 $0x800, s9;
	[sflag:s29] =	ssyncadd.s32 $0xFFFFE000  }
0xd2: {  	[hbm4b:s10+s28] =	stream.strided.scatter [tilespmem:s24], [sflag:$0x4], $0x2000, s20, s28, $0x38;
	[tilespmem:$0xF000] =	vst v63  }
0xd3: {  	s9 =	sadd.s32 $0x808, s9  }
0xd4: {  	[hbm4b:s9+s28] =	stream.strided.scatter [tilespmem:s25], [sflag:$0x4], $0x2000, s20, s28, $0x38;
	[tilespmem:$0xF000] =	vst v63  }
0xd5: {  	_ =	swait.ge [sflag:s30], $0x2000  }
0xd6: {  	[sflag:s30] =	ssyncset.done $0x0  }
0xd7: {  	[sflag:s30] =	ssyncadd.s32 $0xFFFFE000  }
0xd8: {  	_ =	swait.ge [sflag:s30], $0x2000  }
0xd9: {  	[sflag:s30] =	ssyncset.done $0x0  }
0xda: {  	s9 =	sadd.s32 $0xFFFFFF80, s7;
	[sflag:s30] =	ssyncadd.s32 $0xFFFFE000  }
0xdb: {  	[tilespmem:s21], [sflag:$0x1] =	stream.indirect.gather [hbm4b:s1+s20], $0x40, s9, s20, $0xb8;
	[tilespmem:$0xF000] =	vst v63  }
0xdc: {  	s9 =	sadd.s32 $0xFFFFFF80, s6  }
0xdd: {  	[tilespmem:s22], [sflag:$0x1] =	stream.indirect.gather [hbm4b:s4+s20], $0x40, s9, s20, $0xb8;
	[tilespmem:$0xF000] =	vst v63  }
0xde: {  	_ =	swait.ge [sflag:s31], $0x2000  }
0xdf: {  	[sflag:s31] =	ssyncset.done $0x0  }
0xe0: {  	[sflag:s31] =	ssyncadd.s32 $0xFFFFE000  }
.Ltmp5:
0xe1: {  	_ =	swait.ge [sflag:s31], $0x2000;
	(pc) =	sbr.rel @!p1 .LBB2_3-.Ltmp5, $4  }
0xe2: {  	[sflag:s31] =	ssyncset.done $0x0  }
0xe3: {  	[sflag:s31] =	ssyncadd.s32 $0xFFFFE000  }
0xe4: {  	[tilespmem:s24], [sflag:$0x2] =	stream.indirect.gather [hbm4b:s1+s20], $0x40, s7, s20, $0xb8;
	[tilespmem:$0xF000] =	vst v63  }
0xe5: {  	s6 =	sadd.s32 $0x100, s6;
	s7 =	sadd.s32 $0x100, s7  }
.Ltmp6:
0xe6: {  	(pc) =	sbr.rel .LBB2_8-.Ltmp6, $3  }
0xe7: {  	_ =	sdelay $0x1  }
0xe8: {  	[tilespmem:s25], [sflag:$0x2] =	stream.indirect.gather [hbm4b:s4+s20], $0x40, s0, s20, $0xb8;
	[tilespmem:$0xF000] =	vst v63  }
0xe9: {  	s3 =	smov.u32 s12;
	s0 =	smov.u32 s13  }
.LBB2_9:
0xea: {  	_ =	sfence.sel $0x180000  }
0xeb: {  	[bflag:$0x0] =	sbarrier.arrive $0xFFFF  }
0xec: {  	_ =	strace $0x90000050  }
0xed: {  	s0 =	stileid.u32;
	[bflag:$0x2] =	sbarrier.arrive $0xFFFF  }
0xee: {  	p0 =	sne.s32 s0, $0x0;
	s0 =	rddreg [dreg:$0x2]  }
0xef: {  	s0 =	sadd.s32 @!p0 $0x100000, s0  }
0xf0: {  	[sflag:s0] =	ssyncadd.tile.s32 @!p0 $0x1;
	_ =	shalt  }
.Lfunc_end2:
_tile_overlayer_lowered:
.L_overlay_start_2:
0xf1: {  	(tag) =	ssettag $0x2  }
0xf2: {  	s0 =	rddreg [dreg:$0x0];
	s2 =	stileid.u32  }
0xf3: {  	s1 =	rddreg [dreg:$0x1];
	p0 =	sne.s32 s2, $0x0  }
0xf4: {  	s3 =	rddreg [dreg:$0x2];
	[bflag:$0x3] =	sbarrier.arrive $0xFFFF;
	s2 =	simm.s32 @!p0 $0x1C05  }
0xf5: {  	[timem:s3], [sflag:s2] =	dma.local @!p0 [hbm:s0], s1  }
0xf6: {  	s0 =	simm.s32 @!p0 $0x5  }
0xf7: {  	_ =	swait.ge @!p0 [sflag:s0], s1  }
0xf8: {  	s1 =	ssub.s32 @!p0 $0x0, s1;
	[sflag:s0] =	ssyncset.done @!p0 $0x0  }
0xf9: {  	[sflag:s0] =	ssyncadd.s32 @!p0 s1  }
0xfa: {  	[bflag:$0x3] =	sbarrier.arrive $0xFFFF  }
0xfb: {  	_ =	shalt  }

// kernel: kernel.28.cloned.1.call-start
scs
__scs_entry_jumppad:
0x0: {  	(pc) =	sbr.rel $0x88, $3  }
0x1: {  	(tag) =	ssettag $0x0;
	lr =	simm.s32 $0x1  }
0x2: {  	[smem:$0x3F87] =	sst lr;
	_ =	strace $0xD0000000  }
0x3: {  	_ = 	snop  }
0x4: {  	_ = 	snop  }
0x5: {  	_ = 	snop  }
0x6: {  	_ = 	snop  }
0x7: {  	_ = 	snop  }
__scs_overlays_trampoline_lowered:
0x8: {  	[smem:$0x3F96] =	sst s0  }
0x9: {  	[smem:$0x3F97] =	sst s1  }
0xa: {  	[smem:$0x3F98] =	sst s2  }
0xb: {  	[smem:$0x3F99] =	sst s3  }
0xc: {  	[smem:$0x3F9A] =	sst s4  }
0xd: {  	[smem:$0x3F9B] =	sst s5  }
0xe: {  	[smem:$0x3F9C] =	sst s6  }
0xf: {  	[smem:$0x3F9D] =	sst s7  }
0x10: {  	[smem:$0x3F9E] =	sst s8  }
0x11: {  	[smem:$0x3F9F] =	sst s9;
	s0 =	simm.s32 @!p0 $0x0  }
0x12: {  	s1 =	sld [smem:$0x3F85];
	s0 =	simm.s32 @p0 $0x1  }
0x13: {  	[smem:$0x3FA0] =	sst s0;
	s0 =	simm.s32 @!p1 $0x0  }
0x14: {  	s2 =	sld [smem:$0x3F84];
	s0 =	simm.s32 @p1 $0x1  }
0x15: {  	[smem:$0x3FA1] =	sst s0;
	s0 =	simm.s32 @!p2 $0x0  }
0x16: {  	s3 =	sld [smem:$0x3FDB];
	s0 =	simm.s32 @p2 $0x1  }
0x17: {  	s4 =	simm.s32 $0x1BF5;
	[smem:$0x3FA3] =	sst s0  }
0x18: {  	s0 =	sld [smem:$0x3F86];
	_ =	swait.ge [sflag:s4], $0x0  }
0x19: {  	s7 =	sld [smem:$0x3F87]  }
0x1a: {  	s8 =	sadd.s32 $0xFFFFE003, lr  }
0x1b: {  	s9 =	sadd.s32 $0xFFFFFEF7, lr;
	s5 =	simm.s32 $0xFFFFFFFF;
	p2 =	slt.u32 s8, $0xFFFFF086  }
0x1c: {  	p1 =	slt.u32 s9, $0xF7A;
	s5 =	simm.s32 @!p2 $0x0  }
0x1d: {  	s5 =	simm.s32 @p1 $0x1;
	p0 =	seq.s32 s7, s2  }
0x1e: {  	s7 =	smul.u32 @!p0 $0xF7A, s2;
	p2 =	seq.s32 @!p0 s5, $0x0  }
0x1f: {  	s9 =	smul.u32 $0xF7A, s1;
	s8 =	simm.s32 @!p0 $0x1BF5;
	p2 =	por !p2, p0  }
0x20: {  	[sflag:s8] =	ssyncset.s32 @!p0 $0xFFFFF086;
	s6 =	sadd.s32 @!p0 s3, s7;
	s7 =	simm.s32 @!p0 $0x108  }
0x21: {  	s3 =	sadd.s32 s3, s9;
	s6 =	sadd.s32 @!p0 $0x88, s6;
	s7 =	simm.s32 @p2 $0x1082  }
0x22: {  	[simem:s7], [sflag:s8] =	dma.local @!p0 [hbm:s6], $0xF7A  }
0x23: {  	s9 =	sor.u32 $0xD0000000, s2;
	s6 =	simm.s32 $0x108;
	_ =	swait.ge @!p0 [sflag:s8], $0x0  }
0x24: {  	s3 =	sadd.s32 $0x88, s3;
	s6 =	simm.s32 @!p1 $0x1082;
	[sflag:s4] =	ssyncset.s32 $0xFFFFF086  }
0x25: {  	[simem:s6], [sflag:s4] =	dma.local [hbm:s3], $0xF7A  }
0x26: {  	[smem:$0x3F87] =	sst s1;
	(tag) =	ssettag s2;
	_ =	strace s9  }
0x27: {  	s1 =	sld [smem:$0x3F97]  }
0x28: {  	s2 =	sld [smem:$0x3F98]  }
0x29: {  	s4 =	sld [smem:$0x3F9A]  }
0x2a: {  	p0 =	seq.s32 s5, $0x0;
	s5 =	sld [smem:$0x3F9B]  }
0x2b: {  	s6 =	sld [smem:$0x3F9C]  }
0x2c: {  	s7 =	sld [smem:$0x3F9D]  }
0x2d: {  	s3 =	simm.s32 $0x108;
	s8 =	sld [smem:$0x3F9E]  }
0x2e: {  	s3 =	simm.s32 @!p0 $0x1082;
	s9 =	sld [smem:$0x3F9F]  }
0x2f: {  	lr =	sadd.s32 s0, s3;
	s0 =	sld [smem:$0x3F96]  }
0x30: {  	s3 =	sld [smem:$0x3F99]  }
0x31: {  	[smem:$0x3FA2] =	sst s10  }
0x32: {  	s10 =	sld [smem:$0x3FA0];
	_ =	sdelay $0x3  }
0x33: {  	p0 =	seq.s32 s10, $0x1;
	s10 =	sld [smem:$0x3FA2];
	_ =	sdelay $0x3  }
0x34: {  	[smem:$0x3FA2] =	sst s10  }
0x35: {  	s10 =	sld [smem:$0x3FA1];
	_ =	sdelay $0x3  }
0x36: {  	p1 =	seq.s32 s10, $0x1;
	s10 =	sld [smem:$0x3FA2];
	_ =	sdelay $0x3  }
0x37: {  	[smem:$0x3FA2] =	sst s10  }
0x38: {  	s10 =	sld [smem:$0x3FA3]  }
0x39: {  	_ = 	snop;
	(pc) =	sbr.ind lr, $3  }
0x3a: {  	_ = 	snop  }
0x3b: {  	_ = 	snop  }
0x3c: {  	p2 =	seq.s32 s10, $0x1;
	s10 =	sld [smem:$0x3FA2]  }
0x3d: {  	_ =	shalt  }
0x3e: {  	_ =	shalt  }
0x3f: {  	_ =	shalt  }
0x40: {  	_ =	shalt  }
0x41: {  	_ =	shalt  }
0x42: {  	_ =	shalt  }
0x43: {  	_ =	shalt  }
0x44: {  	_ =	shalt  }
0x45: {  	_ =	shalt  }
0x46: {  	_ =	shalt  }
0x47: {  	_ =	shalt  }
0x48: {  	_ =	shalt  }
0x49: {  	_ =	shalt  }
0x4a: {  	_ =	shalt  }
0x4b: {  	_ =	shalt  }
0x4c: {  	_ =	shalt  }
0x4d: {  	_ =	shalt  }
0x4e: {  	_ =	shalt  }
0x4f: {  	_ =	shalt  }
0x50: {  	_ =	shalt  }
0x51: {  	_ =	shalt  }
0x52: {  	_ =	shalt  }
0x53: {  	_ =	shalt  }
0x54: {  	_ =	shalt  }
0x55: {  	_ =	shalt  }
0x56: {  	_ =	shalt  }
0x57: {  	_ =	shalt  }
0x58: {  	_ =	shalt  }
0x59: {  	_ =	shalt  }
0x5a: {  	_ =	shalt  }
0x5b: {  	_ =	shalt  }
0x5c: {  	_ =	shalt  }
0x5d: {  	_ =	shalt  }
0x5e: {  	_ =	shalt  }
0x5f: {  	_ =	shalt  }
0x60: {  	_ =	shalt  }
0x61: {  	_ =	shalt  }
0x62: {  	_ =	shalt  }
0x63: {  	_ =	shalt  }
0x64: {  	_ =	shalt  }
0x65: {  	_ =	shalt  }
0x66: {  	_ =	shalt  }
0x67: {  	_ =	shalt  }
0x68: {  	_ =	shalt  }
0x69: {  	_ =	shalt  }
0x6a: {  	_ =	shalt  }
0x6b: {  	_ =	shalt  }
0x6c: {  	_ =	shalt  }
0x6d: {  	_ =	shalt  }
0x6e: {  	_ =	shalt  }
0x6f: {  	_ =	shalt  }
0x70: {  	_ =	shalt  }
0x71: {  	_ =	shalt  }
0x72: {  	_ =	shalt  }
0x73: {  	_ =	shalt  }
0x74: {  	_ =	shalt  }
0x75: {  	_ =	shalt  }
0x76: {  	_ =	shalt  }
0x77: {  	_ =	shalt  }
0x78: {  	_ =	shalt  }
0x79: {  	_ =	shalt  }
0x7a: {  	_ =	shalt  }
0x7b: {  	_ =	shalt  }
0x7c: {  	_ =	shalt  }
0x7d: {  	_ =	shalt  }
0x7e: {  	_ =	shalt  }
0x7f: {  	_ =	shalt  }
0x80: {  	_ =	shalt  }
0x81: {  	_ =	shalt  }
0x82: {  	_ =	shalt  }
0x83: {  	_ =	shalt  }
0x84: {  	_ =	shalt  }
0x85: {  	_ =	shalt  }
0x86: {  	_ =	shalt  }
0x87: {  	_ =	shalt  }
.Lfunc_end0:
.L_simem_size_0:
called_computation.4_lowered:
.L_overlay_start_0:
0x88: {  	s2 =	sld [smem:$0x3FD9]  }
0x89: {  	s3 =	sld [smem:$0x3FFE];
	_ =	sdelay $0x1  }
0x8a: {  	s1 =	srdreg.scid  }
0x8b: {  	s0 =	sand.u32 $0x1, s1  }
0x8c: {  	s16 =	sshll.u32 s0, $0xA;
	s2 =	sadd.s32 s3, s2  }
0x8d: {  	s2 =	sadd.s32 s2, s16  }
0x8e: {  	[smem:$0x3FAE] =	sst s2  }
0x8f: {  	_ = 	snop  }
0x90: {  	(tm) =	ssettm $0x1  }
0x91: {  	s17 =	sld [smem:$0x3FFB];
	_ =	sdelay $0x3  }
0x92: {  	_ =	strace s17  }
0x93: {  	s2 =	sld [smem:$0x3FFC];
	_ =	sdelay $0x3  }
0x94: {  	_ =	strace s2  }
0x95: {  	s2 =	sld [smem:$0x3FFD];
	_ =	sdelay $0x3  }
0x96: {  	_ =	strace s2  }
0x97: {  	_ =	strace $0x8FFFFFFF  }
0x98: {  	s18 =	sld [smem:$0x3FDB];
	_ =	sdelay $0x1  }
0x99: {  	s19 =	simm.s32 $_scs_section_size  }
0x9a: {  	s4 =	simm.s32 $_size__tile_overlayer_lowered;
	s5 =	simm.s32 $_tile_overlayer_lowered  }
0x9b: {  	s22 =	simm.s32 $0x1BFF;
	s21 =	sshll.u32 s5, $0x1;
	s2 =	sadd.s32 s19, s18  }
0x9c: {  	s6 =	simm.s32 $0x0;
	s20 =	sshll.u32 s4, $0x1;
	s4 =	sadd.s32 s21, s2  }
0x9d: {  	[timem:s6], [sflag:s22] =	dma.local [hbm:s4], s20  }
0x9e: {  	_ =	swait.ge [sflag:s22], s20  }
0x9f: {  	s3 =	ssub.s32 $0x0, s20;
	[sflag:s22] =	ssyncset.done $0x0  }
0xa0: {  	[sflag:s22] =	ssyncadd.s32 s3;
	_ =	sdelay $0x1  }
0xa1: {  	s23 =	simm.s32 $0x1B8B  }
0xa2: {  	_ =	swait.ge [sflag:s23], $0x1  }
0xa3: {  	[sflag:s23] =	ssyncset.done $0x0  }
0xa4: {  	s25 =	simm.s32 $0x1B8E;
	s24 =	sld [smem:$0x3FFE];
	[sflag:s23] =	ssyncadd.s32 $0xFFFFFFFF  }
0xa5: {  	s26 =	simm.s32 $execute0_lowered;
	[smem:$0x3FD2] =	sst s25  }
0xa6: {  	s4 =	sshll.u32 s26, $0x1;
	_ =	strace $0x80000052;
	[dreg:$0x1] =	wrdreg $0xFFFFFFFF  }
0xa7: {  	s28 =	simm.s32 $_size_execute0_lowered;
	s2 =	sadd.s32 s2, s4;
	[dreg:$0x0] =	wrdreg $0x0  }
0xa8: {  	s4 =	sshll.u32 s28, $0x1;
	[dreg:$0x2] =	wrdreg s2  }
0xa9: {  	[dreg:$0x3] =	wrdreg s4  }
0xaa: {  	[dreg:$0x4] =	wrdreg $0xC0  }
0xab: {  	_ =	task [dreg:s6], $0x5FFFF  }
0xac: {  	[dreg:$0x1] =	wrdreg $0xFFFFFFFF  }
0xad: {  	[dreg:$0x0] =	wrdreg $0x60  }
0xae: {  	[dreg:$0x2] =	wrdreg s24  }
0xaf: {  	[dreg:$0x3] =	wrdreg $0xA8000  }
0xb0: {  	[dreg:$0x4] =	wrdreg $0x9  }
0xb1: {  	_ =	task.clear_ibuf [dreg:s6], $0x5FFFF;
	_ =	strace $0x90000052  }
0xb2: {  	s29 =	simm.s32 $0x9;
	_ =	strace $0x80000054  }
0xb3: {  	_ =	swait.ge [sflag:s29], $0x1  }
0xb4: {  	[sflag:s29] =	ssyncadd.s32 $0xFFFFFFFF  }
0xb5: {  	_ =	strace $0x90000054  }
0xb6: {  	_ =	sfence  }
0xb7: {  	s30 =	sld [smem:$0x0];
	_ =	sdelay $0x2  }
0xb8: {  	s31 =	sshll.u32 s1, $0xD;
	s1 =	sshrl.u32 s1, $0x2  }
0xb9: {  	s3 =	sand.u32 $0x4000, s31;
	s1 =	sadd.s32 s1, s30  }
0xba: {  	s0 =	sor.u32 s3, s0;
	s1 =	sshll.u32 s1, $0x11  }
0xbb: {  	s0 =	sor.u32 s1, s0  }
0xbc: {  	s0 =	sadd.s32 $0x8F2B, s0  }
0xbd: {  	[sflag:s0] =	ssyncadd.remote.s32 $0x1  }
0xbe: {  	_ =	sfence.sel $0xFFFF  }
0xbf: {  	[dreg:$0x0] =	wrdreg $0xFFFFFFFF;
	(pc) =	sbr.abs _section_cstart, $3  }
0xc0: {  	[dreg:$0x1] =	wrdreg $0xFFFFFFFF  }
0xc1: {  	_ =	task.clear_ibuf [dreg:s6], $0x2FFFF;
	_ =	strace $0x9FFFFFFF  }
0xc2: {  	(tm) =	ssettm $0x7FFFFFFF  }
0xc3: {  	_ =	shalt  }
tec
execute0_lowered:
.L_overlay_start_1:
0x0: {  	(tag) =	ssettag $0x1  }
0x1: {  	s4 =	rddreg [dreg:$0x0]  }
0x2: {  	s0 =	srdreg.scid;
	s2 =	rddreg [dreg:$0x1]  }
0x3: {  	s1 =	rddreg [dreg:$0x2];
	s3 =	simm.s32 $0x0;
	s8 =	sand.u32 $0x1, s0  }
0x4: {  	s17 =	simm.s32 $0x6800;
	s0 =	stileid.u32;
	s5 =	smul.u32 $0x500, s8  }
0x5: {  	s18 =	simm.s32 $0x1;
	s19 =	simm.s32 $0x80;
	s6 =	smul.u32 $0x50, s0  }
0x6: {  	s20 =	simm.s32 $0x2;
	s21 =	simm.s32 $0x3;
	s7 =	smul.u32 $0x2800, s0  }
0x7: {  	s22 =	simm.s32 $0x4;
	s23 =	simm.s32 $0x2700;
	s28 =	smul.u32 $0x28000, s8  }
0x8: {  	s24 =	simm.s32 $0x2780;
	s25 =	simm.s32 $0x0;
	s10 =	smul.u32 $0x50000, s0  }
0x9: {  	[smem:$0x7FF] =	sst s3;
	s12 =	sadd.s32 $0x5F6E00, s4;
	s15 =	smul.u32 $0x280000, s8  }
0xa: {  	_ =	strace $0x80000053;
	s29 =	ssub.s32 $0x2, s8;
	s16 =	smul.u32 $0x28000, s0  }
0xb: {  	s30 =	sshrl.u32 s29, $0x1;
	s9 =	sadd.s32 s6, s5;
	s5 =	sadd.s32 s7, s28  }
0xc: {  	s10 =	sshrl.u32 s10, $0x2;
	s14 =	ssub.s32 s29, s30;
	s15 =	sadd.s32 s15, s12  }
0xd: {  	s6 =	sshll.u32 s9, $0x4;
	s13 =	sadd.s32 s5, s4;
	s9 =	sshll.u32 s9, $0xB  }
0xe: {  	s31 =	sadd.s32 s16, s15;
	s15 =	simm.s32 $0x5;
	s16 =	simm.s32 $0x2800  }
0xf: {  	s6 =	sadd.s32 s6, s4;
	s4 =	sadd.s32 s10, s2;
	s9 =	sadd.s32 s12, s9  }
0x10: {  	s12 =	sadd.s32 $0x56E00, s13;
	s13 =	smax.u32 s14, $0x1;
	s14 =	sadd.s32 $0x1800, s31  }
0x11: {  	s5 =	sadd.s32 $0x4CE00, s6;
	s6 =	sadd.s32 $0x4000, s4;
	s7 =	sadd.s32 $0x8000, s4  }
0x12: {  	v0 =	vimm.f32 $0.0e+00;
	s8 =	sadd.s32 $0xC000, s4;
	s10 =	sadd.s32 $0x10000, s4;
	s11 =	sadd.s32 $0x800, s9  }
.LBB2_1:
0x13: {  	[tilespmem:s3], [sflag:$0x5] =	stream.linear.gather [hbm4b:s5+s3], $0x2800, $0x38;
	[tilespmem:$0x1E800] =	vst v63  }
0x14: {  	_ =	swait.ge [sflag:s15], $0x2800  }
0x15: {  	[sflag:s15] =	ssyncset.done $0x0  }
0x16: {  	s26 =	simm.s32 $0x0;
	s28 =	simm.s32 $0x200;
	[sflag:s15] =	ssyncadd.s32 $0xFFFFD800  }
.LBB2_2:
0x17: {  	p0 =	sne.s32 s28, $0xFE00;
	[tilespmem:s26+$0x2870] =	vst v0  }
0x18: {  	[tilespmem:s26+$0x2800] =	vst v0  }
0x19: {  	[tilespmem:s26+$0x2810] =	vst v0  }
.Ltmp0:
0x1a: {  	[tilespmem:s26+$0x2820] =	vst v0;
	(pc) =	sbr.rel @p0 .LBB2_2-.Ltmp0, $4  }
0x1b: {  	[tilespmem:s26+$0x2830] =	vst v0  }
0x1c: {  	[tilespmem:s26+$0x2840] =	vst v0  }
0x1d: {  	[tilespmem:s26+$0x2850] =	vst v0  }
0x1e: {  	[tilespmem:s26+$0x2860] =	vst v0;
	s26 =	sshra.s32 s28, $0x2;
	s28 =	sadd.s32 $0x200, s28  }
0x1f: {  	[tilespmem:s26+$0x2870] =	vst v0  }
0x20: {  	[tilespmem:s26+$0x2800] =	vst v0  }
0x21: {  	[tilespmem:s26+$0x2810] =	vst v0  }
0x22: {  	[tilespmem:s26+$0x2820] =	vst v0  }
0x23: {  	[tilespmem:s26+$0x2830] =	vst v0  }
0x24: {  	[tilespmem:s26+$0x2840] =	vst v0  }
0x25: {  	[tilespmem:s26+$0x2850] =	vst v0  }
0x26: {  	[tilespmem:s26+$0x2860] =	vst v0  }
0x27: {  	[spmem:s4] =	stream.linear.scatter [tilespmem:s16], [sflag:$0x5], $0x4000, $0x38;
	[tilespmem:$0x1E800] =	vst v63  }
0x28: {  	_ =	swait.ge [sflag:s15], $0x4000  }
0x29: {  	[sflag:s15] =	ssyncset.done $0x0  }
0x2a: {  	[sflag:s15] =	ssyncadd.s32 $0xFFFFC000  }
0x2b: {  	[spmem:s6] =	stream.linear.scatter [tilespmem:s16], [sflag:$0x5], $0x4000, $0x38;
	[tilespmem:$0x1E800] =	vst v63  }
0x2c: {  	_ =	swait.ge [sflag:s15], $0x4000  }
0x2d: {  	[sflag:s15] =	ssyncset.done $0x0  }
0x2e: {  	[sflag:s15] =	ssyncadd.s32 $0xFFFFC000  }
0x2f: {  	[spmem:s7] =	stream.linear.scatter [tilespmem:s16], [sflag:$0x5], $0x4000, $0x38;
	[tilespmem:$0x1E800] =	vst v63  }
0x30: {  	_ =	swait.ge [sflag:s15], $0x4000  }
0x31: {  	[sflag:s15] =	ssyncset.done $0x0  }
0x32: {  	[sflag:s15] =	ssyncadd.s32 $0xFFFFC000  }
0x33: {  	[spmem:s8] =	stream.linear.scatter [tilespmem:s16], [sflag:$0x5], $0x4000, $0x38;
	[tilespmem:$0x1E800] =	vst v63  }
0x34: {  	_ =	swait.ge [sflag:s15], $0x4000  }
0x35: {  	[sflag:s15] =	ssyncset.done $0x0  }
0x36: {  	[sflag:s15] =	ssyncadd.s32 $0xFFFFC000  }
0x37: {  	[spmem:s10] =	stream.linear.scatter [tilespmem:s16], [sflag:$0x5], $0x4000, $0x38;
	[tilespmem:$0x1E800] =	vst v63  }
0x38: {  	_ =	swait.ge [sflag:s15], $0x4000  }
0x39: {  	[sflag:s15] =	ssyncset.done $0x0  }
0x3a: {  	[sflag:s15] =	ssyncadd.s32 $0xFFFFC000  }
0x3b: {  	s30 =	simm.s32 $0x0;
	[bflag:$0x0] =	sbarrier.arrive $0xFFFF  }
0x3c: {  	[tilespmem:s16], [sflag:$0x1] =	stream.linear.gather [hbm4b:s9+s30], $0x4000, $0x38;
	[tilespmem:$0x1E800] =	vst v63  }
0x3d: {  	_ = 	snop  }
0x3e: {  	[tilespmem:s17], [sflag:$0x2] =	stream.linear.gather [hbm4b:s11+s30], $0x4000, $0x38;
	[tilespmem:$0x1E800] =	vst v63  }
0x3f: {  	_ =	swait.ge [sflag:s18], $0x4000  }
0x40: {  	[sflag:s18] =	ssyncset.done $0x0  }
0x41: {  	s31 =	simm.s32 $0x0;
	[sflag:s18] =	ssyncadd.s32 $0xFFFFC000  }
0x42: {  	[spmem:s2] =	stream.indirect.scatter.add.f32 [tilespmem:s16], [sflag:$0x3], $0x80, s31, s19, $0xb8;
	[tilespmem:$0x1E800] =	vst v63  }
0x43: {  	_ =	swait.ge [sflag:s20], $0x4000  }
0x44: {  	[sflag:s20] =	ssyncset.done $0x0  }
0x45: {  	s30 =	simm.s32 $0x80;
	[sflag:s20] =	ssyncadd.s32 $0xFFFFC000  }
0x46: {  	[spmem:s2] =	stream.indirect.scatter.add.f32 [tilespmem:s17], [sflag:$0x4], $0x80, s30, s19, $0xb8;
	[tilespmem:$0x1E800] =	vst v63  }
0x47: {  	_ =	swait.ge [sflag:s21], $0x4000  }
0x48: {  	[sflag:s21] =	ssyncset.done $0x0  }
0x49: {  	s31 =	sadd.s32 $0xFFFFF800, s14;
	[sflag:s21] =	ssyncadd.s32 $0xFFFFC000  }
0x4a: {  	[tilespmem:s16], [sflag:$0x1] =	stream.linear.gather [hbm4b:s31+s3], $0x4000, $0x38;
	[tilespmem:$0x1E800] =	vst v63  }
0x4b: {  	_ =	swait.ge [sflag:s22], $0x4000  }
0x4c: {  	s26 =	simm.s32 $0x400;
	[sflag:s22] =	ssyncset.done $0x0  }
0x4d: {  	s28 =	sadd.s32 $0x1000, s14;
	s29 =	smov.u32 s14;
	[sflag:s22] =	ssyncadd.s32 $0xFFFFC000  }
.LBB2_4:
0x4e: {  	[tilespmem:s17], [sflag:$0x2] =	stream.linear.gather [hbm4b:s29+s3], $0x4000, $0x38;
	[tilespmem:$0x1E800] =	vst v63  }
0x4f: {  	s30 =	smov.u32 s26;
	s29 =	smov.u32 s28  }
0x50: {  	p0 =	sne.s32 s26, $0x9800;
	s26 =	sadd.s32 $0x400, s26;
	_ =	swait.ge [sflag:s18], $0x4000  }
0x51: {  	[sflag:s18] =	ssyncset.done $0x0  }
0x52: {  	s30 =	sshra.s32 s30, $0x2;
	[sflag:s18] =	ssyncadd.s32 $0xFFFFC000  }
0x53: {  	[spmem:s2] =	stream.indirect.scatter.add.f32 [tilespmem:s16], [sflag:$0x3], $0x80, s30, s19, $0xb8;
	[tilespmem:$0x1E800] =	vst v63  }
0x54: {  	_ =	swait.ge [sflag:s20], $0x4000  }
0x55: {  	[sflag:s20] =	ssyncset.done $0x0  }
0x56: {  	s30 =	sadd.s32 $0x80, s30;
	[sflag:s20] =	ssyncadd.s32 $0xFFFFC000  }
0x57: {  	[spmem:s2] =	stream.indirect.scatter.add.f32 [tilespmem:s17], [sflag:$0x4], $0x80, s30, s19, $0xb8;
	[tilespmem:$0x1E800] =	vst v63  }
0x58: {  	_ =	swait.ge [sflag:s21], $0x4000  }
0x59: {  	[sflag:s21] =	ssyncset.done $0x0  }
.Ltmp1:
0x5a: {  	s30 =	sadd.s32 $0xFFFFF800, s28;
	[sflag:s21] =	ssyncadd.s32 $0xFFFFC000;
	(pc) =	sbr.rel @p0 .LBB2_4-.Ltmp1, $4  }
0x5b: {  	[tilespmem:s16], [sflag:$0x1] =	stream.linear.gather [hbm4b:s30+s3], $0x4000, $0x38;
	[tilespmem:$0x1E800] =	vst v63  }
0x5c: {  	_ =	swait.ge [sflag:s22], $0x4000  }
0x5d: {  	[sflag:s22] =	ssyncset.done $0x0  }
0x5e: {  	s28 =	sadd.s32 $0x1000, s28;
	[sflag:s22] =	ssyncadd.s32 $0xFFFFC000  }
0x5f: {  	[tilespmem:s17], [sflag:$0x2] =	stream.linear.gather [hbm4b:s29+s3], $0x4000, $0x38;
	[tilespmem:$0x1E800] =	vst v63  }
0x60: {  	_ =	swait.ge [sflag:s18], $0x4000  }
0x61: {  	[sflag:s18] =	ssyncset.done $0x0  }
0x62: {  	[sflag:s18] =	ssyncadd.s32 $0xFFFFC000  }
0x63: {  	[spmem:s2] =	stream.indirect.scatter.add.f32 [tilespmem:s16], [sflag:$0x3], $0x80, s23, s19, $0xb8;
	[tilespmem:$0x1E800] =	vst v63  }
0x64: {  	_ =	swait.ge [sflag:s20], $0x4000  }
0x65: {  	[sflag:s20] =	ssyncset.done $0x0  }
0x66: {  	[sflag:s20] =	ssyncadd.s32 $0xFFFFC000  }
0x67: {  	[spmem:s2] =	stream.indirect.scatter.add.f32 [tilespmem:s17], [sflag:$0x4], $0x80, s24, s19, $0xb8;
	[tilespmem:$0x1E800] =	vst v63  }
0x68: {  	_ =	swait.ge [sflag:s21], $0x4000  }
0x69: {  	[sflag:s21] =	ssyncset.done $0x0  }
0x6a: {  	[sflag:s21] =	ssyncadd.s32 $0xFFFFC000  }
0x6b: {  	_ =	swait.ge [sflag:s22], $0x4000  }
0x6c: {  	s26 =	sshll.u32 s0, $0x6;
	s25 =	sadd.s32 $0x1, s25;
	[sflag:s22] =	ssyncset.done $0x0  }
0x6d: {  	s28 =	sshrl.u32 s4, $0x3;
	p0 =	sne.s32 s25, s13;
	[sflag:s22] =	ssyncadd.s32 $0xFFFFC000  }
.Ltmp2:
0x6e: {  	s26 =	sor.u32 $0x1C05, s26;
	[bflag:$0x0] =	sbarrier.arrive $0xFFFF;
	(pc) =	sbr.rel @p0 .LBB2_1-.Ltmp2, $4  }
0x6f: {  	[hbm:s12], [sflag:s26] =	dma.local [spmem:s28], $0x2800  }
0x70: {  	_ =	swait.ge [sflag:s15], $0x2800  }
0x71: {  	[sflag:s15] =	ssyncset.done $0x0  }
0x72: {  	[sflag:s15] =	ssyncadd.s32 $0xFFFFD800  }
0x73: {  	_ =	sfence.sel $0x180000  }
0x74: {  	[bflag:$0x0] =	sbarrier.arrive $0xFFFF  }
0x75: {  	p0 =	sne.s32 s0, $0x0;
	_ =	strace $0x90000053  }
0x76: {  	s0 =	sadd.s32 @!p0 $0x100000, s1;
	[bflag:$0x2] =	sbarrier.arrive $0xFFFF  }
0x77: {  	[sflag:s0] =	ssyncadd.tile.s32 @!p0 $0x1;
	_ =	shalt  }
.Lfunc_end2:
_tile_overlayer_lowered:
.L_overlay_start_2:
0x78: {  	(tag) =	ssettag $0x2  }
0x79: {  	s0 =	rddreg [dreg:$0x0];
	s2 =	stileid.u32  }
0x7a: {  	s1 =	rddreg [dreg:$0x1];
	p0 =	sne.s32 s2, $0x0  }
0x7b: {  	s3 =	rddreg [dreg:$0x2];
	[bflag:$0x3] =	sbarrier.arrive $0xFFFF;
	s2 =	simm.s32 @!p0 $0x1C05  }
0x7c: {  	[timem:s3], [sflag:s2] =	dma.local @!p0 [hbm:s0], s1  }
0x7d: {  	s0 =	simm.s32 @!p0 $0x5  }
0x7e: {  	_ =	swait.ge @!p0 [sflag:s0], s1  }
0x7f: {  	s1 =	ssub.s32 @!p0 $0x0, s1;
	[sflag:s0] =	ssyncset.done @!p0 $0x0  }
0x80: {  	[sflag:s0] =	ssyncadd.s32 @!p0 s1  }
0x81: {  	[bflag:$0x3] =	sbarrier.arrive $0xFFFF  }
0x82: {  	_ =	shalt  }

// kernel: kernel.31.cloned.1.call-start
scs
__scs_entry_jumppad:
0x0: {  	(pc) =	sbr.rel $0x88, $3  }
0x1: {  	(tag) =	ssettag $0x0;
	lr =	simm.s32 $0x1  }
0x2: {  	[smem:$0x3F87] =	sst lr;
	_ =	strace $0xD0000000  }
0x3: {  	_ = 	snop  }
0x4: {  	_ = 	snop  }
0x5: {  	_ = 	snop  }
0x6: {  	_ = 	snop  }
0x7: {  	_ = 	snop  }
__scs_overlays_trampoline_lowered:
0x8: {  	[smem:$0x3F96] =	sst s0  }
0x9: {  	[smem:$0x3F97] =	sst s1  }
0xa: {  	[smem:$0x3F98] =	sst s2  }
0xb: {  	[smem:$0x3F99] =	sst s3  }
0xc: {  	[smem:$0x3F9A] =	sst s4  }
0xd: {  	[smem:$0x3F9B] =	sst s5  }
0xe: {  	[smem:$0x3F9C] =	sst s6  }
0xf: {  	[smem:$0x3F9D] =	sst s7  }
0x10: {  	[smem:$0x3F9E] =	sst s8  }
0x11: {  	[smem:$0x3F9F] =	sst s9;
	s0 =	simm.s32 @!p0 $0x0  }
0x12: {  	s1 =	sld [smem:$0x3F85];
	s0 =	simm.s32 @p0 $0x1  }
0x13: {  	[smem:$0x3FA0] =	sst s0;
	s0 =	simm.s32 @!p1 $0x0  }
0x14: {  	s2 =	sld [smem:$0x3F84];
	s0 =	simm.s32 @p1 $0x1  }
0x15: {  	[smem:$0x3FA1] =	sst s0;
	s0 =	simm.s32 @!p2 $0x0  }
0x16: {  	s3 =	sld [smem:$0x3FDB];
	s0 =	simm.s32 @p2 $0x1  }
0x17: {  	s4 =	simm.s32 $0x1BF5;
	[smem:$0x3FA3] =	sst s0  }
0x18: {  	s0 =	sld [smem:$0x3F86];
	_ =	swait.ge [sflag:s4], $0x0  }
0x19: {  	s7 =	sld [smem:$0x3F87]  }
0x1a: {  	s8 =	sadd.s32 $0xFFFFE003, lr  }
0x1b: {  	s9 =	sadd.s32 $0xFFFFFEF7, lr;
	s5 =	simm.s32 $0xFFFFFFFF;
	p2 =	slt.u32 s8, $0xFFFFF086  }
0x1c: {  	p1 =	slt.u32 s9, $0xF7A;
	s5 =	simm.s32 @!p2 $0x0  }
0x1d: {  	s5 =	simm.s32 @p1 $0x1;
	p0 =	seq.s32 s7, s2  }
0x1e: {  	s7 =	smul.u32 @!p0 $0xF7A, s2;
	p2 =	seq.s32 @!p0 s5, $0x0  }
0x1f: {  	s9 =	smul.u32 $0xF7A, s1;
	s8 =	simm.s32 @!p0 $0x1BF5;
	p2 =	por !p2, p0  }
0x20: {  	[sflag:s8] =	ssyncset.s32 @!p0 $0xFFFFF086;
	s6 =	sadd.s32 @!p0 s3, s7;
	s7 =	simm.s32 @!p0 $0x108  }
0x21: {  	s3 =	sadd.s32 s3, s9;
	s6 =	sadd.s32 @!p0 $0x88, s6;
	s7 =	simm.s32 @p2 $0x1082  }
0x22: {  	[simem:s7], [sflag:s8] =	dma.local @!p0 [hbm:s6], $0xF7A  }
0x23: {  	s9 =	sor.u32 $0xD0000000, s2;
	s6 =	simm.s32 $0x108;
	_ =	swait.ge @!p0 [sflag:s8], $0x0  }
0x24: {  	s3 =	sadd.s32 $0x88, s3;
	s6 =	simm.s32 @!p1 $0x1082;
	[sflag:s4] =	ssyncset.s32 $0xFFFFF086  }
0x25: {  	[simem:s6], [sflag:s4] =	dma.local [hbm:s3], $0xF7A  }
0x26: {  	[smem:$0x3F87] =	sst s1;
	(tag) =	ssettag s2;
	_ =	strace s9  }
0x27: {  	s1 =	sld [smem:$0x3F97]  }
0x28: {  	s2 =	sld [smem:$0x3F98]  }
0x29: {  	s4 =	sld [smem:$0x3F9A]  }
0x2a: {  	p0 =	seq.s32 s5, $0x0;
	s5 =	sld [smem:$0x3F9B]  }
0x2b: {  	s6 =	sld [smem:$0x3F9C]  }
0x2c: {  	s7 =	sld [smem:$0x3F9D]  }
0x2d: {  	s3 =	simm.s32 $0x108;
	s8 =	sld [smem:$0x3F9E]  }
0x2e: {  	s3 =	simm.s32 @!p0 $0x1082;
	s9 =	sld [smem:$0x3F9F]  }
0x2f: {  	lr =	sadd.s32 s0, s3;
	s0 =	sld [smem:$0x3F96]  }
0x30: {  	s3 =	sld [smem:$0x3F99]  }
0x31: {  	[smem:$0x3FA2] =	sst s10  }
0x32: {  	s10 =	sld [smem:$0x3FA0];
	_ =	sdelay $0x3  }
0x33: {  	p0 =	seq.s32 s10, $0x1;
	s10 =	sld [smem:$0x3FA2];
	_ =	sdelay $0x3  }
0x34: {  	[smem:$0x3FA2] =	sst s10  }
0x35: {  	s10 =	sld [smem:$0x3FA1];
	_ =	sdelay $0x3  }
0x36: {  	p1 =	seq.s32 s10, $0x1;
	s10 =	sld [smem:$0x3FA2];
	_ =	sdelay $0x3  }
0x37: {  	[smem:$0x3FA2] =	sst s10  }
0x38: {  	s10 =	sld [smem:$0x3FA3]  }
0x39: {  	_ = 	snop;
	(pc) =	sbr.ind lr, $3  }
0x3a: {  	_ = 	snop  }
0x3b: {  	_ = 	snop  }
0x3c: {  	p2 =	seq.s32 s10, $0x1;
	s10 =	sld [smem:$0x3FA2]  }
0x3d: {  	_ =	shalt  }
0x3e: {  	_ =	shalt  }
0x3f: {  	_ =	shalt  }
0x40: {  	_ =	shalt  }
0x41: {  	_ =	shalt  }
0x42: {  	_ =	shalt  }
0x43: {  	_ =	shalt  }
0x44: {  	_ =	shalt  }
0x45: {  	_ =	shalt  }
0x46: {  	_ =	shalt  }
0x47: {  	_ =	shalt  }
0x48: {  	_ =	shalt  }
0x49: {  	_ =	shalt  }
0x4a: {  	_ =	shalt  }
0x4b: {  	_ =	shalt  }
0x4c: {  	_ =	shalt  }
0x4d: {  	_ =	shalt  }
0x4e: {  	_ =	shalt  }
0x4f: {  	_ =	shalt  }
0x50: {  	_ =	shalt  }
0x51: {  	_ =	shalt  }
0x52: {  	_ =	shalt  }
0x53: {  	_ =	shalt  }
0x54: {  	_ =	shalt  }
0x55: {  	_ =	shalt  }
0x56: {  	_ =	shalt  }
0x57: {  	_ =	shalt  }
0x58: {  	_ =	shalt  }
0x59: {  	_ =	shalt  }
0x5a: {  	_ =	shalt  }
0x5b: {  	_ =	shalt  }
0x5c: {  	_ =	shalt  }
0x5d: {  	_ =	shalt  }
0x5e: {  	_ =	shalt  }
0x5f: {  	_ =	shalt  }
0x60: {  	_ =	shalt  }
0x61: {  	_ =	shalt  }
0x62: {  	_ =	shalt  }
0x63: {  	_ =	shalt  }
0x64: {  	_ =	shalt  }
0x65: {  	_ =	shalt  }
0x66: {  	_ =	shalt  }
0x67: {  	_ =	shalt  }
0x68: {  	_ =	shalt  }
0x69: {  	_ =	shalt  }
0x6a: {  	_ =	shalt  }
0x6b: {  	_ =	shalt  }
0x6c: {  	_ =	shalt  }
0x6d: {  	_ =	shalt  }
0x6e: {  	_ =	shalt  }
0x6f: {  	_ =	shalt  }
0x70: {  	_ =	shalt  }
0x71: {  	_ =	shalt  }
0x72: {  	_ =	shalt  }
0x73: {  	_ =	shalt  }
0x74: {  	_ =	shalt  }
0x75: {  	_ =	shalt  }
0x76: {  	_ =	shalt  }
0x77: {  	_ =	shalt  }
0x78: {  	_ =	shalt  }
0x79: {  	_ =	shalt  }
0x7a: {  	_ =	shalt  }
0x7b: {  	_ =	shalt  }
0x7c: {  	_ =	shalt  }
0x7d: {  	_ =	shalt  }
0x7e: {  	_ =	shalt  }
0x7f: {  	_ =	shalt  }
0x80: {  	_ =	shalt  }
0x81: {  	_ =	shalt  }
0x82: {  	_ =	shalt  }
0x83: {  	_ =	shalt  }
0x84: {  	_ =	shalt  }
0x85: {  	_ =	shalt  }
0x86: {  	_ =	shalt  }
0x87: {  	_ =	shalt  }
.Lfunc_end0:
.L_simem_size_0:
called_computation.5_lowered:
.L_overlay_start_0:
0x88: {  	s2 =	sld [smem:$0x3FD9]  }
0x89: {  	s3 =	sld [smem:$0x3FFE];
	_ =	sdelay $0x1  }
0x8a: {  	s1 =	srdreg.scid  }
0x8b: {  	s0 =	sand.u32 $0x1, s1  }
0x8c: {  	s17 =	sshll.u32 s0, $0xA;
	s2 =	sadd.s32 s3, s2  }
0x8d: {  	s2 =	sadd.s32 s2, s17  }
0x8e: {  	[smem:$0x3FAE] =	sst s2  }
0x8f: {  	_ = 	snop  }
0x90: {  	s2 =	sld [smem:$0x3FD0];
	(tm) =	ssettm $0x1  }
0x91: {  	s18 =	sld [smem:$0x3FFB];
	_ =	sdelay $0x3  }
0x92: {  	_ =	strace s18  }
0x93: {  	s3 =	sld [smem:$0x3FFC];
	_ =	sdelay $0x3  }
0x94: {  	_ =	strace s3  }
0x95: {  	s3 =	sld [smem:$0x3FFD];
	_ =	sdelay $0x3  }
0x96: {  	_ =	strace s3  }
0x97: {  	_ =	strace $0x8FFFFFFF  }
0x98: {  	s19 =	sld [smem:$0x3FDB];
	_ =	sdelay $0x1  }
0x99: {  	s4 =	simm.s32 $_scs_section_size  }
0x9a: {  	s5 =	simm.s32 $_size__tile_overlayer_lowered;
	s6 =	simm.s32 $_tile_overlayer_lowered  }
0x9b: {  	s22 =	simm.s32 $0x1BFF;
	s21 =	sshll.u32 s6, $0x1;
	s3 =	sadd.s32 s4, s19  }
0x9c: {  	s7 =	simm.s32 $0x0;
	s20 =	sshll.u32 s5, $0x1;
	s5 =	sadd.s32 s21, s3  }
0x9d: {  	[timem:s7], [sflag:s22] =	dma.local [hbm:s5], s20  }
0x9e: {  	_ =	swait.ge [sflag:s22], s20  }
0x9f: {  	s4 =	ssub.s32 $0x0, s20;
	[sflag:s22] =	ssyncset.done $0x0  }
0xa0: {  	[sflag:s22] =	ssyncadd.s32 s4;
	_ =	sdelay $0x1  }
0xa1: {  	s23 =	simm.s32 $0x1B8B  }
0xa2: {  	_ =	swait.ge [sflag:s23], $0x1  }
0xa3: {  	[sflag:s23] =	ssyncset.done $0x0  }
0xa4: {  	s25 =	simm.s32 $0x1B8E;
	s24 =	sld [smem:$0x3FFE];
	[sflag:s23] =	ssyncadd.s32 $0xFFFFFFFF  }
0xa5: {  	s26 =	simm.s32 $execute0_lowered;
	[smem:$0x3FD2] =	sst s25  }
0xa6: {  	s5 =	sshll.u32 s26, $0x1;
	_ =	strace $0x80000055;
	[dreg:$0x1] =	wrdreg $0xFFFFFFFF  }
0xa7: {  	s28 =	simm.s32 $_size_execute0_lowered;
	s3 =	sadd.s32 s3, s5;
	[dreg:$0x0] =	wrdreg $0x0  }
0xa8: {  	s5 =	sshll.u32 s28, $0x1;
	[dreg:$0x2] =	wrdreg s3  }
0xa9: {  	[dreg:$0x3] =	wrdreg s5  }
0xaa: {  	[dreg:$0x4] =	wrdreg $0xC0  }
0xab: {  	_ =	task [dreg:s7], $0x5FFFF  }
0xac: {  	[dreg:$0x1] =	wrdreg $0xFFFFFFFF  }
0xad: {  	[dreg:$0x0] =	wrdreg $0x60  }
0xae: {  	[dreg:$0x2] =	wrdreg s2  }
0xaf: {  	[dreg:$0x3] =	wrdreg s24  }
0xb0: {  	[dreg:$0x4] =	wrdreg $0x9  }
0xb1: {  	_ =	task.clear_ibuf [dreg:s7], $0x5FFFF;
	_ =	strace $0x90000055  }
0xb2: {  	s29 =	simm.s32 $0x9;
	_ =	strace $0x80000057  }
0xb3: {  	_ =	swait.ge [sflag:s29], $0x1  }
0xb4: {  	[sflag:s29] =	ssyncadd.s32 $0xFFFFFFFF  }
0xb5: {  	_ =	strace $0x90000057  }
0xb6: {  	_ =	sfence  }
0xb7: {  	s30 =	sld [smem:$0x0];
	_ =	sdelay $0x2  }
0xb8: {  	s31 =	sshll.u32 s1, $0xD;
	s1 =	sshrl.u32 s1, $0x2  }
0xb9: {  	s3 =	sand.u32 $0x4000, s31;
	s1 =	sadd.s32 s1, s30  }
0xba: {  	s0 =	sor.u32 s3, s0;
	s1 =	sshll.u32 s1, $0x11  }
0xbb: {  	s0 =	sor.u32 s1, s0  }
0xbc: {  	s0 =	sadd.s32 $0x8F2B, s0  }
0xbd: {  	[sflag:s0] =	ssyncadd.remote.s32 $0x1  }
0xbe: {  	_ =	sfence.sel $0xFFFF  }
0xbf: {  	[dreg:$0x0] =	wrdreg $0xFFFFFFFF;
	(pc) =	sbr.abs _section_cstart, $3  }
0xc0: {  	[dreg:$0x1] =	wrdreg $0xFFFFFFFF  }
0xc1: {  	_ =	task.clear_ibuf [dreg:s7], $0x2FFFF;
	_ =	strace $0x9FFFFFFF  }
0xc2: {  	(tm) =	ssettm $0x7FFFFFFF  }
0xc3: {  	_ =	shalt  }
tec
execute0_lowered:
.L_overlay_start_1:
0x0: {  	(tag) =	ssettag $0x1  }
0x1: {  	s1 =	rddreg [dreg:$0x0]  }
0x2: {  	s0 =	rddreg [dreg:$0x1];
	s2 =	simm.s32 $0x0  }
0x3: {  	s3 =	srdreg.scid;
	s13 =	stileid.u32;
	s18 =	simm.s32 $0x3800  }
0x4: {  	s19 =	simm.s32 $0x5;
	s20 =	simm.s32 $0x80;
	s21 =	simm.s32 $0x7000  }
0x5: {  	s28 =	simm.s32 $0x40;
	s29 =	simm.s32 $0x2;
	s30 =	simm.s32 $0x3  }
0x6: {  	s31 =	simm.s32 $0x4;
	[smem:$0x7FF] =	sst s2;
	s9 =	smul.u32 $0x700, s13  }
0x7: {  	s4 =	sadd.s32 $0x2EE00, s0;
	s6 =	sadd.s32 $0x42E00, s0;
	s11 =	smul.u32 $0x300, s13  }
0x8: {  	s3 =	sand.u32 $0x1, s3;
	s7 =	sadd.s32 $0x4CE00, s0;
	s16 =	smul.u32 $0x38000, s13  }
0x9: {  	s5 =	sadd.s32 $0xF6E00, s0;
	s26 =	smul.u32 $0x18000, s13;
	s8 =	ssub.s32 $0x2, s3  }
0xa: {  	_ =	strace $0x80000056;
	p0 =	seq.s32 s3, $0x1;
	s10 =	sshrl.u32 s8, $0x1  }
0xb: {  	s22 =	sadd.s32 s7, s9;
	s23 =	sadd.s32 s6, s9;
	s24 =	sadd.s32 $0x7000, s11  }
0xc: {  	s13 =	sadd.s32 $0x37800, s16;
	s14 =	sadd.s32 $0x397000, s26;
	s15 =	sadd.s32 $0x397800, s26  }
0xd: {  	s17 =	sadd.s32 s26, s5;
	s26 =	simm.s32 $0x1;
	[dreg:$0x3] =	wrdreg s22  }
.Ltmp0:
0xe: {  	s12 =	ssub.s32 s8, s10;
	[dreg:$0x4] =	wrdreg s23;
	(pc) =	sbr.rel .LBB2_1-.Ltmp0, $4  }
0xf: {  	s8 =	sadd.s32 $0xF6E08, s0;
	s25 =	sadd.s32 s7, s24;
	s3 =	sadd.s32 s6, s24  }
0x10: {  	s22 =	simm.s32 $0xB000;
	s23 =	simm.s32 $0x3880;
	[dreg:$0x5] =	wrdreg s25  }
0x11: {  	s24 =	simm.s32 $0x9000;
	[dreg:$0x6] =	wrdreg s3;
	s11 =	smax.u32 s12, $0x1  }
0x12: {  	s12 =	sadd.s32 $0x37000, s16;
	s16 =	sadd.s32 s16, s5;
	s25 =	simm.s32 $0xD000  }
.LBB2_7:
0x13: {  	[tilespmem:s25], [sflag:$0x2] =	stream.indirect.gather [hbm4b:s4+s20], $0x40, s0, s20, $0xb8;
	[tilespmem:$0xF000] =	vst v63  }
0x14: {  	s3 =	smov.u32 s14;
	s0 =	smov.u32 s15  }
.LBB2_8:
0x15: {  	_ =	swait.ge [sflag:s26], $0x2000  }
0x16: {  	[sflag:s26] =	ssyncset.done $0x0  }
0x17: {  	[sflag:s26] =	ssyncadd.s32 $0xFFFFE000  }
0x18: {  	_ =	swait.ge [sflag:s26], $0x2000  }
0x19: {  	[sflag:s26] =	ssyncset.done $0x0  }
0x1a: {  	s6 =	sadd.s32 s5, s3;
	[sflag:s26] =	ssyncadd.s32 $0xFFFFE000  }
0x1b: {  	[hbm4b:s6+s28] =	stream.strided.scatter [tilespmem:s21], [sflag:$0x3], $0x2000, s20, s28, $0x38;
	[tilespmem:$0xF000] =	vst v63  }
0x1c: {  	s7 =	sadd.s32 s3, s8  }
0x1d: {  	[hbm4b:s7+s28] =	stream.strided.scatter [tilespmem:s22], [sflag:$0x3], $0x2000, s20, s28, $0x38;
	[tilespmem:$0xF000] =	vst v63  }
0x1e: {  	_ =	swait.ge [sflag:s29], $0x2000  }
0x1f: {  	[sflag:s29] =	ssyncset.done $0x0  }
0x20: {  	[sflag:s29] =	ssyncadd.s32 $0xFFFFE000  }
0x21: {  	_ =	swait.ge [sflag:s29], $0x2000  }
0x22: {  	[sflag:s29] =	ssyncset.done $0x0  }
0x23: {  	s9 =	sadd.s32 s5, s0;
	[sflag:s29] =	ssyncadd.s32 $0xFFFFE000  }
0x24: {  	[hbm4b:s9+s28] =	stream.strided.scatter [tilespmem:s24], [sflag:$0x4], $0x2000, s20, s28, $0x38;
	[tilespmem:$0xF000] =	vst v63  }
0x25: {  	s10 =	sadd.s32 s0, s8  }
0x26: {  	[hbm4b:s10+s28] =	stream.strided.scatter [tilespmem:s25], [sflag:$0x4], $0x2000, s20, s28, $0x38;
	[tilespmem:$0xF000] =	vst v63  }
0x27: {  	_ =	swait.ge [sflag:s30], $0x2000  }
0x28: {  	[sflag:s30] =	ssyncset.done $0x0  }
0x29: {  	[sflag:s30] =	ssyncadd.s32 $0xFFFFE000  }
0x2a: {  	_ =	swait.ge [sflag:s30], $0x2000  }
0x2b: {  	[sflag:s30] =	ssyncset.done $0x0  }
0x2c: {  	s2 =	sadd.s32 $0x1, s2;
	[sflag:s30] =	ssyncadd.s32 $0xFFFFE000  }
0x2d: {  	p1 =	sne.s32 s2, s11;
	_ =	swait.ge [sflag:s31], $0x2000  }
.Ltmp1:
0x2e: {  	[sflag:s31] =	ssyncset.done $0x0;
	(pc) =	sbr.rel @!p1 .LBB2_9-.Ltmp1, $4  }
0x2f: {  	[sflag:s31] =	ssyncadd.s32 $0xFFFFE000  }
0x30: {  	_ =	swait.ge [sflag:s31], $0x2000  }
0x31: {  	[sflag:s31] =	ssyncset.done $0x0  }
0x32: {  	[sflag:s31] =	ssyncadd.s32 $0xFFFFE000  }
.LBB2_1:
.Ltmp2:
0x33: {  	(pc) =	sbr.rel @!p0 .LBB2_2-.Ltmp2, $2  }
0x34: {  	_ =	sdelay $0x2  }
0x35: {  	s0 =	simm.s32 $0x0  }
0x36: {  	s3 =	rddreg [dreg:$0x5]  }
0x37: {  	[tilespmem:s18], [sflag:$0x5] =	stream.linear.gather [hbm4b:s3+s0], $0x1800, $0x38;
	[tilespmem:$0xF000] =	vst v63  }
0x38: {  	_ =	swait.ge [sflag:s19], $0x1800  }
0x39: {  	[sflag:s19] =	ssyncset.done $0x0  }
0x3a: {  	s6 =	rddreg [dreg:$0x6];
	[sflag:s19] =	ssyncadd.s32 $0xFFFFE800  }
0x3b: {  	[tilespmem:s0], [sflag:$0x5] =	stream.linear.gather [hbm4b:s6+s0], $0x1800, $0x38;
	[tilespmem:$0xF000] =	vst v63  }
0x3c: {  	_ =	swait.ge [sflag:s19], $0x1800  }
0x3d: {  	[sflag:s19] =	ssyncset.done $0x0  }
0x3e: {  	[sflag:s19] =	ssyncadd.s32 $0xFFFFE800  }
0x3f: {  	[tilespmem:s21], [sflag:$0x1] =	stream.indirect.gather [hbm4b:s1+s20], $0x40, s18, s20, $0xb8;
	[tilespmem:$0xF000] =	vst v63  }
0x40: {  	_ = 	snop  }
0x41: {  	[tilespmem:s22], [sflag:$0x1] =	stream.indirect.gather [hbm4b:s4+s20], $0x40, s0, s20, $0xb8;
	[tilespmem:$0xF000] =	vst v63  }
0x42: {  	_ = 	snop  }
0x43: {  	[tilespmem:s24], [sflag:$0x2] =	stream.indirect.gather [hbm4b:s1+s20], $0x40, s23, s20, $0xb8;
	[tilespmem:$0xF000] =	vst v63  }
0x44: {  	_ = 	snop  }
0x45: {  	[tilespmem:s25], [sflag:$0x2] =	stream.indirect.gather [hbm4b:s4+s20], $0x40, s20, s20, $0xb8;
	[tilespmem:$0xF000] =	vst v63  }
0x46: {  	_ =	swait.ge [sflag:s26], $0x2000  }
0x47: {  	[sflag:s26] =	ssyncset.done $0x0  }
0x48: {  	[sflag:s26] =	ssyncadd.s32 $0xFFFFE000  }
0x49: {  	_ =	swait.ge [sflag:s26], $0x2000  }
0x4a: {  	s7 =	sadd.s32 $0x0, s17;
	[sflag:s26] =	ssyncset.done $0x0  }
0x4b: {  	s9 =	sadd.s32 $0x380000, s7;
	[sflag:s26] =	ssyncadd.s32 $0xFFFFE000  }
0x4c: {  	[hbm4b:s9+s28] =	stream.strided.scatter [tilespmem:s21], [sflag:$0x3], $0x2000, s20, s28, $0x38;
	[tilespmem:$0xF000] =	vst v63  }
0x4d: {  	s10 =	sadd.s32 $0x380008, s7  }
0x4e: {  	[hbm4b:s10+s28] =	stream.strided.scatter [tilespmem:s22], [sflag:$0x3], $0x2000, s20, s28, $0x38;
	[tilespmem:$0xF000] =	vst v63  }
0x4f: {  	_ =	swait.ge [sflag:s29], $0x2000  }
0x50: {  	[sflag:s29] =	ssyncset.done $0x0  }
0x51: {  	[sflag:s29] =	ssyncadd.s32 $0xFFFFE000  }
0x52: {  	_ =	swait.ge [sflag:s29], $0x2000  }
0x53: {  	[sflag:s29] =	ssyncset.done $0x0  }
0x54: {  	s6 =	sadd.s32 $0x380800, s7;
	[sflag:s29] =	ssyncadd.s32 $0xFFFFE000  }
0x55: {  	[hbm4b:s6+s28] =	stream.strided.scatter [tilespmem:s24], [sflag:$0x4], $0x2000, s20, s28, $0x38;
	[tilespmem:$0xF000] =	vst v63  }
0x56: {  	s0 =	sadd.s32 $0x380808, s7  }
0x57: {  	[hbm4b:s0+s28] =	stream.strided.scatter [tilespmem:s25], [sflag:$0x4], $0x2000, s20, s28, $0x38;
	[tilespmem:$0xF000] =	vst v63  }
0x58: {  	_ =	swait.ge [sflag:s30], $0x2000  }
0x59: {  	[sflag:s30] =	ssyncset.done $0x0  }
0x5a: {  	[sflag:s30] =	ssyncadd.s32 $0xFFFFE000  }
0x5b: {  	_ =	swait.ge [sflag:s30], $0x2000  }
0x5c: {  	[sflag:s30] =	ssyncset.done $0x0  }
0x5d: {  	s7 =	simm.s32 $0x3900;
	[sflag:s30] =	ssyncadd.s32 $0xFFFFE000  }
0x5e: {  	[tilespmem:s21], [sflag:$0x1] =	stream.indirect.gather [hbm4b:s1+s20], $0x40, s7, s20, $0xb8;
	[tilespmem:$0xF000] =	vst v63  }
0x5f: {  	s9 =	simm.s32 $0x100  }
0x60: {  	[tilespmem:s22], [sflag:$0x1] =	stream.indirect.gather [hbm4b:s4+s20], $0x40, s9, s20, $0xb8;
	[tilespmem:$0xF000] =	vst v63  }
0x61: {  	_ =	swait.ge [sflag:s31], $0x2000  }
0x62: {  	[sflag:s31] =	ssyncset.done $0x0  }
0x63: {  	[sflag:s31] =	ssyncadd.s32 $0xFFFFE000  }
0x64: {  	s3 =	simm.s32 $0x1000;
	_ =	swait.ge [sflag:s31], $0x2000  }
0x65: {  	s10 =	simm.s32 $0x3980;
	s6 =	simm.s32 $0x280;
	[sflag:s31] =	ssyncset.done $0x0  }
0x66: {  	s0 =	simm.s32 $0x180;
	s7 =	simm.s32 $0x3A80;
	[sflag:s31] =	ssyncadd.s32 $0xFFFFE000  }
0x67: {  	[tilespmem:s24], [sflag:$0x2] =	stream.indirect.gather [hbm4b:s1+s20], $0x40, s10, s20, $0xb8;
	[tilespmem:$0xF000] =	vst v63  }
.LBB2_6:
0x68: {  	[tilespmem:s25], [sflag:$0x2] =	stream.indirect.gather [hbm4b:s4+s20], $0x40, s0, s20, $0xb8;
	[tilespmem:$0xF000] =	vst v63  }
0x69: {  	s9 =	smov.u32 s3;
	s0 =	smov.u32 s6  }
0x6a: {  	p1 =	sne.s32 s3, $0x16000;
	s3 =	sadd.s32 $0x1000, s3;
	_ =	swait.ge [sflag:s26], $0x2000  }
0x6b: {  	[sflag:s26] =	ssyncset.done $0x0  }
0x6c: {  	[sflag:s26] =	ssyncadd.s32 $0xFFFFE000  }
0x6d: {  	_ =	swait.ge [sflag:s26], $0x2000  }
0x6e: {  	s9 =	sadd.s32 s9, s17;
	[sflag:s26] =	ssyncset.done $0x0  }
0x6f: {  	s10 =	sadd.s32 $0x380000, s9;
	[sflag:s26] =	ssyncadd.s32 $0xFFFFE000  }
0x70: {  	[hbm4b:s10+s28] =	stream.strided.scatter [tilespmem:s21], [sflag:$0x3], $0x2000, s20, s28, $0x38;
	[tilespmem:$0xF000] =	vst v63  }
0x71: {  	s10 =	sadd.s32 $0x380008, s9  }
0x72: {  	[hbm4b:s10+s28] =	stream.strided.scatter [tilespmem:s22], [sflag:$0x3], $0x2000, s20, s28, $0x38;
	[tilespmem:$0xF000] =	vst v63  }
0x73: {  	_ =	swait.ge [sflag:s29], $0x2000  }
0x74: {  	[sflag:s29] =	ssyncset.done $0x0  }
0x75: {  	[sflag:s29] =	ssyncadd.s32 $0xFFFFE000  }
0x76: {  	_ =	swait.ge [sflag:s29], $0x2000  }
0x77: {  	[sflag:s29] =	ssyncset.done $0x0  }
0x78: {  	s10 =	sadd.s32 $0x380800, s9;
	[sflag:s29] =	ssyncadd.s32 $0xFFFFE000  }
0x79: {  	[hbm4b:s10+s28] =	stream.strided.scatter [tilespmem:s24], [sflag:$0x4], $0x2000, s20, s28, $0x38;
	[tilespmem:$0xF000] =	vst v63  }
0x7a: {  	s9 =	sadd.s32 $0x380808, s9  }
0x7b: {  	[hbm4b:s9+s28] =	stream.strided.scatter [tilespmem:s25], [sflag:$0x4], $0x2000, s20, s28, $0x38;
	[tilespmem:$0xF000] =	vst v63  }
0x7c: {  	_ =	swait.ge [sflag:s30], $0x2000  }
0x7d: {  	[sflag:s30] =	ssyncset.done $0x0  }
0x7e: {  	[sflag:s30] =	ssyncadd.s32 $0xFFFFE000  }
0x7f: {  	_ =	swait.ge [sflag:s30], $0x2000  }
0x80: {  	[sflag:s30] =	ssyncset.done $0x0  }
0x81: {  	s9 =	sadd.s32 $0xFFFFFF80, s7;
	[sflag:s30] =	ssyncadd.s32 $0xFFFFE000  }
0x82: {  	[tilespmem:s21], [sflag:$0x1] =	stream.indirect.gather [hbm4b:s1+s20], $0x40, s9, s20, $0xb8;
	[tilespmem:$0xF000] =	vst v63  }
0x83: {  	s9 =	sadd.s32 $0xFFFFFF80, s6  }
0x84: {  	[tilespmem:s22], [sflag:$0x1] =	stream.indirect.gather [hbm4b:s4+s20], $0x40, s9, s20, $0xb8;
	[tilespmem:$0xF000] =	vst v63  }
0x85: {  	_ =	swait.ge [sflag:s31], $0x2000  }
0x86: {  	[sflag:s31] =	ssyncset.done $0x0  }
0x87: {  	[sflag:s31] =	ssyncadd.s32 $0xFFFFE000  }
.Ltmp3:
0x88: {  	_ =	swait.ge [sflag:s31], $0x2000;
	(pc) =	sbr.rel @p1 .LBB2_6-.Ltmp3, $4  }
0x89: {  	[sflag:s31] =	ssyncset.done $0x0  }
0x8a: {  	[sflag:s31] =	ssyncadd.s32 $0xFFFFE000  }
0x8b: {  	[tilespmem:s24], [sflag:$0x2] =	stream.indirect.gather [hbm4b:s1+s20], $0x40, s7, s20, $0xb8;
	[tilespmem:$0xF000] =	vst v63  }
0x8c: {  	s6 =	sadd.s32 $0x100, s6;
	s7 =	sadd.s32 $0x100, s7  }
.Ltmp4:
0x8d: {  	_ = 	snop;
	(pc) =	sbr.rel .LBB2_7-.Ltmp4, $1  }
0x8e: {  	_ =	sdelay $0x3  }
.LBB2_2:
0x8f: {  	s3 =	rddreg [dreg:$0x3]  }
0x90: {  	[tilespmem:s18], [sflag:$0x5] =	stream.linear.gather [hbm4b:s3+s0], $0x3800, $0x38;
	[tilespmem:$0xF000] =	vst v63  }
0x91: {  	_ =	swait.ge [sflag:s19], $0x3800  }
0x92: {  	[sflag:s19] =	ssyncset.done $0x0  }
0x93: {  	s7 =	rddreg [dreg:$0x4];
	[sflag:s19] =	ssyncadd.s32 $0xFFFFC800  }
0x94: {  	[tilespmem:s0], [sflag:$0x5] =	stream.linear.gather [hbm4b:s7+s0], $0x3800, $0x38;
	[tilespmem:$0xF000] =	vst v63  }
0x95: {  	_ =	swait.ge [sflag:s19], $0x3800  }
0x96: {  	[sflag:s19] =	ssyncset.done $0x0  }
0x97: {  	[sflag:s19] =	ssyncadd.s32 $0xFFFFC800  }
0x98: {  	[tilespmem:s21], [sflag:$0x1] =	stream.indirect.gather [hbm4b:s1+s20], $0x40, s18, s20, $0xb8;
	[tilespmem:$0xF000] =	vst v63  }
0x99: {  	_ = 	snop  }
0x9a: {  	[tilespmem:s22], [sflag:$0x1] =	stream.indirect.gather [hbm4b:s4+s20], $0x40, s0, s20, $0xb8;
	[tilespmem:$0xF000] =	vst v63  }
0x9b: {  	_ = 	snop  }
0x9c: {  	[tilespmem:s24], [sflag:$0x2] =	stream.indirect.gather [hbm4b:s1+s20], $0x40, s23, s20, $0xb8;
	[tilespmem:$0xF000] =	vst v63  }
0x9d: {  	_ = 	snop  }
0x9e: {  	[tilespmem:s25], [sflag:$0x2] =	stream.indirect.gather [hbm4b:s4+s20], $0x40, s20, s20, $0xb8;
	[tilespmem:$0xF000] =	vst v63  }
0x9f: {  	_ =	swait.ge [sflag:s26], $0x2000  }
0xa0: {  	[sflag:s26] =	ssyncset.done $0x0  }
0xa1: {  	[sflag:s26] =	ssyncadd.s32 $0xFFFFE000  }
0xa2: {  	_ =	swait.ge [sflag:s26], $0x2000  }
0xa3: {  	[sflag:s26] =	ssyncset.done $0x0  }
0xa4: {  	s9 =	sadd.s32 $0x0, s16;
	[sflag:s26] =	ssyncadd.s32 $0xFFFFE000  }
0xa5: {  	[hbm4b:s9+s28] =	stream.strided.scatter [tilespmem:s21], [sflag:$0x3], $0x2000, s20, s28, $0x38;
	[tilespmem:$0xF000] =	vst v63  }
0xa6: {  	s10 =	sadd.s32 $0x8, s9  }
0xa7: {  	[hbm4b:s10+s28] =	stream.strided.scatter [tilespmem:s22], [sflag:$0x3], $0x2000, s20, s28, $0x38;
	[tilespmem:$0xF000] =	vst v63  }
0xa8: {  	_ =	swait.ge [sflag:s29], $0x2000  }
0xa9: {  	[sflag:s29] =	ssyncset.done $0x0  }
0xaa: {  	[sflag:s29] =	ssyncadd.s32 $0xFFFFE000  }
0xab: {  	_ =	swait.ge [sflag:s29], $0x2000  }
0xac: {  	[sflag:s29] =	ssyncset.done $0x0  }
0xad: {  	s6 =	sadd.s32 $0x800, s9;
	[sflag:s29] =	ssyncadd.s32 $0xFFFFE000  }
0xae: {  	[hbm4b:s6+s28] =	stream.strided.scatter [tilespmem:s24], [sflag:$0x4], $0x2000, s20, s28, $0x38;
	[tilespmem:$0xF000] =	vst v63  }
0xaf: {  	s0 =	sadd.s32 $0x808, s9  }
0xb0: {  	[hbm4b:s0+s28] =	stream.strided.scatter [tilespmem:s25], [sflag:$0x4], $0x2000, s20, s28, $0x38;
	[tilespmem:$0xF000] =	vst v63  }
0xb1: {  	_ =	swait.ge [sflag:s30], $0x2000  }
0xb2: {  	[sflag:s30] =	ssyncset.done $0x0  }
0xb3: {  	[sflag:s30] =	ssyncadd.s32 $0xFFFFE000  }
0xb4: {  	_ =	swait.ge [sflag:s30], $0x2000  }
0xb5: {  	[sflag:s30] =	ssyncset.done $0x0  }
0xb6: {  	s7 =	simm.s32 $0x3900;
	[sflag:s30] =	ssyncadd.s32 $0xFFFFE000  }
0xb7: {  	[tilespmem:s21], [sflag:$0x1] =	stream.indirect.gather [hbm4b:s1+s20], $0x40, s7, s20, $0xb8;
	[tilespmem:$0xF000] =	vst v63  }
0xb8: {  	s9 =	simm.s32 $0x100  }
0xb9: {  	[tilespmem:s22], [sflag:$0x1] =	stream.indirect.gather [hbm4b:s4+s20], $0x40, s9, s20, $0xb8;
	[tilespmem:$0xF000] =	vst v63  }
0xba: {  	_ =	swait.ge [sflag:s31], $0x2000  }
0xbb: {  	[sflag:s31] =	ssyncset.done $0x0  }
0xbc: {  	[sflag:s31] =	ssyncadd.s32 $0xFFFFE000  }
0xbd: {  	s3 =	simm.s32 $0x1000;
	_ =	swait.ge [sflag:s31], $0x2000  }
0xbe: {  	s10 =	simm.s32 $0x3980;
	s6 =	simm.s32 $0x280;
	[sflag:s31] =	ssyncset.done $0x0  }
0xbf: {  	s0 =	simm.s32 $0x180;
	s7 =	simm.s32 $0x3A80;
	[sflag:s31] =	ssyncadd.s32 $0xFFFFE000  }
0xc0: {  	[tilespmem:s24], [sflag:$0x2] =	stream.indirect.gather [hbm4b:s1+s20], $0x40, s10, s20, $0xb8;
	[tilespmem:$0xF000] =	vst v63  }
.LBB2_3:
0xc1: {  	[tilespmem:s25], [sflag:$0x2] =	stream.indirect.gather [hbm4b:s4+s20], $0x40, s0, s20, $0xb8;
	[tilespmem:$0xF000] =	vst v63  }
0xc2: {  	s9 =	smov.u32 s3;
	s0 =	smov.u32 s6  }
0xc3: {  	p1 =	seq.s32 s3, $0x36000;
	s3 =	sadd.s32 $0x1000, s3;
	_ =	swait.ge [sflag:s26], $0x2000  }
0xc4: {  	[sflag:s26] =	ssyncset.done $0x0  }
0xc5: {  	[sflag:s26] =	ssyncadd.s32 $0xFFFFE000  }
0xc6: {  	_ =	swait.ge [sflag:s26], $0x2000  }
0xc7: {  	[sflag:s26] =	ssyncset.done $0x0  }
0xc8: {  	s9 =	sadd.s32 s9, s16;
	[sflag:s26] =	ssyncadd.s32 $0xFFFFE000  }
0xc9: {  	[hbm4b:s9+s28] =	stream.strided.scatter [tilespmem:s21], [sflag:$0x3], $0x2000, s20, s28, $0x38;
	[tilespmem:$0xF000] =	vst v63  }
0xca: {  	s10 =	sadd.s32 $0x8, s9  }
0xcb: {  	[hbm4b:s10+s28] =	stream.strided.scatter [tilespmem:s22], [sflag:$0x3], $0x2000, s20, s28, $0x38;
	[tilespmem:$0xF000] =	vst v63  }
0xcc: {  	_ =	swait.ge [sflag:s29], $0x2000  }
0xcd: {  	[sflag:s29] =	ssyncset.done $0x0  }
0xce: {  	[sflag:s29] =	ssyncadd.s32 $0xFFFFE000  }
0xcf: {  	_ =	swait.ge [sflag:s29], $0x2000  }
0xd0: {  	[sflag:s29] =	ssyncset.done $0x0  }
0xd1: {  	s10 =	sadd.s32 $0x800, s9;
	[sflag:s29] =	ssyncadd.s32 $0xFFFFE000  }
0xd2: {  	[hbm4b:s10+s28] =	stream.strided.scatter [tilespmem:s24], [sflag:$0x4], $0x2000, s20, s28, $0x38;
	[tilespmem:$0xF000] =	vst v63  }
0xd3: {  	s9 =	sadd.s32 $0x808, s9  }
0xd4: {  	[hbm4b:s9+s28] =	stream.strided.scatter [tilespmem:s25], [sflag:$0x4], $0x2000, s20, s28, $0x38;
	[tilespmem:$0xF000] =	vst v63  }
0xd5: {  	_ =	swait.ge [sflag:s30], $0x2000  }
0xd6: {  	[sflag:s30] =	ssyncset.done $0x0  }
0xd7: {  	[sflag:s30] =	ssyncadd.s32 $0xFFFFE000  }
0xd8: {  	_ =	swait.ge [sflag:s30], $0x2000  }
0xd9: {  	[sflag:s30] =	ssyncset.done $0x0  }
0xda: {  	s9 =	sadd.s32 $0xFFFFFF80, s7;
	[sflag:s30] =	ssyncadd.s32 $0xFFFFE000  }
0xdb: {  	[tilespmem:s21], [sflag:$0x1] =	stream.indirect.gather [hbm4b:s1+s20], $0x40, s9, s20, $0xb8;
	[tilespmem:$0xF000] =	vst v63  }
0xdc: {  	s9 =	sadd.s32 $0xFFFFFF80, s6  }
0xdd: {  	[tilespmem:s22], [sflag:$0x1] =	stream.indirect.gather [hbm4b:s4+s20], $0x40, s9, s20, $0xb8;
	[tilespmem:$0xF000] =	vst v63  }
0xde: {  	_ =	swait.ge [sflag:s31], $0x2000  }
0xdf: {  	[sflag:s31] =	ssyncset.done $0x0  }
0xe0: {  	[sflag:s31] =	ssyncadd.s32 $0xFFFFE000  }
.Ltmp5:
0xe1: {  	_ =	swait.ge [sflag:s31], $0x2000;
	(pc) =	sbr.rel @!p1 .LBB2_3-.Ltmp5, $4  }
0xe2: {  	[sflag:s31] =	ssyncset.done $0x0  }
0xe3: {  	[sflag:s31] =	ssyncadd.s32 $0xFFFFE000  }
0xe4: {  	[tilespmem:s24], [sflag:$0x2] =	stream.indirect.gather [hbm4b:s1+s20], $0x40, s7, s20, $0xb8;
	[tilespmem:$0xF000] =	vst v63  }
0xe5: {  	s6 =	sadd.s32 $0x100, s6;
	s7 =	sadd.s32 $0x100, s7  }
.Ltmp6:
0xe6: {  	(pc) =	sbr.rel .LBB2_8-.Ltmp6, $3  }
0xe7: {  	_ =	sdelay $0x1  }
0xe8: {  	[tilespmem:s25], [sflag:$0x2] =	stream.indirect.gather [hbm4b:s4+s20], $0x40, s0, s20, $0xb8;
	[tilespmem:$0xF000] =	vst v63  }
0xe9: {  	s3 =	smov.u32 s12;
	s0 =	smov.u32 s13  }
.LBB2_9:
0xea: {  	_ =	sfence.sel $0x180000  }
0xeb: {  	[bflag:$0x0] =	sbarrier.arrive $0xFFFF  }
0xec: {  	_ =	strace $0x90000056  }
0xed: {  	s0 =	stileid.u32;
	[bflag:$0x2] =	sbarrier.arrive $0xFFFF  }
0xee: {  	p0 =	sne.s32 s0, $0x0;
	s0 =	rddreg [dreg:$0x2]  }
0xef: {  	s0 =	sadd.s32 @!p0 $0x100000, s0  }
0xf0: {  	[sflag:s0] =	ssyncadd.tile.s32 @!p0 $0x1;
	_ =	shalt  }
.Lfunc_end2:
_tile_overlayer_lowered:
.L_overlay_start_2:
0xf1: {  	(tag) =	ssettag $0x2  }
0xf2: {  	s0 =	rddreg [dreg:$0x0];
	s2 =	stileid.u32  }
0xf3: {  	s1 =	rddreg [dreg:$0x1];
	p0 =	sne.s32 s2, $0x0  }
0xf4: {  	s3 =	rddreg [dreg:$0x2];
	[bflag:$0x3] =	sbarrier.arrive $0xFFFF;
	s2 =	simm.s32 @!p0 $0x1C05  }
0xf5: {  	[timem:s3], [sflag:s2] =	dma.local @!p0 [hbm:s0], s1  }
0xf6: {  	s0 =	simm.s32 @!p0 $0x5  }
0xf7: {  	_ =	swait.ge @!p0 [sflag:s0], s1  }
0xf8: {  	s1 =	ssub.s32 @!p0 $0x0, s1;
	[sflag:s0] =	ssyncset.done @!p0 $0x0  }
0xf9: {  	[sflag:s0] =	ssyncadd.s32 @!p0 s1  }
0xfa: {  	[bflag:$0x3] =	sbarrier.arrive $0xFFFF  }
0xfb: {  	_ =	shalt  }

// kernel: kernel.34.cloned.1.call-start
scs
__scs_entry_jumppad:
0x0: {  	(pc) =	sbr.rel $0x88, $3  }
0x1: {  	(tag) =	ssettag $0x0;
	lr =	simm.s32 $0x1  }
0x2: {  	[smem:$0x3F87] =	sst lr;
	_ =	strace $0xD0000000  }
0x3: {  	_ = 	snop  }
0x4: {  	_ = 	snop  }
0x5: {  	_ = 	snop  }
0x6: {  	_ = 	snop  }
0x7: {  	_ = 	snop  }
__scs_overlays_trampoline_lowered:
0x8: {  	[smem:$0x3F96] =	sst s0  }
0x9: {  	[smem:$0x3F97] =	sst s1  }
0xa: {  	[smem:$0x3F98] =	sst s2  }
0xb: {  	[smem:$0x3F99] =	sst s3  }
0xc: {  	[smem:$0x3F9A] =	sst s4  }
0xd: {  	[smem:$0x3F9B] =	sst s5  }
0xe: {  	[smem:$0x3F9C] =	sst s6  }
0xf: {  	[smem:$0x3F9D] =	sst s7  }
0x10: {  	[smem:$0x3F9E] =	sst s8  }
0x11: {  	[smem:$0x3F9F] =	sst s9;
	s0 =	simm.s32 @!p0 $0x0  }
0x12: {  	s1 =	sld [smem:$0x3F85];
	s0 =	simm.s32 @p0 $0x1  }
0x13: {  	[smem:$0x3FA0] =	sst s0;
	s0 =	simm.s32 @!p1 $0x0  }
0x14: {  	s2 =	sld [smem:$0x3F84];
	s0 =	simm.s32 @p1 $0x1  }
0x15: {  	[smem:$0x3FA1] =	sst s0;
	s0 =	simm.s32 @!p2 $0x0  }
0x16: {  	s3 =	sld [smem:$0x3FDB];
	s0 =	simm.s32 @p2 $0x1  }
0x17: {  	s4 =	simm.s32 $0x1BF5;
	[smem:$0x3FA3] =	sst s0  }
0x18: {  	s0 =	sld [smem:$0x3F86];
	_ =	swait.ge [sflag:s4], $0x0  }
0x19: {  	s7 =	sld [smem:$0x3F87]  }
0x1a: {  	s8 =	sadd.s32 $0xFFFFE003, lr  }
0x1b: {  	s9 =	sadd.s32 $0xFFFFFEF7, lr;
	s5 =	simm.s32 $0xFFFFFFFF;
	p2 =	slt.u32 s8, $0xFFFFF086  }
0x1c: {  	p1 =	slt.u32 s9, $0xF7A;
	s5 =	simm.s32 @!p2 $0x0  }
0x1d: {  	s5 =	simm.s32 @p1 $0x1;
	p0 =	seq.s32 s7, s2  }
0x1e: {  	s7 =	smul.u32 @!p0 $0xF7A, s2;
	p2 =	seq.s32 @!p0 s5, $0x0  }
0x1f: {  	s9 =	smul.u32 $0xF7A, s1;
	s8 =	simm.s32 @!p0 $0x1BF5;
	p2 =	por !p2, p0  }
0x20: {  	[sflag:s8] =	ssyncset.s32 @!p0 $0xFFFFF086;
	s6 =	sadd.s32 @!p0 s3, s7;
	s7 =	simm.s32 @!p0 $0x108  }
0x21: {  	s3 =	sadd.s32 s3, s9;
	s6 =	sadd.s32 @!p0 $0x88, s6;
	s7 =	simm.s32 @p2 $0x1082  }
0x22: {  	[simem:s7], [sflag:s8] =	dma.local @!p0 [hbm:s6], $0xF7A  }
0x23: {  	s9 =	sor.u32 $0xD0000000, s2;
	s6 =	simm.s32 $0x108;
	_ =	swait.ge @!p0 [sflag:s8], $0x0  }
0x24: {  	s3 =	sadd.s32 $0x88, s3;
	s6 =	simm.s32 @!p1 $0x1082;
	[sflag:s4] =	ssyncset.s32 $0xFFFFF086  }
0x25: {  	[simem:s6], [sflag:s4] =	dma.local [hbm:s3], $0xF7A  }
0x26: {  	[smem:$0x3F87] =	sst s1;
	(tag) =	ssettag s2;
	_ =	strace s9  }
0x27: {  	s1 =	sld [smem:$0x3F97]  }
0x28: {  	s2 =	sld [smem:$0x3F98]  }
0x29: {  	s4 =	sld [smem:$0x3F9A]  }
0x2a: {  	p0 =	seq.s32 s5, $0x0;
	s5 =	sld [smem:$0x3F9B]  }
0x2b: {  	s6 =	sld [smem:$0x3F9C]  }
0x2c: {  	s7 =	sld [smem:$0x3F9D]  }
0x2d: {  	s3 =	simm.s32 $0x108;
	s8 =	sld [smem:$0x3F9E]  }
0x2e: {  	s3 =	simm.s32 @!p0 $0x1082;
	s9 =	sld [smem:$0x3F9F]  }
0x2f: {  	lr =	sadd.s32 s0, s3;
	s0 =	sld [smem:$0x3F96]  }
0x30: {  	s3 =	sld [smem:$0x3F99]  }
0x31: {  	[smem:$0x3FA2] =	sst s10  }
0x32: {  	s10 =	sld [smem:$0x3FA0];
	_ =	sdelay $0x3  }
0x33: {  	p0 =	seq.s32 s10, $0x1;
	s10 =	sld [smem:$0x3FA2];
	_ =	sdelay $0x3  }
0x34: {  	[smem:$0x3FA2] =	sst s10  }
0x35: {  	s10 =	sld [smem:$0x3FA1];
	_ =	sdelay $0x3  }
0x36: {  	p1 =	seq.s32 s10, $0x1;
	s10 =	sld [smem:$0x3FA2];
	_ =	sdelay $0x3  }
0x37: {  	[smem:$0x3FA2] =	sst s10  }
0x38: {  	s10 =	sld [smem:$0x3FA3]  }
0x39: {  	_ = 	snop;
	(pc) =	sbr.ind lr, $3  }
0x3a: {  	_ = 	snop  }
0x3b: {  	_ = 	snop  }
0x3c: {  	p2 =	seq.s32 s10, $0x1;
	s10 =	sld [smem:$0x3FA2]  }
0x3d: {  	_ =	shalt  }
0x3e: {  	_ =	shalt  }
0x3f: {  	_ =	shalt  }
0x40: {  	_ =	shalt  }
0x41: {  	_ =	shalt  }
0x42: {  	_ =	shalt  }
0x43: {  	_ =	shalt  }
0x44: {  	_ =	shalt  }
0x45: {  	_ =	shalt  }
0x46: {  	_ =	shalt  }
0x47: {  	_ =	shalt  }
0x48: {  	_ =	shalt  }
0x49: {  	_ =	shalt  }
0x4a: {  	_ =	shalt  }
0x4b: {  	_ =	shalt  }
0x4c: {  	_ =	shalt  }
0x4d: {  	_ =	shalt  }
0x4e: {  	_ =	shalt  }
0x4f: {  	_ =	shalt  }
0x50: {  	_ =	shalt  }
0x51: {  	_ =	shalt  }
0x52: {  	_ =	shalt  }
0x53: {  	_ =	shalt  }
0x54: {  	_ =	shalt  }
0x55: {  	_ =	shalt  }
0x56: {  	_ =	shalt  }
0x57: {  	_ =	shalt  }
0x58: {  	_ =	shalt  }
0x59: {  	_ =	shalt  }
0x5a: {  	_ =	shalt  }
0x5b: {  	_ =	shalt  }
0x5c: {  	_ =	shalt  }
0x5d: {  	_ =	shalt  }
0x5e: {  	_ =	shalt  }
0x5f: {  	_ =	shalt  }
0x60: {  	_ =	shalt  }
0x61: {  	_ =	shalt  }
0x62: {  	_ =	shalt  }
0x63: {  	_ =	shalt  }
0x64: {  	_ =	shalt  }
0x65: {  	_ =	shalt  }
0x66: {  	_ =	shalt  }
0x67: {  	_ =	shalt  }
0x68: {  	_ =	shalt  }
0x69: {  	_ =	shalt  }
0x6a: {  	_ =	shalt  }
0x6b: {  	_ =	shalt  }
0x6c: {  	_ =	shalt  }
0x6d: {  	_ =	shalt  }
0x6e: {  	_ =	shalt  }
0x6f: {  	_ =	shalt  }
0x70: {  	_ =	shalt  }
0x71: {  	_ =	shalt  }
0x72: {  	_ =	shalt  }
0x73: {  	_ =	shalt  }
0x74: {  	_ =	shalt  }
0x75: {  	_ =	shalt  }
0x76: {  	_ =	shalt  }
0x77: {  	_ =	shalt  }
0x78: {  	_ =	shalt  }
0x79: {  	_ =	shalt  }
0x7a: {  	_ =	shalt  }
0x7b: {  	_ =	shalt  }
0x7c: {  	_ =	shalt  }
0x7d: {  	_ =	shalt  }
0x7e: {  	_ =	shalt  }
0x7f: {  	_ =	shalt  }
0x80: {  	_ =	shalt  }
0x81: {  	_ =	shalt  }
0x82: {  	_ =	shalt  }
0x83: {  	_ =	shalt  }
0x84: {  	_ =	shalt  }
0x85: {  	_ =	shalt  }
0x86: {  	_ =	shalt  }
0x87: {  	_ =	shalt  }
.Lfunc_end0:
.L_simem_size_0:
called_computation.6_lowered:
.L_overlay_start_0:
0x88: {  	s2 =	sld [smem:$0x3FD9]  }
0x89: {  	s3 =	sld [smem:$0x3FFE];
	_ =	sdelay $0x1  }
0x8a: {  	s1 =	srdreg.scid  }
0x8b: {  	s0 =	sand.u32 $0x1, s1  }
0x8c: {  	s16 =	sshll.u32 s0, $0xA;
	s2 =	sadd.s32 s3, s2  }
0x8d: {  	s2 =	sadd.s32 s2, s16  }
0x8e: {  	[smem:$0x3FAE] =	sst s2  }
0x8f: {  	_ = 	snop  }
0x90: {  	(tm) =	ssettm $0x1  }
0x91: {  	s17 =	sld [smem:$0x3FFB];
	_ =	sdelay $0x3  }
0x92: {  	_ =	strace s17  }
0x93: {  	s2 =	sld [smem:$0x3FFC];
	_ =	sdelay $0x3  }
0x94: {  	_ =	strace s2  }
0x95: {  	s2 =	sld [smem:$0x3FFD];
	_ =	sdelay $0x3  }
0x96: {  	_ =	strace s2  }
0x97: {  	_ =	strace $0x8FFFFFFF  }
0x98: {  	s18 =	sld [smem:$0x3FDB];
	_ =	sdelay $0x1  }
0x99: {  	s19 =	simm.s32 $_scs_section_size  }
0x9a: {  	s4 =	simm.s32 $_size__tile_overlayer_lowered;
	s5 =	simm.s32 $_tile_overlayer_lowered  }
0x9b: {  	s22 =	simm.s32 $0x1BFF;
	s21 =	sshll.u32 s5, $0x1;
	s2 =	sadd.s32 s19, s18  }
0x9c: {  	s6 =	simm.s32 $0x0;
	s20 =	sshll.u32 s4, $0x1;
	s4 =	sadd.s32 s21, s2  }
0x9d: {  	[timem:s6], [sflag:s22] =	dma.local [hbm:s4], s20  }
0x9e: {  	_ =	swait.ge [sflag:s22], s20  }
0x9f: {  	s3 =	ssub.s32 $0x0, s20;
	[sflag:s22] =	ssyncset.done $0x0  }
0xa0: {  	[sflag:s22] =	ssyncadd.s32 s3;
	_ =	sdelay $0x1  }
0xa1: {  	s23 =	simm.s32 $0x1B8B  }
0xa2: {  	_ =	swait.ge [sflag:s23], $0x1  }
0xa3: {  	[sflag:s23] =	ssyncset.done $0x0  }
0xa4: {  	s25 =	simm.s32 $0x1B8E;
	s24 =	sld [smem:$0x3FFE];
	[sflag:s23] =	ssyncadd.s32 $0xFFFFFFFF  }
0xa5: {  	s26 =	simm.s32 $execute0_lowered;
	[smem:$0x3FD2] =	sst s25  }
0xa6: {  	s4 =	sshll.u32 s26, $0x1;
	_ =	strace $0x80000058;
	[dreg:$0x1] =	wrdreg $0xFFFFFFFF  }
0xa7: {  	s28 =	simm.s32 $_size_execute0_lowered;
	s2 =	sadd.s32 s2, s4;
	[dreg:$0x0] =	wrdreg $0x0  }
0xa8: {  	s4 =	sshll.u32 s28, $0x1;
	[dreg:$0x2] =	wrdreg s2  }
0xa9: {  	[dreg:$0x3] =	wrdreg s4  }
0xaa: {  	[dreg:$0x4] =	wrdreg $0xC0  }
0xab: {  	_ =	task [dreg:s6], $0x5FFFF  }
0xac: {  	[dreg:$0x1] =	wrdreg $0xFFFFFFFF  }
0xad: {  	[dreg:$0x0] =	wrdreg $0x60  }
0xae: {  	[dreg:$0x2] =	wrdreg s24  }
0xaf: {  	[dreg:$0x3] =	wrdreg $0xA8000  }
0xb0: {  	[dreg:$0x4] =	wrdreg $0x9  }
0xb1: {  	_ =	task.clear_ibuf [dreg:s6], $0x5FFFF;
	_ =	strace $0x90000058  }
0xb2: {  	s29 =	simm.s32 $0x9;
	_ =	strace $0x8000005A  }
0xb3: {  	_ =	swait.ge [sflag:s29], $0x1  }
0xb4: {  	[sflag:s29] =	ssyncadd.s32 $0xFFFFFFFF  }
0xb5: {  	_ =	strace $0x9000005A  }
0xb6: {  	_ =	sfence  }
0xb7: {  	s30 =	sld [smem:$0x0];
	_ =	sdelay $0x2  }
0xb8: {  	s31 =	sshll.u32 s1, $0xD;
	s1 =	sshrl.u32 s1, $0x2  }
0xb9: {  	s3 =	sand.u32 $0x4000, s31;
	s1 =	sadd.s32 s1, s30  }
0xba: {  	s0 =	sor.u32 s3, s0;
	s1 =	sshll.u32 s1, $0x11  }
0xbb: {  	s0 =	sor.u32 s1, s0  }
0xbc: {  	s0 =	sadd.s32 $0x8F2B, s0  }
0xbd: {  	[sflag:s0] =	ssyncadd.remote.s32 $0x1  }
0xbe: {  	_ =	sfence.sel $0xFFFF  }
0xbf: {  	[dreg:$0x0] =	wrdreg $0xFFFFFFFF;
	(pc) =	sbr.abs _section_cstart, $3  }
0xc0: {  	[dreg:$0x1] =	wrdreg $0xFFFFFFFF  }
0xc1: {  	_ =	task.clear_ibuf [dreg:s6], $0x2FFFF;
	_ =	strace $0x9FFFFFFF  }
0xc2: {  	(tm) =	ssettm $0x7FFFFFFF  }
0xc3: {  	_ =	shalt  }
tec
execute0_lowered:
.L_overlay_start_1:
0x0: {  	(tag) =	ssettag $0x1  }
0x1: {  	s4 =	rddreg [dreg:$0x0]  }
0x2: {  	s0 =	srdreg.scid;
	s2 =	rddreg [dreg:$0x1]  }
0x3: {  	s1 =	rddreg [dreg:$0x2];
	s3 =	simm.s32 $0x0;
	s8 =	sand.u32 $0x1, s0  }
0x4: {  	s17 =	simm.s32 $0x6800;
	s0 =	stileid.u32;
	s5 =	smul.u32 $0x500, s8  }
0x5: {  	s18 =	simm.s32 $0x1;
	s19 =	simm.s32 $0x80;
	s6 =	smul.u32 $0x50, s0  }
0x6: {  	s20 =	simm.s32 $0x2;
	s21 =	simm.s32 $0x3;
	s7 =	smul.u32 $0x2800, s0  }
0x7: {  	s22 =	simm.s32 $0x4;
	s23 =	simm.s32 $0x2700;
	s28 =	smul.u32 $0x28000, s8  }
0x8: {  	s24 =	simm.s32 $0x2780;
	s25 =	simm.s32 $0x0;
	s10 =	smul.u32 $0x50000, s0  }
0x9: {  	[smem:$0x7FF] =	sst s3;
	s12 =	sadd.s32 $0x5F6E00, s4;
	s15 =	smul.u32 $0x280000, s8  }
0xa: {  	_ =	strace $0x80000059;
	s29 =	ssub.s32 $0x2, s8;
	s16 =	smul.u32 $0x28000, s0  }
0xb: {  	s30 =	sshrl.u32 s29, $0x1;
	s9 =	sadd.s32 s6, s5;
	s5 =	sadd.s32 s7, s28  }
0xc: {  	s10 =	sshrl.u32 s10, $0x2;
	s14 =	ssub.s32 s29, s30;
	s15 =	sadd.s32 s15, s12  }
0xd: {  	s6 =	sshll.u32 s9, $0x4;
	s13 =	sadd.s32 s5, s4;
	s9 =	sshll.u32 s9, $0xB  }
0xe: {  	s31 =	sadd.s32 s16, s15;
	s15 =	simm.s32 $0x5;
	s16 =	simm.s32 $0x2800  }
0xf: {  	s6 =	sadd.s32 s6, s4;
	s4 =	sadd.s32 s10, s2;
	s9 =	sadd.s32 s12, s9  }
0x10: {  	s12 =	sadd.s32 $0x56E00, s13;
	s13 =	smax.u32 s14, $0x1;
	s14 =	sadd.s32 $0x1800, s31  }
0x11: {  	s5 =	sadd.s32 $0x4CE00, s6;
	s6 =	sadd.s32 $0x4000, s4;
	s7 =	sadd.s32 $0x8000, s4  }
0x12: {  	v0 =	vimm.f32 $0.0e+00;
	s8 =	sadd.s32 $0xC000, s4;
	s10 =	sadd.s32 $0x10000, s4;
	s11 =	sadd.s32 $0x800, s9  }
.LBB2_1:
0x13: {  	[tilespmem:s3], [sflag:$0x5] =	stream.linear.gather [hbm4b:s5+s3], $0x2800, $0x38;
	[tilespmem:$0x1E800] =	vst v63  }
0x14: {  	_ =	swait.ge [sflag:s15], $0x2800  }
0x15: {  	[sflag:s15] =	ssyncset.done $0x0  }
0x16: {  	s26 =	simm.s32 $0x0;
	s28 =	simm.s32 $0x200;
	[sflag:s15] =	ssyncadd.s32 $0xFFFFD800  }
.LBB2_2:
0x17: {  	p0 =	sne.s32 s28, $0xFE00;
	[tilespmem:s26+$0x2870] =	vst v0  }
0x18: {  	[tilespmem:s26+$0x2800] =	vst v0  }
0x19: {  	[tilespmem:s26+$0x2810] =	vst v0  }
.Ltmp0:
0x1a: {  	[tilespmem:s26+$0x2820] =	vst v0;
	(pc) =	sbr.rel @p0 .LBB2_2-.Ltmp0, $4  }
0x1b: {  	[tilespmem:s26+$0x2830] =	vst v0  }
0x1c: {  	[tilespmem:s26+$0x2840] =	vst v0  }
0x1d: {  	[tilespmem:s26+$0x2850] =	vst v0  }
0x1e: {  	[tilespmem:s26+$0x2860] =	vst v0;
	s26 =	sshra.s32 s28, $0x2;
	s28 =	sadd.s32 $0x200, s28  }
0x1f: {  	[tilespmem:s26+$0x2870] =	vst v0  }
0x20: {  	[tilespmem:s26+$0x2800] =	vst v0  }
0x21: {  	[tilespmem:s26+$0x2810] =	vst v0  }
0x22: {  	[tilespmem:s26+$0x2820] =	vst v0  }
0x23: {  	[tilespmem:s26+$0x2830] =	vst v0  }
0x24: {  	[tilespmem:s26+$0x2840] =	vst v0  }
0x25: {  	[tilespmem:s26+$0x2850] =	vst v0  }
0x26: {  	[tilespmem:s26+$0x2860] =	vst v0  }
0x27: {  	[spmem:s4] =	stream.linear.scatter [tilespmem:s16], [sflag:$0x5], $0x4000, $0x38;
	[tilespmem:$0x1E800] =	vst v63  }
0x28: {  	_ =	swait.ge [sflag:s15], $0x4000  }
0x29: {  	[sflag:s15] =	ssyncset.done $0x0  }
0x2a: {  	[sflag:s15] =	ssyncadd.s32 $0xFFFFC000  }
0x2b: {  	[spmem:s6] =	stream.linear.scatter [tilespmem:s16], [sflag:$0x5], $0x4000, $0x38;
	[tilespmem:$0x1E800] =	vst v63  }
0x2c: {  	_ =	swait.ge [sflag:s15], $0x4000  }
0x2d: {  	[sflag:s15] =	ssyncset.done $0x0  }
0x2e: {  	[sflag:s15] =	ssyncadd.s32 $0xFFFFC000  }
0x2f: {  	[spmem:s7] =	stream.linear.scatter [tilespmem:s16], [sflag:$0x5], $0x4000, $0x38;
	[tilespmem:$0x1E800] =	vst v63  }
0x30: {  	_ =	swait.ge [sflag:s15], $0x4000  }
0x31: {  	[sflag:s15] =	ssyncset.done $0x0  }
0x32: {  	[sflag:s15] =	ssyncadd.s32 $0xFFFFC000  }
0x33: {  	[spmem:s8] =	stream.linear.scatter [tilespmem:s16], [sflag:$0x5], $0x4000, $0x38;
	[tilespmem:$0x1E800] =	vst v63  }
0x34: {  	_ =	swait.ge [sflag:s15], $0x4000  }
0x35: {  	[sflag:s15] =	ssyncset.done $0x0  }
0x36: {  	[sflag:s15] =	ssyncadd.s32 $0xFFFFC000  }
0x37: {  	[spmem:s10] =	stream.linear.scatter [tilespmem:s16], [sflag:$0x5], $0x4000, $0x38;
	[tilespmem:$0x1E800] =	vst v63  }
0x38: {  	_ =	swait.ge [sflag:s15], $0x4000  }
0x39: {  	[sflag:s15] =	ssyncset.done $0x0  }
0x3a: {  	[sflag:s15] =	ssyncadd.s32 $0xFFFFC000  }
0x3b: {  	s30 =	simm.s32 $0x0;
	[bflag:$0x0] =	sbarrier.arrive $0xFFFF  }
0x3c: {  	[tilespmem:s16], [sflag:$0x1] =	stream.linear.gather [hbm4b:s9+s30], $0x4000, $0x38;
	[tilespmem:$0x1E800] =	vst v63  }
0x3d: {  	_ = 	snop  }
0x3e: {  	[tilespmem:s17], [sflag:$0x2] =	stream.linear.gather [hbm4b:s11+s30], $0x4000, $0x38;
	[tilespmem:$0x1E800] =	vst v63  }
0x3f: {  	_ =	swait.ge [sflag:s18], $0x4000  }
0x40: {  	[sflag:s18] =	ssyncset.done $0x0  }
0x41: {  	s31 =	simm.s32 $0x0;
	[sflag:s18] =	ssyncadd.s32 $0xFFFFC000  }
0x42: {  	[spmem:s2] =	stream.indirect.scatter.add.f32 [tilespmem:s16], [sflag:$0x3], $0x80, s31, s19, $0xb8;
	[tilespmem:$0x1E800] =	vst v63  }
0x43: {  	_ =	swait.ge [sflag:s20], $0x4000  }
0x44: {  	[sflag:s20] =	ssyncset.done $0x0  }
0x45: {  	s30 =	simm.s32 $0x80;
	[sflag:s20] =	ssyncadd.s32 $0xFFFFC000  }
0x46: {  	[spmem:s2] =	stream.indirect.scatter.add.f32 [tilespmem:s17], [sflag:$0x4], $0x80, s30, s19, $0xb8;
	[tilespmem:$0x1E800] =	vst v63  }
0x47: {  	_ =	swait.ge [sflag:s21], $0x4000  }
0x48: {  	[sflag:s21] =	ssyncset.done $0x0  }
0x49: {  	s31 =	sadd.s32 $0xFFFFF800, s14;
	[sflag:s21] =	ssyncadd.s32 $0xFFFFC000  }
0x4a: {  	[tilespmem:s16], [sflag:$0x1] =	stream.linear.gather [hbm4b:s31+s3], $0x4000, $0x38;
	[tilespmem:$0x1E800] =	vst v63  }
0x4b: {  	_ =	swait.ge [sflag:s22], $0x4000  }
0x4c: {  	s26 =	simm.s32 $0x400;
	[sflag:s22] =	ssyncset.done $0x0  }
0x4d: {  	s28 =	sadd.s32 $0x1000, s14;
	s29 =	smov.u32 s14;
	[sflag:s22] =	ssyncadd.s32 $0xFFFFC000  }
.LBB2_4:
0x4e: {  	[tilespmem:s17], [sflag:$0x2] =	stream.linear.gather [hbm4b:s29+s3], $0x4000, $0x38;
	[tilespmem:$0x1E800] =	vst v63  }
0x4f: {  	s30 =	smov.u32 s26;
	s29 =	smov.u32 s28  }
0x50: {  	p0 =	sne.s32 s26, $0x9800;
	s26 =	sadd.s32 $0x400, s26;
	_ =	swait.ge [sflag:s18], $0x4000  }
0x51: {  	[sflag:s18] =	ssyncset.done $0x0  }
0x52: {  	s30 =	sshra.s32 s30, $0x2;
	[sflag:s18] =	ssyncadd.s32 $0xFFFFC000  }
0x53: {  	[spmem:s2] =	stream.indirect.scatter.add.f32 [tilespmem:s16], [sflag:$0x3], $0x80, s30, s19, $0xb8;
	[tilespmem:$0x1E800] =	vst v63  }
0x54: {  	_ =	swait.ge [sflag:s20], $0x4000  }
0x55: {  	[sflag:s20] =	ssyncset.done $0x0  }
0x56: {  	s30 =	sadd.s32 $0x80, s30;
	[sflag:s20] =	ssyncadd.s32 $0xFFFFC000  }
0x57: {  	[spmem:s2] =	stream.indirect.scatter.add.f32 [tilespmem:s17], [sflag:$0x4], $0x80, s30, s19, $0xb8;
	[tilespmem:$0x1E800] =	vst v63  }
0x58: {  	_ =	swait.ge [sflag:s21], $0x4000  }
0x59: {  	[sflag:s21] =	ssyncset.done $0x0  }
.Ltmp1:
0x5a: {  	s30 =	sadd.s32 $0xFFFFF800, s28;
	[sflag:s21] =	ssyncadd.s32 $0xFFFFC000;
	(pc) =	sbr.rel @p0 .LBB2_4-.Ltmp1, $4  }
0x5b: {  	[tilespmem:s16], [sflag:$0x1] =	stream.linear.gather [hbm4b:s30+s3], $0x4000, $0x38;
	[tilespmem:$0x1E800] =	vst v63  }
0x5c: {  	_ =	swait.ge [sflag:s22], $0x4000  }
0x5d: {  	[sflag:s22] =	ssyncset.done $0x0  }
0x5e: {  	s28 =	sadd.s32 $0x1000, s28;
	[sflag:s22] =	ssyncadd.s32 $0xFFFFC000  }
0x5f: {  	[tilespmem:s17], [sflag:$0x2] =	stream.linear.gather [hbm4b:s29+s3], $0x4000, $0x38;
	[tilespmem:$0x1E800] =	vst v63  }
0x60: {  	_ =	swait.ge [sflag:s18], $0x4000  }
0x61: {  	[sflag:s18] =	ssyncset.done $0x0  }
0x62: {  	[sflag:s18] =	ssyncadd.s32 $0xFFFFC000  }
0x63: {  	[spmem:s2] =	stream.indirect.scatter.add.f32 [tilespmem:s16], [sflag:$0x3], $0x80, s23, s19, $0xb8;
	[tilespmem:$0x1E800] =	vst v63  }
0x64: {  	_ =	swait.ge [sflag:s20], $0x4000  }
0x65: {  	[sflag:s20] =	ssyncset.done $0x0  }
0x66: {  	[sflag:s20] =	ssyncadd.s32 $0xFFFFC000  }
0x67: {  	[spmem:s2] =	stream.indirect.scatter.add.f32 [tilespmem:s17], [sflag:$0x4], $0x80, s24, s19, $0xb8;
	[tilespmem:$0x1E800] =	vst v63  }
0x68: {  	_ =	swait.ge [sflag:s21], $0x4000  }
0x69: {  	[sflag:s21] =	ssyncset.done $0x0  }
0x6a: {  	[sflag:s21] =	ssyncadd.s32 $0xFFFFC000  }
0x6b: {  	_ =	swait.ge [sflag:s22], $0x4000  }
0x6c: {  	s26 =	sshll.u32 s0, $0x6;
	s25 =	sadd.s32 $0x1, s25;
	[sflag:s22] =	ssyncset.done $0x0  }
0x6d: {  	s28 =	sshrl.u32 s4, $0x3;
	p0 =	sne.s32 s25, s13;
	[sflag:s22] =	ssyncadd.s32 $0xFFFFC000  }
.Ltmp2:
0x6e: {  	s26 =	sor.u32 $0x1C05, s26;
	[bflag:$0x0] =	sbarrier.arrive $0xFFFF;
	(pc) =	sbr.rel @p0 .LBB2_1-.Ltmp2, $4  }
0x6f: {  	[hbm:s12], [sflag:s26] =	dma.local [spmem:s28], $0x2800  }
0x70: {  	_ =	swait.ge [sflag:s15], $0x2800  }
0x71: {  	[sflag:s15] =	ssyncset.done $0x0  }
0x72: {  	[sflag:s15] =	ssyncadd.s32 $0xFFFFD800  }
0x73: {  	_ =	sfence.sel $0x180000  }
0x74: {  	[bflag:$0x0] =	sbarrier.arrive $0xFFFF  }
0x75: {  	p0 =	sne.s32 s0, $0x0;
	_ =	strace $0x90000059  }
0x76: {  	s0 =	sadd.s32 @!p0 $0x100000, s1;
	[bflag:$0x2] =	sbarrier.arrive $0xFFFF  }
0x77: {  	[sflag:s0] =	ssyncadd.tile.s32 @!p0 $0x1;
	_ =	shalt  }
.Lfunc_end2:
_tile_overlayer_lowered:
.L_overlay_start_2:
0x78: {  	(tag) =	ssettag $0x2  }
0x79: {  	s0 =	rddreg [dreg:$0x0];
	s2 =	stileid.u32  }
0x7a: {  	s1 =	rddreg [dreg:$0x1];
	p0 =	sne.s32 s2, $0x0  }
0x7b: {  	s3 =	rddreg [dreg:$0x2];
	[bflag:$0x3] =	sbarrier.arrive $0xFFFF;
	s2 =	simm.s32 @!p0 $0x1C05  }
0x7c: {  	[timem:s3], [sflag:s2] =	dma.local @!p0 [hbm:s0], s1  }
0x7d: {  	s0 =	simm.s32 @!p0 $0x5  }
0x7e: {  	_ =	swait.ge @!p0 [sflag:s0], s1  }
0x7f: {  	s1 =	ssub.s32 @!p0 $0x0, s1;
	[sflag:s0] =	ssyncset.done @!p0 $0x0  }
0x80: {  	[sflag:s0] =	ssyncadd.s32 @!p0 s1  }
0x81: {  	[bflag:$0x3] =	sbarrier.arrive $0xFFFF  }
0x82: {  	_ =	shalt  }

</sc_bundles>
